<compile_context>
chip_gen: v7x
topology: tpu7x:2x2x1
jax: 0.10.2.dev20260603
libtpu: 0.0.44.dev20260713+nightly
codegen_flags: <defaults>
</compile_context>

<pallas_src>
import functools

import jax
import jax.numpy as jnp
from jax.experimental import pallas as pl
from jax.experimental.pallas import tpu as pltpu
from jax.experimental.pallas import tpu_sc as plsc

_W = 128
_TC_BLOCK = 4000
_PRE_BLOCK = 2000
_MESH_SPLITS = (0, 240000, 480000, 600000)
_NSC = 32


def _project_tables(node_features, w_stack):
    n, d = node_features.shape
    k = w_stack.shape[0]
    nb = n // _PRE_BLOCK

    def body(nf_ref, w_ref, *out_refs):
        nf_blk = nf_ref[...]
        for j, out_ref in enumerate(out_refs):
            out_ref[...] = jnp.dot(nf_blk, w_ref[j],
                                   preferred_element_type=jnp.float32)

    spec = pl.BlockSpec((_PRE_BLOCK, d), lambda i: (i, 0))
    return pl.pallas_call(
        body,
        grid=(nb,),
        in_specs=[
            spec,
            pl.BlockSpec((k, d, d), lambda i: (0, 0, 0)),
        ],
        out_specs=[spec] * k,
        out_shape=[jax.ShapeDtypeStruct((n, d), jnp.float32)] * k,
    )(node_features, w_stack)


def _window_idx(s_idx, r_idx):
    e = s_idx.shape[0]
    nw = -(-e // _W)
    m = (nw - 1) * _W

    def wins(x):
        return jnp.concatenate(
            [x[:m].reshape(-1, _W), x[e - _W:].reshape(1, _W)])

    return jnp.stack([wins(s_idx), wins(r_idx)], axis=1)


def _sc_gather_add(table_p, table_q, idx, e):
    nw = idx.shape[0]
    d = table_p.shape[1]
    per = -(-nw // _NSC)
    nt = 3 * (-(-per // 3))
    mesh = plsc.VectorSubcoreMesh(core_axis_name="c", subcore_axis_name="s")

    scratch = ([pltpu.SemaphoreType.DMA] * 6
               + [pltpu.VMEM((2, _W), jnp.int32)] * 3
               + [pltpu.VMEM((_W, d), jnp.float32)] * 6)

    @functools.partial(
        pl.kernel,
        out_type=jax.ShapeDtypeStruct((e, d), jnp.float32),
        mesh=mesh,
        scratch_types=scratch,
    )
    def gather_add_kernel(tp_hbm, tq_hbm, i_hbm, o_hbm,
                          g0, g1, g2, w0, w1, w2,
                          ib0, ib1, ib2, s0, s1, s2, r0, r1, r2):
        gsem = (g0, g1, g2)
        wsem = (w0, w1, w2)
        ib = (ib0, ib1, ib2)
        sb = (s0, s1, s2)
        rb = (r0, r1, r2)
        wid = jax.lax.axis_index("s") * 2 + jax.lax.axis_index("c")
        base = wid * per
        dummy = tp_hbm.at[pl.ds(0, _W), :]

        def issue(k, b, wait_write):
            w = base + k

            @pl.when(jnp.logical_and(w < nw, k < per))
            def _():
                if wait_write:
                    pltpu.make_async_copy(dummy, sb[b], wsem[b]).wait()
                pltpu.sync_copy(i_hbm.at[w], ib[b])
                pltpu.async_copy(tp_hbm.at[ib[b].at[0]], sb[b], gsem[b])
                pltpu.async_copy(tq_hbm.at[ib[b].at[1]], rb[b], gsem[b])

        def complete(k, b):
            w = base + k

            @pl.when(jnp.logical_and(w < nw, k < per))
            def _():
                pltpu.make_async_copy(dummy, sb[b], gsem[b]).wait()
                pltpu.make_async_copy(dummy, rb[b], gsem[b]).wait()

                @pl.loop(0, _W)
                def _(rr):
                    for c in range(0, d, 16):
                        slc = (pl.ds(rr, 1), pl.ds(c, 16))
                        sb[b].at[*slc][...] = (sb[b].at[*slc][...]
                                               + rb[b].at[*slc][...])

                row = jnp.minimum(w * _W, e - _W)
                pltpu.async_copy(sb[b], o_hbm.at[pl.ds(row, _W), :],
                                 wsem[b])

        for b in range(3):
            issue(b, b, wait_write=False)

        @pl.loop(0, nt // 3)
        def _(t):
            for b in range(3):
                k = t * 3 + b
                complete(k, b)
                issue(k + 3, b, wait_write=True)

        for b in range(3):
            @pl.when(base + b < nw)
            def _():
                pltpu.make_async_copy(dummy, sb[b], wsem[b]).wait()

    return gather_add_kernel(table_p, table_q, idx)


def _edge_mlp(summed, ef, w1c, b1, w2, b2, g, beta,
              rows_total, row_off, carry=None):
    rows = summed.shape[0]
    d = ef.shape[1]
    nb = rows // _TC_BLOCK
    off = row_off // _TC_BLOCK

    def compute(sum_ref, ef_ref, w1c_ref, b1_ref, w2_ref, b2_ref,
                g_ref, beta_ref, out_ref):
        ef_blk = ef_ref[...]
        h = sum_ref[...] + b1_ref[...]
        h = h + jnp.dot(ef_blk, w1c_ref[...],
                        preferred_element_type=jnp.float32)
        h = jnp.maximum(h, 0.0)
        y = jnp.dot(h, w2_ref[...], preferred_element_type=jnp.float32)
        y = y + b2_ref[...]
        mu = jnp.mean(y, axis=-1, keepdims=True)
        yc = y - mu
        var = jnp.mean(yc * yc, axis=-1, keepdims=True)
        out_ref[...] = (ef_blk
                        + yc * jax.lax.rsqrt(var + 1e-5) * g_ref[...]
                        + beta_ref[...])

    data_specs = [
        pl.BlockSpec((_TC_BLOCK, d), lambda i: (i, 0)),
        pl.BlockSpec((_TC_BLOCK, d), lambda i: (off + i, 0)),
        pl.BlockSpec((d, d), lambda i: (0, 0)),
        pl.BlockSpec((1, d), lambda i: (0, 0)),
        pl.BlockSpec((d, d), lambda i: (0, 0)),
        pl.BlockSpec((1, d), lambda i: (0, 0)),
        pl.BlockSpec((1, d), lambda i: (0, 0)),
        pl.BlockSpec((1, d), lambda i: (0, 0)),
    ]
    out_spec = pl.BlockSpec((_TC_BLOCK, d), lambda i: (off + i, 0))
    out_shape = jax.ShapeDtypeStruct((rows_total, d), jnp.float32)
    data = (summed, ef, w1c, b1, w2, b2, g, beta)

    if carry is None:
        return pl.pallas_call(
            compute,
            grid=(nb,),
            in_specs=data_specs,
            out_specs=out_spec,
            out_shape=out_shape,
        )(*data)

    def body(carry_ref, *refs):
        del carry_ref
        compute(*refs)

    return pl.pallas_call(
        body,
        grid=(nb,),
        in_specs=[pl.BlockSpec(memory_space=pl.MemorySpace.ANY)]
        + data_specs,
        out_specs=out_spec,
        out_shape=out_shape,
        input_output_aliases={0: 0},
    )(carry, *data)


def kernel(node_features, mesh_senders, mesh_receivers, mesh_edge_features,
           world_senders, world_receivers, world_edge_features,
           W1_mesh, b1_mesh, W2_mesh, b2_mesh, g_mesh, beta_mesh,
           W1_world, b1_world, W2_world, b2_world, g_world, beta_world):
    n, d = node_features.shape
    e_mesh = mesh_senders.shape[0]
    e_world = world_senders.shape[0]

    p_world, q_world, p_mesh, q_mesh = _project_tables(
        node_features, jnp.stack([W1_world[:d], W1_world[d:2 * d],
                                  W1_mesh[:d], W1_mesh[d:2 * d]]))

    ms = mesh_senders.astype(jnp.int32)
    mr = mesh_receivers.astype(jnp.int32)

    sum_world = _sc_gather_add(
        p_world, q_world,
        _window_idx(world_senders.astype(jnp.int32),
                    world_receivers.astype(jnp.int32)),
        e_world)
    world_out = _edge_mlp(
        sum_world, world_edge_features, W1_world[2 * d:],
        b1_world.reshape(1, d), W2_world, b2_world.reshape(1, d),
        g_world.reshape(1, d), beta_world.reshape(1, d),
        e_world, 0)

    mesh_args = (W1_mesh[2 * d:], b1_mesh.reshape(1, d), W2_mesh,
                 b2_mesh.reshape(1, d), g_mesh.reshape(1, d),
                 beta_mesh.reshape(1, d))
    mesh_out = None
    for lo, hi in zip(_MESH_SPLITS[:-1], _MESH_SPLITS[1:]):
        sum_c = _sc_gather_add(
            p_mesh, q_mesh, _window_idx(ms[lo:hi], mr[lo:hi]), hi - lo)
        mesh_out = _edge_mlp(
            sum_c, mesh_edge_features, *mesh_args,
            e_mesh, lo, carry=mesh_out)

    return (mesh_out, world_out)

# --- scband reference (transcript-rebuilt; emitter-appended) ---
"""Pipeline reference for scband-edge-model-18786186952979 (READ-ONLY COPY).

The authoritative reference and input builder live on the scoring server;
editing this copy changes nothing except your own understanding.
"""

import jax, jax.numpy as jnp
import numpy as np

N = 50000
D = 128
E_MESH = 600000
E_WORLD = 200000


def _mlp(feat, W1, b1, W2, b2, g, beta):
    h = jnp.maximum(feat @ W1 + b1, 0.0)
    h = h @ W2 + b2
    mu = jnp.mean(h, axis=-1, keepdims=True)
    var = jnp.var(h, axis=-1, keepdims=True)
    h = (h - mu) / jnp.sqrt(var + 1e-5) * g + beta
    return h


def setup_inputs(seed: int = 0) -> dict:
    key = jax.random.key(seed)
    ks = jax.random.split(key, 24)
    inp = {}
    inp["node_features"] = jax.random.normal(ks[0], (N, D), dtype=jnp.float32)
    inp["mesh_senders"] = jax.random.randint(ks[1], (E_MESH,), 0, N)
    inp["mesh_receivers"] = jax.random.randint(ks[2], (E_MESH,), 0, N)
    inp["mesh_edge_features"] = jax.random.normal(ks[3], (E_MESH, D), dtype=jnp.float32)
    inp["world_senders"] = jax.random.randint(ks[4], (E_WORLD,), 0, N)
    inp["world_receivers"] = jax.random.randint(ks[5], (E_WORLD,), 0, N)
    inp["world_edge_features"] = jax.random.normal(ks[6], (E_WORLD, D), dtype=jnp.float32)
    s1 = 1.0 / np.sqrt(3 * D)
    s2 = 1.0 / np.sqrt(D)
    inp["W1_mesh"] = jax.random.normal(ks[7], (3 * D, D), dtype=jnp.float32) * s1
    inp["b1_mesh"] = jnp.zeros((D,), jnp.float32)
    inp["W2_mesh"] = jax.random.normal(ks[8], (D, D), dtype=jnp.float32) * s2
    inp["b2_mesh"] = jnp.zeros((D,), jnp.float32)
    inp["g_mesh"] = jnp.ones((D,), jnp.float32)
    inp["beta_mesh"] = jnp.zeros((D,), jnp.float32)
    inp["W1_world"] = jax.random.normal(ks[9], (3 * D, D), dtype=jnp.float32) * s1
    inp["b1_world"] = jnp.zeros((D,), jnp.float32)
    inp["W2_world"] = jax.random.normal(ks[10], (D, D), dtype=jnp.float32) * s2
    inp["b2_world"] = jnp.zeros((D,), jnp.float32)
    inp["g_world"] = jnp.ones((D,), jnp.float32)
    inp["beta_world"] = jnp.zeros((D,), jnp.float32)
    return inp


def reference(node_features, mesh_senders, mesh_receivers, mesh_edge_features,
              world_senders, world_receivers, world_edge_features,
              W1_mesh, b1_mesh, W2_mesh, b2_mesh, g_mesh, beta_mesh,
              W1_world, b1_world, W2_world, b2_world, g_world, beta_world):
    # mesh_edge edge set
    sm = jnp.take(node_features, mesh_senders, axis=0)
    rm = jnp.take(node_features, mesh_receivers, axis=0)
    fm = jnp.concatenate([sm, rm, mesh_edge_features], axis=-1)
    mesh_out = mesh_edge_features + _mlp(fm, W1_mesh, b1_mesh, W2_mesh, b2_mesh, g_mesh, beta_mesh)
    # world_edge edge set
    sw = jnp.take(node_features, world_senders, axis=0)
    rw = jnp.take(node_features, world_receivers, axis=0)
    fw = jnp.concatenate([sw, rw, world_edge_features], axis=-1)
    world_out = world_edge_features + _mlp(fw, W1_world, b1_world, W2_world, b2_world, g_world, beta_world)
    return (mesh_out, world_out)

if __name__ == "__main__":
    import jax
    _d = setup_inputs()
    print(jax.jit(kernel)(*tuple(_d.values())))

</pallas_src>

<mosaic_0001>
#map = affine_map<(d0, d1) -> (0, 0)>
#map1 = affine_map<(d0, d1) -> (0, 0, 0)>
module attributes {stable_mosaic.version = 14 : i64} {
  func.func @gather_add_kernel(%arg0: i32, %arg1: i32, %arg2: memref<50000x128xf32, #tpu.memory_space<hbm>>, %arg3: memref<50000x128xf32, #tpu.memory_space<hbm>>, %arg4: memref<1563x2x128xi32, #tpu.memory_space<hbm>>, %arg5: memref<200000x128xf32, #tpu.memory_space<hbm>>, %arg6: memref<!tpu.dma_semaphore, #tpu.memory_space<semaphore_mem>>, %arg7: memref<!tpu.dma_semaphore, #tpu.memory_space<semaphore_mem>>, %arg8: memref<!tpu.dma_semaphore, #tpu.memory_space<semaphore_mem>>, %arg9: memref<!tpu.dma_semaphore, #tpu.memory_space<semaphore_mem>>, %arg10: memref<!tpu.dma_semaphore, #tpu.memory_space<semaphore_mem>>, %arg11: memref<!tpu.dma_semaphore, #tpu.memory_space<semaphore_mem>>, %arg12: memref<2x128xi32, #tpu.memory_space<vmem>>, %arg13: memref<2x128xi32, #tpu.memory_space<vmem>>, %arg14: memref<2x128xi32, #tpu.memory_space<vmem>>, %arg15: memref<128x128xf32, #tpu.memory_space<vmem>>, %arg16: memref<128x128xf32, #tpu.memory_space<vmem>>, %arg17: memref<128x128xf32, #tpu.memory_space<vmem>>, %arg18: memref<128x128xf32, #tpu.memory_space<vmem>>, %arg19: memref<128x128xf32, #tpu.memory_space<vmem>>, %arg20: memref<128x128xf32, #tpu.memory_space<vmem>>) attributes {dimension_semantics = [#tpu.dimension_semantics<core_parallel>, #tpu.dimension_semantics<subcore_parallel>], iteration_bounds = array<i64: 2, 16>, scalar_prefetch = 0 : i64, scratch_operands = 15 : i64, tpu.core_type = #tpu.core_type<sc_vector_subcore>, window_params = [{transform_indices = #map}, {transform_indices = #map}, {transform_indices = #map1}, {transform_indices = #map}]} {
    %mul3A = arith.constant 2 : i32
    %mul3A_0 = arith.muli %arg1, %mul3A : i32
    %add3A = arith.addi %mul3A_0, %arg0 : i32
    %mul3A_1 = arith.constant 49 : i32
    %mul3A_2 = arith.muli %add3A, %mul3A_1 : i32
    %add3A_3 = arith.constant 0 : i32
    %add3A_4 = arith.addi %mul3A_2, %add3A_3 : i32
    %lt3A = arith.constant 1563 : i32
    %lt3A_5 = arith.cmpi slt, %add3A_4, %lt3A : i32
    %and3A = arith.constant true
    %and3A_6 = arith.andi %lt3A_5, %and3A : i1
    %convert_element_type3A = arith.extui %and3A_6 : i1 to i32
    %cond3A = arith.constant 0 : i32
    %cond3A_7 = arith.cmpi ne, %convert_element_type3A, %cond3A : i32
    scf.if %cond3A_7 {
      "tpu.region"() ({
        %run_scoped3A = tpu.sem_alloc : memref<!tpu.dma_semaphore, #tpu.memory_space<semaphore_mem>>
        %dma_start3A_64 = arith.constant 0 : i32
        %dma_start3A_65 = arith.constant 0 : i32
        %dma_start3A_66 = tpu.memref_slice %arg4[%add3A_4, %dma_start3A_64, %dma_start3A_65] : memref<1563x2x128xi32, #tpu.memory_space<hbm>> -> memref<1x2x128xi32, #tpu.memory_space<hbm>>
        %dma_start3A_67 = tpu.memref_squeeze %dma_start3A_66 : memref<1x2x128xi32, #tpu.memory_space<hbm>> -> memref<2x128xi32, #tpu.memory_space<hbm>>
        %dma_start3A_68 = arith.constant 0 : i32
        %dma_start3A_69 = arith.constant 0 : i32
        %dma_start3A_70 = tpu.memref_slice %arg4[%add3A_4, %dma_start3A_68, %dma_start3A_69] : memref<1563x2x128xi32, #tpu.memory_space<hbm>> -> memref<1x2x128xi32, #tpu.memory_space<hbm>>
        %dma_start3A_71 = tpu.memref_squeeze %dma_start3A_70 : memref<1x2x128xi32, #tpu.memory_space<hbm>> -> memref<2x128xi32, #tpu.memory_space<hbm>>
        tpu.enqueue_dma source(%dma_start3A_71 : memref<2x128xi32, #tpu.memory_space<hbm>>) target(%arg12 : memref<2x128xi32, #tpu.memory_space<vmem>>) target_semaphore(%run_scoped3A : memref<!tpu.dma_semaphore, #tpu.memory_space<semaphore_mem>>)
        %dma_wait3A = arith.constant 0 : i32
        %dma_wait3A_72 = arith.constant 0 : i32
        %dma_wait3A_73 = tpu.memref_slice %arg4[%add3A_4, %dma_wait3A, %dma_wait3A_72] : memref<1563x2x128xi32, #tpu.memory_space<hbm>> -> memref<1x2x128xi32, #tpu.memory_space<hbm>>
        %dma_wait3A_74 = tpu.memref_squeeze %dma_wait3A_73 : memref<1x2x128xi32, #tpu.memory_space<hbm>> -> memref<2x128xi32, #tpu.memory_space<hbm>>
        %dma_wait3A_75 = arith.constant 0 : i32
        %dma_wait3A_76 = arith.constant 0 : i32
        %dma_wait3A_77 = tpu.memref_slice %arg4[%add3A_4, %dma_wait3A_75, %dma_wait3A_76] : memref<1563x2x128xi32, #tpu.memory_space<hbm>> -> memref<1x2x128xi32, #tpu.memory_space<hbm>>
        %dma_wait3A_78 = tpu.memref_squeeze %dma_wait3A_77 : memref<1x2x128xi32, #tpu.memory_space<hbm>> -> memref<2x128xi32, #tpu.memory_space<hbm>>
        tpu.wait_dma2 semaphore(%run_scoped3A : memref<!tpu.dma_semaphore, #tpu.memory_space<semaphore_mem>>) src(%dma_wait3A_78 : memref<2x128xi32, #tpu.memory_space<hbm>>) dst(%arg12 : memref<2x128xi32, #tpu.memory_space<vmem>>)
        tpu.yield
      }) : () -> ()
      %dma_start3A = arith.constant 0 : i32
      %dma_start3A_51 = arith.constant 0 : i32
      %dma_start3A_52 = tpu.memref_slice %arg12[%dma_start3A, %dma_start3A_51] : memref<2x128xi32, #tpu.memory_space<vmem>> -> memref<1x128xi32, #tpu.memory_space<vmem>>
      %dma_start3A_53 = tpu.memref_squeeze %dma_start3A_52 : memref<1x128xi32, #tpu.memory_space<vmem>> -> memref<128xi32, #tpu.memory_space<vmem>>
      %dma_start3A_54 = arith.constant 0 : i32
      %dma_start3A_55 = arith.constant 0 : i32
      %dma_start3A_56 = tpu.memref_slice %arg2[%dma_start3A_54, %dma_start3A_55] : memref<50000x128xf32, #tpu.memory_space<hbm>> -> memref<50000x128xf32, #tpu.memory_space<hbm>>
      tpu.enqueue_indirect_dma source(%dma_start3A_56 : memref<50000x128xf32, #tpu.memory_space<hbm>>) target(%arg15 : memref<128x128xf32, #tpu.memory_space<vmem>>) offsets(%dma_start3A_53 : memref<128xi32, #tpu.memory_space<vmem>>) semaphore(%arg6 : memref<!tpu.dma_semaphore, #tpu.memory_space<semaphore_mem>>)
      %dma_start3A_57 = arith.constant 1 : i32
      %dma_start3A_58 = arith.constant 0 : i32
      %dma_start3A_59 = tpu.memref_slice %arg12[%dma_start3A_57, %dma_start3A_58] : memref<2x128xi32, #tpu.memory_space<vmem>> -> memref<1x128xi32, #tpu.memory_space<vmem>>
      %dma_start3A_60 = tpu.memref_squeeze %dma_start3A_59 : memref<1x128xi32, #tpu.memory_space<vmem>> -> memref<128xi32, #tpu.memory_space<vmem>>
      %dma_start3A_61 = arith.constant 0 : i32
      %dma_start3A_62 = arith.constant 0 : i32
      %dma_start3A_63 = tpu.memref_slice %arg3[%dma_start3A_61, %dma_start3A_62] : memref<50000x128xf32, #tpu.memory_space<hbm>> -> memref<50000x128xf32, #tpu.memory_space<hbm>>
      tpu.enqueue_indirect_dma source(%dma_start3A_63 : memref<50000x128xf32, #tpu.memory_space<hbm>>) target(%arg18 : memref<128x128xf32, #tpu.memory_space<vmem>>) offsets(%dma_start3A_60 : memref<128xi32, #tpu.memory_space<vmem>>) semaphore(%arg6 : memref<!tpu.dma_semaphore, #tpu.memory_space<semaphore_mem>>)
    } else {
    }
    %add3A_8 = arith.constant 1 : i32
    %add3A_9 = arith.addi %mul3A_2, %add3A_8 : i32
    %lt3A_10 = arith.constant 1563 : i32
    %lt3A_11 = arith.cmpi slt, %add3A_9, %lt3A_10 : i32
    %and3A_12 = arith.constant true
    %and3A_13 = arith.andi %lt3A_11, %and3A_12 : i1
    %convert_element_type3A_14 = arith.extui %and3A_13 : i1 to i32
    %cond3A_15 = arith.constant 0 : i32
    %cond3A_16 = arith.cmpi ne, %convert_element_type3A_14, %cond3A_15 : i32
    scf.if %cond3A_16 {
      "tpu.region"() ({
        %run_scoped3A = tpu.sem_alloc : memref<!tpu.dma_semaphore, #tpu.memory_space<semaphore_mem>>
        %dma_start3A_64 = arith.constant 0 : i32
        %dma_start3A_65 = arith.constant 0 : i32
        %dma_start3A_66 = tpu.memref_slice %arg4[%add3A_9, %dma_start3A_64, %dma_start3A_65] : memref<1563x2x128xi32, #tpu.memory_space<hbm>> -> memref<1x2x128xi32, #tpu.memory_space<hbm>>
        %dma_start3A_67 = tpu.memref_squeeze %dma_start3A_66 : memref<1x2x128xi32, #tpu.memory_space<hbm>> -> memref<2x128xi32, #tpu.memory_space<hbm>>
        %dma_start3A_68 = arith.constant 0 : i32
        %dma_start3A_69 = arith.constant 0 : i32
        %dma_start3A_70 = tpu.memref_slice %arg4[%add3A_9, %dma_start3A_68, %dma_start3A_69] : memref<1563x2x128xi32, #tpu.memory_space<hbm>> -> memref<1x2x128xi32, #tpu.memory_space<hbm>>
        %dma_start3A_71 = tpu.memref_squeeze %dma_start3A_70 : memref<1x2x128xi32, #tpu.memory_space<hbm>> -> memref<2x128xi32, #tpu.memory_space<hbm>>
        tpu.enqueue_dma source(%dma_start3A_71 : memref<2x128xi32, #tpu.memory_space<hbm>>) target(%arg13 : memref<2x128xi32, #tpu.memory_space<vmem>>) target_semaphore(%run_scoped3A : memref<!tpu.dma_semaphore, #tpu.memory_space<semaphore_mem>>)
        %dma_wait3A = arith.constant 0 : i32
        %dma_wait3A_72 = arith.constant 0 : i32
        %dma_wait3A_73 = tpu.memref_slice %arg4[%add3A_9, %dma_wait3A, %dma_wait3A_72] : memref<1563x2x128xi32, #tpu.memory_space<hbm>> -> memref<1x2x128xi32, #tpu.memory_space<hbm>>
        %dma_wait3A_74 = tpu.memref_squeeze %dma_wait3A_73 : memref<1x2x128xi32, #tpu.memory_space<hbm>> -> memref<2x128xi32, #tpu.memory_space<hbm>>
        %dma_wait3A_75 = arith.constant 0 : i32
        %dma_wait3A_76 = arith.constant 0 : i32
        %dma_wait3A_77 = tpu.memref_slice %arg4[%add3A_9, %dma_wait3A_75, %dma_wait3A_76] : memref<1563x2x128xi32, #tpu.memory_space<hbm>> -> memref<1x2x128xi32, #tpu.memory_space<hbm>>
        %dma_wait3A_78 = tpu.memref_squeeze %dma_wait3A_77 : memref<1x2x128xi32, #tpu.memory_space<hbm>> -> memref<2x128xi32, #tpu.memory_space<hbm>>
        tpu.wait_dma2 semaphore(%run_scoped3A : memref<!tpu.dma_semaphore, #tpu.memory_space<semaphore_mem>>) src(%dma_wait3A_78 : memref<2x128xi32, #tpu.memory_space<hbm>>) dst(%arg13 : memref<2x128xi32, #tpu.memory_space<vmem>>)
        tpu.yield
      }) : () -> ()
      %dma_start3A = arith.constant 0 : i32
      %dma_start3A_51 = arith.constant 0 : i32
      %dma_start3A_52 = tpu.memref_slice %arg13[%dma_start3A, %dma_start3A_51] : memref<2x128xi32, #tpu.memory_space<vmem>> -> memref<1x128xi32, #tpu.memory_space<vmem>>
      %dma_start3A_53 = tpu.memref_squeeze %dma_start3A_52 : memref<1x128xi32, #tpu.memory_space<vmem>> -> memref<128xi32, #tpu.memory_space<vmem>>
      %dma_start3A_54 = arith.constant 0 : i32
      %dma_start3A_55 = arith.constant 0 : i32
      %dma_start3A_56 = tpu.memref_slice %arg2[%dma_start3A_54, %dma_start3A_55] : memref<50000x128xf32, #tpu.memory_space<hbm>> -> memref<50000x128xf32, #tpu.memory_space<hbm>>
      tpu.enqueue_indirect_dma source(%dma_start3A_56 : memref<50000x128xf32, #tpu.memory_space<hbm>>) target(%arg16 : memref<128x128xf32, #tpu.memory_space<vmem>>) offsets(%dma_start3A_53 : memref<128xi32, #tpu.memory_space<vmem>>) semaphore(%arg7 : memref<!tpu.dma_semaphore, #tpu.memory_space<semaphore_mem>>)
      %dma_start3A_57 = arith.constant 1 : i32
      %dma_start3A_58 = arith.constant 0 : i32
      %dma_start3A_59 = tpu.memref_slice %arg13[%dma_start3A_57, %dma_start3A_58] : memref<2x128xi32, #tpu.memory_space<vmem>> -> memref<1x128xi32, #tpu.memory_space<vmem>>
      %dma_start3A_60 = tpu.memref_squeeze %dma_start3A_59 : memref<1x128xi32, #tpu.memory_space<vmem>> -> memref<128xi32, #tpu.memory_space<vmem>>
      %dma_start3A_61 = arith.constant 0 : i32
      %dma_start3A_62 = arith.constant 0 : i32
      %dma_start3A_63 = tpu.memref_slice %arg3[%dma_start3A_61, %dma_start3A_62] : memref<50000x128xf32, #tpu.memory_space<hbm>> -> memref<50000x128xf32, #tpu.memory_space<hbm>>
      tpu.enqueue_indirect_dma source(%dma_start3A_63 : memref<50000x128xf32, #tpu.memory_space<hbm>>) target(%arg19 : memref<128x128xf32, #tpu.memory_space<vmem>>) offsets(%dma_start3A_60 : memref<128xi32, #tpu.memory_space<vmem>>) semaphore(%arg7 : memref<!tpu.dma_semaphore, #tpu.memory_space<semaphore_mem>>)
    } else {
    }
    %add3A_17 = arith.constant 2 : i32
    %add3A_18 = arith.addi %mul3A_2, %add3A_17 : i32
    %lt3A_19 = arith.constant 1563 : i32
    %lt3A_20 = arith.cmpi slt, %add3A_18, %lt3A_19 : i32
    %and3A_21 = arith.constant true
    %and3A_22 = arith.andi %lt3A_20, %and3A_21 : i1
    %convert_element_type3A_23 = arith.extui %and3A_22 : i1 to i32
    %cond3A_24 = arith.constant 0 : i32
    %cond3A_25 = arith.cmpi ne, %convert_element_type3A_23, %cond3A_24 : i32
    scf.if %cond3A_25 {
      "tpu.region"() ({
        %run_scoped3A = tpu.sem_alloc : memref<!tpu.dma_semaphore, #tpu.memory_space<semaphore_mem>>
        %dma_start3A_64 = arith.constant 0 : i32
        %dma_start3A_65 = arith.constant 0 : i32
        %dma_start3A_66 = tpu.memref_slice %arg4[%add3A_18, %dma_start3A_64, %dma_start3A_65] : memref<1563x2x128xi32, #tpu.memory_space<hbm>> -> memref<1x2x128xi32, #tpu.memory_space<hbm>>
        %dma_start3A_67 = tpu.memref_squeeze %dma_start3A_66 : memref<1x2x128xi32, #tpu.memory_space<hbm>> -> memref<2x128xi32, #tpu.memory_space<hbm>>
        %dma_start3A_68 = arith.constant 0 : i32
        %dma_start3A_69 = arith.constant 0 : i32
        %dma_start3A_70 = tpu.memref_slice %arg4[%add3A_18, %dma_start3A_68, %dma_start3A_69] : memref<1563x2x128xi32, #tpu.memory_space<hbm>> -> memref<1x2x128xi32, #tpu.memory_space<hbm>>
        %dma_start3A_71 = tpu.memref_squeeze %dma_start3A_70 : memref<1x2x128xi32, #tpu.memory_space<hbm>> -> memref<2x128xi32, #tpu.memory_space<hbm>>
        tpu.enqueue_dma source(%dma_start3A_71 : memref<2x128xi32, #tpu.memory_space<hbm>>) target(%arg14 : memref<2x128xi32, #tpu.memory_space<vmem>>) target_semaphore(%run_scoped3A : memref<!tpu.dma_semaphore, #tpu.memory_space<semaphore_mem>>)
        %dma_wait3A = arith.constant 0 : i32
        %dma_wait3A_72 = arith.constant 0 : i32
        %dma_wait3A_73 = tpu.memref_slice %arg4[%add3A_18, %dma_wait3A, %dma_wait3A_72] : memref<1563x2x128xi32, #tpu.memory_space<hbm>> -> memref<1x2x128xi32, #tpu.memory_space<hbm>>
        %dma_wait3A_74 = tpu.memref_squeeze %dma_wait3A_73 : memref<1x2x128xi32, #tpu.memory_space<hbm>> -> memref<2x128xi32, #tpu.memory_space<hbm>>
        %dma_wait3A_75 = arith.constant 0 : i32
        %dma_wait3A_76 = arith.constant 0 : i32
        %dma_wait3A_77 = tpu.memref_slice %arg4[%add3A_18, %dma_wait3A_75, %dma_wait3A_76] : memref<1563x2x128xi32, #tpu.memory_space<hbm>> -> memref<1x2x128xi32, #tpu.memory_space<hbm>>
        %dma_wait3A_78 = tpu.memref_squeeze %dma_wait3A_77 : memref<1x2x128xi32, #tpu.memory_space<hbm>> -> memref<2x128xi32, #tpu.memory_space<hbm>>
        tpu.wait_dma2 semaphore(%run_scoped3A : memref<!tpu.dma_semaphore, #tpu.memory_space<semaphore_mem>>) src(%dma_wait3A_78 : memref<2x128xi32, #tpu.memory_space<hbm>>) dst(%arg14 : memref<2x128xi32, #tpu.memory_space<vmem>>)
        tpu.yield
      }) : () -> ()
      %dma_start3A = arith.constant 0 : i32
      %dma_start3A_51 = arith.constant 0 : i32
      %dma_start3A_52 = tpu.memref_slice %arg14[%dma_start3A, %dma_start3A_51] : memref<2x128xi32, #tpu.memory_space<vmem>> -> memref<1x128xi32, #tpu.memory_space<vmem>>
      %dma_start3A_53 = tpu.memref_squeeze %dma_start3A_52 : memref<1x128xi32, #tpu.memory_space<vmem>> -> memref<128xi32, #tpu.memory_space<vmem>>
      %dma_start3A_54 = arith.constant 0 : i32
      %dma_start3A_55 = arith.constant 0 : i32
      %dma_start3A_56 = tpu.memref_slice %arg2[%dma_start3A_54, %dma_start3A_55] : memref<50000x128xf32, #tpu.memory_space<hbm>> -> memref<50000x128xf32, #tpu.memory_space<hbm>>
      tpu.enqueue_indirect_dma source(%dma_start3A_56 : memref<50000x128xf32, #tpu.memory_space<hbm>>) target(%arg17 : memref<128x128xf32, #tpu.memory_space<vmem>>) offsets(%dma_start3A_53 : memref<128xi32, #tpu.memory_space<vmem>>) semaphore(%arg8 : memref<!tpu.dma_semaphore, #tpu.memory_space<semaphore_mem>>)
      %dma_start3A_57 = arith.constant 1 : i32
      %dma_start3A_58 = arith.constant 0 : i32
      %dma_start3A_59 = tpu.memref_slice %arg14[%dma_start3A_57, %dma_start3A_58] : memref<2x128xi32, #tpu.memory_space<vmem>> -> memref<1x128xi32, #tpu.memory_space<vmem>>
      %dma_start3A_60 = tpu.memref_squeeze %dma_start3A_59 : memref<1x128xi32, #tpu.memory_space<vmem>> -> memref<128xi32, #tpu.memory_space<vmem>>
      %dma_start3A_61 = arith.constant 0 : i32
      %dma_start3A_62 = arith.constant 0 : i32
      %dma_start3A_63 = tpu.memref_slice %arg3[%dma_start3A_61, %dma_start3A_62] : memref<50000x128xf32, #tpu.memory_space<hbm>> -> memref<50000x128xf32, #tpu.memory_space<hbm>>
      tpu.enqueue_indirect_dma source(%dma_start3A_63 : memref<50000x128xf32, #tpu.memory_space<hbm>>) target(%arg20 : memref<128x128xf32, #tpu.memory_space<vmem>>) offsets(%dma_start3A_60 : memref<128xi32, #tpu.memory_space<vmem>>) semaphore(%arg8 : memref<!tpu.dma_semaphore, #tpu.memory_space<semaphore_mem>>)
    } else {
    }
    %scan3A = arith.constant 0 : i32
    %scan3A_26 = arith.constant 17 : i32
    %scan3A_27 = arith.addi %scan3A, %scan3A_26 : i32
    %scan3A_28 = arith.constant 1 : i32
    scf.for %scan3A_51 = %scan3A to %scan3A_27 step %scan3A_28  : i32 {
      %mul3A_52 = arith.constant 1 : i32
      %mul3A_53 = arith.muli %scan3A_51, %mul3A_52 : i32
      %add3A_54 = arith.constant 0 : i32
      %add3A_55 = arith.addi %add3A_54, %mul3A_53 : i32
      %mul3A_56 = arith.constant 3 : i32
      %mul3A_57 = arith.muli %add3A_55, %mul3A_56 : i32
      %add3A_58 = arith.constant 0 : i32
      %add3A_59 = arith.addi %mul3A_57, %add3A_58 : i32
      %add3A_60 = arith.addi %mul3A_2, %add3A_59 : i32
      %lt3A_61 = arith.constant 1563 : i32
      %lt3A_62 = arith.cmpi slt, %add3A_60, %lt3A_61 : i32
      %lt3A_63 = arith.constant 49 : i32
      %lt3A_64 = arith.cmpi slt, %add3A_59, %lt3A_63 : i32
      %and3A_65 = arith.andi %lt3A_62, %lt3A_64 : i1
      %convert_element_type3A_66 = arith.extui %and3A_65 : i1 to i32
      %cond3A_67 = arith.constant 0 : i32
      %cond3A_68 = arith.cmpi ne, %convert_element_type3A_66, %cond3A_67 : i32
      scf.if %cond3A_68 {
        %dma_wait3A = arith.constant 0 : i32
        %dma_wait3A_128 = arith.constant 0 : i32
        %dma_wait3A_129 = tpu.memref_slice %arg2[%dma_wait3A, %dma_wait3A_128] : memref<50000x128xf32, #tpu.memory_space<hbm>> -> memref<128x128xf32, #tpu.memory_space<hbm>>
        %dma_wait3A_130 = arith.constant 0 : i32
        %dma_wait3A_131 = arith.constant 0 : i32
        %dma_wait3A_132 = tpu.memref_slice %arg2[%dma_wait3A_130, %dma_wait3A_131] : memref<50000x128xf32, #tpu.memory_space<hbm>> -> memref<128x128xf32, #tpu.memory_space<hbm>>
        tpu.wait_dma2 semaphore(%arg6 : memref<!tpu.dma_semaphore, #tpu.memory_space<semaphore_mem>>) src(%dma_wait3A_132 : memref<128x128xf32, #tpu.memory_space<hbm>>) dst(%arg15 : memref<128x128xf32, #tpu.memory_space<vmem>>)
        %dma_wait3A_133 = arith.constant 0 : i32
        %dma_wait3A_134 = arith.constant 0 : i32
        %dma_wait3A_135 = tpu.memref_slice %arg2[%dma_wait3A_133, %dma_wait3A_134] : memref<50000x128xf32, #tpu.memory_space<hbm>> -> memref<128x128xf32, #tpu.memory_space<hbm>>
        %dma_wait3A_136 = arith.constant 0 : i32
        %dma_wait3A_137 = arith.constant 0 : i32
        %dma_wait3A_138 = tpu.memref_slice %arg2[%dma_wait3A_136, %dma_wait3A_137] : memref<50000x128xf32, #tpu.memory_space<hbm>> -> memref<128x128xf32, #tpu.memory_space<hbm>>
        tpu.wait_dma2 semaphore(%arg6 : memref<!tpu.dma_semaphore, #tpu.memory_space<semaphore_mem>>) src(%dma_wait3A_138 : memref<128x128xf32, #tpu.memory_space<hbm>>) dst(%arg18 : memref<128x128xf32, #tpu.memory_space<vmem>>)
        %scan3A_139 = arith.constant 0 : i32
        %scan3A_140 = arith.constant 128 : i32
        %scan3A_141 = arith.addi %scan3A_139, %scan3A_140 : i32
        %scan3A_142 = arith.constant 1 : i32
        scf.for %scan3A_150 = %scan3A_139 to %scan3A_141 step %scan3A_142  : i32 {
          %mul3A_151 = arith.constant 1 : i32
          %mul3A_152 = arith.muli %scan3A_150, %mul3A_151 : i32
          %add3A_153 = arith.constant 0 : i32
          %add3A_154 = arith.addi %add3A_153, %mul3A_152 : i32
          %get3A = arith.index_cast %add3A_154 : i32 to index
          %get3A_155 = arith.constant 0 : index
          %get3A_156 = tpu.vector_load %arg15[%get3A, %get3A_155] {strides = array<i32>} : memref<128x128xf32, #tpu.memory_space<vmem>>, vector<1x16xf32>,
          %get3A_157 = vector.shape_cast %get3A_156 : vector<1x16xf32> to vector<1x16xf32>
          %get3A_158 = arith.index_cast %add3A_154 : i32 to index
          %get3A_159 = arith.constant 0 : index
          %get3A_160 = tpu.vector_load %arg18[%get3A_158, %get3A_159] {strides = array<i32>} : memref<128x128xf32, #tpu.memory_space<vmem>>, vector<1x16xf32>,
          %get3A_161 = vector.shape_cast %get3A_160 : vector<1x16xf32> to vector<1x16xf32>
          %add3A_162 = arith.addf %get3A_157, %get3A_161 : vector<1x16xf32>
          %swap3A = arith.index_cast %add3A_154 : i32 to index
          %swap3A_163 = arith.constant 0 : index
          %swap3A_164 = tpu.vector_load %arg15[%swap3A, %swap3A_163] {strides = array<i32>} : memref<128x128xf32, #tpu.memory_space<vmem>>, vector<1x16xf32>,
          %swap3A_165 = vector.shape_cast %swap3A_164 : vector<1x16xf32> to vector<1x16xf32>
          %swap3A_166 = vector.shape_cast %add3A_162 : vector<1x16xf32> to vector<1x16xf32>
          tpu.vector_store %arg15[%swap3A, %swap3A_163], %swap3A_166 {strides = array<i32>} : memref<128x128xf32, #tpu.memory_space<vmem>>, vector<1x16xf32>,
          %get3A_167 = arith.index_cast %add3A_154 : i32 to index
          %get3A_168 = arith.constant 16 : index
          %get3A_169 = tpu.vector_load %arg15[%get3A_167, %get3A_168] {strides = array<i32>} : memref<128x128xf32, #tpu.memory_space<vmem>>, vector<1x16xf32>,
          %get3A_170 = vector.shape_cast %get3A_169 : vector<1x16xf32> to vector<1x16xf32>
          %get3A_171 = arith.index_cast %add3A_154 : i32 to index
          %get3A_172 = arith.constant 16 : index
          %get3A_173 = tpu.vector_load %arg18[%get3A_171, %get3A_172] {strides = array<i32>} : memref<128x128xf32, #tpu.memory_space<vmem>>, vector<1x16xf32>,
          %get3A_174 = vector.shape_cast %get3A_173 : vector<1x16xf32> to vector<1x16xf32>
          %add3A_175 = arith.addf %get3A_170, %get3A_174 : vector<1x16xf32>
          %swap3A_176 = arith.index_cast %add3A_154 : i32 to index
          %swap3A_177 = arith.constant 16 : index
          %swap3A_178 = tpu.vector_load %arg15[%swap3A_176, %swap3A_177] {strides = array<i32>} : memref<128x128xf32, #tpu.memory_space<vmem>>, vector<1x16xf32>,
          %swap3A_179 = vector.shape_cast %swap3A_178 : vector<1x16xf32> to vector<1x16xf32>
          %swap3A_180 = vector.shape_cast %add3A_175 : vector<1x16xf32> to vector<1x16xf32>
          tpu.vector_store %arg15[%swap3A_176, %swap3A_177], %swap3A_180 {strides = array<i32>} : memref<128x128xf32, #tpu.memory_space<vmem>>, vector<1x16xf32>,
          %get3A_181 = arith.index_cast %add3A_154 : i32 to index
          %get3A_182 = arith.constant 32 : index
          %get3A_183 = tpu.vector_load %arg15[%get3A_181, %get3A_182] {strides = array<i32>} : memref<128x128xf32, #tpu.memory_space<vmem>>, vector<1x16xf32>,
          %get3A_184 = vector.shape_cast %get3A_183 : vector<1x16xf32> to vector<1x16xf32>
          %get3A_185 = arith.index_cast %add3A_154 : i32 to index
          %get3A_186 = arith.constant 32 : index
          %get3A_187 = tpu.vector_load %arg18[%get3A_185, %get3A_186] {strides = array<i32>} : memref<128x128xf32, #tpu.memory_space<vmem>>, vector<1x16xf32>,
          %get3A_188 = vector.shape_cast %get3A_187 : vector<1x16xf32> to vector<1x16xf32>
          %add3A_189 = arith.addf %get3A_184, %get3A_188 : vector<1x16xf32>
          %swap3A_190 = arith.index_cast %add3A_154 : i32 to index
          %swap3A_191 = arith.constant 32 : index
          %swap3A_192 = tpu.vector_load %arg15[%swap3A_190, %swap3A_191] {strides = array<i32>} : memref<128x128xf32, #tpu.memory_space<vmem>>, vector<1x16xf32>,
          %swap3A_193 = vector.shape_cast %swap3A_192 : vector<1x16xf32> to vector<1x16xf32>
          %swap3A_194 = vector.shape_cast %add3A_189 : vector<1x16xf32> to vector<1x16xf32>
          tpu.vector_store %arg15[%swap3A_190, %swap3A_191], %swap3A_194 {strides = array<i32>} : memref<128x128xf32, #tpu.memory_space<vmem>>, vector<1x16xf32>,
          %get3A_195 = arith.index_cast %add3A_154 : i32 to index
          %get3A_196 = arith.constant 48 : index
          %get3A_197 = tpu.vector_load %arg15[%get3A_195, %get3A_196] {strides = array<i32>} : memref<128x128xf32, #tpu.memory_space<vmem>>, vector<1x16xf32>,
          %get3A_198 = vector.shape_cast %get3A_197 : vector<1x16xf32> to vector<1x16xf32>
          %get3A_199 = arith.index_cast %add3A_154 : i32 to index
          %get3A_200 = arith.constant 48 : index
          %get3A_201 = tpu.vector_load %arg18[%get3A_199, %get3A_200] {strides = array<i32>} : memref<128x128xf32, #tpu.memory_space<vmem>>, vector<1x16xf32>,
          %get3A_202 = vector.shape_cast %get3A_201 : vector<1x16xf32> to vector<1x16xf32>
          %add3A_203 = arith.addf %get3A_198, %get3A_202 : vector<1x16xf32>
          %swap3A_204 = arith.index_cast %add3A_154 : i32 to index
          %swap3A_205 = arith.constant 48 : index
          %swap3A_206 = tpu.vector_load %arg15[%swap3A_204, %swap3A_205] {strides = array<i32>} : memref<128x128xf32, #tpu.memory_space<vmem>>, vector<1x16xf32>,
          %swap3A_207 = vector.shape_cast %swap3A_206 : vector<1x16xf32> to vector<1x16xf32>
          %swap3A_208 = vector.shape_cast %add3A_203 : vector<1x16xf32> to vector<1x16xf32>
          tpu.vector_store %arg15[%swap3A_204, %swap3A_205], %swap3A_208 {strides = array<i32>} : memref<128x128xf32, #tpu.memory_space<vmem>>, vector<1x16xf32>,
          %get3A_209 = arith.index_cast %add3A_154 : i32 to index
          %get3A_210 = arith.constant 64 : index
          %get3A_211 = tpu.vector_load %arg15[%get3A_209, %get3A_210] {strides = array<i32>} : memref<128x128xf32, #tpu.memory_space<vmem>>, vector<1x16xf32>,
          %get3A_212 = vector.shape_cast %get3A_211 : vector<1x16xf32> to vector<1x16xf32>
          %get3A_213 = arith.index_cast %add3A_154 : i32 to index
          %get3A_214 = arith.constant 64 : index
          %get3A_215 = tpu.vector_load %arg18[%get3A_213, %get3A_214] {strides = array<i32>} : memref<128x128xf32, #tpu.memory_space<vmem>>, vector<1x16xf32>,
          %get3A_216 = vector.shape_cast %get3A_215 : vector<1x16xf32> to vector<1x16xf32>
          %add3A_217 = arith.addf %get3A_212, %get3A_216 : vector<1x16xf32>
          %swap3A_218 = arith.index_cast %add3A_154 : i32 to index
          %swap3A_219 = arith.constant 64 : index
          %swap3A_220 = tpu.vector_load %arg15[%swap3A_218, %swap3A_219] {strides = array<i32>} : memref<128x128xf32, #tpu.memory_space<vmem>>, vector<1x16xf32>,
          %swap3A_221 = vector.shape_cast %swap3A_220 : vector<1x16xf32> to vector<1x16xf32>
          %swap3A_222 = vector.shape_cast %add3A_217 : vector<1x16xf32> to vector<1x16xf32>
          tpu.vector_store %arg15[%swap3A_218, %swap3A_219], %swap3A_222 {strides = array<i32>} : memref<128x128xf32, #tpu.memory_space<vmem>>, vector<1x16xf32>,
          %get3A_223 = arith.index_cast %add3A_154 : i32 to index
          %get3A_224 = arith.constant 80 : index
          %get3A_225 = tpu.vector_load %arg15[%get3A_223, %get3A_224] {strides = array<i32>} : memref<128x128xf32, #tpu.memory_space<vmem>>, vector<1x16xf32>,
          %get3A_226 = vector.shape_cast %get3A_225 : vector<1x16xf32> to vector<1x16xf32>
          %get3A_227 = arith.index_cast %add3A_154 : i32 to index
          %get3A_228 = arith.constant 80 : index
          %get3A_229 = tpu.vector_load %arg18[%get3A_227, %get3A_228] {strides = array<i32>} : memref<128x128xf32, #tpu.memory_space<vmem>>, vector<1x16xf32>,
          %get3A_230 = vector.shape_cast %get3A_229 : vector<1x16xf32> to vector<1x16xf32>
          %add3A_231 = arith.addf %get3A_226, %get3A_230 : vector<1x16xf32>
          %swap3A_232 = arith.index_cast %add3A_154 : i32 to index
          %swap3A_233 = arith.constant 80 : index
          %swap3A_234 = tpu.vector_load %arg15[%swap3A_232, %swap3A_233] {strides = array<i32>} : memref<128x128xf32, #tpu.memory_space<vmem>>, vector<1x16xf32>,
          %swap3A_235 = vector.shape_cast %swap3A_234 : vector<1x16xf32> to vector<1x16xf32>
          %swap3A_236 = vector.shape_cast %add3A_231 : vector<1x16xf32> to vector<1x16xf32>
          tpu.vector_store %arg15[%swap3A_232, %swap3A_233], %swap3A_236 {strides = array<i32>} : memref<128x128xf32, #tpu.memory_space<vmem>>, vector<1x16xf32>,
          %get3A_237 = arith.index_cast %add3A_154 : i32 to index
          %get3A_238 = arith.constant 96 : index
          %get3A_239 = tpu.vector_load %arg15[%get3A_237, %get3A_238] {strides = array<i32>} : memref<128x128xf32, #tpu.memory_space<vmem>>, vector<1x16xf32>,
          %get3A_240 = vector.shape_cast %get3A_239 : vector<1x16xf32> to vector<1x16xf32>
          %get3A_241 = arith.index_cast %add3A_154 : i32 to index
          %get3A_242 = arith.constant 96 : index
          %get3A_243 = tpu.vector_load %arg18[%get3A_241, %get3A_242] {strides = array<i32>} : memref<128x128xf32, #tpu.memory_space<vmem>>, vector<1x16xf32>,
          %get3A_244 = vector.shape_cast %get3A_243 : vector<1x16xf32> to vector<1x16xf32>
          %add3A_245 = arith.addf %get3A_240, %get3A_244 : vector<1x16xf32>
          %swap3A_246 = arith.index_cast %add3A_154 : i32 to index
          %swap3A_247 = arith.constant 96 : index
          %swap3A_248 = tpu.vector_load %arg15[%swap3A_246, %swap3A_247] {strides = array<i32>} : memref<128x128xf32, #tpu.memory_space<vmem>>, vector<1x16xf32>,
          %swap3A_249 = vector.shape_cast %swap3A_248 : vector<1x16xf32> to vector<1x16xf32>
          %swap3A_250 = vector.shape_cast %add3A_245 : vector<1x16xf32> to vector<1x16xf32>
          tpu.vector_store %arg15[%swap3A_246, %swap3A_247], %swap3A_250 {strides = array<i32>} : memref<128x128xf32, #tpu.memory_space<vmem>>, vector<1x16xf32>,
          %get3A_251 = arith.index_cast %add3A_154 : i32 to index
          %get3A_252 = arith.constant 112 : index
          %get3A_253 = tpu.vector_load %arg15[%get3A_251, %get3A_252] {strides = array<i32>} : memref<128x128xf32, #tpu.memory_space<vmem>>, vector<1x16xf32>,
          %get3A_254 = vector.shape_cast %get3A_253 : vector<1x16xf32> to vector<1x16xf32>
          %get3A_255 = arith.index_cast %add3A_154 : i32 to index
          %get3A_256 = arith.constant 112 : index
          %get3A_257 = tpu.vector_load %arg18[%get3A_255, %get3A_256] {strides = array<i32>} : memref<128x128xf32, #tpu.memory_space<vmem>>, vector<1x16xf32>,
          %get3A_258 = vector.shape_cast %get3A_257 : vector<1x16xf32> to vector<1x16xf32>
          %add3A_259 = arith.addf %get3A_254, %get3A_258 : vector<1x16xf32>
          %swap3A_260 = arith.index_cast %add3A_154 : i32 to index
          %swap3A_261 = arith.constant 112 : index
          %swap3A_262 = tpu.vector_load %arg15[%swap3A_260, %swap3A_261] {strides = array<i32>} : memref<128x128xf32, #tpu.memory_space<vmem>>, vector<1x16xf32>,
          %swap3A_263 = vector.shape_cast %swap3A_262 : vector<1x16xf32> to vector<1x16xf32>
          %swap3A_264 = vector.shape_cast %add3A_259 : vector<1x16xf32> to vector<1x16xf32>
          tpu.vector_store %arg15[%swap3A_260, %swap3A_261], %swap3A_264 {strides = array<i32>} : memref<128x128xf32, #tpu.memory_space<vmem>>, vector<1x16xf32>,
        }
        %scan3A_143 = arith.constant 128 : i32
        %mul3A_144 = arith.constant 128 : i32
        %mul3A_145 = arith.muli %add3A_60, %mul3A_144 : i32
        %min3A = arith.constant 199872 : i32
        %min3A_146 = arith.minsi %mul3A_145, %min3A : i32
        %dma_start3A = arith.constant 0 : i32
        %dma_start3A_147 = tpu.memref_slice %arg5[%min3A_146, %dma_start3A] : memref<200000x128xf32, #tpu.memory_space<hbm>> -> memref<128x128xf32, #tpu.memory_space<hbm>>
        %dma_start3A_148 = arith.constant 0 : i32
        %dma_start3A_149 = tpu.memref_slice %arg5[%min3A_146, %dma_start3A_148] : memref<200000x128xf32, #tpu.memory_space<hbm>> -> memref<128x128xf32, #tpu.memory_space<hbm>>
        tpu.enqueue_dma source(%arg15 : memref<128x128xf32, #tpu.memory_space<vmem>>) target(%dma_start3A_149 : memref<128x128xf32, #tpu.memory_space<hbm>>) target_semaphore(%arg9 : memref<!tpu.dma_semaphore, #tpu.memory_space<semaphore_mem>>)
      } else {
      }
      %add3A_69 = arith.constant 3 : i32
      %add3A_70 = arith.addi %add3A_59, %add3A_69 : i32
      %add3A_71 = arith.addi %mul3A_2, %add3A_70 : i32
      %lt3A_72 = arith.constant 1563 : i32
      %lt3A_73 = arith.cmpi slt, %add3A_71, %lt3A_72 : i32
      %lt3A_74 = arith.constant 49 : i32
      %lt3A_75 = arith.cmpi slt, %add3A_70, %lt3A_74 : i32
      %and3A_76 = arith.andi %lt3A_73, %lt3A_75 : i1
      %convert_element_type3A_77 = arith.extui %and3A_76 : i1 to i32
      %cond3A_78 = arith.constant 0 : i32
      %cond3A_79 = arith.cmpi ne, %convert_element_type3A_77, %cond3A_78 : i32
      scf.if %cond3A_79 {
        %dma_wait3A = arith.constant 0 : i32
        %dma_wait3A_128 = arith.constant 0 : i32
        %dma_wait3A_129 = tpu.memref_slice %arg2[%dma_wait3A, %dma_wait3A_128] : memref<50000x128xf32, #tpu.memory_space<hbm>> -> memref<128x128xf32, #tpu.memory_space<hbm>>
        %dma_wait3A_130 = arith.constant 0 : i32
        %dma_wait3A_131 = arith.constant 0 : i32
        %dma_wait3A_132 = tpu.memref_slice %arg2[%dma_wait3A_130, %dma_wait3A_131] : memref<50000x128xf32, #tpu.memory_space<hbm>> -> memref<128x128xf32, #tpu.memory_space<hbm>>
        tpu.wait_dma2 semaphore(%arg9 : memref<!tpu.dma_semaphore, #tpu.memory_space<semaphore_mem>>) src(%dma_wait3A_132 : memref<128x128xf32, #tpu.memory_space<hbm>>) dst(%arg15 : memref<128x128xf32, #tpu.memory_space<vmem>>)
        "tpu.region"() ({
          %run_scoped3A = tpu.sem_alloc : memref<!tpu.dma_semaphore, #tpu.memory_space<semaphore_mem>>
          %dma_start3A_146 = arith.constant 0 : i32
          %dma_start3A_147 = arith.constant 0 : i32
          %dma_start3A_148 = tpu.memref_slice %arg4[%add3A_71, %dma_start3A_146, %dma_start3A_147] : memref<1563x2x128xi32, #tpu.memory_space<hbm>> -> memref<1x2x128xi32, #tpu.memory_space<hbm>>
          %dma_start3A_149 = tpu.memref_squeeze %dma_start3A_148 : memref<1x2x128xi32, #tpu.memory_space<hbm>> -> memref<2x128xi32, #tpu.memory_space<hbm>>
          %dma_start3A_150 = arith.constant 0 : i32
          %dma_start3A_151 = arith.constant 0 : i32
          %dma_start3A_152 = tpu.memref_slice %arg4[%add3A_71, %dma_start3A_150, %dma_start3A_151] : memref<1563x2x128xi32, #tpu.memory_space<hbm>> -> memref<1x2x128xi32, #tpu.memory_space<hbm>>
          %dma_start3A_153 = tpu.memref_squeeze %dma_start3A_152 : memref<1x2x128xi32, #tpu.memory_space<hbm>> -> memref<2x128xi32, #tpu.memory_space<hbm>>
          tpu.enqueue_dma source(%dma_start3A_153 : memref<2x128xi32, #tpu.memory_space<hbm>>) target(%arg12 : memref<2x128xi32, #tpu.memory_space<vmem>>) target_semaphore(%run_scoped3A : memref<!tpu.dma_semaphore, #tpu.memory_space<semaphore_mem>>)
          %dma_wait3A_154 = arith.constant 0 : i32
          %dma_wait3A_155 = arith.constant 0 : i32
          %dma_wait3A_156 = tpu.memref_slice %arg4[%add3A_71, %dma_wait3A_154, %dma_wait3A_155] : memref<1563x2x128xi32, #tpu.memory_space<hbm>> -> memref<1x2x128xi32, #tpu.memory_space<hbm>>
          %dma_wait3A_157 = tpu.memref_squeeze %dma_wait3A_156 : memref<1x2x128xi32, #tpu.memory_space<hbm>> -> memref<2x128xi32, #tpu.memory_space<hbm>>
          %dma_wait3A_158 = arith.constant 0 : i32
          %dma_wait3A_159 = arith.constant 0 : i32
          %dma_wait3A_160 = tpu.memref_slice %arg4[%add3A_71, %dma_wait3A_158, %dma_wait3A_159] : memref<1563x2x128xi32, #tpu.memory_space<hbm>> -> memref<1x2x128xi32, #tpu.memory_space<hbm>>
          %dma_wait3A_161 = tpu.memref_squeeze %dma_wait3A_160 : memref<1x2x128xi32, #tpu.memory_space<hbm>> -> memref<2x128xi32, #tpu.memory_space<hbm>>
          tpu.wait_dma2 semaphore(%run_scoped3A : memref<!tpu.dma_semaphore, #tpu.memory_space<semaphore_mem>>) src(%dma_wait3A_161 : memref<2x128xi32, #tpu.memory_space<hbm>>) dst(%arg12 : memref<2x128xi32, #tpu.memory_space<vmem>>)
          tpu.yield
        }) : () -> ()
        %dma_start3A = arith.constant 0 : i32
        %dma_start3A_133 = arith.constant 0 : i32
        %dma_start3A_134 = tpu.memref_slice %arg12[%dma_start3A, %dma_start3A_133] : memref<2x128xi32, #tpu.memory_space<vmem>> -> memref<1x128xi32, #tpu.memory_space<vmem>>
        %dma_start3A_135 = tpu.memref_squeeze %dma_start3A_134 : memref<1x128xi32, #tpu.memory_space<vmem>> -> memref<128xi32, #tpu.memory_space<vmem>>
        %dma_start3A_136 = arith.constant 0 : i32
        %dma_start3A_137 = arith.constant 0 : i32
        %dma_start3A_138 = tpu.memref_slice %arg2[%dma_start3A_136, %dma_start3A_137] : memref<50000x128xf32, #tpu.memory_space<hbm>> -> memref<50000x128xf32, #tpu.memory_space<hbm>>
        tpu.enqueue_indirect_dma source(%dma_start3A_138 : memref<50000x128xf32, #tpu.memory_space<hbm>>) target(%arg15 : memref<128x128xf32, #tpu.memory_space<vmem>>) offsets(%dma_start3A_135 : memref<128xi32, #tpu.memory_space<vmem>>) semaphore(%arg6 : memref<!tpu.dma_semaphore, #tpu.memory_space<semaphore_mem>>)
        %dma_start3A_139 = arith.constant 1 : i32
        %dma_start3A_140 = arith.constant 0 : i32
        %dma_start3A_141 = tpu.memref_slice %arg12[%dma_start3A_139, %dma_start3A_140] : memref<2x128xi32, #tpu.memory_space<vmem>> -> memref<1x128xi32, #tpu.memory_space<vmem>>
        %dma_start3A_142 = tpu.memref_squeeze %dma_start3A_141 : memref<1x128xi32, #tpu.memory_space<vmem>> -> memref<128xi32, #tpu.memory_space<vmem>>
        %dma_start3A_143 = arith.constant 0 : i32
        %dma_start3A_144 = arith.constant 0 : i32
        %dma_start3A_145 = tpu.memref_slice %arg3[%dma_start3A_143, %dma_start3A_144] : memref<50000x128xf32, #tpu.memory_space<hbm>> -> memref<50000x128xf32, #tpu.memory_space<hbm>>
        tpu.enqueue_indirect_dma source(%dma_start3A_145 : memref<50000x128xf32, #tpu.memory_space<hbm>>) target(%arg18 : memref<128x128xf32, #tpu.memory_space<vmem>>) offsets(%dma_start3A_142 : memref<128xi32, #tpu.memory_space<vmem>>) semaphore(%arg6 : memref<!tpu.dma_semaphore, #tpu.memory_space<semaphore_mem>>)
      } else {
      }
      %mul3A_80 = arith.constant 3 : i32
      %mul3A_81 = arith.muli %add3A_55, %mul3A_80 : i32
      %add3A_82 = arith.constant 1 : i32
      %add3A_83 = arith.addi %mul3A_81, %add3A_82 : i32
      %add3A_84 = arith.addi %mul3A_2, %add3A_83 : i32
      %lt3A_85 = arith.constant 1563 : i32
      %lt3A_86 = arith.cmpi slt, %add3A_84, %lt3A_85 : i32
      %lt3A_87 = arith.constant 49 : i32
      %lt3A_88 = arith.cmpi slt, %add3A_83, %lt3A_87 : i32
      %and3A_89 = arith.andi %lt3A_86, %lt3A_88 : i1
      %convert_element_type3A_90 = arith.extui %and3A_89 : i1 to i32
      %cond3A_91 = arith.constant 0 : i32
      %cond3A_92 = arith.cmpi ne, %convert_element_type3A_90, %cond3A_91 : i32
      scf.if %cond3A_92 {
        %dma_wait3A = arith.constant 0 : i32
        %dma_wait3A_128 = arith.constant 0 : i32
        %dma_wait3A_129 = tpu.memref_slice %arg2[%dma_wait3A, %dma_wait3A_128] : memref<50000x128xf32, #tpu.memory_space<hbm>> -> memref<128x128xf32, #tpu.memory_space<hbm>>
        %dma_wait3A_130 = arith.constant 0 : i32
        %dma_wait3A_131 = arith.constant 0 : i32
        %dma_wait3A_132 = tpu.memref_slice %arg2[%dma_wait3A_130, %dma_wait3A_131] : memref<50000x128xf32, #tpu.memory_space<hbm>> -> memref<128x128xf32, #tpu.memory_space<hbm>>
        tpu.wait_dma2 semaphore(%arg7 : memref<!tpu.dma_semaphore, #tpu.memory_space<semaphore_mem>>) src(%dma_wait3A_132 : memref<128x128xf32, #tpu.memory_space<hbm>>) dst(%arg16 : memref<128x128xf32, #tpu.memory_space<vmem>>)
        %dma_wait3A_133 = arith.constant 0 : i32
        %dma_wait3A_134 = arith.constant 0 : i32
        %dma_wait3A_135 = tpu.memref_slice %arg2[%dma_wait3A_133, %dma_wait3A_134] : memref<50000x128xf32, #tpu.memory_space<hbm>> -> memref<128x128xf32, #tpu.memory_space<hbm>>
        %dma_wait3A_136 = arith.constant 0 : i32
        %dma_wait3A_137 = arith.constant 0 : i32
        %dma_wait3A_138 = tpu.memref_slice %arg2[%dma_wait3A_136, %dma_wait3A_137] : memref<50000x128xf32, #tpu.memory_space<hbm>> -> memref<128x128xf32, #tpu.memory_space<hbm>>
        tpu.wait_dma2 semaphore(%arg7 : memref<!tpu.dma_semaphore, #tpu.memory_space<semaphore_mem>>) src(%dma_wait3A_138 : memref<128x128xf32, #tpu.memory_space<hbm>>) dst(%arg19 : memref<128x128xf32, #tpu.memory_space<vmem>>)
        %scan3A_139 = arith.constant 0 : i32
        %scan3A_140 = arith.constant 128 : i32
        %scan3A_141 = arith.addi %scan3A_139, %scan3A_140 : i32
        %scan3A_142 = arith.constant 1 : i32
        scf.for %scan3A_150 = %scan3A_139 to %scan3A_141 step %scan3A_142  : i32 {
          %mul3A_151 = arith.constant 1 : i32
          %mul3A_152 = arith.muli %scan3A_150, %mul3A_151 : i32
          %add3A_153 = arith.constant 0 : i32
          %add3A_154 = arith.addi %add3A_153, %mul3A_152 : i32
          %get3A = arith.index_cast %add3A_154 : i32 to index
          %get3A_155 = arith.constant 0 : index
          %get3A_156 = tpu.vector_load %arg16[%get3A, %get3A_155] {strides = array<i32>} : memref<128x128xf32, #tpu.memory_space<vmem>>, vector<1x16xf32>,
          %get3A_157 = vector.shape_cast %get3A_156 : vector<1x16xf32> to vector<1x16xf32>
          %get3A_158 = arith.index_cast %add3A_154 : i32 to index
          %get3A_159 = arith.constant 0 : index
          %get3A_160 = tpu.vector_load %arg19[%get3A_158, %get3A_159] {strides = array<i32>} : memref<128x128xf32, #tpu.memory_space<vmem>>, vector<1x16xf32>,
          %get3A_161 = vector.shape_cast %get3A_160 : vector<1x16xf32> to vector<1x16xf32>
          %add3A_162 = arith.addf %get3A_157, %get3A_161 : vector<1x16xf32>
          %swap3A = arith.index_cast %add3A_154 : i32 to index
          %swap3A_163 = arith.constant 0 : index
          %swap3A_164 = tpu.vector_load %arg16[%swap3A, %swap3A_163] {strides = array<i32>} : memref<128x128xf32, #tpu.memory_space<vmem>>, vector<1x16xf32>,
          %swap3A_165 = vector.shape_cast %swap3A_164 : vector<1x16xf32> to vector<1x16xf32>
          %swap3A_166 = vector.shape_cast %add3A_162 : vector<1x16xf32> to vector<1x16xf32>
          tpu.vector_store %arg16[%swap3A, %swap3A_163], %swap3A_166 {strides = array<i32>} : memref<128x128xf32, #tpu.memory_space<vmem>>, vector<1x16xf32>,
          %get3A_167 = arith.index_cast %add3A_154 : i32 to index
          %get3A_168 = arith.constant 16 : index
          %get3A_169 = tpu.vector_load %arg16[%get3A_167, %get3A_168] {strides = array<i32>} : memref<128x128xf32, #tpu.memory_space<vmem>>, vector<1x16xf32>,
          %get3A_170 = vector.shape_cast %get3A_169 : vector<1x16xf32> to vector<1x16xf32>
          %get3A_171 = arith.index_cast %add3A_154 : i32 to index
          %get3A_172 = arith.constant 16 : index
          %get3A_173 = tpu.vector_load %arg19[%get3A_171, %get3A_172] {strides = array<i32>} : memref<128x128xf32, #tpu.memory_space<vmem>>, vector<1x16xf32>,
          %get3A_174 = vector.shape_cast %get3A_173 : vector<1x16xf32> to vector<1x16xf32>
          %add3A_175 = arith.addf %get3A_170, %get3A_174 : vector<1x16xf32>
          %swap3A_176 = arith.index_cast %add3A_154 : i32 to index
          %swap3A_177 = arith.constant 16 : index
          %swap3A_178 = tpu.vector_load %arg16[%swap3A_176, %swap3A_177] {strides = array<i32>} : memref<128x128xf32, #tpu.memory_space<vmem>>, vector<1x16xf32>,
          %swap3A_179 = vector.shape_cast %swap3A_178 : vector<1x16xf32> to vector<1x16xf32>
          %swap3A_180 = vector.shape_cast %add3A_175 : vector<1x16xf32> to vector<1x16xf32>
          tpu.vector_store %arg16[%swap3A_176, %swap3A_177], %swap3A_180 {strides = array<i32>} : memref<128x128xf32, #tpu.memory_space<vmem>>, vector<1x16xf32>,
          %get3A_181 = arith.index_cast %add3A_154 : i32 to index
          %get3A_182 = arith.constant 32 : index
          %get3A_183 = tpu.vector_load %arg16[%get3A_181, %get3A_182] {strides = array<i32>} : memref<128x128xf32, #tpu.memory_space<vmem>>, vector<1x16xf32>,
          %get3A_184 = vector.shape_cast %get3A_183 : vector<1x16xf32> to vector<1x16xf32>
          %get3A_185 = arith.index_cast %add3A_154 : i32 to index
          %get3A_186 = arith.constant 32 : index
          %get3A_187 = tpu.vector_load %arg19[%get3A_185, %get3A_186] {strides = array<i32>} : memref<128x128xf32, #tpu.memory_space<vmem>>, vector<1x16xf32>,
          %get3A_188 = vector.shape_cast %get3A_187 : vector<1x16xf32> to vector<1x16xf32>
          %add3A_189 = arith.addf %get3A_184, %get3A_188 : vector<1x16xf32>
          %swap3A_190 = arith.index_cast %add3A_154 : i32 to index
          %swap3A_191 = arith.constant 32 : index
          %swap3A_192 = tpu.vector_load %arg16[%swap3A_190, %swap3A_191] {strides = array<i32>} : memref<128x128xf32, #tpu.memory_space<vmem>>, vector<1x16xf32>,
          %swap3A_193 = vector.shape_cast %swap3A_192 : vector<1x16xf32> to vector<1x16xf32>
          %swap3A_194 = vector.shape_cast %add3A_189 : vector<1x16xf32> to vector<1x16xf32>
          tpu.vector_store %arg16[%swap3A_190, %swap3A_191], %swap3A_194 {strides = array<i32>} : memref<128x128xf32, #tpu.memory_space<vmem>>, vector<1x16xf32>,
          %get3A_195 = arith.index_cast %add3A_154 : i32 to index
          %get3A_196 = arith.constant 48 : index
          %get3A_197 = tpu.vector_load %arg16[%get3A_195, %get3A_196] {strides = array<i32>} : memref<128x128xf32, #tpu.memory_space<vmem>>, vector<1x16xf32>,
          %get3A_198 = vector.shape_cast %get3A_197 : vector<1x16xf32> to vector<1x16xf32>
          %get3A_199 = arith.index_cast %add3A_154 : i32 to index
          %get3A_200 = arith.constant 48 : index
          %get3A_201 = tpu.vector_load %arg19[%get3A_199, %get3A_200] {strides = array<i32>} : memref<128x128xf32, #tpu.memory_space<vmem>>, vector<1x16xf32>,
          %get3A_202 = vector.shape_cast %get3A_201 : vector<1x16xf32> to vector<1x16xf32>
          %add3A_203 = arith.addf %get3A_198, %get3A_202 : vector<1x16xf32>
          %swap3A_204 = arith.index_cast %add3A_154 : i32 to index
          %swap3A_205 = arith.constant 48 : index
          %swap3A_206 = tpu.vector_load %arg16[%swap3A_204, %swap3A_205] {strides = array<i32>} : memref<128x128xf32, #tpu.memory_space<vmem>>, vector<1x16xf32>,
          %swap3A_207 = vector.shape_cast %swap3A_206 : vector<1x16xf32> to vector<1x16xf32>
          %swap3A_208 = vector.shape_cast %add3A_203 : vector<1x16xf32> to vector<1x16xf32>
          tpu.vector_store %arg16[%swap3A_204, %swap3A_205], %swap3A_208 {strides = array<i32>} : memref<128x128xf32, #tpu.memory_space<vmem>>, vector<1x16xf32>,
          %get3A_209 = arith.index_cast %add3A_154 : i32 to index
          %get3A_210 = arith.constant 64 : index
          %get3A_211 = tpu.vector_load %arg16[%get3A_209, %get3A_210] {strides = array<i32>} : memref<128x128xf32, #tpu.memory_space<vmem>>, vector<1x16xf32>,
          %get3A_212 = vector.shape_cast %get3A_211 : vector<1x16xf32> to vector<1x16xf32>
          %get3A_213 = arith.index_cast %add3A_154 : i32 to index
          %get3A_214 = arith.constant 64 : index
          %get3A_215 = tpu.vector_load %arg19[%get3A_213, %get3A_214] {strides = array<i32>} : memref<128x128xf32, #tpu.memory_space<vmem>>, vector<1x16xf32>,
          %get3A_216 = vector.shape_cast %get3A_215 : vector<1x16xf32> to vector<1x16xf32>
          %add3A_217 = arith.addf %get3A_212, %get3A_216 : vector<1x16xf32>
          %swap3A_218 = arith.index_cast %add3A_154 : i32 to index
          %swap3A_219 = arith.constant 64 : index
          %swap3A_220 = tpu.vector_load %arg16[%swap3A_218, %swap3A_219] {strides = array<i32>} : memref<128x128xf32, #tpu.memory_space<vmem>>, vector<1x16xf32>,
          %swap3A_221 = vector.shape_cast %swap3A_220 : vector<1x16xf32> to vector<1x16xf32>
          %swap3A_222 = vector.shape_cast %add3A_217 : vector<1x16xf32> to vector<1x16xf32>
          tpu.vector_store %arg16[%swap3A_218, %swap3A_219], %swap3A_222 {strides = array<i32>} : memref<128x128xf32, #tpu.memory_space<vmem>>, vector<1x16xf32>,
          %get3A_223 = arith.index_cast %add3A_154 : i32 to index
          %get3A_224 = arith.constant 80 : index
          %get3A_225 = tpu.vector_load %arg16[%get3A_223, %get3A_224] {strides = array<i32>} : memref<128x128xf32, #tpu.memory_space<vmem>>, vector<1x16xf32>,
          %get3A_226 = vector.shape_cast %get3A_225 : vector<1x16xf32> to vector<1x16xf32>
          %get3A_227 = arith.index_cast %add3A_154 : i32 to index
          %get3A_228 = arith.constant 80 : index
          %get3A_229 = tpu.vector_load %arg19[%get3A_227, %get3A_228] {strides = array<i32>} : memref<128x128xf32, #tpu.memory_space<vmem>>, vector<1x16xf32>,
          %get3A_230 = vector.shape_cast %get3A_229 : vector<1x16xf32> to vector<1x16xf32>
          %add3A_231 = arith.addf %get3A_226, %get3A_230 : vector<1x16xf32>
          %swap3A_232 = arith.index_cast %add3A_154 : i32 to index
          %swap3A_233 = arith.constant 80 : index
          %swap3A_234 = tpu.vector_load %arg16[%swap3A_232, %swap3A_233] {strides = array<i32>} : memref<128x128xf32, #tpu.memory_space<vmem>>, vector<1x16xf32>,
          %swap3A_235 = vector.shape_cast %swap3A_234 : vector<1x16xf32> to vector<1x16xf32>
          %swap3A_236 = vector.shape_cast %add3A_231 : vector<1x16xf32> to vector<1x16xf32>
          tpu.vector_store %arg16[%swap3A_232, %swap3A_233], %swap3A_236 {strides = array<i32>} : memref<128x128xf32, #tpu.memory_space<vmem>>, vector<1x16xf32>,
          %get3A_237 = arith.index_cast %add3A_154 : i32 to index
          %get3A_238 = arith.constant 96 : index
          %get3A_239 = tpu.vector_load %arg16[%get3A_237, %get3A_238] {strides = array<i32>} : memref<128x128xf32, #tpu.memory_space<vmem>>, vector<1x16xf32>,
          %get3A_240 = vector.shape_cast %get3A_239 : vector<1x16xf32> to vector<1x16xf32>
          %get3A_241 = arith.index_cast %add3A_154 : i32 to index
          %get3A_242 = arith.constant 96 : index
          %get3A_243 = tpu.vector_load %arg19[%get3A_241, %get3A_242] {strides = array<i32>} : memref<128x128xf32, #tpu.memory_space<vmem>>, vector<1x16xf32>,
          %get3A_244 = vector.shape_cast %get3A_243 : vector<1x16xf32> to vector<1x16xf32>
          %add3A_245 = arith.addf %get3A_240, %get3A_244 : vector<1x16xf32>
          %swap3A_246 = arith.index_cast %add3A_154 : i32 to index
          %swap3A_247 = arith.constant 96 : index
          %swap3A_248 = tpu.vector_load %arg16[%swap3A_246, %swap3A_247] {strides = array<i32>} : memref<128x128xf32, #tpu.memory_space<vmem>>, vector<1x16xf32>,
          %swap3A_249 = vector.shape_cast %swap3A_248 : vector<1x16xf32> to vector<1x16xf32>
          %swap3A_250 = vector.shape_cast %add3A_245 : vector<1x16xf32> to vector<1x16xf32>
          tpu.vector_store %arg16[%swap3A_246, %swap3A_247], %swap3A_250 {strides = array<i32>} : memref<128x128xf32, #tpu.memory_space<vmem>>, vector<1x16xf32>,
          %get3A_251 = arith.index_cast %add3A_154 : i32 to index
          %get3A_252 = arith.constant 112 : index
          %get3A_253 = tpu.vector_load %arg16[%get3A_251, %get3A_252] {strides = array<i32>} : memref<128x128xf32, #tpu.memory_space<vmem>>, vector<1x16xf32>,
          %get3A_254 = vector.shape_cast %get3A_253 : vector<1x16xf32> to vector<1x16xf32>
          %get3A_255 = arith.index_cast %add3A_154 : i32 to index
          %get3A_256 = arith.constant 112 : index
          %get3A_257 = tpu.vector_load %arg19[%get3A_255, %get3A_256] {strides = array<i32>} : memref<128x128xf32, #tpu.memory_space<vmem>>, vector<1x16xf32>,
          %get3A_258 = vector.shape_cast %get3A_257 : vector<1x16xf32> to vector<1x16xf32>
          %add3A_259 = arith.addf %get3A_254, %get3A_258 : vector<1x16xf32>
          %swap3A_260 = arith.index_cast %add3A_154 : i32 to index
          %swap3A_261 = arith.constant 112 : index
          %swap3A_262 = tpu.vector_load %arg16[%swap3A_260, %swap3A_261] {strides = array<i32>} : memref<128x128xf32, #tpu.memory_space<vmem>>, vector<1x16xf32>,
          %swap3A_263 = vector.shape_cast %swap3A_262 : vector<1x16xf32> to vector<1x16xf32>
          %swap3A_264 = vector.shape_cast %add3A_259 : vector<1x16xf32> to vector<1x16xf32>
          tpu.vector_store %arg16[%swap3A_260, %swap3A_261], %swap3A_264 {strides = array<i32>} : memref<128x128xf32, #tpu.memory_space<vmem>>, vector<1x16xf32>,
        }
        %scan3A_143 = arith.constant 128 : i32
        %mul3A_144 = arith.constant 128 : i32
        %mul3A_145 = arith.muli %add3A_84, %mul3A_144 : i32
        %min3A = arith.constant 199872 : i32
        %min3A_146 = arith.minsi %mul3A_145, %min3A : i32
        %dma_start3A = arith.constant 0 : i32
        %dma_start3A_147 = tpu.memref_slice %arg5[%min3A_146, %dma_start3A] : memref<200000x128xf32, #tpu.memory_space<hbm>> -> memref<128x128xf32, #tpu.memory_space<hbm>>
        %dma_start3A_148 = arith.constant 0 : i32
        %dma_start3A_149 = tpu.memref_slice %arg5[%min3A_146, %dma_start3A_148] : memref<200000x128xf32, #tpu.memory_space<hbm>> -> memref<128x128xf32, #tpu.memory_space<hbm>>
        tpu.enqueue_dma source(%arg16 : memref<128x128xf32, #tpu.memory_space<vmem>>) target(%dma_start3A_149 : memref<128x128xf32, #tpu.memory_space<hbm>>) target_semaphore(%arg10 : memref<!tpu.dma_semaphore, #tpu.memory_space<semaphore_mem>>)
      } else {
      }
      %add3A_93 = arith.constant 3 : i32
      %add3A_94 = arith.addi %add3A_83, %add3A_93 : i32
      %add3A_95 = arith.addi %mul3A_2, %add3A_94 : i32
      %lt3A_96 = arith.constant 1563 : i32
      %lt3A_97 = arith.cmpi slt, %add3A_95, %lt3A_96 : i32
      %lt3A_98 = arith.constant 49 : i32
      %lt3A_99 = arith.cmpi slt, %add3A_94, %lt3A_98 : i32
      %and3A_100 = arith.andi %lt3A_97, %lt3A_99 : i1
      %convert_element_type3A_101 = arith.extui %and3A_100 : i1 to i32
      %cond3A_102 = arith.constant 0 : i32
      %cond3A_103 = arith.cmpi ne, %convert_element_type3A_101, %cond3A_102 : i32
      scf.if %cond3A_103 {
        %dma_wait3A = arith.constant 0 : i32
        %dma_wait3A_128 = arith.constant 0 : i32
        %dma_wait3A_129 = tpu.memref_slice %arg2[%dma_wait3A, %dma_wait3A_128] : memref<50000x128xf32, #tpu.memory_space<hbm>> -> memref<128x128xf32, #tpu.memory_space<hbm>>
        %dma_wait3A_130 = arith.constant 0 : i32
        %dma_wait3A_131 = arith.constant 0 : i32
        %dma_wait3A_132 = tpu.memref_slice %arg2[%dma_wait3A_130, %dma_wait3A_131] : memref<50000x128xf32, #tpu.memory_space<hbm>> -> memref<128x128xf32, #tpu.memory_space<hbm>>
        tpu.wait_dma2 semaphore(%arg10 : memref<!tpu.dma_semaphore, #tpu.memory_space<semaphore_mem>>) src(%dma_wait3A_132 : memref<128x128xf32, #tpu.memory_space<hbm>>) dst(%arg16 : memref<128x128xf32, #tpu.memory_space<vmem>>)
        "tpu.region"() ({
          %run_scoped3A = tpu.sem_alloc : memref<!tpu.dma_semaphore, #tpu.memory_space<semaphore_mem>>
          %dma_start3A_146 = arith.constant 0 : i32
          %dma_start3A_147 = arith.constant 0 : i32
          %dma_start3A_148 = tpu.memref_slice %arg4[%add3A_95, %dma_start3A_146, %dma_start3A_147] : memref<1563x2x128xi32, #tpu.memory_space<hbm>> -> memref<1x2x128xi32, #tpu.memory_space<hbm>>
          %dma_start3A_149 = tpu.memref_squeeze %dma_start3A_148 : memref<1x2x128xi32, #tpu.memory_space<hbm>> -> memref<2x128xi32, #tpu.memory_space<hbm>>
          %dma_start3A_150 = arith.constant 0 : i32
          %dma_start3A_151 = arith.constant 0 : i32
          %dma_start3A_152 = tpu.memref_slice %arg4[%add3A_95, %dma_start3A_150, %dma_start3A_151] : memref<1563x2x128xi32, #tpu.memory_space<hbm>> -> memref<1x2x128xi32, #tpu.memory_space<hbm>>
          %dma_start3A_153 = tpu.memref_squeeze %dma_start3A_152 : memref<1x2x128xi32, #tpu.memory_space<hbm>> -> memref<2x128xi32, #tpu.memory_space<hbm>>
          tpu.enqueue_dma source(%dma_start3A_153 : memref<2x128xi32, #tpu.memory_space<hbm>>) target(%arg13 : memref<2x128xi32, #tpu.memory_space<vmem>>) target_semaphore(%run_scoped3A : memref<!tpu.dma_semaphore, #tpu.memory_space<semaphore_mem>>)
          %dma_wait3A_154 = arith.constant 0 : i32
          %dma_wait3A_155 = arith.constant 0 : i32
          %dma_wait3A_156 = tpu.memref_slice %arg4[%add3A_95, %dma_wait3A_154, %dma_wait3A_155] : memref<1563x2x128xi32, #tpu.memory_space<hbm>> -> memref<1x2x128xi32, #tpu.memory_space<hbm>>
          %dma_wait3A_157 = tpu.memref_squeeze %dma_wait3A_156 : memref<1x2x128xi32, #tpu.memory_space<hbm>> -> memref<2x128xi32, #tpu.memory_space<hbm>>
          %dma_wait3A_158 = arith.constant 0 : i32
          %dma_wait3A_159 = arith.constant 0 : i32
          %dma_wait3A_160 = tpu.memref_slice %arg4[%add3A_95, %dma_wait3A_158, %dma_wait3A_159] : memref<1563x2x128xi32, #tpu.memory_space<hbm>> -> memref<1x2x128xi32, #tpu.memory_space<hbm>>
          %dma_wait3A_161 = tpu.memref_squeeze %dma_wait3A_160 : memref<1x2x128xi32, #tpu.memory_space<hbm>> -> memref<2x128xi32, #tpu.memory_space<hbm>>
          tpu.wait_dma2 semaphore(%run_scoped3A : memref<!tpu.dma_semaphore, #tpu.memory_space<semaphore_mem>>) src(%dma_wait3A_161 : memref<2x128xi32, #tpu.memory_space<hbm>>) dst(%arg13 : memref<2x128xi32, #tpu.memory_space<vmem>>)
          tpu.yield
        }) : () -> ()
        %dma_start3A = arith.constant 0 : i32
        %dma_start3A_133 = arith.constant 0 : i32
        %dma_start3A_134 = tpu.memref_slice %arg13[%dma_start3A, %dma_start3A_133] : memref<2x128xi32, #tpu.memory_space<vmem>> -> memref<1x128xi32, #tpu.memory_space<vmem>>
        %dma_start3A_135 = tpu.memref_squeeze %dma_start3A_134 : memref<1x128xi32, #tpu.memory_space<vmem>> -> memref<128xi32, #tpu.memory_space<vmem>>
        %dma_start3A_136 = arith.constant 0 : i32
        %dma_start3A_137 = arith.constant 0 : i32
        %dma_start3A_138 = tpu.memref_slice %arg2[%dma_start3A_136, %dma_start3A_137] : memref<50000x128xf32, #tpu.memory_space<hbm>> -> memref<50000x128xf32, #tpu.memory_space<hbm>>
        tpu.enqueue_indirect_dma source(%dma_start3A_138 : memref<50000x128xf32, #tpu.memory_space<hbm>>) target(%arg16 : memref<128x128xf32, #tpu.memory_space<vmem>>) offsets(%dma_start3A_135 : memref<128xi32, #tpu.memory_space<vmem>>) semaphore(%arg7 : memref<!tpu.dma_semaphore, #tpu.memory_space<semaphore_mem>>)
        %dma_start3A_139 = arith.constant 1 : i32
        %dma_start3A_140 = arith.constant 0 : i32
        %dma_start3A_141 = tpu.memref_slice %arg13[%dma_start3A_139, %dma_start3A_140] : memref<2x128xi32, #tpu.memory_space<vmem>> -> memref<1x128xi32, #tpu.memory_space<vmem>>
        %dma_start3A_142 = tpu.memref_squeeze %dma_start3A_141 : memref<1x128xi32, #tpu.memory_space<vmem>> -> memref<128xi32, #tpu.memory_space<vmem>>
        %dma_start3A_143 = arith.constant 0 : i32
        %dma_start3A_144 = arith.constant 0 : i32
        %dma_start3A_145 = tpu.memref_slice %arg3[%dma_start3A_143, %dma_start3A_144] : memref<50000x128xf32, #tpu.memory_space<hbm>> -> memref<50000x128xf32, #tpu.memory_space<hbm>>
        tpu.enqueue_indirect_dma source(%dma_start3A_145 : memref<50000x128xf32, #tpu.memory_space<hbm>>) target(%arg19 : memref<128x128xf32, #tpu.memory_space<vmem>>) offsets(%dma_start3A_142 : memref<128xi32, #tpu.memory_space<vmem>>) semaphore(%arg7 : memref<!tpu.dma_semaphore, #tpu.memory_space<semaphore_mem>>)
      } else {
      }
      %mul3A_104 = arith.constant 3 : i32
      %mul3A_105 = arith.muli %add3A_55, %mul3A_104 : i32
      %add3A_106 = arith.constant 2 : i32
      %add3A_107 = arith.addi %mul3A_105, %add3A_106 : i32
      %add3A_108 = arith.addi %mul3A_2, %add3A_107 : i32
      %lt3A_109 = arith.constant 1563 : i32
      %lt3A_110 = arith.cmpi slt, %add3A_108, %lt3A_109 : i32
      %lt3A_111 = arith.constant 49 : i32
      %lt3A_112 = arith.cmpi slt, %add3A_107, %lt3A_111 : i32
      %and3A_113 = arith.andi %lt3A_110, %lt3A_112 : i1
      %convert_element_type3A_114 = arith.extui %and3A_113 : i1 to i32
      %cond3A_115 = arith.constant 0 : i32
      %cond3A_116 = arith.cmpi ne, %convert_element_type3A_114, %cond3A_115 : i32
      scf.if %cond3A_116 {
        %dma_wait3A = arith.constant 0 : i32
        %dma_wait3A_128 = arith.constant 0 : i32
        %dma_wait3A_129 = tpu.memref_slice %arg2[%dma_wait3A, %dma_wait3A_128] : memref<50000x128xf32, #tpu.memory_space<hbm>> -> memref<128x128xf32, #tpu.memory_space<hbm>>
        %dma_wait3A_130 = arith.constant 0 : i32
        %dma_wait3A_131 = arith.constant 0 : i32
        %dma_wait3A_132 = tpu.memref_slice %arg2[%dma_wait3A_130, %dma_wait3A_131] : memref<50000x128xf32, #tpu.memory_space<hbm>> -> memref<128x128xf32, #tpu.memory_space<hbm>>
        tpu.wait_dma2 semaphore(%arg8 : memref<!tpu.dma_semaphore, #tpu.memory_space<semaphore_mem>>) src(%dma_wait3A_132 : memref<128x128xf32, #tpu.memory_space<hbm>>) dst(%arg17 : memref<128x128xf32, #tpu.memory_space<vmem>>)
        %dma_wait3A_133 = arith.constant 0 : i32
        %dma_wait3A_134 = arith.constant 0 : i32
        %dma_wait3A_135 = tpu.memref_slice %arg2[%dma_wait3A_133, %dma_wait3A_134] : memref<50000x128xf32, #tpu.memory_space<hbm>> -> memref<128x128xf32, #tpu.memory_space<hbm>>
        %dma_wait3A_136 = arith.constant 0 : i32
        %dma_wait3A_137 = arith.constant 0 : i32
        %dma_wait3A_138 = tpu.memref_slice %arg2[%dma_wait3A_136, %dma_wait3A_137] : memref<50000x128xf32, #tpu.memory_space<hbm>> -> memref<128x128xf32, #tpu.memory_space<hbm>>
        tpu.wait_dma2 semaphore(%arg8 : memref<!tpu.dma_semaphore, #tpu.memory_space<semaphore_mem>>) src(%dma_wait3A_138 : memref<128x128xf32, #tpu.memory_space<hbm>>) dst(%arg20 : memref<128x128xf32, #tpu.memory_space<vmem>>)
        %scan3A_139 = arith.constant 0 : i32
        %scan3A_140 = arith.constant 128 : i32
        %scan3A_141 = arith.addi %scan3A_139, %scan3A_140 : i32
        %scan3A_142 = arith.constant 1 : i32
        scf.for %scan3A_150 = %scan3A_139 to %scan3A_141 step %scan3A_142  : i32 {
          %mul3A_151 = arith.constant 1 : i32
          %mul3A_152 = arith.muli %scan3A_150, %mul3A_151 : i32
          %add3A_153 = arith.constant 0 : i32
          %add3A_154 = arith.addi %add3A_153, %mul3A_152 : i32
          %get3A = arith.index_cast %add3A_154 : i32 to index
          %get3A_155 = arith.constant 0 : index
          %get3A_156 = tpu.vector_load %arg17[%get3A, %get3A_155] {strides = array<i32>} : memref<128x128xf32, #tpu.memory_space<vmem>>, vector<1x16xf32>,
          %get3A_157 = vector.shape_cast %get3A_156 : vector<1x16xf32> to vector<1x16xf32>
          %get3A_158 = arith.index_cast %add3A_154 : i32 to index
          %get3A_159 = arith.constant 0 : index
          %get3A_160 = tpu.vector_load %arg20[%get3A_158, %get3A_159] {strides = array<i32>} : memref<128x128xf32, #tpu.memory_space<vmem>>, vector<1x16xf32>,
          %get3A_161 = vector.shape_cast %get3A_160 : vector<1x16xf32> to vector<1x16xf32>
          %add3A_162 = arith.addf %get3A_157, %get3A_161 : vector<1x16xf32>
          %swap3A = arith.index_cast %add3A_154 : i32 to index
          %swap3A_163 = arith.constant 0 : index
          %swap3A_164 = tpu.vector_load %arg17[%swap3A, %swap3A_163] {strides = array<i32>} : memref<128x128xf32, #tpu.memory_space<vmem>>, vector<1x16xf32>,
          %swap3A_165 = vector.shape_cast %swap3A_164 : vector<1x16xf32> to vector<1x16xf32>
          %swap3A_166 = vector.shape_cast %add3A_162 : vector<1x16xf32> to vector<1x16xf32>
          tpu.vector_store %arg17[%swap3A, %swap3A_163], %swap3A_166 {strides = array<i32>} : memref<128x128xf32, #tpu.memory_space<vmem>>, vector<1x16xf32>,
          %get3A_167 = arith.index_cast %add3A_154 : i32 to index
          %get3A_168 = arith.constant 16 : index
          %get3A_169 = tpu.vector_load %arg17[%get3A_167, %get3A_168] {strides = array<i32>} : memref<128x128xf32, #tpu.memory_space<vmem>>, vector<1x16xf32>,
          %get3A_170 = vector.shape_cast %get3A_169 : vector<1x16xf32> to vector<1x16xf32>
          %get3A_171 = arith.index_cast %add3A_154 : i32 to index
          %get3A_172 = arith.constant 16 : index
          %get3A_173 = tpu.vector_load %arg20[%get3A_171, %get3A_172] {strides = array<i32>} : memref<128x128xf32, #tpu.memory_space<vmem>>, vector<1x16xf32>,
          %get3A_174 = vector.shape_cast %get3A_173 : vector<1x16xf32> to vector<1x16xf32>
          %add3A_175 = arith.addf %get3A_170, %get3A_174 : vector<1x16xf32>
          %swap3A_176 = arith.index_cast %add3A_154 : i32 to index
          %swap3A_177 = arith.constant 16 : index
          %swap3A_178 = tpu.vector_load %arg17[%swap3A_176, %swap3A_177] {strides = array<i32>} : memref<128x128xf32, #tpu.memory_space<vmem>>, vector<1x16xf32>,
          %swap3A_179 = vector.shape_cast %swap3A_178 : vector<1x16xf32> to vector<1x16xf32>
          %swap3A_180 = vector.shape_cast %add3A_175 : vector<1x16xf32> to vector<1x16xf32>
          tpu.vector_store %arg17[%swap3A_176, %swap3A_177], %swap3A_180 {strides = array<i32>} : memref<128x128xf32, #tpu.memory_space<vmem>>, vector<1x16xf32>,
          %get3A_181 = arith.index_cast %add3A_154 : i32 to index
          %get3A_182 = arith.constant 32 : index
          %get3A_183 = tpu.vector_load %arg17[%get3A_181, %get3A_182] {strides = array<i32>} : memref<128x128xf32, #tpu.memory_space<vmem>>, vector<1x16xf32>,
          %get3A_184 = vector.shape_cast %get3A_183 : vector<1x16xf32> to vector<1x16xf32>
          %get3A_185 = arith.index_cast %add3A_154 : i32 to index
          %get3A_186 = arith.constant 32 : index
          %get3A_187 = tpu.vector_load %arg20[%get3A_185, %get3A_186] {strides = array<i32>} : memref<128x128xf32, #tpu.memory_space<vmem>>, vector<1x16xf32>,
          %get3A_188 = vector.shape_cast %get3A_187 : vector<1x16xf32> to vector<1x16xf32>
          %add3A_189 = arith.addf %get3A_184, %get3A_188 : vector<1x16xf32>
          %swap3A_190 = arith.index_cast %add3A_154 : i32 to index
          %swap3A_191 = arith.constant 32 : index
          %swap3A_192 = tpu.vector_load %arg17[%swap3A_190, %swap3A_191] {strides = array<i32>} : memref<128x128xf32, #tpu.memory_space<vmem>>, vector<1x16xf32>,
          %swap3A_193 = vector.shape_cast %swap3A_192 : vector<1x16xf32> to vector<1x16xf32>
          %swap3A_194 = vector.shape_cast %add3A_189 : vector<1x16xf32> to vector<1x16xf32>
          tpu.vector_store %arg17[%swap3A_190, %swap3A_191], %swap3A_194 {strides = array<i32>} : memref<128x128xf32, #tpu.memory_space<vmem>>, vector<1x16xf32>,
          %get3A_195 = arith.index_cast %add3A_154 : i32 to index
          %get3A_196 = arith.constant 48 : index
          %get3A_197 = tpu.vector_load %arg17[%get3A_195, %get3A_196] {strides = array<i32>} : memref<128x128xf32, #tpu.memory_space<vmem>>, vector<1x16xf32>,
          %get3A_198 = vector.shape_cast %get3A_197 : vector<1x16xf32> to vector<1x16xf32>
          %get3A_199 = arith.index_cast %add3A_154 : i32 to index
          %get3A_200 = arith.constant 48 : index
          %get3A_201 = tpu.vector_load %arg20[%get3A_199, %get3A_200] {strides = array<i32>} : memref<128x128xf32, #tpu.memory_space<vmem>>, vector<1x16xf32>,
          %get3A_202 = vector.shape_cast %get3A_201 : vector<1x16xf32> to vector<1x16xf32>
          %add3A_203 = arith.addf %get3A_198, %get3A_202 : vector<1x16xf32>
          %swap3A_204 = arith.index_cast %add3A_154 : i32 to index
          %swap3A_205 = arith.constant 48 : index
          %swap3A_206 = tpu.vector_load %arg17[%swap3A_204, %swap3A_205] {strides = array<i32>} : memref<128x128xf32, #tpu.memory_space<vmem>>, vector<1x16xf32>,
          %swap3A_207 = vector.shape_cast %swap3A_206 : vector<1x16xf32> to vector<1x16xf32>
          %swap3A_208 = vector.shape_cast %add3A_203 : vector<1x16xf32> to vector<1x16xf32>
          tpu.vector_store %arg17[%swap3A_204, %swap3A_205], %swap3A_208 {strides = array<i32>} : memref<128x128xf32, #tpu.memory_space<vmem>>, vector<1x16xf32>,
          %get3A_209 = arith.index_cast %add3A_154 : i32 to index
          %get3A_210 = arith.constant 64 : index
          %get3A_211 = tpu.vector_load %arg17[%get3A_209, %get3A_210] {strides = array<i32>} : memref<128x128xf32, #tpu.memory_space<vmem>>, vector<1x16xf32>,
          %get3A_212 = vector.shape_cast %get3A_211 : vector<1x16xf32> to vector<1x16xf32>
          %get3A_213 = arith.index_cast %add3A_154 : i32 to index
          %get3A_214 = arith.constant 64 : index
          %get3A_215 = tpu.vector_load %arg20[%get3A_213, %get3A_214] {strides = array<i32>} : memref<128x128xf32, #tpu.memory_space<vmem>>, vector<1x16xf32>,
          %get3A_216 = vector.shape_cast %get3A_215 : vector<1x16xf32> to vector<1x16xf32>
          %add3A_217 = arith.addf %get3A_212, %get3A_216 : vector<1x16xf32>
          %swap3A_218 = arith.index_cast %add3A_154 : i32 to index
          %swap3A_219 = arith.constant 64 : index
          %swap3A_220 = tpu.vector_load %arg17[%swap3A_218, %swap3A_219] {strides = array<i32>} : memref<128x128xf32, #tpu.memory_space<vmem>>, vector<1x16xf32>,
          %swap3A_221 = vector.shape_cast %swap3A_220 : vector<1x16xf32> to vector<1x16xf32>
          %swap3A_222 = vector.shape_cast %add3A_217 : vector<1x16xf32> to vector<1x16xf32>
          tpu.vector_store %arg17[%swap3A_218, %swap3A_219], %swap3A_222 {strides = array<i32>} : memref<128x128xf32, #tpu.memory_space<vmem>>, vector<1x16xf32>,
          %get3A_223 = arith.index_cast %add3A_154 : i32 to index
          %get3A_224 = arith.constant 80 : index
          %get3A_225 = tpu.vector_load %arg17[%get3A_223, %get3A_224] {strides = array<i32>} : memref<128x128xf32, #tpu.memory_space<vmem>>, vector<1x16xf32>,
          %get3A_226 = vector.shape_cast %get3A_225 : vector<1x16xf32> to vector<1x16xf32>
          %get3A_227 = arith.index_cast %add3A_154 : i32 to index
          %get3A_228 = arith.constant 80 : index
          %get3A_229 = tpu.vector_load %arg20[%get3A_227, %get3A_228] {strides = array<i32>} : memref<128x128xf32, #tpu.memory_space<vmem>>, vector<1x16xf32>,
          %get3A_230 = vector.shape_cast %get3A_229 : vector<1x16xf32> to vector<1x16xf32>
          %add3A_231 = arith.addf %get3A_226, %get3A_230 : vector<1x16xf32>
          %swap3A_232 = arith.index_cast %add3A_154 : i32 to index
          %swap3A_233 = arith.constant 80 : index
          %swap3A_234 = tpu.vector_load %arg17[%swap3A_232, %swap3A_233] {strides = array<i32>} : memref<128x128xf32, #tpu.memory_space<vmem>>, vector<1x16xf32>,
          %swap3A_235 = vector.shape_cast %swap3A_234 : vector<1x16xf32> to vector<1x16xf32>
          %swap3A_236 = vector.shape_cast %add3A_231 : vector<1x16xf32> to vector<1x16xf32>
          tpu.vector_store %arg17[%swap3A_232, %swap3A_233], %swap3A_236 {strides = array<i32>} : memref<128x128xf32, #tpu.memory_space<vmem>>, vector<1x16xf32>,
          %get3A_237 = arith.index_cast %add3A_154 : i32 to index
          %get3A_238 = arith.constant 96 : index
          %get3A_239 = tpu.vector_load %arg17[%get3A_237, %get3A_238] {strides = array<i32>} : memref<128x128xf32, #tpu.memory_space<vmem>>, vector<1x16xf32>,
          %get3A_240 = vector.shape_cast %get3A_239 : vector<1x16xf32> to vector<1x16xf32>
          %get3A_241 = arith.index_cast %add3A_154 : i32 to index
          %get3A_242 = arith.constant 96 : index
          %get3A_243 = tpu.vector_load %arg20[%get3A_241, %get3A_242] {strides = array<i32>} : memref<128x128xf32, #tpu.memory_space<vmem>>, vector<1x16xf32>,
          %get3A_244 = vector.shape_cast %get3A_243 : vector<1x16xf32> to vector<1x16xf32>
          %add3A_245 = arith.addf %get3A_240, %get3A_244 : vector<1x16xf32>
          %swap3A_246 = arith.index_cast %add3A_154 : i32 to index
          %swap3A_247 = arith.constant 96 : index
          %swap3A_248 = tpu.vector_load %arg17[%swap3A_246, %swap3A_247] {strides = array<i32>} : memref<128x128xf32, #tpu.memory_space<vmem>>, vector<1x16xf32>,
          %swap3A_249 = vector.shape_cast %swap3A_248 : vector<1x16xf32> to vector<1x16xf32>
          %swap3A_250 = vector.shape_cast %add3A_245 : vector<1x16xf32> to vector<1x16xf32>
          tpu.vector_store %arg17[%swap3A_246, %swap3A_247], %swap3A_250 {strides = array<i32>} : memref<128x128xf32, #tpu.memory_space<vmem>>, vector<1x16xf32>,
          %get3A_251 = arith.index_cast %add3A_154 : i32 to index
          %get3A_252 = arith.constant 112 : index
          %get3A_253 = tpu.vector_load %arg17[%get3A_251, %get3A_252] {strides = array<i32>} : memref<128x128xf32, #tpu.memory_space<vmem>>, vector<1x16xf32>,
          %get3A_254 = vector.shape_cast %get3A_253 : vector<1x16xf32> to vector<1x16xf32>
          %get3A_255 = arith.index_cast %add3A_154 : i32 to index
          %get3A_256 = arith.constant 112 : index
          %get3A_257 = tpu.vector_load %arg20[%get3A_255, %get3A_256] {strides = array<i32>} : memref<128x128xf32, #tpu.memory_space<vmem>>, vector<1x16xf32>,
          %get3A_258 = vector.shape_cast %get3A_257 : vector<1x16xf32> to vector<1x16xf32>
          %add3A_259 = arith.addf %get3A_254, %get3A_258 : vector<1x16xf32>
          %swap3A_260 = arith.index_cast %add3A_154 : i32 to index
          %swap3A_261 = arith.constant 112 : index
          %swap3A_262 = tpu.vector_load %arg17[%swap3A_260, %swap3A_261] {strides = array<i32>} : memref<128x128xf32, #tpu.memory_space<vmem>>, vector<1x16xf32>,
          %swap3A_263 = vector.shape_cast %swap3A_262 : vector<1x16xf32> to vector<1x16xf32>
          %swap3A_264 = vector.shape_cast %add3A_259 : vector<1x16xf32> to vector<1x16xf32>
          tpu.vector_store %arg17[%swap3A_260, %swap3A_261], %swap3A_264 {strides = array<i32>} : memref<128x128xf32, #tpu.memory_space<vmem>>, vector<1x16xf32>,
        }
        %scan3A_143 = arith.constant 128 : i32
        %mul3A_144 = arith.constant 128 : i32
        %mul3A_145 = arith.muli %add3A_108, %mul3A_144 : i32
        %min3A = arith.constant 199872 : i32
        %min3A_146 = arith.minsi %mul3A_145, %min3A : i32
        %dma_start3A = arith.constant 0 : i32
        %dma_start3A_147 = tpu.memref_slice %arg5[%min3A_146, %dma_start3A] : memref<200000x128xf32, #tpu.memory_space<hbm>> -> memref<128x128xf32, #tpu.memory_space<hbm>>
        %dma_start3A_148 = arith.constant 0 : i32
        %dma_start3A_149 = tpu.memref_slice %arg5[%min3A_146, %dma_start3A_148] : memref<200000x128xf32, #tpu.memory_space<hbm>> -> memref<128x128xf32, #tpu.memory_space<hbm>>
        tpu.enqueue_dma source(%arg17 : memref<128x128xf32, #tpu.memory_space<vmem>>) target(%dma_start3A_149 : memref<128x128xf32, #tpu.memory_space<hbm>>) target_semaphore(%arg11 : memref<!tpu.dma_semaphore, #tpu.memory_space<semaphore_mem>>)
      } else {
      }
      %add3A_117 = arith.constant 3 : i32
      %add3A_118 = arith.addi %add3A_107, %add3A_117 : i32
      %add3A_119 = arith.addi %mul3A_2, %add3A_118 : i32
      %lt3A_120 = arith.constant 1563 : i32
      %lt3A_121 = arith.cmpi slt, %add3A_119, %lt3A_120 : i32
      %lt3A_122 = arith.constant 49 : i32
      %lt3A_123 = arith.cmpi slt, %add3A_118, %lt3A_122 : i32
      %and3A_124 = arith.andi %lt3A_121, %lt3A_123 : i1
      %convert_element_type3A_125 = arith.extui %and3A_124 : i1 to i32
      %cond3A_126 = arith.constant 0 : i32
      %cond3A_127 = arith.cmpi ne, %convert_element_type3A_125, %cond3A_126 : i32
      scf.if %cond3A_127 {
        %dma_wait3A = arith.constant 0 : i32
        %dma_wait3A_128 = arith.constant 0 : i32
        %dma_wait3A_129 = tpu.memref_slice %arg2[%dma_wait3A, %dma_wait3A_128] : memref<50000x128xf32, #tpu.memory_space<hbm>> -> memref<128x128xf32, #tpu.memory_space<hbm>>
        %dma_wait3A_130 = arith.constant 0 : i32
        %dma_wait3A_131 = arith.constant 0 : i32
        %dma_wait3A_132 = tpu.memref_slice %arg2[%dma_wait3A_130, %dma_wait3A_131] : memref<50000x128xf32, #tpu.memory_space<hbm>> -> memref<128x128xf32, #tpu.memory_space<hbm>>
        tpu.wait_dma2 semaphore(%arg11 : memref<!tpu.dma_semaphore, #tpu.memory_space<semaphore_mem>>) src(%dma_wait3A_132 : memref<128x128xf32, #tpu.memory_space<hbm>>) dst(%arg17 : memref<128x128xf32, #tpu.memory_space<vmem>>)
        "tpu.region"() ({
          %run_scoped3A = tpu.sem_alloc : memref<!tpu.dma_semaphore, #tpu.memory_space<semaphore_mem>>
          %dma_start3A_146 = arith.constant 0 : i32
          %dma_start3A_147 = arith.constant 0 : i32
          %dma_start3A_148 = tpu.memref_slice %arg4[%add3A_119, %dma_start3A_146, %dma_start3A_147] : memref<1563x2x128xi32, #tpu.memory_space<hbm>> -> memref<1x2x128xi32, #tpu.memory_space<hbm>>
          %dma_start3A_149 = tpu.memref_squeeze %dma_start3A_148 : memref<1x2x128xi32, #tpu.memory_space<hbm>> -> memref<2x128xi32, #tpu.memory_space<hbm>>
          %dma_start3A_150 = arith.constant 0 : i32
          %dma_start3A_151 = arith.constant 0 : i32
          %dma_start3A_152 = tpu.memref_slice %arg4[%add3A_119, %dma_start3A_150, %dma_start3A_151] : memref<1563x2x128xi32, #tpu.memory_space<hbm>> -> memref<1x2x128xi32, #tpu.memory_space<hbm>>
          %dma_start3A_153 = tpu.memref_squeeze %dma_start3A_152 : memref<1x2x128xi32, #tpu.memory_space<hbm>> -> memref<2x128xi32, #tpu.memory_space<hbm>>
          tpu.enqueue_dma source(%dma_start3A_153 : memref<2x128xi32, #tpu.memory_space<hbm>>) target(%arg14 : memref<2x128xi32, #tpu.memory_space<vmem>>) target_semaphore(%run_scoped3A : memref<!tpu.dma_semaphore, #tpu.memory_space<semaphore_mem>>)
          %dma_wait3A_154 = arith.constant 0 : i32
          %dma_wait3A_155 = arith.constant 0 : i32
          %dma_wait3A_156 = tpu.memref_slice %arg4[%add3A_119, %dma_wait3A_154, %dma_wait3A_155] : memref<1563x2x128xi32, #tpu.memory_space<hbm>> -> memref<1x2x128xi32, #tpu.memory_space<hbm>>
          %dma_wait3A_157 = tpu.memref_squeeze %dma_wait3A_156 : memref<1x2x128xi32, #tpu.memory_space<hbm>> -> memref<2x128xi32, #tpu.memory_space<hbm>>
          %dma_wait3A_158 = arith.constant 0 : i32
          %dma_wait3A_159 = arith.constant 0 : i32
          %dma_wait3A_160 = tpu.memref_slice %arg4[%add3A_119, %dma_wait3A_158, %dma_wait3A_159] : memref<1563x2x128xi32, #tpu.memory_space<hbm>> -> memref<1x2x128xi32, #tpu.memory_space<hbm>>
          %dma_wait3A_161 = tpu.memref_squeeze %dma_wait3A_160 : memref<1x2x128xi32, #tpu.memory_space<hbm>> -> memref<2x128xi32, #tpu.memory_space<hbm>>
          tpu.wait_dma2 semaphore(%run_scoped3A : memref<!tpu.dma_semaphore, #tpu.memory_space<semaphore_mem>>) src(%dma_wait3A_161 : memref<2x128xi32, #tpu.memory_space<hbm>>) dst(%arg14 : memref<2x128xi32, #tpu.memory_space<vmem>>)
          tpu.yield
        }) : () -> ()
        %dma_start3A = arith.constant 0 : i32
        %dma_start3A_133 = arith.constant 0 : i32
        %dma_start3A_134 = tpu.memref_slice %arg14[%dma_start3A, %dma_start3A_133] : memref<2x128xi32, #tpu.memory_space<vmem>> -> memref<1x128xi32, #tpu.memory_space<vmem>>
        %dma_start3A_135 = tpu.memref_squeeze %dma_start3A_134 : memref<1x128xi32, #tpu.memory_space<vmem>> -> memref<128xi32, #tpu.memory_space<vmem>>
        %dma_start3A_136 = arith.constant 0 : i32
        %dma_start3A_137 = arith.constant 0 : i32
        %dma_start3A_138 = tpu.memref_slice %arg2[%dma_start3A_136, %dma_start3A_137] : memref<50000x128xf32, #tpu.memory_space<hbm>> -> memref<50000x128xf32, #tpu.memory_space<hbm>>
        tpu.enqueue_indirect_dma source(%dma_start3A_138 : memref<50000x128xf32, #tpu.memory_space<hbm>>) target(%arg17 : memref<128x128xf32, #tpu.memory_space<vmem>>) offsets(%dma_start3A_135 : memref<128xi32, #tpu.memory_space<vmem>>) semaphore(%arg8 : memref<!tpu.dma_semaphore, #tpu.memory_space<semaphore_mem>>)
        %dma_start3A_139 = arith.constant 1 : i32
        %dma_start3A_140 = arith.constant 0 : i32
        %dma_start3A_141 = tpu.memref_slice %arg14[%dma_start3A_139, %dma_start3A_140] : memref<2x128xi32, #tpu.memory_space<vmem>> -> memref<1x128xi32, #tpu.memory_space<vmem>>
        %dma_start3A_142 = tpu.memref_squeeze %dma_start3A_141 : memref<1x128xi32, #tpu.memory_space<vmem>> -> memref<128xi32, #tpu.memory_space<vmem>>
        %dma_start3A_143 = arith.constant 0 : i32
        %dma_start3A_144 = arith.constant 0 : i32
        %dma_start3A_145 = tpu.memref_slice %arg3[%dma_start3A_143, %dma_start3A_144] : memref<50000x128xf32, #tpu.memory_space<hbm>> -> memref<50000x128xf32, #tpu.memory_space<hbm>>
        tpu.enqueue_indirect_dma source(%dma_start3A_145 : memref<50000x128xf32, #tpu.memory_space<hbm>>) target(%arg20 : memref<128x128xf32, #tpu.memory_space<vmem>>) offsets(%dma_start3A_142 : memref<128xi32, #tpu.memory_space<vmem>>) semaphore(%arg8 : memref<!tpu.dma_semaphore, #tpu.memory_space<semaphore_mem>>)
      } else {
      }
    }
    %scan3A_29 = arith.constant 17 : i32
    %add3A_30 = arith.constant 0 : i32
    %add3A_31 = arith.addi %mul3A_2, %add3A_30 : i32
    %lt3A_32 = arith.constant 1563 : i32
    %lt3A_33 = arith.cmpi slt, %add3A_31, %lt3A_32 : i32
    %convert_element_type3A_34 = arith.extui %lt3A_33 : i1 to i32
    %cond3A_35 = arith.constant 0 : i32
    %cond3A_36 = arith.cmpi ne, %convert_element_type3A_34, %cond3A_35 : i32
    scf.if %cond3A_36 {
      %dma_wait3A = arith.constant 0 : i32
      %dma_wait3A_51 = arith.constant 0 : i32
      %dma_wait3A_52 = tpu.memref_slice %arg2[%dma_wait3A, %dma_wait3A_51] : memref<50000x128xf32, #tpu.memory_space<hbm>> -> memref<128x128xf32, #tpu.memory_space<hbm>>
      %dma_wait3A_53 = arith.constant 0 : i32
      %dma_wait3A_54 = arith.constant 0 : i32
      %dma_wait3A_55 = tpu.memref_slice %arg2[%dma_wait3A_53, %dma_wait3A_54] : memref<50000x128xf32, #tpu.memory_space<hbm>> -> memref<128x128xf32, #tpu.memory_space<hbm>>
      tpu.wait_dma2 semaphore(%arg9 : memref<!tpu.dma_semaphore, #tpu.memory_space<semaphore_mem>>) src(%dma_wait3A_55 : memref<128x128xf32, #tpu.memory_space<hbm>>) dst(%arg15 : memref<128x128xf32, #tpu.memory_space<vmem>>)
    } else {
    }
    %add3A_37 = arith.constant 1 : i32
    %add3A_38 = arith.addi %mul3A_2, %add3A_37 : i32
    %lt3A_39 = arith.constant 1563 : i32
    %lt3A_40 = arith.cmpi slt, %add3A_38, %lt3A_39 : i32
    %convert_element_type3A_41 = arith.extui %lt3A_40 : i1 to i32
    %cond3A_42 = arith.constant 0 : i32
    %cond3A_43 = arith.cmpi ne, %convert_element_type3A_41, %cond3A_42 : i32
    scf.if %cond3A_43 {
      %dma_wait3A = arith.constant 0 : i32
      %dma_wait3A_51 = arith.constant 0 : i32
      %dma_wait3A_52 = tpu.memref_slice %arg2[%dma_wait3A, %dma_wait3A_51] : memref<50000x128xf32, #tpu.memory_space<hbm>> -> memref<128x128xf32, #tpu.memory_space<hbm>>
      %dma_wait3A_53 = arith.constant 0 : i32
      %dma_wait3A_54 = arith.constant 0 : i32
      %dma_wait3A_55 = tpu.memref_slice %arg2[%dma_wait3A_53, %dma_wait3A_54] : memref<50000x128xf32, #tpu.memory_space<hbm>> -> memref<128x128xf32, #tpu.memory_space<hbm>>
      tpu.wait_dma2 semaphore(%arg10 : memref<!tpu.dma_semaphore, #tpu.memory_space<semaphore_mem>>) src(%dma_wait3A_55 : memref<128x128xf32, #tpu.memory_space<hbm>>) dst(%arg16 : memref<128x128xf32, #tpu.memory_space<vmem>>)
    } else {
    }
    %add3A_44 = arith.constant 2 : i32
    %add3A_45 = arith.addi %mul3A_2, %add3A_44 : i32
    %lt3A_46 = arith.constant 1563 : i32
    %lt3A_47 = arith.cmpi slt, %add3A_45, %lt3A_46 : i32
    %convert_element_type3A_48 = arith.extui %lt3A_47 : i1 to i32
    %cond3A_49 = arith.constant 0 : i32
    %cond3A_50 = arith.cmpi ne, %convert_element_type3A_48, %cond3A_49 : i32
    scf.if %cond3A_50 {
      %dma_wait3A = arith.constant 0 : i32
      %dma_wait3A_51 = arith.constant 0 : i32
      %dma_wait3A_52 = tpu.memref_slice %arg2[%dma_wait3A, %dma_wait3A_51] : memref<50000x128xf32, #tpu.memory_space<hbm>> -> memref<128x128xf32, #tpu.memory_space<hbm>>
      %dma_wait3A_53 = arith.constant 0 : i32
      %dma_wait3A_54 = arith.constant 0 : i32
      %dma_wait3A_55 = tpu.memref_slice %arg2[%dma_wait3A_53, %dma_wait3A_54] : memref<50000x128xf32, #tpu.memory_space<hbm>> -> memref<128x128xf32, #tpu.memory_space<hbm>>
      tpu.wait_dma2 semaphore(%arg11 : memref<!tpu.dma_semaphore, #tpu.memory_space<semaphore_mem>>) src(%dma_wait3A_55 : memref<128x128xf32, #tpu.memory_space<hbm>>) dst(%arg17 : memref<128x128xf32, #tpu.memory_space<vmem>>)
    } else {
    }
    return
  }
}

#map = affine_map<(d0, d1) -> (0, 0)>
#map1 = affine_map<(d0, d1) -> (0, 0, 0)>
module attributes {stable_mosaic.version = 14 : i64} {
  func.func @gather_add_kernel(%arg0: i32, %arg1: i32, %arg2: memref<50000x128xf32, #tpu.memory_space<hbm>>, %arg3: memref<50000x128xf32, #tpu.memory_space<hbm>>, %arg4: memref<938x2x128xi32, #tpu.memory_space<hbm>>, %arg5: memref<120000x128xf32, #tpu.memory_space<hbm>>, %arg6: memref<!tpu.dma_semaphore, #tpu.memory_space<semaphore_mem>>, %arg7: memref<!tpu.dma_semaphore, #tpu.memory_space<semaphore_mem>>, %arg8: memref<!tpu.dma_semaphore, #tpu.memory_space<semaphore_mem>>, %arg9: memref<!tpu.dma_semaphore, #tpu.memory_space<semaphore_mem>>, %arg10: memref<!tpu.dma_semaphore, #tpu.memory_space<semaphore_mem>>, %arg11: memref<!tpu.dma_semaphore, #tpu.memory_space<semaphore_mem>>, %arg12: memref<2x128xi32, #tpu.memory_space<vmem>>, %arg13: memref<2x128xi32, #tpu.memory_space<vmem>>, %arg14: memref<2x128xi32, #tpu.memory_space<vmem>>, %arg15: memref<128x128xf32, #tpu.memory_space<vmem>>, %arg16: memref<128x128xf32, #tpu.memory_space<vmem>>, %arg17: memref<128x128xf32, #tpu.memory_space<vmem>>, %arg18: memref<128x128xf32, #tpu.memory_space<vmem>>, %arg19: memref<128x128xf32, #tpu.memory_space<vmem>>, %arg20: memref<128x128xf32, #tpu.memory_space<vmem>>) attributes {dimension_semantics = [#tpu.dimension_semantics<core_parallel>, #tpu.dimension_semantics<subcore_parallel>], iteration_bounds = array<i64: 2, 16>, scalar_prefetch = 0 : i64, scratch_operands = 15 : i64, tpu.core_type = #tpu.core_type<sc_vector_subcore>, window_params = [{transform_indices = #map}, {transform_indices = #map}, {transform_indices = #map1}, {transform_indices = #map}]} {
    %mul3A = arith.constant 2 : i32
    %mul3A_0 = arith.muli %arg1, %mul3A : i32
    %add3A = arith.addi %mul3A_0, %arg0 : i32
    %mul3A_1 = arith.constant 30 : i32
    %mul3A_2 = arith.muli %add3A, %mul3A_1 : i32
    %add3A_3 = arith.constant 0 : i32
    %add3A_4 = arith.addi %mul3A_2, %add3A_3 : i32
    %lt3A = arith.constant 938 : i32
    %lt3A_5 = arith.cmpi slt, %add3A_4, %lt3A : i32
    %and3A = arith.constant true
    %and3A_6 = arith.andi %lt3A_5, %and3A : i1
    %convert_element_type3A = arith.extui %and3A_6 : i1 to i32
    %cond3A = arith.constant 0 : i32
    %cond3A_7 = arith.cmpi ne, %convert_element_type3A, %cond3A : i32
    scf.if %cond3A_7 {
      "tpu.region"() ({
        %run_scoped3A = tpu.sem_alloc : memref<!tpu.dma_semaphore, #tpu.memory_space<semaphore_mem>>
        %dma_start3A_64 = arith.constant 0 : i32
        %dma_start3A_65 = arith.constant 0 : i32
        %dma_start3A_66 = tpu.memref_slice %arg4[%add3A_4, %dma_start3A_64, %dma_start3A_65] : memref<938x2x128xi32, #tpu.memory_space<hbm>> -> memref<1x2x128xi32, #tpu.memory_space<hbm>>
        %dma_start3A_67 = tpu.memref_squeeze %dma_start3A_66 : memref<1x2x128xi32, #tpu.memory_space<hbm>> -> memref<2x128xi32, #tpu.memory_space<hbm>>
        %dma_start3A_68 = arith.constant 0 : i32
        %dma_start3A_69 = arith.constant 0 : i32
        %dma_start3A_70 = tpu.memref_slice %arg4[%add3A_4, %dma_start3A_68, %dma_start3A_69] : memref<938x2x128xi32, #tpu.memory_space<hbm>> -> memref<1x2x128xi32, #tpu.memory_space<hbm>>
        %dma_start3A_71 = tpu.memref_squeeze %dma_start3A_70 : memref<1x2x128xi32, #tpu.memory_space<hbm>> -> memref<2x128xi32, #tpu.memory_space<hbm>>
        tpu.enqueue_dma source(%dma_start3A_71 : memref<2x128xi32, #tpu.memory_space<hbm>>) target(%arg12 : memref<2x128xi32, #tpu.memory_space<vmem>>) target_semaphore(%run_scoped3A : memref<!tpu.dma_semaphore, #tpu.memory_space<semaphore_mem>>)
        %dma_wait3A = arith.constant 0 : i32
        %dma_wait3A_72 = arith.constant 0 : i32
        %dma_wait3A_73 = tpu.memref_slice %arg4[%add3A_4, %dma_wait3A, %dma_wait3A_72] : memref<938x2x128xi32, #tpu.memory_space<hbm>> -> memref<1x2x128xi32, #tpu.memory_space<hbm>>
        %dma_wait3A_74 = tpu.memref_squeeze %dma_wait3A_73 : memref<1x2x128xi32, #tpu.memory_space<hbm>> -> memref<2x128xi32, #tpu.memory_space<hbm>>
        %dma_wait3A_75 = arith.constant 0 : i32
        %dma_wait3A_76 = arith.constant 0 : i32
        %dma_wait3A_77 = tpu.memref_slice %arg4[%add3A_4, %dma_wait3A_75, %dma_wait3A_76] : memref<938x2x128xi32, #tpu.memory_space<hbm>> -> memref<1x2x128xi32, #tpu.memory_space<hbm>>
        %dma_wait3A_78 = tpu.memref_squeeze %dma_wait3A_77 : memref<1x2x128xi32, #tpu.memory_space<hbm>> -> memref<2x128xi32, #tpu.memory_space<hbm>>
        tpu.wait_dma2 semaphore(%run_scoped3A : memref<!tpu.dma_semaphore, #tpu.memory_space<semaphore_mem>>) src(%dma_wait3A_78 : memref<2x128xi32, #tpu.memory_space<hbm>>) dst(%arg12 : memref<2x128xi32, #tpu.memory_space<vmem>>)
        tpu.yield
      }) : () -> ()
      %dma_start3A = arith.constant 0 : i32
      %dma_start3A_51 = arith.constant 0 : i32
      %dma_start3A_52 = tpu.memref_slice %arg12[%dma_start3A, %dma_start3A_51] : memref<2x128xi32, #tpu.memory_space<vmem>> -> memref<1x128xi32, #tpu.memory_space<vmem>>
      %dma_start3A_53 = tpu.memref_squeeze %dma_start3A_52 : memref<1x128xi32, #tpu.memory_space<vmem>> -> memref<128xi32, #tpu.memory_space<vmem>>
      %dma_start3A_54 = arith.constant 0 : i32
      %dma_start3A_55 = arith.constant 0 : i32
      %dma_start3A_56 = tpu.memref_slice %arg2[%dma_start3A_54, %dma_start3A_55] : memref<50000x128xf32, #tpu.memory_space<hbm>> -> memref<50000x128xf32, #tpu.memory_space<hbm>>
      tpu.enqueue_indirect_dma source(%dma_start3A_56 : memref<50000x128xf32, #tpu.memory_space<hbm>>) target(%arg15 : memref<128x128xf32, #tpu.memory_space<vmem>>) offsets(%dma_start3A_53 : memref<128xi32, #tpu.memory_space<vmem>>) semaphore(%arg6 : memref<!tpu.dma_semaphore, #tpu.memory_space<semaphore_mem>>)
      %dma_start3A_57 = arith.constant 1 : i32
      %dma_start3A_58 = arith.constant 0 : i32
      %dma_start3A_59 = tpu.memref_slice %arg12[%dma_start3A_57, %dma_start3A_58] : memref<2x128xi32, #tpu.memory_space<vmem>> -> memref<1x128xi32, #tpu.memory_space<vmem>>
      %dma_start3A_60 = tpu.memref_squeeze %dma_start3A_59 : memref<1x128xi32, #tpu.memory_space<vmem>> -> memref<128xi32, #tpu.memory_space<vmem>>
      %dma_start3A_61 = arith.constant 0 : i32
      %dma_start3A_62 = arith.constant 0 : i32
      %dma_start3A_63 = tpu.memref_slice %arg3[%dma_start3A_61, %dma_start3A_62] : memref<50000x128xf32, #tpu.memory_space<hbm>> -> memref<50000x128xf32, #tpu.memory_space<hbm>>
      tpu.enqueue_indirect_dma source(%dma_start3A_63 : memref<50000x128xf32, #tpu.memory_space<hbm>>) target(%arg18 : memref<128x128xf32, #tpu.memory_space<vmem>>) offsets(%dma_start3A_60 : memref<128xi32, #tpu.memory_space<vmem>>) semaphore(%arg6 : memref<!tpu.dma_semaphore, #tpu.memory_space<semaphore_mem>>)
    } else {
    }
    %add3A_8 = arith.constant 1 : i32
    %add3A_9 = arith.addi %mul3A_2, %add3A_8 : i32
    %lt3A_10 = arith.constant 938 : i32
    %lt3A_11 = arith.cmpi slt, %add3A_9, %lt3A_10 : i32
    %and3A_12 = arith.constant true
    %and3A_13 = arith.andi %lt3A_11, %and3A_12 : i1
    %convert_element_type3A_14 = arith.extui %and3A_13 : i1 to i32
    %cond3A_15 = arith.constant 0 : i32
    %cond3A_16 = arith.cmpi ne, %convert_element_type3A_14, %cond3A_15 : i32
    scf.if %cond3A_16 {
      "tpu.region"() ({
        %run_scoped3A = tpu.sem_alloc : memref<!tpu.dma_semaphore, #tpu.memory_space<semaphore_mem>>
        %dma_start3A_64 = arith.constant 0 : i32
        %dma_start3A_65 = arith.constant 0 : i32
        %dma_start3A_66 = tpu.memref_slice %arg4[%add3A_9, %dma_start3A_64, %dma_start3A_65] : memref<938x2x128xi32, #tpu.memory_space<hbm>> -> memref<1x2x128xi32, #tpu.memory_space<hbm>>
        %dma_start3A_67 = tpu.memref_squeeze %dma_start3A_66 : memref<1x2x128xi32, #tpu.memory_space<hbm>> -> memref<2x128xi32, #tpu.memory_space<hbm>>
        %dma_start3A_68 = arith.constant 0 : i32
        %dma_start3A_69 = arith.constant 0 : i32
        %dma_start3A_70 = tpu.memref_slice %arg4[%add3A_9, %dma_start3A_68, %dma_start3A_69] : memref<938x2x128xi32, #tpu.memory_space<hbm>> -> memref<1x2x128xi32, #tpu.memory_space<hbm>>
        %dma_start3A_71 = tpu.memref_squeeze %dma_start3A_70 : memref<1x2x128xi32, #tpu.memory_space<hbm>> -> memref<2x128xi32, #tpu.memory_space<hbm>>
        tpu.enqueue_dma source(%dma_start3A_71 : memref<2x128xi32, #tpu.memory_space<hbm>>) target(%arg13 : memref<2x128xi32, #tpu.memory_space<vmem>>) target_semaphore(%run_scoped3A : memref<!tpu.dma_semaphore, #tpu.memory_space<semaphore_mem>>)
        %dma_wait3A = arith.constant 0 : i32
        %dma_wait3A_72 = arith.constant 0 : i32
        %dma_wait3A_73 = tpu.memref_slice %arg4[%add3A_9, %dma_wait3A, %dma_wait3A_72] : memref<938x2x128xi32, #tpu.memory_space<hbm>> -> memref<1x2x128xi32, #tpu.memory_space<hbm>>
        %dma_wait3A_74 = tpu.memref_squeeze %dma_wait3A_73 : memref<1x2x128xi32, #tpu.memory_space<hbm>> -> memref<2x128xi32, #tpu.memory_space<hbm>>
        %dma_wait3A_75 = arith.constant 0 : i32
        %dma_wait3A_76 = arith.constant 0 : i32
        %dma_wait3A_77 = tpu.memref_slice %arg4[%add3A_9, %dma_wait3A_75, %dma_wait3A_76] : memref<938x2x128xi32, #tpu.memory_space<hbm>> -> memref<1x2x128xi32, #tpu.memory_space<hbm>>
        %dma_wait3A_78 = tpu.memref_squeeze %dma_wait3A_77 : memref<1x2x128xi32, #tpu.memory_space<hbm>> -> memref<2x128xi32, #tpu.memory_space<hbm>>
        tpu.wait_dma2 semaphore(%run_scoped3A : memref<!tpu.dma_semaphore, #tpu.memory_space<semaphore_mem>>) src(%dma_wait3A_78 : memref<2x128xi32, #tpu.memory_space<hbm>>) dst(%arg13 : memref<2x128xi32, #tpu.memory_space<vmem>>)
        tpu.yield
      }) : () -> ()
      %dma_start3A = arith.constant 0 : i32
      %dma_start3A_51 = arith.constant 0 : i32
      %dma_start3A_52 = tpu.memref_slice %arg13[%dma_start3A, %dma_start3A_51] : memref<2x128xi32, #tpu.memory_space<vmem>> -> memref<1x128xi32, #tpu.memory_space<vmem>>
      %dma_start3A_53 = tpu.memref_squeeze %dma_start3A_52 : memref<1x128xi32, #tpu.memory_space<vmem>> -> memref<128xi32, #tpu.memory_space<vmem>>
      %dma_start3A_54 = arith.constant 0 : i32
      %dma_start3A_55 = arith.constant 0 : i32
      %dma_start3A_56 = tpu.memref_slice %arg2[%dma_start3A_54, %dma_start3A_55] : memref<50000x128xf32, #tpu.memory_space<hbm>> -> memref<50000x128xf32, #tpu.memory_space<hbm>>
      tpu.enqueue_indirect_dma source(%dma_start3A_56 : memref<50000x128xf32, #tpu.memory_space<hbm>>) target(%arg16 : memref<128x128xf32, #tpu.memory_space<vmem>>) offsets(%dma_start3A_53 : memref<128xi32, #tpu.memory_space<vmem>>) semaphore(%arg7 : memref<!tpu.dma_semaphore, #tpu.memory_space<semaphore_mem>>)
      %dma_start3A_57 = arith.constant 1 : i32
      %dma_start3A_58 = arith.constant 0 : i32
      %dma_start3A_59 = tpu.memref_slice %arg13[%dma_start3A_57, %dma_start3A_58] : memref<2x128xi32, #tpu.memory_space<vmem>> -> memref<1x128xi32, #tpu.memory_space<vmem>>
      %dma_start3A_60 = tpu.memref_squeeze %dma_start3A_59 : memref<1x128xi32, #tpu.memory_space<vmem>> -> memref<128xi32, #tpu.memory_space<vmem>>
      %dma_start3A_61 = arith.constant 0 : i32
      %dma_start3A_62 = arith.constant 0 : i32
      %dma_start3A_63 = tpu.memref_slice %arg3[%dma_start3A_61, %dma_start3A_62] : memref<50000x128xf32, #tpu.memory_space<hbm>> -> memref<50000x128xf32, #tpu.memory_space<hbm>>
      tpu.enqueue_indirect_dma source(%dma_start3A_63 : memref<50000x128xf32, #tpu.memory_space<hbm>>) target(%arg19 : memref<128x128xf32, #tpu.memory_space<vmem>>) offsets(%dma_start3A_60 : memref<128xi32, #tpu.memory_space<vmem>>) semaphore(%arg7 : memref<!tpu.dma_semaphore, #tpu.memory_space<semaphore_mem>>)
    } else {
    }
    %add3A_17 = arith.constant 2 : i32
    %add3A_18 = arith.addi %mul3A_2, %add3A_17 : i32
    %lt3A_19 = arith.constant 938 : i32
    %lt3A_20 = arith.cmpi slt, %add3A_18, %lt3A_19 : i32
    %and3A_21 = arith.constant true
    %and3A_22 = arith.andi %lt3A_20, %and3A_21 : i1
    %convert_element_type3A_23 = arith.extui %and3A_22 : i1 to i32
    %cond3A_24 = arith.constant 0 : i32
    %cond3A_25 = arith.cmpi ne, %convert_element_type3A_23, %cond3A_24 : i32
    scf.if %cond3A_25 {
      "tpu.region"() ({
        %run_scoped3A = tpu.sem_alloc : memref<!tpu.dma_semaphore, #tpu.memory_space<semaphore_mem>>
        %dma_start3A_64 = arith.constant 0 : i32
        %dma_start3A_65 = arith.constant 0 : i32
        %dma_start3A_66 = tpu.memref_slice %arg4[%add3A_18, %dma_start3A_64, %dma_start3A_65] : memref<938x2x128xi32, #tpu.memory_space<hbm>> -> memref<1x2x128xi32, #tpu.memory_space<hbm>>
        %dma_start3A_67 = tpu.memref_squeeze %dma_start3A_66 : memref<1x2x128xi32, #tpu.memory_space<hbm>> -> memref<2x128xi32, #tpu.memory_space<hbm>>
        %dma_start3A_68 = arith.constant 0 : i32
        %dma_start3A_69 = arith.constant 0 : i32
        %dma_start3A_70 = tpu.memref_slice %arg4[%add3A_18, %dma_start3A_68, %dma_start3A_69] : memref<938x2x128xi32, #tpu.memory_space<hbm>> -> memref<1x2x128xi32, #tpu.memory_space<hbm>>
        %dma_start3A_71 = tpu.memref_squeeze %dma_start3A_70 : memref<1x2x128xi32, #tpu.memory_space<hbm>> -> memref<2x128xi32, #tpu.memory_space<hbm>>
        tpu.enqueue_dma source(%dma_start3A_71 : memref<2x128xi32, #tpu.memory_space<hbm>>) target(%arg14 : memref<2x128xi32, #tpu.memory_space<vmem>>) target_semaphore(%run_scoped3A : memref<!tpu.dma_semaphore, #tpu.memory_space<semaphore_mem>>)
        %dma_wait3A = arith.constant 0 : i32
        %dma_wait3A_72 = arith.constant 0 : i32
        %dma_wait3A_73 = tpu.memref_slice %arg4[%add3A_18, %dma_wait3A, %dma_wait3A_72] : memref<938x2x128xi32, #tpu.memory_space<hbm>> -> memref<1x2x128xi32, #tpu.memory_space<hbm>>
        %dma_wait3A_74 = tpu.memref_squeeze %dma_wait3A_73 : memref<1x2x128xi32, #tpu.memory_space<hbm>> -> memref<2x128xi32, #tpu.memory_space<hbm>>
        %dma_wait3A_75 = arith.constant 0 : i32
        %dma_wait3A_76 = arith.constant 0 : i32
        %dma_wait3A_77 = tpu.memref_slice %arg4[%add3A_18, %dma_wait3A_75, %dma_wait3A_76] : memref<938x2x128xi32, #tpu.memory_space<hbm>> -> memref<1x2x128xi32, #tpu.memory_space<hbm>>
        %dma_wait3A_78 = tpu.memref_squeeze %dma_wait3A_77 : memref<1x2x128xi32, #tpu.memory_space<hbm>> -> memref<2x128xi32, #tpu.memory_space<hbm>>
        tpu.wait_dma2 semaphore(%run_scoped3A : memref<!tpu.dma_semaphore, #tpu.memory_space<semaphore_mem>>) src(%dma_wait3A_78 : memref<2x128xi32, #tpu.memory_space<hbm>>) dst(%arg14 : memref<2x128xi32, #tpu.memory_space<vmem>>)
        tpu.yield
      }) : () -> ()
      %dma_start3A = arith.constant 0 : i32
      %dma_start3A_51 = arith.constant 0 : i32
      %dma_start3A_52 = tpu.memref_slice %arg14[%dma_start3A, %dma_start3A_51] : memref<2x128xi32, #tpu.memory_space<vmem>> -> memref<1x128xi32, #tpu.memory_space<vmem>>
      %dma_start3A_53 = tpu.memref_squeeze %dma_start3A_52 : memref<1x128xi32, #tpu.memory_space<vmem>> -> memref<128xi32, #tpu.memory_space<vmem>>
      %dma_start3A_54 = arith.constant 0 : i32
      %dma_start3A_55 = arith.constant 0 : i32
      %dma_start3A_56 = tpu.memref_slice %arg2[%dma_start3A_54, %dma_start3A_55] : memref<50000x128xf32, #tpu.memory_space<hbm>> -> memref<50000x128xf32, #tpu.memory_space<hbm>>
      tpu.enqueue_indirect_dma source(%dma_start3A_56 : memref<50000x128xf32, #tpu.memory_space<hbm>>) target(%arg17 : memref<128x128xf32, #tpu.memory_space<vmem>>) offsets(%dma_start3A_53 : memref<128xi32, #tpu.memory_space<vmem>>) semaphore(%arg8 : memref<!tpu.dma_semaphore, #tpu.memory_space<semaphore_mem>>)
      %dma_start3A_57 = arith.constant 1 : i32
      %dma_start3A_58 = arith.constant 0 : i32
      %dma_start3A_59 = tpu.memref_slice %arg14[%dma_start3A_57, %dma_start3A_58] : memref<2x128xi32, #tpu.memory_space<vmem>> -> memref<1x128xi32, #tpu.memory_space<vmem>>
      %dma_start3A_60 = tpu.memref_squeeze %dma_start3A_59 : memref<1x128xi32, #tpu.memory_space<vmem>> -> memref<128xi32, #tpu.memory_space<vmem>>
      %dma_start3A_61 = arith.constant 0 : i32
      %dma_start3A_62 = arith.constant 0 : i32
      %dma_start3A_63 = tpu.memref_slice %arg3[%dma_start3A_61, %dma_start3A_62] : memref<50000x128xf32, #tpu.memory_space<hbm>> -> memref<50000x128xf32, #tpu.memory_space<hbm>>
      tpu.enqueue_indirect_dma source(%dma_start3A_63 : memref<50000x128xf32, #tpu.memory_space<hbm>>) target(%arg20 : memref<128x128xf32, #tpu.memory_space<vmem>>) offsets(%dma_start3A_60 : memref<128xi32, #tpu.memory_space<vmem>>) semaphore(%arg8 : memref<!tpu.dma_semaphore, #tpu.memory_space<semaphore_mem>>)
    } else {
    }
    %scan3A = arith.constant 0 : i32
    %scan3A_26 = arith.constant 10 : i32
    %scan3A_27 = arith.addi %scan3A, %scan3A_26 : i32
    %scan3A_28 = arith.constant 1 : i32
    scf.for %scan3A_51 = %scan3A to %scan3A_27 step %scan3A_28  : i32 {
      %mul3A_52 = arith.constant 1 : i32
      %mul3A_53 = arith.muli %scan3A_51, %mul3A_52 : i32
      %add3A_54 = arith.constant 0 : i32
      %add3A_55 = arith.addi %add3A_54, %mul3A_53 : i32
      %mul3A_56 = arith.constant 3 : i32
      %mul3A_57 = arith.muli %add3A_55, %mul3A_56 : i32
      %add3A_58 = arith.constant 0 : i32
      %add3A_59 = arith.addi %mul3A_57, %add3A_58 : i32
      %add3A_60 = arith.addi %mul3A_2, %add3A_59 : i32
      %lt3A_61 = arith.constant 938 : i32
      %lt3A_62 = arith.cmpi slt, %add3A_60, %lt3A_61 : i32
      %lt3A_63 = arith.constant 30 : i32
      %lt3A_64 = arith.cmpi slt, %add3A_59, %lt3A_63 : i32
      %and3A_65 = arith.andi %lt3A_62, %lt3A_64 : i1
      %convert_element_type3A_66 = arith.extui %and3A_65 : i1 to i32
      %cond3A_67 = arith.constant 0 : i32
      %cond3A_68 = arith.cmpi ne, %convert_element_type3A_66, %cond3A_67 : i32
      scf.if %cond3A_68 {
        %dma_wait3A = arith.constant 0 : i32
        %dma_wait3A_128 = arith.constant 0 : i32
        %dma_wait3A_129 = tpu.memref_slice %arg2[%dma_wait3A, %dma_wait3A_128] : memref<50000x128xf32, #tpu.memory_space<hbm>> -> memref<128x128xf32, #tpu.memory_space<hbm>>
        %dma_wait3A_130 = arith.constant 0 : i32
        %dma_wait3A_131 = arith.constant 0 : i32
        %dma_wait3A_132 = tpu.memref_slice %arg2[%dma_wait3A_130, %dma_wait3A_131] : memref<50000x128xf32, #tpu.memory_space<hbm>> -> memref<128x128xf32, #tpu.memory_space<hbm>>
        tpu.wait_dma2 semaphore(%arg6 : memref<!tpu.dma_semaphore, #tpu.memory_space<semaphore_mem>>) src(%dma_wait3A_132 : memref<128x128xf32, #tpu.memory_space<hbm>>) dst(%arg15 : memref<128x128xf32, #tpu.memory_space<vmem>>)
        %dma_wait3A_133 = arith.constant 0 : i32
        %dma_wait3A_134 = arith.constant 0 : i32
        %dma_wait3A_135 = tpu.memref_slice %arg2[%dma_wait3A_133, %dma_wait3A_134] : memref<50000x128xf32, #tpu.memory_space<hbm>> -> memref<128x128xf32, #tpu.memory_space<hbm>>
        %dma_wait3A_136 = arith.constant 0 : i32
        %dma_wait3A_137 = arith.constant 0 : i32
        %dma_wait3A_138 = tpu.memref_slice %arg2[%dma_wait3A_136, %dma_wait3A_137] : memref<50000x128xf32, #tpu.memory_space<hbm>> -> memref<128x128xf32, #tpu.memory_space<hbm>>
        tpu.wait_dma2 semaphore(%arg6 : memref<!tpu.dma_semaphore, #tpu.memory_space<semaphore_mem>>) src(%dma_wait3A_138 : memref<128x128xf32, #tpu.memory_space<hbm>>) dst(%arg18 : memref<128x128xf32, #tpu.memory_space<vmem>>)
        %scan3A_139 = arith.constant 0 : i32
        %scan3A_140 = arith.constant 128 : i32
        %scan3A_141 = arith.addi %scan3A_139, %scan3A_140 : i32
        %scan3A_142 = arith.constant 1 : i32
        scf.for %scan3A_150 = %scan3A_139 to %scan3A_141 step %scan3A_142  : i32 {
          %mul3A_151 = arith.constant 1 : i32
          %mul3A_152 = arith.muli %scan3A_150, %mul3A_151 : i32
          %add3A_153 = arith.constant 0 : i32
          %add3A_154 = arith.addi %add3A_153, %mul3A_152 : i32
          %get3A = arith.index_cast %add3A_154 : i32 to index
          %get3A_155 = arith.constant 0 : index
          %get3A_156 = tpu.vector_load %arg15[%get3A, %get3A_155] {strides = array<i32>} : memref<128x128xf32, #tpu.memory_space<vmem>>, vector<1x16xf32>,
          %get3A_157 = vector.shape_cast %get3A_156 : vector<1x16xf32> to vector<1x16xf32>
          %get3A_158 = arith.index_cast %add3A_154 : i32 to index
          %get3A_159 = arith.constant 0 : index
          %get3A_160 = tpu.vector_load %arg18[%get3A_158, %get3A_159] {strides = array<i32>} : memref<128x128xf32, #tpu.memory_space<vmem>>, vector<1x16xf32>,
          %get3A_161 = vector.shape_cast %get3A_160 : vector<1x16xf32> to vector<1x16xf32>
          %add3A_162 = arith.addf %get3A_157, %get3A_161 : vector<1x16xf32>
          %swap3A = arith.index_cast %add3A_154 : i32 to index
          %swap3A_163 = arith.constant 0 : index
          %swap3A_164 = tpu.vector_load %arg15[%swap3A, %swap3A_163] {strides = array<i32>} : memref<128x128xf32, #tpu.memory_space<vmem>>, vector<1x16xf32>,
          %swap3A_165 = vector.shape_cast %swap3A_164 : vector<1x16xf32> to vector<1x16xf32>
          %swap3A_166 = vector.shape_cast %add3A_162 : vector<1x16xf32> to vector<1x16xf32>
          tpu.vector_store %arg15[%swap3A, %swap3A_163], %swap3A_166 {strides = array<i32>} : memref<128x128xf32, #tpu.memory_space<vmem>>, vector<1x16xf32>,
          %get3A_167 = arith.index_cast %add3A_154 : i32 to index
          %get3A_168 = arith.constant 16 : index
          %get3A_169 = tpu.vector_load %arg15[%get3A_167, %get3A_168] {strides = array<i32>} : memref<128x128xf32, #tpu.memory_space<vmem>>, vector<1x16xf32>,
          %get3A_170 = vector.shape_cast %get3A_169 : vector<1x16xf32> to vector<1x16xf32>
          %get3A_171 = arith.index_cast %add3A_154 : i32 to index
          %get3A_172 = arith.constant 16 : index
          %get3A_173 = tpu.vector_load %arg18[%get3A_171, %get3A_172] {strides = array<i32>} : memref<128x128xf32, #tpu.memory_space<vmem>>, vector<1x16xf32>,
          %get3A_174 = vector.shape_cast %get3A_173 : vector<1x16xf32> to vector<1x16xf32>
          %add3A_175 = arith.addf %get3A_170, %get3A_174 : vector<1x16xf32>
          %swap3A_176 = arith.index_cast %add3A_154 : i32 to index
          %swap3A_177 = arith.constant 16 : index
          %swap3A_178 = tpu.vector_load %arg15[%swap3A_176, %swap3A_177] {strides = array<i32>} : memref<128x128xf32, #tpu.memory_space<vmem>>, vector<1x16xf32>,
          %swap3A_179 = vector.shape_cast %swap3A_178 : vector<1x16xf32> to vector<1x16xf32>
          %swap3A_180 = vector.shape_cast %add3A_175 : vector<1x16xf32> to vector<1x16xf32>
          tpu.vector_store %arg15[%swap3A_176, %swap3A_177], %swap3A_180 {strides = array<i32>} : memref<128x128xf32, #tpu.memory_space<vmem>>, vector<1x16xf32>,
          %get3A_181 = arith.index_cast %add3A_154 : i32 to index
          %get3A_182 = arith.constant 32 : index
          %get3A_183 = tpu.vector_load %arg15[%get3A_181, %get3A_182] {strides = array<i32>} : memref<128x128xf32, #tpu.memory_space<vmem>>, vector<1x16xf32>,
          %get3A_184 = vector.shape_cast %get3A_183 : vector<1x16xf32> to vector<1x16xf32>
          %get3A_185 = arith.index_cast %add3A_154 : i32 to index
          %get3A_186 = arith.constant 32 : index
          %get3A_187 = tpu.vector_load %arg18[%get3A_185, %get3A_186] {strides = array<i32>} : memref<128x128xf32, #tpu.memory_space<vmem>>, vector<1x16xf32>,
          %get3A_188 = vector.shape_cast %get3A_187 : vector<1x16xf32> to vector<1x16xf32>
          %add3A_189 = arith.addf %get3A_184, %get3A_188 : vector<1x16xf32>
          %swap3A_190 = arith.index_cast %add3A_154 : i32 to index
          %swap3A_191 = arith.constant 32 : index
          %swap3A_192 = tpu.vector_load %arg15[%swap3A_190, %swap3A_191] {strides = array<i32>} : memref<128x128xf32, #tpu.memory_space<vmem>>, vector<1x16xf32>,
          %swap3A_193 = vector.shape_cast %swap3A_192 : vector<1x16xf32> to vector<1x16xf32>
          %swap3A_194 = vector.shape_cast %add3A_189 : vector<1x16xf32> to vector<1x16xf32>
          tpu.vector_store %arg15[%swap3A_190, %swap3A_191], %swap3A_194 {strides = array<i32>} : memref<128x128xf32, #tpu.memory_space<vmem>>, vector<1x16xf32>,
          %get3A_195 = arith.index_cast %add3A_154 : i32 to index
          %get3A_196 = arith.constant 48 : index
          %get3A_197 = tpu.vector_load %arg15[%get3A_195, %get3A_196] {strides = array<i32>} : memref<128x128xf32, #tpu.memory_space<vmem>>, vector<1x16xf32>,
          %get3A_198 = vector.shape_cast %get3A_197 : vector<1x16xf32> to vector<1x16xf32>
          %get3A_199 = arith.index_cast %add3A_154 : i32 to index
          %get3A_200 = arith.constant 48 : index
          %get3A_201 = tpu.vector_load %arg18[%get3A_199, %get3A_200] {strides = array<i32>} : memref<128x128xf32, #tpu.memory_space<vmem>>, vector<1x16xf32>,
          %get3A_202 = vector.shape_cast %get3A_201 : vector<1x16xf32> to vector<1x16xf32>
          %add3A_203 = arith.addf %get3A_198, %get3A_202 : vector<1x16xf32>
          %swap3A_204 = arith.index_cast %add3A_154 : i32 to index
          %swap3A_205 = arith.constant 48 : index
          %swap3A_206 = tpu.vector_load %arg15[%swap3A_204, %swap3A_205] {strides = array<i32>} : memref<128x128xf32, #tpu.memory_space<vmem>>, vector<1x16xf32>,
          %swap3A_207 = vector.shape_cast %swap3A_206 : vector<1x16xf32> to vector<1x16xf32>
          %swap3A_208 = vector.shape_cast %add3A_203 : vector<1x16xf32> to vector<1x16xf32>
          tpu.vector_store %arg15[%swap3A_204, %swap3A_205], %swap3A_208 {strides = array<i32>} : memref<128x128xf32, #tpu.memory_space<vmem>>, vector<1x16xf32>,
          %get3A_209 = arith.index_cast %add3A_154 : i32 to index
          %get3A_210 = arith.constant 64 : index
          %get3A_211 = tpu.vector_load %arg15[%get3A_209, %get3A_210] {strides = array<i32>} : memref<128x128xf32, #tpu.memory_space<vmem>>, vector<1x16xf32>,
          %get3A_212 = vector.shape_cast %get3A_211 : vector<1x16xf32> to vector<1x16xf32>
          %get3A_213 = arith.index_cast %add3A_154 : i32 to index
          %get3A_214 = arith.constant 64 : index
          %get3A_215 = tpu.vector_load %arg18[%get3A_213, %get3A_214] {strides = array<i32>} : memref<128x128xf32, #tpu.memory_space<vmem>>, vector<1x16xf32>,
          %get3A_216 = vector.shape_cast %get3A_215 : vector<1x16xf32> to vector<1x16xf32>
          %add3A_217 = arith.addf %get3A_212, %get3A_216 : vector<1x16xf32>
          %swap3A_218 = arith.index_cast %add3A_154 : i32 to index
          %swap3A_219 = arith.constant 64 : index
          %swap3A_220 = tpu.vector_load %arg15[%swap3A_218, %swap3A_219] {strides = array<i32>} : memref<128x128xf32, #tpu.memory_space<vmem>>, vector<1x16xf32>,
          %swap3A_221 = vector.shape_cast %swap3A_220 : vector<1x16xf32> to vector<1x16xf32>
          %swap3A_222 = vector.shape_cast %add3A_217 : vector<1x16xf32> to vector<1x16xf32>
          tpu.vector_store %arg15[%swap3A_218, %swap3A_219], %swap3A_222 {strides = array<i32>} : memref<128x128xf32, #tpu.memory_space<vmem>>, vector<1x16xf32>,
          %get3A_223 = arith.index_cast %add3A_154 : i32 to index
          %get3A_224 = arith.constant 80 : index
          %get3A_225 = tpu.vector_load %arg15[%get3A_223, %get3A_224] {strides = array<i32>} : memref<128x128xf32, #tpu.memory_space<vmem>>, vector<1x16xf32>,
          %get3A_226 = vector.shape_cast %get3A_225 : vector<1x16xf32> to vector<1x16xf32>
          %get3A_227 = arith.index_cast %add3A_154 : i32 to index
          %get3A_228 = arith.constant 80 : index
          %get3A_229 = tpu.vector_load %arg18[%get3A_227, %get3A_228] {strides = array<i32>} : memref<128x128xf32, #tpu.memory_space<vmem>>, vector<1x16xf32>,
          %get3A_230 = vector.shape_cast %get3A_229 : vector<1x16xf32> to vector<1x16xf32>
          %add3A_231 = arith.addf %get3A_226, %get3A_230 : vector<1x16xf32>
          %swap3A_232 = arith.index_cast %add3A_154 : i32 to index
          %swap3A_233 = arith.constant 80 : index
          %swap3A_234 = tpu.vector_load %arg15[%swap3A_232, %swap3A_233] {strides = array<i32>} : memref<128x128xf32, #tpu.memory_space<vmem>>, vector<1x16xf32>,
          %swap3A_235 = vector.shape_cast %swap3A_234 : vector<1x16xf32> to vector<1x16xf32>
          %swap3A_236 = vector.shape_cast %add3A_231 : vector<1x16xf32> to vector<1x16xf32>
          tpu.vector_store %arg15[%swap3A_232, %swap3A_233], %swap3A_236 {strides = array<i32>} : memref<128x128xf32, #tpu.memory_space<vmem>>, vector<1x16xf32>,
          %get3A_237 = arith.index_cast %add3A_154 : i32 to index
          %get3A_238 = arith.constant 96 : index
          %get3A_239 = tpu.vector_load %arg15[%get3A_237, %get3A_238] {strides = array<i32>} : memref<128x128xf32, #tpu.memory_space<vmem>>, vector<1x16xf32>,
          %get3A_240 = vector.shape_cast %get3A_239 : vector<1x16xf32> to vector<1x16xf32>
          %get3A_241 = arith.index_cast %add3A_154 : i32 to index
          %get3A_242 = arith.constant 96 : index
          %get3A_243 = tpu.vector_load %arg18[%get3A_241, %get3A_242] {strides = array<i32>} : memref<128x128xf32, #tpu.memory_space<vmem>>, vector<1x16xf32>,
          %get3A_244 = vector.shape_cast %get3A_243 : vector<1x16xf32> to vector<1x16xf32>
          %add3A_245 = arith.addf %get3A_240, %get3A_244 : vector<1x16xf32>
          %swap3A_246 = arith.index_cast %add3A_154 : i32 to index
          %swap3A_247 = arith.constant 96 : index
          %swap3A_248 = tpu.vector_load %arg15[%swap3A_246, %swap3A_247] {strides = array<i32>} : memref<128x128xf32, #tpu.memory_space<vmem>>, vector<1x16xf32>,
          %swap3A_249 = vector.shape_cast %swap3A_248 : vector<1x16xf32> to vector<1x16xf32>
          %swap3A_250 = vector.shape_cast %add3A_245 : vector<1x16xf32> to vector<1x16xf32>
          tpu.vector_store %arg15[%swap3A_246, %swap3A_247], %swap3A_250 {strides = array<i32>} : memref<128x128xf32, #tpu.memory_space<vmem>>, vector<1x16xf32>,
          %get3A_251 = arith.index_cast %add3A_154 : i32 to index
          %get3A_252 = arith.constant 112 : index
          %get3A_253 = tpu.vector_load %arg15[%get3A_251, %get3A_252] {strides = array<i32>} : memref<128x128xf32, #tpu.memory_space<vmem>>, vector<1x16xf32>,
          %get3A_254 = vector.shape_cast %get3A_253 : vector<1x16xf32> to vector<1x16xf32>
          %get3A_255 = arith.index_cast %add3A_154 : i32 to index
          %get3A_256 = arith.constant 112 : index
          %get3A_257 = tpu.vector_load %arg18[%get3A_255, %get3A_256] {strides = array<i32>} : memref<128x128xf32, #tpu.memory_space<vmem>>, vector<1x16xf32>,
          %get3A_258 = vector.shape_cast %get3A_257 : vector<1x16xf32> to vector<1x16xf32>
          %add3A_259 = arith.addf %get3A_254, %get3A_258 : vector<1x16xf32>
          %swap3A_260 = arith.index_cast %add3A_154 : i32 to index
          %swap3A_261 = arith.constant 112 : index
          %swap3A_262 = tpu.vector_load %arg15[%swap3A_260, %swap3A_261] {strides = array<i32>} : memref<128x128xf32, #tpu.memory_space<vmem>>, vector<1x16xf32>,
          %swap3A_263 = vector.shape_cast %swap3A_262 : vector<1x16xf32> to vector<1x16xf32>
          %swap3A_264 = vector.shape_cast %add3A_259 : vector<1x16xf32> to vector<1x16xf32>
          tpu.vector_store %arg15[%swap3A_260, %swap3A_261], %swap3A_264 {strides = array<i32>} : memref<128x128xf32, #tpu.memory_space<vmem>>, vector<1x16xf32>,
        }
        %scan3A_143 = arith.constant 128 : i32
        %mul3A_144 = arith.constant 128 : i32
        %mul3A_145 = arith.muli %add3A_60, %mul3A_144 : i32
        %min3A = arith.constant 119872 : i32
        %min3A_146 = arith.minsi %mul3A_145, %min3A : i32
        %dma_start3A = arith.constant 0 : i32
        %dma_start3A_147 = tpu.memref_slice %arg5[%min3A_146, %dma_start3A] : memref<120000x128xf32, #tpu.memory_space<hbm>> -> memref<128x128xf32, #tpu.memory_space<hbm>>
        %dma_start3A_148 = arith.constant 0 : i32
        %dma_start3A_149 = tpu.memref_slice %arg5[%min3A_146, %dma_start3A_148] : memref<120000x128xf32, #tpu.memory_space<hbm>> -> memref<128x128xf32, #tpu.memory_space<hbm>>
        tpu.enqueue_dma source(%arg15 : memref<128x128xf32, #tpu.memory_space<vmem>>) target(%dma_start3A_149 : memref<128x128xf32, #tpu.memory_space<hbm>>) target_semaphore(%arg9 : memref<!tpu.dma_semaphore, #tpu.memory_space<semaphore_mem>>)
      } else {
      }
      %add3A_69 = arith.constant 3 : i32
      %add3A_70 = arith.addi %add3A_59, %add3A_69 : i32
      %add3A_71 = arith.addi %mul3A_2, %add3A_70 : i32
      %lt3A_72 = arith.constant 938 : i32
      %lt3A_73 = arith.cmpi slt, %add3A_71, %lt3A_72 : i32
      %lt3A_74 = arith.constant 30 : i32
      %lt3A_75 = arith.cmpi slt, %add3A_70, %lt3A_74 : i32
      %and3A_76 = arith.andi %lt3A_73, %lt3A_75 : i1
      %convert_element_type3A_77 = arith.extui %and3A_76 : i1 to i32
      %cond3A_78 = arith.constant 0 : i32
      %cond3A_79 = arith.cmpi ne, %convert_element_type3A_77, %cond3A_78 : i32
      scf.if %cond3A_79 {
        %dma_wait3A = arith.constant 0 : i32
        %dma_wait3A_128 = arith.constant 0 : i32
        %dma_wait3A_129 = tpu.memref_slice %arg2[%dma_wait3A, %dma_wait3A_128] : memref<50000x128xf32, #tpu.memory_space<hbm>> -> memref<128x128xf32, #tpu.memory_space<hbm>>
        %dma_wait3A_130 = arith.constant 0 : i32
        %dma_wait3A_131 = arith.constant 0 : i32
        %dma_wait3A_132 = tpu.memref_slice %arg2[%dma_wait3A_130, %dma_wait3A_131] : memref<50000x128xf32, #tpu.memory_space<hbm>> -> memref<128x128xf32, #tpu.memory_space<hbm>>
        tpu.wait_dma2 semaphore(%arg9 : memref<!tpu.dma_semaphore, #tpu.memory_space<semaphore_mem>>) src(%dma_wait3A_132 : memref<128x128xf32, #tpu.memory_space<hbm>>) dst(%arg15 : memref<128x128xf32, #tpu.memory_space<vmem>>)
        "tpu.region"() ({
          %run_scoped3A = tpu.sem_alloc : memref<!tpu.dma_semaphore, #tpu.memory_space<semaphore_mem>>
          %dma_start3A_146 = arith.constant 0 : i32
          %dma_start3A_147 = arith.constant 0 : i32
          %dma_start3A_148 = tpu.memref_slice %arg4[%add3A_71, %dma_start3A_146, %dma_start3A_147] : memref<938x2x128xi32, #tpu.memory_space<hbm>> -> memref<1x2x128xi32, #tpu.memory_space<hbm>>
          %dma_start3A_149 = tpu.memref_squeeze %dma_start3A_148 : memref<1x2x128xi32, #tpu.memory_space<hbm>> -> memref<2x128xi32, #tpu.memory_space<hbm>>
          %dma_start3A_150 = arith.constant 0 : i32
          %dma_start3A_151 = arith.constant 0 : i32
          %dma_start3A_152 = tpu.memref_slice %arg4[%add3A_71, %dma_start3A_150, %dma_start3A_151] : memref<938x2x128xi32, #tpu.memory_space<hbm>> -> memref<1x2x128xi32, #tpu.memory_space<hbm>>
          %dma_start3A_153 = tpu.memref_squeeze %dma_start3A_152 : memref<1x2x128xi32, #tpu.memory_space<hbm>> -> memref<2x128xi32, #tpu.memory_space<hbm>>
          tpu.enqueue_dma source(%dma_start3A_153 : memref<2x128xi32, #tpu.memory_space<hbm>>) target(%arg12 : memref<2x128xi32, #tpu.memory_space<vmem>>) target_semaphore(%run_scoped3A : memref<!tpu.dma_semaphore, #tpu.memory_space<semaphore_mem>>)
          %dma_wait3A_154 = arith.constant 0 : i32
          %dma_wait3A_155 = arith.constant 0 : i32
          %dma_wait3A_156 = tpu.memref_slice %arg4[%add3A_71, %dma_wait3A_154, %dma_wait3A_155] : memref<938x2x128xi32, #tpu.memory_space<hbm>> -> memref<1x2x128xi32, #tpu.memory_space<hbm>>
          %dma_wait3A_157 = tpu.memref_squeeze %dma_wait3A_156 : memref<1x2x128xi32, #tpu.memory_space<hbm>> -> memref<2x128xi32, #tpu.memory_space<hbm>>
          %dma_wait3A_158 = arith.constant 0 : i32
          %dma_wait3A_159 = arith.constant 0 : i32
          %dma_wait3A_160 = tpu.memref_slice %arg4[%add3A_71, %dma_wait3A_158, %dma_wait3A_159] : memref<938x2x128xi32, #tpu.memory_space<hbm>> -> memref<1x2x128xi32, #tpu.memory_space<hbm>>
          %dma_wait3A_161 = tpu.memref_squeeze %dma_wait3A_160 : memref<1x2x128xi32, #tpu.memory_space<hbm>> -> memref<2x128xi32, #tpu.memory_space<hbm>>
          tpu.wait_dma2 semaphore(%run_scoped3A : memref<!tpu.dma_semaphore, #tpu.memory_space<semaphore_mem>>) src(%dma_wait3A_161 : memref<2x128xi32, #tpu.memory_space<hbm>>) dst(%arg12 : memref<2x128xi32, #tpu.memory_space<vmem>>)
          tpu.yield
        }) : () -> ()
        %dma_start3A = arith.constant 0 : i32
        %dma_start3A_133 = arith.constant 0 : i32
        %dma_start3A_134 = tpu.memref_slice %arg12[%dma_start3A, %dma_start3A_133] : memref<2x128xi32, #tpu.memory_space<vmem>> -> memref<1x128xi32, #tpu.memory_space<vmem>>
        %dma_start3A_135 = tpu.memref_squeeze %dma_start3A_134 : memref<1x128xi32, #tpu.memory_space<vmem>> -> memref<128xi32, #tpu.memory_space<vmem>>
        %dma_start3A_136 = arith.constant 0 : i32
        %dma_start3A_137 = arith.constant 0 : i32
        %dma_start3A_138 = tpu.memref_slice %arg2[%dma_start3A_136, %dma_start3A_137] : memref<50000x128xf32, #tpu.memory_space<hbm>> -> memref<50000x128xf32, #tpu.memory_space<hbm>>
        tpu.enqueue_indirect_dma source(%dma_start3A_138 : memref<50000x128xf32, #tpu.memory_space<hbm>>) target(%arg15 : memref<128x128xf32, #tpu.memory_space<vmem>>) offsets(%dma_start3A_135 : memref<128xi32, #tpu.memory_space<vmem>>) semaphore(%arg6 : memref<!tpu.dma_semaphore, #tpu.memory_space<semaphore_mem>>)
        %dma_start3A_139 = arith.constant 1 : i32
        %dma_start3A_140 = arith.constant 0 : i32
        %dma_start3A_141 = tpu.memref_slice %arg12[%dma_start3A_139, %dma_start3A_140] : memref<2x128xi32, #tpu.memory_space<vmem>> -> memref<1x128xi32, #tpu.memory_space<vmem>>
        %dma_start3A_142 = tpu.memref_squeeze %dma_start3A_141 : memref<1x128xi32, #tpu.memory_space<vmem>> -> memref<128xi32, #tpu.memory_space<vmem>>
        %dma_start3A_143 = arith.constant 0 : i32
        %dma_start3A_144 = arith.constant 0 : i32
        %dma_start3A_145 = tpu.memref_slice %arg3[%dma_start3A_143, %dma_start3A_144] : memref<50000x128xf32, #tpu.memory_space<hbm>> -> memref<50000x128xf32, #tpu.memory_space<hbm>>
        tpu.enqueue_indirect_dma source(%dma_start3A_145 : memref<50000x128xf32, #tpu.memory_space<hbm>>) target(%arg18 : memref<128x128xf32, #tpu.memory_space<vmem>>) offsets(%dma_start3A_142 : memref<128xi32, #tpu.memory_space<vmem>>) semaphore(%arg6 : memref<!tpu.dma_semaphore, #tpu.memory_space<semaphore_mem>>)
      } else {
      }
      %mul3A_80 = arith.constant 3 : i32
      %mul3A_81 = arith.muli %add3A_55, %mul3A_80 : i32
      %add3A_82 = arith.constant 1 : i32
      %add3A_83 = arith.addi %mul3A_81, %add3A_82 : i32
      %add3A_84 = arith.addi %mul3A_2, %add3A_83 : i32
      %lt3A_85 = arith.constant 938 : i32
      %lt3A_86 = arith.cmpi slt, %add3A_84, %lt3A_85 : i32
      %lt3A_87 = arith.constant 30 : i32
      %lt3A_88 = arith.cmpi slt, %add3A_83, %lt3A_87 : i32
      %and3A_89 = arith.andi %lt3A_86, %lt3A_88 : i1
      %convert_element_type3A_90 = arith.extui %and3A_89 : i1 to i32
      %cond3A_91 = arith.constant 0 : i32
      %cond3A_92 = arith.cmpi ne, %convert_element_type3A_90, %cond3A_91 : i32
      scf.if %cond3A_92 {
        %dma_wait3A = arith.constant 0 : i32
        %dma_wait3A_128 = arith.constant 0 : i32
        %dma_wait3A_129 = tpu.memref_slice %arg2[%dma_wait3A, %dma_wait3A_128] : memref<50000x128xf32, #tpu.memory_space<hbm>> -> memref<128x128xf32, #tpu.memory_space<hbm>>
        %dma_wait3A_130 = arith.constant 0 : i32
        %dma_wait3A_131 = arith.constant 0 : i32
        %dma_wait3A_132 = tpu.memref_slice %arg2[%dma_wait3A_130, %dma_wait3A_131] : memref<50000x128xf32, #tpu.memory_space<hbm>> -> memref<128x128xf32, #tpu.memory_space<hbm>>
        tpu.wait_dma2 semaphore(%arg7 : memref<!tpu.dma_semaphore, #tpu.memory_space<semaphore_mem>>) src(%dma_wait3A_132 : memref<128x128xf32, #tpu.memory_space<hbm>>) dst(%arg16 : memref<128x128xf32, #tpu.memory_space<vmem>>)
        %dma_wait3A_133 = arith.constant 0 : i32
        %dma_wait3A_134 = arith.constant 0 : i32
        %dma_wait3A_135 = tpu.memref_slice %arg2[%dma_wait3A_133, %dma_wait3A_134] : memref<50000x128xf32, #tpu.memory_space<hbm>> -> memref<128x128xf32, #tpu.memory_space<hbm>>
        %dma_wait3A_136 = arith.constant 0 : i32
        %dma_wait3A_137 = arith.constant 0 : i32
        %dma_wait3A_138 = tpu.memref_slice %arg2[%dma_wait3A_136, %dma_wait3A_137] : memref<50000x128xf32, #tpu.memory_space<hbm>> -> memref<128x128xf32, #tpu.memory_space<hbm>>
        tpu.wait_dma2 semaphore(%arg7 : memref<!tpu.dma_semaphore, #tpu.memory_space<semaphore_mem>>) src(%dma_wait3A_138 : memref<128x128xf32, #tpu.memory_space<hbm>>) dst(%arg19 : memref<128x128xf32, #tpu.memory_space<vmem>>)
        %scan3A_139 = arith.constant 0 : i32
        %scan3A_140 = arith.constant 128 : i32
        %scan3A_141 = arith.addi %scan3A_139, %scan3A_140 : i32
        %scan3A_142 = arith.constant 1 : i32
        scf.for %scan3A_150 = %scan3A_139 to %scan3A_141 step %scan3A_142  : i32 {
          %mul3A_151 = arith.constant 1 : i32
          %mul3A_152 = arith.muli %scan3A_150, %mul3A_151 : i32
          %add3A_153 = arith.constant 0 : i32
          %add3A_154 = arith.addi %add3A_153, %mul3A_152 : i32
          %get3A = arith.index_cast %add3A_154 : i32 to index
          %get3A_155 = arith.constant 0 : index
          %get3A_156 = tpu.vector_load %arg16[%get3A, %get3A_155] {strides = array<i32>} : memref<128x128xf32, #tpu.memory_space<vmem>>, vector<1x16xf32>,
          %get3A_157 = vector.shape_cast %get3A_156 : vector<1x16xf32> to vector<1x16xf32>
          %get3A_158 = arith.index_cast %add3A_154 : i32 to index
          %get3A_159 = arith.constant 0 : index
          %get3A_160 = tpu.vector_load %arg19[%get3A_158, %get3A_159] {strides = array<i32>} : memref<128x128xf32, #tpu.memory_space<vmem>>, vector<1x16xf32>,
          %get3A_161 = vector.shape_cast %get3A_160 : vector<1x16xf32> to vector<1x16xf32>
          %add3A_162 = arith.addf %get3A_157, %get3A_161 : vector<1x16xf32>
          %swap3A = arith.index_cast %add3A_154 : i32 to index
          %swap3A_163 = arith.constant 0 : index
          %swap3A_164 = tpu.vector_load %arg16[%swap3A, %swap3A_163] {strides = array<i32>} : memref<128x128xf32, #tpu.memory_space<vmem>>, vector<1x16xf32>,
          %swap3A_165 = vector.shape_cast %swap3A_164 : vector<1x16xf32> to vector<1x16xf32>
          %swap3A_166 = vector.shape_cast %add3A_162 : vector<1x16xf32> to vector<1x16xf32>
          tpu.vector_store %arg16[%swap3A, %swap3A_163], %swap3A_166 {strides = array<i32>} : memref<128x128xf32, #tpu.memory_space<vmem>>, vector<1x16xf32>,
          %get3A_167 = arith.index_cast %add3A_154 : i32 to index
          %get3A_168 = arith.constant 16 : index
          %get3A_169 = tpu.vector_load %arg16[%get3A_167, %get3A_168] {strides = array<i32>} : memref<128x128xf32, #tpu.memory_space<vmem>>, vector<1x16xf32>,
          %get3A_170 = vector.shape_cast %get3A_169 : vector<1x16xf32> to vector<1x16xf32>
          %get3A_171 = arith.index_cast %add3A_154 : i32 to index
          %get3A_172 = arith.constant 16 : index
          %get3A_173 = tpu.vector_load %arg19[%get3A_171, %get3A_172] {strides = array<i32>} : memref<128x128xf32, #tpu.memory_space<vmem>>, vector<1x16xf32>,
          %get3A_174 = vector.shape_cast %get3A_173 : vector<1x16xf32> to vector<1x16xf32>
          %add3A_175 = arith.addf %get3A_170, %get3A_174 : vector<1x16xf32>
          %swap3A_176 = arith.index_cast %add3A_154 : i32 to index
          %swap3A_177 = arith.constant 16 : index
          %swap3A_178 = tpu.vector_load %arg16[%swap3A_176, %swap3A_177] {strides = array<i32>} : memref<128x128xf32, #tpu.memory_space<vmem>>, vector<1x16xf32>,
          %swap3A_179 = vector.shape_cast %swap3A_178 : vector<1x16xf32> to vector<1x16xf32>
          %swap3A_180 = vector.shape_cast %add3A_175 : vector<1x16xf32> to vector<1x16xf32>
          tpu.vector_store %arg16[%swap3A_176, %swap3A_177], %swap3A_180 {strides = array<i32>} : memref<128x128xf32, #tpu.memory_space<vmem>>, vector<1x16xf32>,
          %get3A_181 = arith.index_cast %add3A_154 : i32 to index
          %get3A_182 = arith.constant 32 : index
          %get3A_183 = tpu.vector_load %arg16[%get3A_181, %get3A_182] {strides = array<i32>} : memref<128x128xf32, #tpu.memory_space<vmem>>, vector<1x16xf32>,
          %get3A_184 = vector.shape_cast %get3A_183 : vector<1x16xf32> to vector<1x16xf32>
          %get3A_185 = arith.index_cast %add3A_154 : i32 to index
          %get3A_186 = arith.constant 32 : index
          %get3A_187 = tpu.vector_load %arg19[%get3A_185, %get3A_186] {strides = array<i32>} : memref<128x128xf32, #tpu.memory_space<vmem>>, vector<1x16xf32>,
          %get3A_188 = vector.shape_cast %get3A_187 : vector<1x16xf32> to vector<1x16xf32>
          %add3A_189 = arith.addf %get3A_184, %get3A_188 : vector<1x16xf32>
          %swap3A_190 = arith.index_cast %add3A_154 : i32 to index
          %swap3A_191 = arith.constant 32 : index
          %swap3A_192 = tpu.vector_load %arg16[%swap3A_190, %swap3A_191] {strides = array<i32>} : memref<128x128xf32, #tpu.memory_space<vmem>>, vector<1x16xf32>,
          %swap3A_193 = vector.shape_cast %swap3A_192 : vector<1x16xf32> to vector<1x16xf32>
          %swap3A_194 = vector.shape_cast %add3A_189 : vector<1x16xf32> to vector<1x16xf32>
          tpu.vector_store %arg16[%swap3A_190, %swap3A_191], %swap3A_194 {strides = array<i32>} : memref<128x128xf32, #tpu.memory_space<vmem>>, vector<1x16xf32>,
          %get3A_195 = arith.index_cast %add3A_154 : i32 to index
          %get3A_196 = arith.constant 48 : index
          %get3A_197 = tpu.vector_load %arg16[%get3A_195, %get3A_196] {strides = array<i32>} : memref<128x128xf32, #tpu.memory_space<vmem>>, vector<1x16xf32>,
          %get3A_198 = vector.shape_cast %get3A_197 : vector<1x16xf32> to vector<1x16xf32>
          %get3A_199 = arith.index_cast %add3A_154 : i32 to index
          %get3A_200 = arith.constant 48 : index
          %get3A_201 = tpu.vector_load %arg19[%get3A_199, %get3A_200] {strides = array<i32>} : memref<128x128xf32, #tpu.memory_space<vmem>>, vector<1x16xf32>,
          %get3A_202 = vector.shape_cast %get3A_201 : vector<1x16xf32> to vector<1x16xf32>
          %add3A_203 = arith.addf %get3A_198, %get3A_202 : vector<1x16xf32>
          %swap3A_204 = arith.index_cast %add3A_154 : i32 to index
          %swap3A_205 = arith.constant 48 : index
          %swap3A_206 = tpu.vector_load %arg16[%swap3A_204, %swap3A_205] {strides = array<i32>} : memref<128x128xf32, #tpu.memory_space<vmem>>, vector<1x16xf32>,
          %swap3A_207 = vector.shape_cast %swap3A_206 : vector<1x16xf32> to vector<1x16xf32>
          %swap3A_208 = vector.shape_cast %add3A_203 : vector<1x16xf32> to vector<1x16xf32>
          tpu.vector_store %arg16[%swap3A_204, %swap3A_205], %swap3A_208 {strides = array<i32>} : memref<128x128xf32, #tpu.memory_space<vmem>>, vector<1x16xf32>,
          %get3A_209 = arith.index_cast %add3A_154 : i32 to index
          %get3A_210 = arith.constant 64 : index
          %get3A_211 = tpu.vector_load %arg16[%get3A_209, %get3A_210] {strides = array<i32>} : memref<128x128xf32, #tpu.memory_space<vmem>>, vector<1x16xf32>,
          %get3A_212 = vector.shape_cast %get3A_211 : vector<1x16xf32> to vector<1x16xf32>
          %get3A_213 = arith.index_cast %add3A_154 : i32 to index
          %get3A_214 = arith.constant 64 : index
          %get3A_215 = tpu.vector_load %arg19[%get3A_213, %get3A_214] {strides = array<i32>} : memref<128x128xf32, #tpu.memory_space<vmem>>, vector<1x16xf32>,
          %get3A_216 = vector.shape_cast %get3A_215 : vector<1x16xf32> to vector<1x16xf32>
          %add3A_217 = arith.addf %get3A_212, %get3A_216 : vector<1x16xf32>
          %swap3A_218 = arith.index_cast %add3A_154 : i32 to index
          %swap3A_219 = arith.constant 64 : index
          %swap3A_220 = tpu.vector_load %arg16[%swap3A_218, %swap3A_219] {strides = array<i32>} : memref<128x128xf32, #tpu.memory_space<vmem>>, vector<1x16xf32>,
          %swap3A_221 = vector.shape_cast %swap3A_220 : vector<1x16xf32> to vector<1x16xf32>
          %swap3A_222 = vector.shape_cast %add3A_217 : vector<1x16xf32> to vector<1x16xf32>
          tpu.vector_store %arg16[%swap3A_218, %swap3A_219], %swap3A_222 {strides = array<i32>} : memref<128x128xf32, #tpu.memory_space<vmem>>, vector<1x16xf32>,
          %get3A_223 = arith.index_cast %add3A_154 : i32 to index
          %get3A_224 = arith.constant 80 : index
          %get3A_225 = tpu.vector_load %arg16[%get3A_223, %get3A_224] {strides = array<i32>} : memref<128x128xf32, #tpu.memory_space<vmem>>, vector<1x16xf32>,
          %get3A_226 = vector.shape_cast %get3A_225 : vector<1x16xf32> to vector<1x16xf32>
          %get3A_227 = arith.index_cast %add3A_154 : i32 to index
          %get3A_228 = arith.constant 80 : index
          %get3A_229 = tpu.vector_load %arg19[%get3A_227, %get3A_228] {strides = array<i32>} : memref<128x128xf32, #tpu.memory_space<vmem>>, vector<1x16xf32>,
          %get3A_230 = vector.shape_cast %get3A_229 : vector<1x16xf32> to vector<1x16xf32>
          %add3A_231 = arith.addf %get3A_226, %get3A_230 : vector<1x16xf32>
          %swap3A_232 = arith.index_cast %add3A_154 : i32 to index
          %swap3A_233 = arith.constant 80 : index
          %swap3A_234 = tpu.vector_load %arg16[%swap3A_232, %swap3A_233] {strides = array<i32>} : memref<128x128xf32, #tpu.memory_space<vmem>>, vector<1x16xf32>,
          %swap3A_235 = vector.shape_cast %swap3A_234 : vector<1x16xf32> to vector<1x16xf32>
          %swap3A_236 = vector.shape_cast %add3A_231 : vector<1x16xf32> to vector<1x16xf32>
          tpu.vector_store %arg16[%swap3A_232, %swap3A_233], %swap3A_236 {strides = array<i32>} : memref<128x128xf32, #tpu.memory_space<vmem>>, vector<1x16xf32>,
          %get3A_237 = arith.index_cast %add3A_154 : i32 to index
          %get3A_238 = arith.constant 96 : index
          %get3A_239 = tpu.vector_load %arg16[%get3A_237, %get3A_238] {strides = array<i32>} : memref<128x128xf32, #tpu.memory_space<vmem>>, vector<1x16xf32>,
          %get3A_240 = vector.shape_cast %get3A_239 : vector<1x16xf32> to vector<1x16xf32>
          %get3A_241 = arith.index_cast %add3A_154 : i32 to index
          %get3A_242 = arith.constant 96 : index
          %get3A_243 = tpu.vector_load %arg19[%get3A_241, %get3A_242] {strides = array<i32>} : memref<128x128xf32, #tpu.memory_space<vmem>>, vector<1x16xf32>,
          %get3A_244 = vector.shape_cast %get3A_243 : vector<1x16xf32> to vector<1x16xf32>
          %add3A_245 = arith.addf %get3A_240, %get3A_244 : vector<1x16xf32>
          %swap3A_246 = arith.index_cast %add3A_154 : i32 to index
          %swap3A_247 = arith.constant 96 : index
          %swap3A_248 = tpu.vector_load %arg16[%swap3A_246, %swap3A_247] {strides = array<i32>} : memref<128x128xf32, #tpu.memory_space<vmem>>, vector<1x16xf32>,
          %swap3A_249 = vector.shape_cast %swap3A_248 : vector<1x16xf32> to vector<1x16xf32>
          %swap3A_250 = vector.shape_cast %add3A_245 : vector<1x16xf32> to vector<1x16xf32>
          tpu.vector_store %arg16[%swap3A_246, %swap3A_247], %swap3A_250 {strides = array<i32>} : memref<128x128xf32, #tpu.memory_space<vmem>>, vector<1x16xf32>,
          %get3A_251 = arith.index_cast %add3A_154 : i32 to index
          %get3A_252 = arith.constant 112 : index
          %get3A_253 = tpu.vector_load %arg16[%get3A_251, %get3A_252] {strides = array<i32>} : memref<128x128xf32, #tpu.memory_space<vmem>>, vector<1x16xf32>,
          %get3A_254 = vector.shape_cast %get3A_253 : vector<1x16xf32> to vector<1x16xf32>
          %get3A_255 = arith.index_cast %add3A_154 : i32 to index
          %get3A_256 = arith.constant 112 : index
          %get3A_257 = tpu.vector_load %arg19[%get3A_255, %get3A_256] {strides = array<i32>} : memref<128x128xf32, #tpu.memory_space<vmem>>, vector<1x16xf32>,
          %get3A_258 = vector.shape_cast %get3A_257 : vector<1x16xf32> to vector<1x16xf32>
          %add3A_259 = arith.addf %get3A_254, %get3A_258 : vector<1x16xf32>
          %swap3A_260 = arith.index_cast %add3A_154 : i32 to index
          %swap3A_261 = arith.constant 112 : index
          %swap3A_262 = tpu.vector_load %arg16[%swap3A_260, %swap3A_261] {strides = array<i32>} : memref<128x128xf32, #tpu.memory_space<vmem>>, vector<1x16xf32>,
          %swap3A_263 = vector.shape_cast %swap3A_262 : vector<1x16xf32> to vector<1x16xf32>
          %swap3A_264 = vector.shape_cast %add3A_259 : vector<1x16xf32> to vector<1x16xf32>
          tpu.vector_store %arg16[%swap3A_260, %swap3A_261], %swap3A_264 {strides = array<i32>} : memref<128x128xf32, #tpu.memory_space<vmem>>, vector<1x16xf32>,
        }
        %scan3A_143 = arith.constant 128 : i32
        %mul3A_144 = arith.constant 128 : i32
        %mul3A_145 = arith.muli %add3A_84, %mul3A_144 : i32
        %min3A = arith.constant 119872 : i32
        %min3A_146 = arith.minsi %mul3A_145, %min3A : i32
        %dma_start3A = arith.constant 0 : i32
        %dma_start3A_147 = tpu.memref_slice %arg5[%min3A_146, %dma_start3A] : memref<120000x128xf32, #tpu.memory_space<hbm>> -> memref<128x128xf32, #tpu.memory_space<hbm>>
        %dma_start3A_148 = arith.constant 0 : i32
        %dma_start3A_149 = tpu.memref_slice %arg5[%min3A_146, %dma_start3A_148] : memref<120000x128xf32, #tpu.memory_space<hbm>> -> memref<128x128xf32, #tpu.memory_space<hbm>>
        tpu.enqueue_dma source(%arg16 : memref<128x128xf32, #tpu.memory_space<vmem>>) target(%dma_start3A_149 : memref<128x128xf32, #tpu.memory_space<hbm>>) target_semaphore(%arg10 : memref<!tpu.dma_semaphore, #tpu.memory_space<semaphore_mem>>)
      } else {
      }
      %add3A_93 = arith.constant 3 : i32
      %add3A_94 = arith.addi %add3A_83, %add3A_93 : i32
      %add3A_95 = arith.addi %mul3A_2, %add3A_94 : i32
      %lt3A_96 = arith.constant 938 : i32
      %lt3A_97 = arith.cmpi slt, %add3A_95, %lt3A_96 : i32
      %lt3A_98 = arith.constant 30 : i32
      %lt3A_99 = arith.cmpi slt, %add3A_94, %lt3A_98 : i32
      %and3A_100 = arith.andi %lt3A_97, %lt3A_99 : i1
      %convert_element_type3A_101 = arith.extui %and3A_100 : i1 to i32
      %cond3A_102 = arith.constant 0 : i32
      %cond3A_103 = arith.cmpi ne, %convert_element_type3A_101, %cond3A_102 : i32
      scf.if %cond3A_103 {
        %dma_wait3A = arith.constant 0 : i32
        %dma_wait3A_128 = arith.constant 0 : i32
        %dma_wait3A_129 = tpu.memref_slice %arg2[%dma_wait3A, %dma_wait3A_128] : memref<50000x128xf32, #tpu.memory_space<hbm>> -> memref<128x128xf32, #tpu.memory_space<hbm>>
        %dma_wait3A_130 = arith.constant 0 : i32
        %dma_wait3A_131 = arith.constant 0 : i32
        %dma_wait3A_132 = tpu.memref_slice %arg2[%dma_wait3A_130, %dma_wait3A_131] : memref<50000x128xf32, #tpu.memory_space<hbm>> -> memref<128x128xf32, #tpu.memory_space<hbm>>
        tpu.wait_dma2 semaphore(%arg10 : memref<!tpu.dma_semaphore, #tpu.memory_space<semaphore_mem>>) src(%dma_wait3A_132 : memref<128x128xf32, #tpu.memory_space<hbm>>) dst(%arg16 : memref<128x128xf32, #tpu.memory_space<vmem>>)
        "tpu.region"() ({
          %run_scoped3A = tpu.sem_alloc : memref<!tpu.dma_semaphore, #tpu.memory_space<semaphore_mem>>
          %dma_start3A_146 = arith.constant 0 : i32
          %dma_start3A_147 = arith.constant 0 : i32
          %dma_start3A_148 = tpu.memref_slice %arg4[%add3A_95, %dma_start3A_146, %dma_start3A_147] : memref<938x2x128xi32, #tpu.memory_space<hbm>> -> memref<1x2x128xi32, #tpu.memory_space<hbm>>
          %dma_start3A_149 = tpu.memref_squeeze %dma_start3A_148 : memref<1x2x128xi32, #tpu.memory_space<hbm>> -> memref<2x128xi32, #tpu.memory_space<hbm>>
          %dma_start3A_150 = arith.constant 0 : i32
          %dma_start3A_151 = arith.constant 0 : i32
          %dma_start3A_152 = tpu.memref_slice %arg4[%add3A_95, %dma_start3A_150, %dma_start3A_151] : memref<938x2x128xi32, #tpu.memory_space<hbm>> -> memref<1x2x128xi32, #tpu.memory_space<hbm>>
          %dma_start3A_153 = tpu.memref_squeeze %dma_start3A_152 : memref<1x2x128xi32, #tpu.memory_space<hbm>> -> memref<2x128xi32, #tpu.memory_space<hbm>>
          tpu.enqueue_dma source(%dma_start3A_153 : memref<2x128xi32, #tpu.memory_space<hbm>>) target(%arg13 : memref<2x128xi32, #tpu.memory_space<vmem>>) target_semaphore(%run_scoped3A : memref<!tpu.dma_semaphore, #tpu.memory_space<semaphore_mem>>)
          %dma_wait3A_154 = arith.constant 0 : i32
          %dma_wait3A_155 = arith.constant 0 : i32
          %dma_wait3A_156 = tpu.memref_slice %arg4[%add3A_95, %dma_wait3A_154, %dma_wait3A_155] : memref<938x2x128xi32, #tpu.memory_space<hbm>> -> memref<1x2x128xi32, #tpu.memory_space<hbm>>
          %dma_wait3A_157 = tpu.memref_squeeze %dma_wait3A_156 : memref<1x2x128xi32, #tpu.memory_space<hbm>> -> memref<2x128xi32, #tpu.memory_space<hbm>>
          %dma_wait3A_158 = arith.constant 0 : i32
          %dma_wait3A_159 = arith.constant 0 : i32
          %dma_wait3A_160 = tpu.memref_slice %arg4[%add3A_95, %dma_wait3A_158, %dma_wait3A_159] : memref<938x2x128xi32, #tpu.memory_space<hbm>> -> memref<1x2x128xi32, #tpu.memory_space<hbm>>
          %dma_wait3A_161 = tpu.memref_squeeze %dma_wait3A_160 : memref<1x2x128xi32, #tpu.memory_space<hbm>> -> memref<2x128xi32, #tpu.memory_space<hbm>>
          tpu.wait_dma2 semaphore(%run_scoped3A : memref<!tpu.dma_semaphore, #tpu.memory_space<semaphore_mem>>) src(%dma_wait3A_161 : memref<2x128xi32, #tpu.memory_space<hbm>>) dst(%arg13 : memref<2x128xi32, #tpu.memory_space<vmem>>)
          tpu.yield
        }) : () -> ()
        %dma_start3A = arith.constant 0 : i32
        %dma_start3A_133 = arith.constant 0 : i32
        %dma_start3A_134 = tpu.memref_slice %arg13[%dma_start3A, %dma_start3A_133] : memref<2x128xi32, #tpu.memory_space<vmem>> -> memref<1x128xi32, #tpu.memory_space<vmem>>
        %dma_start3A_135 = tpu.memref_squeeze %dma_start3A_134 : memref<1x128xi32, #tpu.memory_space<vmem>> -> memref<128xi32, #tpu.memory_space<vmem>>
        %dma_start3A_136 = arith.constant 0 : i32
        %dma_start3A_137 = arith.constant 0 : i32
        %dma_start3A_138 = tpu.memref_slice %arg2[%dma_start3A_136, %dma_start3A_137] : memref<50000x128xf32, #tpu.memory_space<hbm>> -> memref<50000x128xf32, #tpu.memory_space<hbm>>
        tpu.enqueue_indirect_dma source(%dma_start3A_138 : memref<50000x128xf32, #tpu.memory_space<hbm>>) target(%arg16 : memref<128x128xf32, #tpu.memory_space<vmem>>) offsets(%dma_start3A_135 : memref<128xi32, #tpu.memory_space<vmem>>) semaphore(%arg7 : memref<!tpu.dma_semaphore, #tpu.memory_space<semaphore_mem>>)
        %dma_start3A_139 = arith.constant 1 : i32
        %dma_start3A_140 = arith.constant 0 : i32
        %dma_start3A_141 = tpu.memref_slice %arg13[%dma_start3A_139, %dma_start3A_140] : memref<2x128xi32, #tpu.memory_space<vmem>> -> memref<1x128xi32, #tpu.memory_space<vmem>>
        %dma_start3A_142 = tpu.memref_squeeze %dma_start3A_141 : memref<1x128xi32, #tpu.memory_space<vmem>> -> memref<128xi32, #tpu.memory_space<vmem>>
        %dma_start3A_143 = arith.constant 0 : i32
        %dma_start3A_144 = arith.constant 0 : i32
        %dma_start3A_145 = tpu.memref_slice %arg3[%dma_start3A_143, %dma_start3A_144] : memref<50000x128xf32, #tpu.memory_space<hbm>> -> memref<50000x128xf32, #tpu.memory_space<hbm>>
        tpu.enqueue_indirect_dma source(%dma_start3A_145 : memref<50000x128xf32, #tpu.memory_space<hbm>>) target(%arg19 : memref<128x128xf32, #tpu.memory_space<vmem>>) offsets(%dma_start3A_142 : memref<128xi32, #tpu.memory_space<vmem>>) semaphore(%arg7 : memref<!tpu.dma_semaphore, #tpu.memory_space<semaphore_mem>>)
      } else {
      }
      %mul3A_104 = arith.constant 3 : i32
      %mul3A_105 = arith.muli %add3A_55, %mul3A_104 : i32
      %add3A_106 = arith.constant 2 : i32
      %add3A_107 = arith.addi %mul3A_105, %add3A_106 : i32
      %add3A_108 = arith.addi %mul3A_2, %add3A_107 : i32
      %lt3A_109 = arith.constant 938 : i32
      %lt3A_110 = arith.cmpi slt, %add3A_108, %lt3A_109 : i32
      %lt3A_111 = arith.constant 30 : i32
      %lt3A_112 = arith.cmpi slt, %add3A_107, %lt3A_111 : i32
      %and3A_113 = arith.andi %lt3A_110, %lt3A_112 : i1
      %convert_element_type3A_114 = arith.extui %and3A_113 : i1 to i32
      %cond3A_115 = arith.constant 0 : i32
      %cond3A_116 = arith.cmpi ne, %convert_element_type3A_114, %cond3A_115 : i32
      scf.if %cond3A_116 {
        %dma_wait3A = arith.constant 0 : i32
        %dma_wait3A_128 = arith.constant 0 : i32
        %dma_wait3A_129 = tpu.memref_slice %arg2[%dma_wait3A, %dma_wait3A_128] : memref<50000x128xf32, #tpu.memory_space<hbm>> -> memref<128x128xf32, #tpu.memory_space<hbm>>
        %dma_wait3A_130 = arith.constant 0 : i32
        %dma_wait3A_131 = arith.constant 0 : i32
        %dma_wait3A_132 = tpu.memref_slice %arg2[%dma_wait3A_130, %dma_wait3A_131] : memref<50000x128xf32, #tpu.memory_space<hbm>> -> memref<128x128xf32, #tpu.memory_space<hbm>>
        tpu.wait_dma2 semaphore(%arg8 : memref<!tpu.dma_semaphore, #tpu.memory_space<semaphore_mem>>) src(%dma_wait3A_132 : memref<128x128xf32, #tpu.memory_space<hbm>>) dst(%arg17 : memref<128x128xf32, #tpu.memory_space<vmem>>)
        %dma_wait3A_133 = arith.constant 0 : i32
        %dma_wait3A_134 = arith.constant 0 : i32
        %dma_wait3A_135 = tpu.memref_slice %arg2[%dma_wait3A_133, %dma_wait3A_134] : memref<50000x128xf32, #tpu.memory_space<hbm>> -> memref<128x128xf32, #tpu.memory_space<hbm>>
        %dma_wait3A_136 = arith.constant 0 : i32
        %dma_wait3A_137 = arith.constant 0 : i32
        %dma_wait3A_138 = tpu.memref_slice %arg2[%dma_wait3A_136, %dma_wait3A_137] : memref<50000x128xf32, #tpu.memory_space<hbm>> -> memref<128x128xf32, #tpu.memory_space<hbm>>
        tpu.wait_dma2 semaphore(%arg8 : memref<!tpu.dma_semaphore, #tpu.memory_space<semaphore_mem>>) src(%dma_wait3A_138 : memref<128x128xf32, #tpu.memory_space<hbm>>) dst(%arg20 : memref<128x128xf32, #tpu.memory_space<vmem>>)
        %scan3A_139 = arith.constant 0 : i32
        %scan3A_140 = arith.constant 128 : i32
        %scan3A_141 = arith.addi %scan3A_139, %scan3A_140 : i32
        %scan3A_142 = arith.constant 1 : i32
        scf.for %scan3A_150 = %scan3A_139 to %scan3A_141 step %scan3A_142  : i32 {
          %mul3A_151 = arith.constant 1 : i32
          %mul3A_152 = arith.muli %scan3A_150, %mul3A_151 : i32
          %add3A_153 = arith.constant 0 : i32
          %add3A_154 = arith.addi %add3A_153, %mul3A_152 : i32
          %get3A = arith.index_cast %add3A_154 : i32 to index
          %get3A_155 = arith.constant 0 : index
          %get3A_156 = tpu.vector_load %arg17[%get3A, %get3A_155] {strides = array<i32>} : memref<128x128xf32, #tpu.memory_space<vmem>>, vector<1x16xf32>,
          %get3A_157 = vector.shape_cast %get3A_156 : vector<1x16xf32> to vector<1x16xf32>
          %get3A_158 = arith.index_cast %add3A_154 : i32 to index
          %get3A_159 = arith.constant 0 : index
          %get3A_160 = tpu.vector_load %arg20[%get3A_158, %get3A_159] {strides = array<i32>} : memref<128x128xf32, #tpu.memory_space<vmem>>, vector<1x16xf32>,
          %get3A_161 = vector.shape_cast %get3A_160 : vector<1x16xf32> to vector<1x16xf32>
          %add3A_162 = arith.addf %get3A_157, %get3A_161 : vector<1x16xf32>
          %swap3A = arith.index_cast %add3A_154 : i32 to index
          %swap3A_163 = arith.constant 0 : index
          %swap3A_164 = tpu.vector_load %arg17[%swap3A, %swap3A_163] {strides = array<i32>} : memref<128x128xf32, #tpu.memory_space<vmem>>, vector<1x16xf32>,
          %swap3A_165 = vector.shape_cast %swap3A_164 : vector<1x16xf32> to vector<1x16xf32>
          %swap3A_166 = vector.shape_cast %add3A_162 : vector<1x16xf32> to vector<1x16xf32>
          tpu.vector_store %arg17[%swap3A, %swap3A_163], %swap3A_166 {strides = array<i32>} : memref<128x128xf32, #tpu.memory_space<vmem>>, vector<1x16xf32>,
          %get3A_167 = arith.index_cast %add3A_154 : i32 to index
          %get3A_168 = arith.constant 16 : index
          %get3A_169 = tpu.vector_load %arg17[%get3A_167, %get3A_168] {strides = array<i32>} : memref<128x128xf32, #tpu.memory_space<vmem>>, vector<1x16xf32>,
          %get3A_170 = vector.shape_cast %get3A_169 : vector<1x16xf32> to vector<1x16xf32>
          %get3A_171 = arith.index_cast %add3A_154 : i32 to index
          %get3A_172 = arith.constant 16 : index
          %get3A_173 = tpu.vector_load %arg20[%get3A_171, %get3A_172] {strides = array<i32>} : memref<128x128xf32, #tpu.memory_space<vmem>>, vector<1x16xf32>,
          %get3A_174 = vector.shape_cast %get3A_173 : vector<1x16xf32> to vector<1x16xf32>
          %add3A_175 = arith.addf %get3A_170, %get3A_174 : vector<1x16xf32>
          %swap3A_176 = arith.index_cast %add3A_154 : i32 to index
          %swap3A_177 = arith.constant 16 : index
          %swap3A_178 = tpu.vector_load %arg17[%swap3A_176, %swap3A_177] {strides = array<i32>} : memref<128x128xf32, #tpu.memory_space<vmem>>, vector<1x16xf32>,
          %swap3A_179 = vector.shape_cast %swap3A_178 : vector<1x16xf32> to vector<1x16xf32>
          %swap3A_180 = vector.shape_cast %add3A_175 : vector<1x16xf32> to vector<1x16xf32>
          tpu.vector_store %arg17[%swap3A_176, %swap3A_177], %swap3A_180 {strides = array<i32>} : memref<128x128xf32, #tpu.memory_space<vmem>>, vector<1x16xf32>,
          %get3A_181 = arith.index_cast %add3A_154 : i32 to index
          %get3A_182 = arith.constant 32 : index
          %get3A_183 = tpu.vector_load %arg17[%get3A_181, %get3A_182] {strides = array<i32>} : memref<128x128xf32, #tpu.memory_space<vmem>>, vector<1x16xf32>,
          %get3A_184 = vector.shape_cast %get3A_183 : vector<1x16xf32> to vector<1x16xf32>
          %get3A_185 = arith.index_cast %add3A_154 : i32 to index
          %get3A_186 = arith.constant 32 : index
          %get3A_187 = tpu.vector_load %arg20[%get3A_185, %get3A_186] {strides = array<i32>} : memref<128x128xf32, #tpu.memory_space<vmem>>, vector<1x16xf32>,
          %get3A_188 = vector.shape_cast %get3A_187 : vector<1x16xf32> to vector<1x16xf32>
          %add3A_189 = arith.addf %get3A_184, %get3A_188 : vector<1x16xf32>
          %swap3A_190 = arith.index_cast %add3A_154 : i32 to index
          %swap3A_191 = arith.constant 32 : index
          %swap3A_192 = tpu.vector_load %arg17[%swap3A_190, %swap3A_191] {strides = array<i32>} : memref<128x128xf32, #tpu.memory_space<vmem>>, vector<1x16xf32>,
          %swap3A_193 = vector.shape_cast %swap3A_192 : vector<1x16xf32> to vector<1x16xf32>
          %swap3A_194 = vector.shape_cast %add3A_189 : vector<1x16xf32> to vector<1x16xf32>
          tpu.vector_store %arg17[%swap3A_190, %swap3A_191], %swap3A_194 {strides = array<i32>} : memref<128x128xf32, #tpu.memory_space<vmem>>, vector<1x16xf32>,
          %get3A_195 = arith.index_cast %add3A_154 : i32 to index
          %get3A_196 = arith.constant 48 : index
          %get3A_197 = tpu.vector_load %arg17[%get3A_195, %get3A_196] {strides = array<i32>} : memref<128x128xf32, #tpu.memory_space<vmem>>, vector<1x16xf32>,
          %get3A_198 = vector.shape_cast %get3A_197 : vector<1x16xf32> to vector<1x16xf32>
          %get3A_199 = arith.index_cast %add3A_154 : i32 to index
          %get3A_200 = arith.constant 48 : index
          %get3A_201 = tpu.vector_load %arg20[%get3A_199, %get3A_200] {strides = array<i32>} : memref<128x128xf32, #tpu.memory_space<vmem>>, vector<1x16xf32>,
          %get3A_202 = vector.shape_cast %get3A_201 : vector<1x16xf32> to vector<1x16xf32>
          %add3A_203 = arith.addf %get3A_198, %get3A_202 : vector<1x16xf32>
          %swap3A_204 = arith.index_cast %add3A_154 : i32 to index
          %swap3A_205 = arith.constant 48 : index
          %swap3A_206 = tpu.vector_load %arg17[%swap3A_204, %swap3A_205] {strides = array<i32>} : memref<128x128xf32, #tpu.memory_space<vmem>>, vector<1x16xf32>,
          %swap3A_207 = vector.shape_cast %swap3A_206 : vector<1x16xf32> to vector<1x16xf32>
          %swap3A_208 = vector.shape_cast %add3A_203 : vector<1x16xf32> to vector<1x16xf32>
          tpu.vector_store %arg17[%swap3A_204, %swap3A_205], %swap3A_208 {strides = array<i32>} : memref<128x128xf32, #tpu.memory_space<vmem>>, vector<1x16xf32>,
          %get3A_209 = arith.index_cast %add3A_154 : i32 to index
          %get3A_210 = arith.constant 64 : index
          %get3A_211 = tpu.vector_load %arg17[%get3A_209, %get3A_210] {strides = array<i32>} : memref<128x128xf32, #tpu.memory_space<vmem>>, vector<1x16xf32>,
          %get3A_212 = vector.shape_cast %get3A_211 : vector<1x16xf32> to vector<1x16xf32>
          %get3A_213 = arith.index_cast %add3A_154 : i32 to index
          %get3A_214 = arith.constant 64 : index
          %get3A_215 = tpu.vector_load %arg20[%get3A_213, %get3A_214] {strides = array<i32>} : memref<128x128xf32, #tpu.memory_space<vmem>>, vector<1x16xf32>,
          %get3A_216 = vector.shape_cast %get3A_215 : vector<1x16xf32> to vector<1x16xf32>
          %add3A_217 = arith.addf %get3A_212, %get3A_216 : vector<1x16xf32>
          %swap3A_218 = arith.index_cast %add3A_154 : i32 to index
          %swap3A_219 = arith.constant 64 : index
          %swap3A_220 = tpu.vector_load %arg17[%swap3A_218, %swap3A_219] {strides = array<i32>} : memref<128x128xf32, #tpu.memory_space<vmem>>, vector<1x16xf32>,
          %swap3A_221 = vector.shape_cast %swap3A_220 : vector<1x16xf32> to vector<1x16xf32>
          %swap3A_222 = vector.shape_cast %add3A_217 : vector<1x16xf32> to vector<1x16xf32>
          tpu.vector_store %arg17[%swap3A_218, %swap3A_219], %swap3A_222 {strides = array<i32>} : memref<128x128xf32, #tpu.memory_space<vmem>>, vector<1x16xf32>,
          %get3A_223 = arith.index_cast %add3A_154 : i32 to index
          %get3A_224 = arith.constant 80 : index
          %get3A_225 = tpu.vector_load %arg17[%get3A_223, %get3A_224] {strides = array<i32>} : memref<128x128xf32, #tpu.memory_space<vmem>>, vector<1x16xf32>,
          %get3A_226 = vector.shape_cast %get3A_225 : vector<1x16xf32> to vector<1x16xf32>
          %get3A_227 = arith.index_cast %add3A_154 : i32 to index
          %get3A_228 = arith.constant 80 : index
          %get3A_229 = tpu.vector_load %arg20[%get3A_227, %get3A_228] {strides = array<i32>} : memref<128x128xf32, #tpu.memory_space<vmem>>, vector<1x16xf32>,
          %get3A_230 = vector.shape_cast %get3A_229 : vector<1x16xf32> to vector<1x16xf32>
          %add3A_231 = arith.addf %get3A_226, %get3A_230 : vector<1x16xf32>
          %swap3A_232 = arith.index_cast %add3A_154 : i32 to index
          %swap3A_233 = arith.constant 80 : index
          %swap3A_234 = tpu.vector_load %arg17[%swap3A_232, %swap3A_233] {strides = array<i32>} : memref<128x128xf32, #tpu.memory_space<vmem>>, vector<1x16xf32>,
          %swap3A_235 = vector.shape_cast %swap3A_234 : vector<1x16xf32> to vector<1x16xf32>
          %swap3A_236 = vector.shape_cast %add3A_231 : vector<1x16xf32> to vector<1x16xf32>
          tpu.vector_store %arg17[%swap3A_232, %swap3A_233], %swap3A_236 {strides = array<i32>} : memref<128x128xf32, #tpu.memory_space<vmem>>, vector<1x16xf32>,
          %get3A_237 = arith.index_cast %add3A_154 : i32 to index
          %get3A_238 = arith.constant 96 : index
          %get3A_239 = tpu.vector_load %arg17[%get3A_237, %get3A_238] {strides = array<i32>} : memref<128x128xf32, #tpu.memory_space<vmem>>, vector<1x16xf32>,
          %get3A_240 = vector.shape_cast %get3A_239 : vector<1x16xf32> to vector<1x16xf32>
          %get3A_241 = arith.index_cast %add3A_154 : i32 to index
          %get3A_242 = arith.constant 96 : index
          %get3A_243 = tpu.vector_load %arg20[%get3A_241, %get3A_242] {strides = array<i32>} : memref<128x128xf32, #tpu.memory_space<vmem>>, vector<1x16xf32>,
          %get3A_244 = vector.shape_cast %get3A_243 : vector<1x16xf32> to vector<1x16xf32>
          %add3A_245 = arith.addf %get3A_240, %get3A_244 : vector<1x16xf32>
          %swap3A_246 = arith.index_cast %add3A_154 : i32 to index
          %swap3A_247 = arith.constant 96 : index
          %swap3A_248 = tpu.vector_load %arg17[%swap3A_246, %swap3A_247] {strides = array<i32>} : memref<128x128xf32, #tpu.memory_space<vmem>>, vector<1x16xf32>,
          %swap3A_249 = vector.shape_cast %swap3A_248 : vector<1x16xf32> to vector<1x16xf32>
          %swap3A_250 = vector.shape_cast %add3A_245 : vector<1x16xf32> to vector<1x16xf32>
          tpu.vector_store %arg17[%swap3A_246, %swap3A_247], %swap3A_250 {strides = array<i32>} : memref<128x128xf32, #tpu.memory_space<vmem>>, vector<1x16xf32>,
          %get3A_251 = arith.index_cast %add3A_154 : i32 to index
          %get3A_252 = arith.constant 112 : index
          %get3A_253 = tpu.vector_load %arg17[%get3A_251, %get3A_252] {strides = array<i32>} : memref<128x128xf32, #tpu.memory_space<vmem>>, vector<1x16xf32>,
          %get3A_254 = vector.shape_cast %get3A_253 : vector<1x16xf32> to vector<1x16xf32>
          %get3A_255 = arith.index_cast %add3A_154 : i32 to index
          %get3A_256 = arith.constant 112 : index
          %get3A_257 = tpu.vector_load %arg20[%get3A_255, %get3A_256] {strides = array<i32>} : memref<128x128xf32, #tpu.memory_space<vmem>>, vector<1x16xf32>,
          %get3A_258 = vector.shape_cast %get3A_257 : vector<1x16xf32> to vector<1x16xf32>
          %add3A_259 = arith.addf %get3A_254, %get3A_258 : vector<1x16xf32>
          %swap3A_260 = arith.index_cast %add3A_154 : i32 to index
          %swap3A_261 = arith.constant 112 : index
          %swap3A_262 = tpu.vector_load %arg17[%swap3A_260, %swap3A_261] {strides = array<i32>} : memref<128x128xf32, #tpu.memory_space<vmem>>, vector<1x16xf32>,
          %swap3A_263 = vector.shape_cast %swap3A_262 : vector<1x16xf32> to vector<1x16xf32>
          %swap3A_264 = vector.shape_cast %add3A_259 : vector<1x16xf32> to vector<1x16xf32>
          tpu.vector_store %arg17[%swap3A_260, %swap3A_261], %swap3A_264 {strides = array<i32>} : memref<128x128xf32, #tpu.memory_space<vmem>>, vector<1x16xf32>,
        }
        %scan3A_143 = arith.constant 128 : i32
        %mul3A_144 = arith.constant 128 : i32
        %mul3A_145 = arith.muli %add3A_108, %mul3A_144 : i32
        %min3A = arith.constant 119872 : i32
        %min3A_146 = arith.minsi %mul3A_145, %min3A : i32
        %dma_start3A = arith.constant 0 : i32
        %dma_start3A_147 = tpu.memref_slice %arg5[%min3A_146, %dma_start3A] : memref<120000x128xf32, #tpu.memory_space<hbm>> -> memref<128x128xf32, #tpu.memory_space<hbm>>
        %dma_start3A_148 = arith.constant 0 : i32
        %dma_start3A_149 = tpu.memref_slice %arg5[%min3A_146, %dma_start3A_148] : memref<120000x128xf32, #tpu.memory_space<hbm>> -> memref<128x128xf32, #tpu.memory_space<hbm>>
        tpu.enqueue_dma source(%arg17 : memref<128x128xf32, #tpu.memory_space<vmem>>) target(%dma_start3A_149 : memref<128x128xf32, #tpu.memory_space<hbm>>) target_semaphore(%arg11 : memref<!tpu.dma_semaphore, #tpu.memory_space<semaphore_mem>>)
      } else {
      }
      %add3A_117 = arith.constant 3 : i32
      %add3A_118 = arith.addi %add3A_107, %add3A_117 : i32
      %add3A_119 = arith.addi %mul3A_2, %add3A_118 : i32
      %lt3A_120 = arith.constant 938 : i32
      %lt3A_121 = arith.cmpi slt, %add3A_119, %lt3A_120 : i32
      %lt3A_122 = arith.constant 30 : i32
      %lt3A_123 = arith.cmpi slt, %add3A_118, %lt3A_122 : i32
      %and3A_124 = arith.andi %lt3A_121, %lt3A_123 : i1
      %convert_element_type3A_125 = arith.extui %and3A_124 : i1 to i32
      %cond3A_126 = arith.constant 0 : i32
      %cond3A_127 = arith.cmpi ne, %convert_element_type3A_125, %cond3A_126 : i32
      scf.if %cond3A_127 {
        %dma_wait3A = arith.constant 0 : i32
        %dma_wait3A_128 = arith.constant 0 : i32
        %dma_wait3A_129 = tpu.memref_slice %arg2[%dma_wait3A, %dma_wait3A_128] : memref<50000x128xf32, #tpu.memory_space<hbm>> -> memref<128x128xf32, #tpu.memory_space<hbm>>
        %dma_wait3A_130 = arith.constant 0 : i32
        %dma_wait3A_131 = arith.constant 0 : i32
        %dma_wait3A_132 = tpu.memref_slice %arg2[%dma_wait3A_130, %dma_wait3A_131] : memref<50000x128xf32, #tpu.memory_space<hbm>> -> memref<128x128xf32, #tpu.memory_space<hbm>>
        tpu.wait_dma2 semaphore(%arg11 : memref<!tpu.dma_semaphore, #tpu.memory_space<semaphore_mem>>) src(%dma_wait3A_132 : memref<128x128xf32, #tpu.memory_space<hbm>>) dst(%arg17 : memref<128x128xf32, #tpu.memory_space<vmem>>)
        "tpu.region"() ({
          %run_scoped3A = tpu.sem_alloc : memref<!tpu.dma_semaphore, #tpu.memory_space<semaphore_mem>>
          %dma_start3A_146 = arith.constant 0 : i32
          %dma_start3A_147 = arith.constant 0 : i32
          %dma_start3A_148 = tpu.memref_slice %arg4[%add3A_119, %dma_start3A_146, %dma_start3A_147] : memref<938x2x128xi32, #tpu.memory_space<hbm>> -> memref<1x2x128xi32, #tpu.memory_space<hbm>>
          %dma_start3A_149 = tpu.memref_squeeze %dma_start3A_148 : memref<1x2x128xi32, #tpu.memory_space<hbm>> -> memref<2x128xi32, #tpu.memory_space<hbm>>
          %dma_start3A_150 = arith.constant 0 : i32
          %dma_start3A_151 = arith.constant 0 : i32
          %dma_start3A_152 = tpu.memref_slice %arg4[%add3A_119, %dma_start3A_150, %dma_start3A_151] : memref<938x2x128xi32, #tpu.memory_space<hbm>> -> memref<1x2x128xi32, #tpu.memory_space<hbm>>
          %dma_start3A_153 = tpu.memref_squeeze %dma_start3A_152 : memref<1x2x128xi32, #tpu.memory_space<hbm>> -> memref<2x128xi32, #tpu.memory_space<hbm>>
          tpu.enqueue_dma source(%dma_start3A_153 : memref<2x128xi32, #tpu.memory_space<hbm>>) target(%arg14 : memref<2x128xi32, #tpu.memory_space<vmem>>) target_semaphore(%run_scoped3A : memref<!tpu.dma_semaphore, #tpu.memory_space<semaphore_mem>>)
          %dma_wait3A_154 = arith.constant 0 : i32
          %dma_wait3A_155 = arith.constant 0 : i32
          %dma_wait3A_156 = tpu.memref_slice %arg4[%add3A_119, %dma_wait3A_154, %dma_wait3A_155] : memref<938x2x128xi32, #tpu.memory_space<hbm>> -> memref<1x2x128xi32, #tpu.memory_space<hbm>>
          %dma_wait3A_157 = tpu.memref_squeeze %dma_wait3A_156 : memref<1x2x128xi32, #tpu.memory_space<hbm>> -> memref<2x128xi32, #tpu.memory_space<hbm>>
          %dma_wait3A_158 = arith.constant 0 : i32
          %dma_wait3A_159 = arith.constant 0 : i32
          %dma_wait3A_160 = tpu.memref_slice %arg4[%add3A_119, %dma_wait3A_158, %dma_wait3A_159] : memref<938x2x128xi32, #tpu.memory_space<hbm>> -> memref<1x2x128xi32, #tpu.memory_space<hbm>>
          %dma_wait3A_161 = tpu.memref_squeeze %dma_wait3A_160 : memref<1x2x128xi32, #tpu.memory_space<hbm>> -> memref<2x128xi32, #tpu.memory_space<hbm>>
          tpu.wait_dma2 semaphore(%run_scoped3A : memref<!tpu.dma_semaphore, #tpu.memory_space<semaphore_mem>>) src(%dma_wait3A_161 : memref<2x128xi32, #tpu.memory_space<hbm>>) dst(%arg14 : memref<2x128xi32, #tpu.memory_space<vmem>>)
          tpu.yield
        }) : () -> ()
        %dma_start3A = arith.constant 0 : i32
        %dma_start3A_133 = arith.constant 0 : i32
        %dma_start3A_134 = tpu.memref_slice %arg14[%dma_start3A, %dma_start3A_133] : memref<2x128xi32, #tpu.memory_space<vmem>> -> memref<1x128xi32, #tpu.memory_space<vmem>>
        %dma_start3A_135 = tpu.memref_squeeze %dma_start3A_134 : memref<1x128xi32, #tpu.memory_space<vmem>> -> memref<128xi32, #tpu.memory_space<vmem>>
        %dma_start3A_136 = arith.constant 0 : i32
        %dma_start3A_137 = arith.constant 0 : i32
        %dma_start3A_138 = tpu.memref_slice %arg2[%dma_start3A_136, %dma_start3A_137] : memref<50000x128xf32, #tpu.memory_space<hbm>> -> memref<50000x128xf32, #tpu.memory_space<hbm>>
        tpu.enqueue_indirect_dma source(%dma_start3A_138 : memref<50000x128xf32, #tpu.memory_space<hbm>>) target(%arg17 : memref<128x128xf32, #tpu.memory_space<vmem>>) offsets(%dma_start3A_135 : memref<128xi32, #tpu.memory_space<vmem>>) semaphore(%arg8 : memref<!tpu.dma_semaphore, #tpu.memory_space<semaphore_mem>>)
        %dma_start3A_139 = arith.constant 1 : i32
        %dma_start3A_140 = arith.constant 0 : i32
        %dma_start3A_141 = tpu.memref_slice %arg14[%dma_start3A_139, %dma_start3A_140] : memref<2x128xi32, #tpu.memory_space<vmem>> -> memref<1x128xi32, #tpu.memory_space<vmem>>
        %dma_start3A_142 = tpu.memref_squeeze %dma_start3A_141 : memref<1x128xi32, #tpu.memory_space<vmem>> -> memref<128xi32, #tpu.memory_space<vmem>>
        %dma_start3A_143 = arith.constant 0 : i32
        %dma_start3A_144 = arith.constant 0 : i32
        %dma_start3A_145 = tpu.memref_slice %arg3[%dma_start3A_143, %dma_start3A_144] : memref<50000x128xf32, #tpu.memory_space<hbm>> -> memref<50000x128xf32, #tpu.memory_space<hbm>>
        tpu.enqueue_indirect_dma source(%dma_start3A_145 : memref<50000x128xf32, #tpu.memory_space<hbm>>) target(%arg20 : memref<128x128xf32, #tpu.memory_space<vmem>>) offsets(%dma_start3A_142 : memref<128xi32, #tpu.memory_space<vmem>>) semaphore(%arg8 : memref<!tpu.dma_semaphore, #tpu.memory_space<semaphore_mem>>)
      } else {
      }
    }
    %scan3A_29 = arith.constant 10 : i32
    %add3A_30 = arith.constant 0 : i32
    %add3A_31 = arith.addi %mul3A_2, %add3A_30 : i32
    %lt3A_32 = arith.constant 938 : i32
    %lt3A_33 = arith.cmpi slt, %add3A_31, %lt3A_32 : i32
    %convert_element_type3A_34 = arith.extui %lt3A_33 : i1 to i32
    %cond3A_35 = arith.constant 0 : i32
    %cond3A_36 = arith.cmpi ne, %convert_element_type3A_34, %cond3A_35 : i32
    scf.if %cond3A_36 {
      %dma_wait3A = arith.constant 0 : i32
      %dma_wait3A_51 = arith.constant 0 : i32
      %dma_wait3A_52 = tpu.memref_slice %arg2[%dma_wait3A, %dma_wait3A_51] : memref<50000x128xf32, #tpu.memory_space<hbm>> -> memref<128x128xf32, #tpu.memory_space<hbm>>
      %dma_wait3A_53 = arith.constant 0 : i32
      %dma_wait3A_54 = arith.constant 0 : i32
      %dma_wait3A_55 = tpu.memref_slice %arg2[%dma_wait3A_53, %dma_wait3A_54] : memref<50000x128xf32, #tpu.memory_space<hbm>> -> memref<128x128xf32, #tpu.memory_space<hbm>>
      tpu.wait_dma2 semaphore(%arg9 : memref<!tpu.dma_semaphore, #tpu.memory_space<semaphore_mem>>) src(%dma_wait3A_55 : memref<128x128xf32, #tpu.memory_space<hbm>>) dst(%arg15 : memref<128x128xf32, #tpu.memory_space<vmem>>)
    } else {
    }
    %add3A_37 = arith.constant 1 : i32
    %add3A_38 = arith.addi %mul3A_2, %add3A_37 : i32
    %lt3A_39 = arith.constant 938 : i32
    %lt3A_40 = arith.cmpi slt, %add3A_38, %lt3A_39 : i32
    %convert_element_type3A_41 = arith.extui %lt3A_40 : i1 to i32
    %cond3A_42 = arith.constant 0 : i32
    %cond3A_43 = arith.cmpi ne, %convert_element_type3A_41, %cond3A_42 : i32
    scf.if %cond3A_43 {
      %dma_wait3A = arith.constant 0 : i32
      %dma_wait3A_51 = arith.constant 0 : i32
      %dma_wait3A_52 = tpu.memref_slice %arg2[%dma_wait3A, %dma_wait3A_51] : memref<50000x128xf32, #tpu.memory_space<hbm>> -> memref<128x128xf32, #tpu.memory_space<hbm>>
      %dma_wait3A_53 = arith.constant 0 : i32
      %dma_wait3A_54 = arith.constant 0 : i32
      %dma_wait3A_55 = tpu.memref_slice %arg2[%dma_wait3A_53, %dma_wait3A_54] : memref<50000x128xf32, #tpu.memory_space<hbm>> -> memref<128x128xf32, #tpu.memory_space<hbm>>
      tpu.wait_dma2 semaphore(%arg10 : memref<!tpu.dma_semaphore, #tpu.memory_space<semaphore_mem>>) src(%dma_wait3A_55 : memref<128x128xf32, #tpu.memory_space<hbm>>) dst(%arg16 : memref<128x128xf32, #tpu.memory_space<vmem>>)
    } else {
    }
    %add3A_44 = arith.constant 2 : i32
    %add3A_45 = arith.addi %mul3A_2, %add3A_44 : i32
    %lt3A_46 = arith.constant 938 : i32
    %lt3A_47 = arith.cmpi slt, %add3A_45, %lt3A_46 : i32
    %convert_element_type3A_48 = arith.extui %lt3A_47 : i1 to i32
    %cond3A_49 = arith.constant 0 : i32
    %cond3A_50 = arith.cmpi ne, %convert_element_type3A_48, %cond3A_49 : i32
    scf.if %cond3A_50 {
      %dma_wait3A = arith.constant 0 : i32
      %dma_wait3A_51 = arith.constant 0 : i32
      %dma_wait3A_52 = tpu.memref_slice %arg2[%dma_wait3A, %dma_wait3A_51] : memref<50000x128xf32, #tpu.memory_space<hbm>> -> memref<128x128xf32, #tpu.memory_space<hbm>>
      %dma_wait3A_53 = arith.constant 0 : i32
      %dma_wait3A_54 = arith.constant 0 : i32
      %dma_wait3A_55 = tpu.memref_slice %arg2[%dma_wait3A_53, %dma_wait3A_54] : memref<50000x128xf32, #tpu.memory_space<hbm>> -> memref<128x128xf32, #tpu.memory_space<hbm>>
      tpu.wait_dma2 semaphore(%arg11 : memref<!tpu.dma_semaphore, #tpu.memory_space<semaphore_mem>>) src(%dma_wait3A_55 : memref<128x128xf32, #tpu.memory_space<hbm>>) dst(%arg17 : memref<128x128xf32, #tpu.memory_space<vmem>>)
    } else {
    }
    return
  }
}

#map = affine_map<(d0, d1) -> (0, 0)>
#map1 = affine_map<(d0, d1) -> (0, 0, 0)>
module attributes {stable_mosaic.version = 14 : i64} {
  func.func @gather_add_kernel(%arg0: i32, %arg1: i32, %arg2: memref<50000x128xf32, #tpu.memory_space<hbm>>, %arg3: memref<50000x128xf32, #tpu.memory_space<hbm>>, %arg4: memref<1875x2x128xi32, #tpu.memory_space<hbm>>, %arg5: memref<240000x128xf32, #tpu.memory_space<hbm>>, %arg6: memref<!tpu.dma_semaphore, #tpu.memory_space<semaphore_mem>>, %arg7: memref<!tpu.dma_semaphore, #tpu.memory_space<semaphore_mem>>, %arg8: memref<!tpu.dma_semaphore, #tpu.memory_space<semaphore_mem>>, %arg9: memref<!tpu.dma_semaphore, #tpu.memory_space<semaphore_mem>>, %arg10: memref<!tpu.dma_semaphore, #tpu.memory_space<semaphore_mem>>, %arg11: memref<!tpu.dma_semaphore, #tpu.memory_space<semaphore_mem>>, %arg12: memref<2x128xi32, #tpu.memory_space<vmem>>, %arg13: memref<2x128xi32, #tpu.memory_space<vmem>>, %arg14: memref<2x128xi32, #tpu.memory_space<vmem>>, %arg15: memref<128x128xf32, #tpu.memory_space<vmem>>, %arg16: memref<128x128xf32, #tpu.memory_space<vmem>>, %arg17: memref<128x128xf32, #tpu.memory_space<vmem>>, %arg18: memref<128x128xf32, #tpu.memory_space<vmem>>, %arg19: memref<128x128xf32, #tpu.memory_space<vmem>>, %arg20: memref<128x128xf32, #tpu.memory_space<vmem>>) attributes {dimension_semantics = [#tpu.dimension_semantics<core_parallel>, #tpu.dimension_semantics<subcore_parallel>], iteration_bounds = array<i64: 2, 16>, scalar_prefetch = 0 : i64, scratch_operands = 15 : i64, tpu.core_type = #tpu.core_type<sc_vector_subcore>, window_params = [{transform_indices = #map}, {transform_indices = #map}, {transform_indices = #map1}, {transform_indices = #map}]} {
    %mul3A = arith.constant 2 : i32
    %mul3A_0 = arith.muli %arg1, %mul3A : i32
    %add3A = arith.addi %mul3A_0, %arg0 : i32
    %mul3A_1 = arith.constant 59 : i32
    %mul3A_2 = arith.muli %add3A, %mul3A_1 : i32
    %add3A_3 = arith.constant 0 : i32
    %add3A_4 = arith.addi %mul3A_2, %add3A_3 : i32
    %lt3A = arith.constant 1875 : i32
    %lt3A_5 = arith.cmpi slt, %add3A_4, %lt3A : i32
    %and3A = arith.constant true
    %and3A_6 = arith.andi %lt3A_5, %and3A : i1
    %convert_element_type3A = arith.extui %and3A_6 : i1 to i32
    %cond3A = arith.constant 0 : i32
    %cond3A_7 = arith.cmpi ne, %convert_element_type3A, %cond3A : i32
    scf.if %cond3A_7 {
      "tpu.region"() ({
        %run_scoped3A = tpu.sem_alloc : memref<!tpu.dma_semaphore, #tpu.memory_space<semaphore_mem>>
        %dma_start3A_64 = arith.constant 0 : i32
        %dma_start3A_65 = arith.constant 0 : i32
        %dma_start3A_66 = tpu.memref_slice %arg4[%add3A_4, %dma_start3A_64, %dma_start3A_65] : memref<1875x2x128xi32, #tpu.memory_space<hbm>> -> memref<1x2x128xi32, #tpu.memory_space<hbm>>
        %dma_start3A_67 = tpu.memref_squeeze %dma_start3A_66 : memref<1x2x128xi32, #tpu.memory_space<hbm>> -> memref<2x128xi32, #tpu.memory_space<hbm>>
        %dma_start3A_68 = arith.constant 0 : i32
        %dma_start3A_69 = arith.constant 0 : i32
        %dma_start3A_70 = tpu.memref_slice %arg4[%add3A_4, %dma_start3A_68, %dma_start3A_69] : memref<1875x2x128xi32, #tpu.memory_space<hbm>> -> memref<1x2x128xi32, #tpu.memory_space<hbm>>
        %dma_start3A_71 = tpu.memref_squeeze %dma_start3A_70 : memref<1x2x128xi32, #tpu.memory_space<hbm>> -> memref<2x128xi32, #tpu.memory_space<hbm>>
        tpu.enqueue_dma source(%dma_start3A_71 : memref<2x128xi32, #tpu.memory_space<hbm>>) target(%arg12 : memref<2x128xi32, #tpu.memory_space<vmem>>) target_semaphore(%run_scoped3A : memref<!tpu.dma_semaphore, #tpu.memory_space<semaphore_mem>>)
        %dma_wait3A = arith.constant 0 : i32
        %dma_wait3A_72 = arith.constant 0 : i32
        %dma_wait3A_73 = tpu.memref_slice %arg4[%add3A_4, %dma_wait3A, %dma_wait3A_72] : memref<1875x2x128xi32, #tpu.memory_space<hbm>> -> memref<1x2x128xi32, #tpu.memory_space<hbm>>
        %dma_wait3A_74 = tpu.memref_squeeze %dma_wait3A_73 : memref<1x2x128xi32, #tpu.memory_space<hbm>> -> memref<2x128xi32, #tpu.memory_space<hbm>>
        %dma_wait3A_75 = arith.constant 0 : i32
        %dma_wait3A_76 = arith.constant 0 : i32
        %dma_wait3A_77 = tpu.memref_slice %arg4[%add3A_4, %dma_wait3A_75, %dma_wait3A_76] : memref<1875x2x128xi32, #tpu.memory_space<hbm>> -> memref<1x2x128xi32, #tpu.memory_space<hbm>>
        %dma_wait3A_78 = tpu.memref_squeeze %dma_wait3A_77 : memref<1x2x128xi32, #tpu.memory_space<hbm>> -> memref<2x128xi32, #tpu.memory_space<hbm>>
        tpu.wait_dma2 semaphore(%run_scoped3A : memref<!tpu.dma_semaphore, #tpu.memory_space<semaphore_mem>>) src(%dma_wait3A_78 : memref<2x128xi32, #tpu.memory_space<hbm>>) dst(%arg12 : memref<2x128xi32, #tpu.memory_space<vmem>>)
        tpu.yield
      }) : () -> ()
      %dma_start3A = arith.constant 0 : i32
      %dma_start3A_51 = arith.constant 0 : i32
      %dma_start3A_52 = tpu.memref_slice %arg12[%dma_start3A, %dma_start3A_51] : memref<2x128xi32, #tpu.memory_space<vmem>> -> memref<1x128xi32, #tpu.memory_space<vmem>>
      %dma_start3A_53 = tpu.memref_squeeze %dma_start3A_52 : memref<1x128xi32, #tpu.memory_space<vmem>> -> memref<128xi32, #tpu.memory_space<vmem>>
      %dma_start3A_54 = arith.constant 0 : i32
      %dma_start3A_55 = arith.constant 0 : i32
      %dma_start3A_56 = tpu.memref_slice %arg2[%dma_start3A_54, %dma_start3A_55] : memref<50000x128xf32, #tpu.memory_space<hbm>> -> memref<50000x128xf32, #tpu.memory_space<hbm>>
      tpu.enqueue_indirect_dma source(%dma_start3A_56 : memref<50000x128xf32, #tpu.memory_space<hbm>>) target(%arg15 : memref<128x128xf32, #tpu.memory_space<vmem>>) offsets(%dma_start3A_53 : memref<128xi32, #tpu.memory_space<vmem>>) semaphore(%arg6 : memref<!tpu.dma_semaphore, #tpu.memory_space<semaphore_mem>>)
      %dma_start3A_57 = arith.constant 1 : i32
      %dma_start3A_58 = arith.constant 0 : i32
      %dma_start3A_59 = tpu.memref_slice %arg12[%dma_start3A_57, %dma_start3A_58] : memref<2x128xi32, #tpu.memory_space<vmem>> -> memref<1x128xi32, #tpu.memory_space<vmem>>
      %dma_start3A_60 = tpu.memref_squeeze %dma_start3A_59 : memref<1x128xi32, #tpu.memory_space<vmem>> -> memref<128xi32, #tpu.memory_space<vmem>>
      %dma_start3A_61 = arith.constant 0 : i32
      %dma_start3A_62 = arith.constant 0 : i32
      %dma_start3A_63 = tpu.memref_slice %arg3[%dma_start3A_61, %dma_start3A_62] : memref<50000x128xf32, #tpu.memory_space<hbm>> -> memref<50000x128xf32, #tpu.memory_space<hbm>>
      tpu.enqueue_indirect_dma source(%dma_start3A_63 : memref<50000x128xf32, #tpu.memory_space<hbm>>) target(%arg18 : memref<128x128xf32, #tpu.memory_space<vmem>>) offsets(%dma_start3A_60 : memref<128xi32, #tpu.memory_space<vmem>>) semaphore(%arg6 : memref<!tpu.dma_semaphore, #tpu.memory_space<semaphore_mem>>)
    } else {
    }
    %add3A_8 = arith.constant 1 : i32
    %add3A_9 = arith.addi %mul3A_2, %add3A_8 : i32
    %lt3A_10 = arith.constant 1875 : i32
    %lt3A_11 = arith.cmpi slt, %add3A_9, %lt3A_10 : i32
    %and3A_12 = arith.constant true
    %and3A_13 = arith.andi %lt3A_11, %and3A_12 : i1
    %convert_element_type3A_14 = arith.extui %and3A_13 : i1 to i32
    %cond3A_15 = arith.constant 0 : i32
    %cond3A_16 = arith.cmpi ne, %convert_element_type3A_14, %cond3A_15 : i32
    scf.if %cond3A_16 {
      "tpu.region"() ({
        %run_scoped3A = tpu.sem_alloc : memref<!tpu.dma_semaphore, #tpu.memory_space<semaphore_mem>>
        %dma_start3A_64 = arith.constant 0 : i32
        %dma_start3A_65 = arith.constant 0 : i32
        %dma_start3A_66 = tpu.memref_slice %arg4[%add3A_9, %dma_start3A_64, %dma_start3A_65] : memref<1875x2x128xi32, #tpu.memory_space<hbm>> -> memref<1x2x128xi32, #tpu.memory_space<hbm>>
        %dma_start3A_67 = tpu.memref_squeeze %dma_start3A_66 : memref<1x2x128xi32, #tpu.memory_space<hbm>> -> memref<2x128xi32, #tpu.memory_space<hbm>>
        %dma_start3A_68 = arith.constant 0 : i32
        %dma_start3A_69 = arith.constant 0 : i32
        %dma_start3A_70 = tpu.memref_slice %arg4[%add3A_9, %dma_start3A_68, %dma_start3A_69] : memref<1875x2x128xi32, #tpu.memory_space<hbm>> -> memref<1x2x128xi32, #tpu.memory_space<hbm>>
        %dma_start3A_71 = tpu.memref_squeeze %dma_start3A_70 : memref<1x2x128xi32, #tpu.memory_space<hbm>> -> memref<2x128xi32, #tpu.memory_space<hbm>>
        tpu.enqueue_dma source(%dma_start3A_71 : memref<2x128xi32, #tpu.memory_space<hbm>>) target(%arg13 : memref<2x128xi32, #tpu.memory_space<vmem>>) target_semaphore(%run_scoped3A : memref<!tpu.dma_semaphore, #tpu.memory_space<semaphore_mem>>)
        %dma_wait3A = arith.constant 0 : i32
        %dma_wait3A_72 = arith.constant 0 : i32
        %dma_wait3A_73 = tpu.memref_slice %arg4[%add3A_9, %dma_wait3A, %dma_wait3A_72] : memref<1875x2x128xi32, #tpu.memory_space<hbm>> -> memref<1x2x128xi32, #tpu.memory_space<hbm>>
        %dma_wait3A_74 = tpu.memref_squeeze %dma_wait3A_73 : memref<1x2x128xi32, #tpu.memory_space<hbm>> -> memref<2x128xi32, #tpu.memory_space<hbm>>
        %dma_wait3A_75 = arith.constant 0 : i32
        %dma_wait3A_76 = arith.constant 0 : i32
        %dma_wait3A_77 = tpu.memref_slice %arg4[%add3A_9, %dma_wait3A_75, %dma_wait3A_76] : memref<1875x2x128xi32, #tpu.memory_space<hbm>> -> memref<1x2x128xi32, #tpu.memory_space<hbm>>
        %dma_wait3A_78 = tpu.memref_squeeze %dma_wait3A_77 : memref<1x2x128xi32, #tpu.memory_space<hbm>> -> memref<2x128xi32, #tpu.memory_space<hbm>>
        tpu.wait_dma2 semaphore(%run_scoped3A : memref<!tpu.dma_semaphore, #tpu.memory_space<semaphore_mem>>) src(%dma_wait3A_78 : memref<2x128xi32, #tpu.memory_space<hbm>>) dst(%arg13 : memref<2x128xi32, #tpu.memory_space<vmem>>)
        tpu.yield
      }) : () -> ()
      %dma_start3A = arith.constant 0 : i32
      %dma_start3A_51 = arith.constant 0 : i32
      %dma_start3A_52 = tpu.memref_slice %arg13[%dma_start3A, %dma_start3A_51] : memref<2x128xi32, #tpu.memory_space<vmem>> -> memref<1x128xi32, #tpu.memory_space<vmem>>
      %dma_start3A_53 = tpu.memref_squeeze %dma_start3A_52 : memref<1x128xi32, #tpu.memory_space<vmem>> -> memref<128xi32, #tpu.memory_space<vmem>>
      %dma_start3A_54 = arith.constant 0 : i32
      %dma_start3A_55 = arith.constant 0 : i32
      %dma_start3A_56 = tpu.memref_slice %arg2[%dma_start3A_54, %dma_start3A_55] : memref<50000x128xf32, #tpu.memory_space<hbm>> -> memref<50000x128xf32, #tpu.memory_space<hbm>>
      tpu.enqueue_indirect_dma source(%dma_start3A_56 : memref<50000x128xf32, #tpu.memory_space<hbm>>) target(%arg16 : memref<128x128xf32, #tpu.memory_space<vmem>>) offsets(%dma_start3A_53 : memref<128xi32, #tpu.memory_space<vmem>>) semaphore(%arg7 : memref<!tpu.dma_semaphore, #tpu.memory_space<semaphore_mem>>)
      %dma_start3A_57 = arith.constant 1 : i32
      %dma_start3A_58 = arith.constant 0 : i32
      %dma_start3A_59 = tpu.memref_slice %arg13[%dma_start3A_57, %dma_start3A_58] : memref<2x128xi32, #tpu.memory_space<vmem>> -> memref<1x128xi32, #tpu.memory_space<vmem>>
      %dma_start3A_60 = tpu.memref_squeeze %dma_start3A_59 : memref<1x128xi32, #tpu.memory_space<vmem>> -> memref<128xi32, #tpu.memory_space<vmem>>
      %dma_start3A_61 = arith.constant 0 : i32
      %dma_start3A_62 = arith.constant 0 : i32
      %dma_start3A_63 = tpu.memref_slice %arg3[%dma_start3A_61, %dma_start3A_62] : memref<50000x128xf32, #tpu.memory_space<hbm>> -> memref<50000x128xf32, #tpu.memory_space<hbm>>
      tpu.enqueue_indirect_dma source(%dma_start3A_63 : memref<50000x128xf32, #tpu.memory_space<hbm>>) target(%arg19 : memref<128x128xf32, #tpu.memory_space<vmem>>) offsets(%dma_start3A_60 : memref<128xi32, #tpu.memory_space<vmem>>) semaphore(%arg7 : memref<!tpu.dma_semaphore, #tpu.memory_space<semaphore_mem>>)
    } else {
    }
    %add3A_17 = arith.constant 2 : i32
    %add3A_18 = arith.addi %mul3A_2, %add3A_17 : i32
    %lt3A_19 = arith.constant 1875 : i32
    %lt3A_20 = arith.cmpi slt, %add3A_18, %lt3A_19 : i32
    %and3A_21 = arith.constant true
    %and3A_22 = arith.andi %lt3A_20, %and3A_21 : i1
    %convert_element_type3A_23 = arith.extui %and3A_22 : i1 to i32
    %cond3A_24 = arith.constant 0 : i32
    %cond3A_25 = arith.cmpi ne, %convert_element_type3A_23, %cond3A_24 : i32
    scf.if %cond3A_25 {
      "tpu.region"() ({
        %run_scoped3A = tpu.sem_alloc : memref<!tpu.dma_semaphore, #tpu.memory_space<semaphore_mem>>
        %dma_start3A_64 = arith.constant 0 : i32
        %dma_start3A_65 = arith.constant 0 : i32
        %dma_start3A_66 = tpu.memref_slice %arg4[%add3A_18, %dma_start3A_64, %dma_start3A_65] : memref<1875x2x128xi32, #tpu.memory_space<hbm>> -> memref<1x2x128xi32, #tpu.memory_space<hbm>>
        %dma_start3A_67 = tpu.memref_squeeze %dma_start3A_66 : memref<1x2x128xi32, #tpu.memory_space<hbm>> -> memref<2x128xi32, #tpu.memory_space<hbm>>
        %dma_start3A_68 = arith.constant 0 : i32
        %dma_start3A_69 = arith.constant 0 : i32
        %dma_start3A_70 = tpu.memref_slice %arg4[%add3A_18, %dma_start3A_68, %dma_start3A_69] : memref<1875x2x128xi32, #tpu.memory_space<hbm>> -> memref<1x2x128xi32, #tpu.memory_space<hbm>>
        %dma_start3A_71 = tpu.memref_squeeze %dma_start3A_70 : memref<1x2x128xi32, #tpu.memory_space<hbm>> -> memref<2x128xi32, #tpu.memory_space<hbm>>
        tpu.enqueue_dma source(%dma_start3A_71 : memref<2x128xi32, #tpu.memory_space<hbm>>) target(%arg14 : memref<2x128xi32, #tpu.memory_space<vmem>>) target_semaphore(%run_scoped3A : memref<!tpu.dma_semaphore, #tpu.memory_space<semaphore_mem>>)
        %dma_wait3A = arith.constant 0 : i32
        %dma_wait3A_72 = arith.constant 0 : i32
        %dma_wait3A_73 = tpu.memref_slice %arg4[%add3A_18, %dma_wait3A, %dma_wait3A_72] : memref<1875x2x128xi32, #tpu.memory_space<hbm>> -> memref<1x2x128xi32, #tpu.memory_space<hbm>>
        %dma_wait3A_74 = tpu.memref_squeeze %dma_wait3A_73 : memref<1x2x128xi32, #tpu.memory_space<hbm>> -> memref<2x128xi32, #tpu.memory_space<hbm>>
        %dma_wait3A_75 = arith.constant 0 : i32
        %dma_wait3A_76 = arith.constant 0 : i32
        %dma_wait3A_77 = tpu.memref_slice %arg4[%add3A_18, %dma_wait3A_75, %dma_wait3A_76] : memref<1875x2x128xi32, #tpu.memory_space<hbm>> -> memref<1x2x128xi32, #tpu.memory_space<hbm>>
        %dma_wait3A_78 = tpu.memref_squeeze %dma_wait3A_77 : memref<1x2x128xi32, #tpu.memory_space<hbm>> -> memref<2x128xi32, #tpu.memory_space<hbm>>
        tpu.wait_dma2 semaphore(%run_scoped3A : memref<!tpu.dma_semaphore, #tpu.memory_space<semaphore_mem>>) src(%dma_wait3A_78 : memref<2x128xi32, #tpu.memory_space<hbm>>) dst(%arg14 : memref<2x128xi32, #tpu.memory_space<vmem>>)
        tpu.yield
      }) : () -> ()
      %dma_start3A = arith.constant 0 : i32
      %dma_start3A_51 = arith.constant 0 : i32
      %dma_start3A_52 = tpu.memref_slice %arg14[%dma_start3A, %dma_start3A_51] : memref<2x128xi32, #tpu.memory_space<vmem>> -> memref<1x128xi32, #tpu.memory_space<vmem>>
      %dma_start3A_53 = tpu.memref_squeeze %dma_start3A_52 : memref<1x128xi32, #tpu.memory_space<vmem>> -> memref<128xi32, #tpu.memory_space<vmem>>
      %dma_start3A_54 = arith.constant 0 : i32
      %dma_start3A_55 = arith.constant 0 : i32
      %dma_start3A_56 = tpu.memref_slice %arg2[%dma_start3A_54, %dma_start3A_55] : memref<50000x128xf32, #tpu.memory_space<hbm>> -> memref<50000x128xf32, #tpu.memory_space<hbm>>
      tpu.enqueue_indirect_dma source(%dma_start3A_56 : memref<50000x128xf32, #tpu.memory_space<hbm>>) target(%arg17 : memref<128x128xf32, #tpu.memory_space<vmem>>) offsets(%dma_start3A_53 : memref<128xi32, #tpu.memory_space<vmem>>) semaphore(%arg8 : memref<!tpu.dma_semaphore, #tpu.memory_space<semaphore_mem>>)
      %dma_start3A_57 = arith.constant 1 : i32
      %dma_start3A_58 = arith.constant 0 : i32
      %dma_start3A_59 = tpu.memref_slice %arg14[%dma_start3A_57, %dma_start3A_58] : memref<2x128xi32, #tpu.memory_space<vmem>> -> memref<1x128xi32, #tpu.memory_space<vmem>>
      %dma_start3A_60 = tpu.memref_squeeze %dma_start3A_59 : memref<1x128xi32, #tpu.memory_space<vmem>> -> memref<128xi32, #tpu.memory_space<vmem>>
      %dma_start3A_61 = arith.constant 0 : i32
      %dma_start3A_62 = arith.constant 0 : i32
      %dma_start3A_63 = tpu.memref_slice %arg3[%dma_start3A_61, %dma_start3A_62] : memref<50000x128xf32, #tpu.memory_space<hbm>> -> memref<50000x128xf32, #tpu.memory_space<hbm>>
      tpu.enqueue_indirect_dma source(%dma_start3A_63 : memref<50000x128xf32, #tpu.memory_space<hbm>>) target(%arg20 : memref<128x128xf32, #tpu.memory_space<vmem>>) offsets(%dma_start3A_60 : memref<128xi32, #tpu.memory_space<vmem>>) semaphore(%arg8 : memref<!tpu.dma_semaphore, #tpu.memory_space<semaphore_mem>>)
    } else {
    }
    %scan3A = arith.constant 0 : i32
    %scan3A_26 = arith.constant 20 : i32
    %scan3A_27 = arith.addi %scan3A, %scan3A_26 : i32
    %scan3A_28 = arith.constant 1 : i32
    scf.for %scan3A_51 = %scan3A to %scan3A_27 step %scan3A_28  : i32 {
      %mul3A_52 = arith.constant 1 : i32
      %mul3A_53 = arith.muli %scan3A_51, %mul3A_52 : i32
      %add3A_54 = arith.constant 0 : i32
      %add3A_55 = arith.addi %add3A_54, %mul3A_53 : i32
      %mul3A_56 = arith.constant 3 : i32
      %mul3A_57 = arith.muli %add3A_55, %mul3A_56 : i32
      %add3A_58 = arith.constant 0 : i32
      %add3A_59 = arith.addi %mul3A_57, %add3A_58 : i32
      %add3A_60 = arith.addi %mul3A_2, %add3A_59 : i32
      %lt3A_61 = arith.constant 1875 : i32
      %lt3A_62 = arith.cmpi slt, %add3A_60, %lt3A_61 : i32
      %lt3A_63 = arith.constant 59 : i32
      %lt3A_64 = arith.cmpi slt, %add3A_59, %lt3A_63 : i32
      %and3A_65 = arith.andi %lt3A_62, %lt3A_64 : i1
      %convert_element_type3A_66 = arith.extui %and3A_65 : i1 to i32
      %cond3A_67 = arith.constant 0 : i32
      %cond3A_68 = arith.cmpi ne, %convert_element_type3A_66, %cond3A_67 : i32
      scf.if %cond3A_68 {
        %dma_wait3A = arith.constant 0 : i32
        %dma_wait3A_128 = arith.constant 0 : i32
        %dma_wait3A_129 = tpu.memref_slice %arg2[%dma_wait3A, %dma_wait3A_128] : memref<50000x128xf32, #tpu.memory_space<hbm>> -> memref<128x128xf32, #tpu.memory_space<hbm>>
        %dma_wait3A_130 = arith.constant 0 : i32
        %dma_wait3A_131 = arith.constant 0 : i32
        %dma_wait3A_132 = tpu.memref_slice %arg2[%dma_wait3A_130, %dma_wait3A_131] : memref<50000x128xf32, #tpu.memory_space<hbm>> -> memref<128x128xf32, #tpu.memory_space<hbm>>
        tpu.wait_dma2 semaphore(%arg6 : memref<!tpu.dma_semaphore, #tpu.memory_space<semaphore_mem>>) src(%dma_wait3A_132 : memref<128x128xf32, #tpu.memory_space<hbm>>) dst(%arg15 : memref<128x128xf32, #tpu.memory_space<vmem>>)
        %dma_wait3A_133 = arith.constant 0 : i32
        %dma_wait3A_134 = arith.constant 0 : i32
        %dma_wait3A_135 = tpu.memref_slice %arg2[%dma_wait3A_133, %dma_wait3A_134] : memref<50000x128xf32, #tpu.memory_space<hbm>> -> memref<128x128xf32, #tpu.memory_space<hbm>>
        %dma_wait3A_136 = arith.constant 0 : i32
        %dma_wait3A_137 = arith.constant 0 : i32
        %dma_wait3A_138 = tpu.memref_slice %arg2[%dma_wait3A_136, %dma_wait3A_137] : memref<50000x128xf32, #tpu.memory_space<hbm>> -> memref<128x128xf32, #tpu.memory_space<hbm>>
        tpu.wait_dma2 semaphore(%arg6 : memref<!tpu.dma_semaphore, #tpu.memory_space<semaphore_mem>>) src(%dma_wait3A_138 : memref<128x128xf32, #tpu.memory_space<hbm>>) dst(%arg18 : memref<128x128xf32, #tpu.memory_space<vmem>>)
        %scan3A_139 = arith.constant 0 : i32
        %scan3A_140 = arith.constant 128 : i32
        %scan3A_141 = arith.addi %scan3A_139, %scan3A_140 : i32
        %scan3A_142 = arith.constant 1 : i32
        scf.for %scan3A_150 = %scan3A_139 to %scan3A_141 step %scan3A_142  : i32 {
          %mul3A_151 = arith.constant 1 : i32
          %mul3A_152 = arith.muli %scan3A_150, %mul3A_151 : i32
          %add3A_153 = arith.constant 0 : i32
          %add3A_154 = arith.addi %add3A_153, %mul3A_152 : i32
          %get3A = arith.index_cast %add3A_154 : i32 to index
          %get3A_155 = arith.constant 0 : index
          %get3A_156 = tpu.vector_load %arg15[%get3A, %get3A_155] {strides = array<i32>} : memref<128x128xf32, #tpu.memory_space<vmem>>, vector<1x16xf32>,
          %get3A_157 = vector.shape_cast %get3A_156 : vector<1x16xf32> to vector<1x16xf32>
          %get3A_158 = arith.index_cast %add3A_154 : i32 to index
          %get3A_159 = arith.constant 0 : index
          %get3A_160 = tpu.vector_load %arg18[%get3A_158, %get3A_159] {strides = array<i32>} : memref<128x128xf32, #tpu.memory_space<vmem>>, vector<1x16xf32>,
          %get3A_161 = vector.shape_cast %get3A_160 : vector<1x16xf32> to vector<1x16xf32>
          %add3A_162 = arith.addf %get3A_157, %get3A_161 : vector<1x16xf32>
          %swap3A = arith.index_cast %add3A_154 : i32 to index
          %swap3A_163 = arith.constant 0 : index
          %swap3A_164 = tpu.vector_load %arg15[%swap3A, %swap3A_163] {strides = array<i32>} : memref<128x128xf32, #tpu.memory_space<vmem>>, vector<1x16xf32>,
          %swap3A_165 = vector.shape_cast %swap3A_164 : vector<1x16xf32> to vector<1x16xf32>
          %swap3A_166 = vector.shape_cast %add3A_162 : vector<1x16xf32> to vector<1x16xf32>
          tpu.vector_store %arg15[%swap3A, %swap3A_163], %swap3A_166 {strides = array<i32>} : memref<128x128xf32, #tpu.memory_space<vmem>>, vector<1x16xf32>,
          %get3A_167 = arith.index_cast %add3A_154 : i32 to index
          %get3A_168 = arith.constant 16 : index
          %get3A_169 = tpu.vector_load %arg15[%get3A_167, %get3A_168] {strides = array<i32>} : memref<128x128xf32, #tpu.memory_space<vmem>>, vector<1x16xf32>,
          %get3A_170 = vector.shape_cast %get3A_169 : vector<1x16xf32> to vector<1x16xf32>
          %get3A_171 = arith.index_cast %add3A_154 : i32 to index
          %get3A_172 = arith.constant 16 : index
          %get3A_173 = tpu.vector_load %arg18[%get3A_171, %get3A_172] {strides = array<i32>} : memref<128x128xf32, #tpu.memory_space<vmem>>, vector<1x16xf32>,
          %get3A_174 = vector.shape_cast %get3A_173 : vector<1x16xf32> to vector<1x16xf32>
          %add3A_175 = arith.addf %get3A_170, %get3A_174 : vector<1x16xf32>
          %swap3A_176 = arith.index_cast %add3A_154 : i32 to index
          %swap3A_177 = arith.constant 16 : index
          %swap3A_178 = tpu.vector_load %arg15[%swap3A_176, %swap3A_177] {strides = array<i32>} : memref<128x128xf32, #tpu.memory_space<vmem>>, vector<1x16xf32>,
          %swap3A_179 = vector.shape_cast %swap3A_178 : vector<1x16xf32> to vector<1x16xf32>
          %swap3A_180 = vector.shape_cast %add3A_175 : vector<1x16xf32> to vector<1x16xf32>
          tpu.vector_store %arg15[%swap3A_176, %swap3A_177], %swap3A_180 {strides = array<i32>} : memref<128x128xf32, #tpu.memory_space<vmem>>, vector<1x16xf32>,
          %get3A_181 = arith.index_cast %add3A_154 : i32 to index
          %get3A_182 = arith.constant 32 : index
          %get3A_183 = tpu.vector_load %arg15[%get3A_181, %get3A_182] {strides = array<i32>} : memref<128x128xf32, #tpu.memory_space<vmem>>, vector<1x16xf32>,
          %get3A_184 = vector.shape_cast %get3A_183 : vector<1x16xf32> to vector<1x16xf32>
          %get3A_185 = arith.index_cast %add3A_154 : i32 to index
          %get3A_186 = arith.constant 32 : index
          %get3A_187 = tpu.vector_load %arg18[%get3A_185, %get3A_186] {strides = array<i32>} : memref<128x128xf32, #tpu.memory_space<vmem>>, vector<1x16xf32>,
          %get3A_188 = vector.shape_cast %get3A_187 : vector<1x16xf32> to vector<1x16xf32>
          %add3A_189 = arith.addf %get3A_184, %get3A_188 : vector<1x16xf32>
          %swap3A_190 = arith.index_cast %add3A_154 : i32 to index
          %swap3A_191 = arith.constant 32 : index
          %swap3A_192 = tpu.vector_load %arg15[%swap3A_190, %swap3A_191] {strides = array<i32>} : memref<128x128xf32, #tpu.memory_space<vmem>>, vector<1x16xf32>,
          %swap3A_193 = vector.shape_cast %swap3A_192 : vector<1x16xf32> to vector<1x16xf32>
          %swap3A_194 = vector.shape_cast %add3A_189 : vector<1x16xf32> to vector<1x16xf32>
          tpu.vector_store %arg15[%swap3A_190, %swap3A_191], %swap3A_194 {strides = array<i32>} : memref<128x128xf32, #tpu.memory_space<vmem>>, vector<1x16xf32>,
          %get3A_195 = arith.index_cast %add3A_154 : i32 to index
          %get3A_196 = arith.constant 48 : index
          %get3A_197 = tpu.vector_load %arg15[%get3A_195, %get3A_196] {strides = array<i32>} : memref<128x128xf32, #tpu.memory_space<vmem>>, vector<1x16xf32>,
          %get3A_198 = vector.shape_cast %get3A_197 : vector<1x16xf32> to vector<1x16xf32>
          %get3A_199 = arith.index_cast %add3A_154 : i32 to index
          %get3A_200 = arith.constant 48 : index
          %get3A_201 = tpu.vector_load %arg18[%get3A_199, %get3A_200] {strides = array<i32>} : memref<128x128xf32, #tpu.memory_space<vmem>>, vector<1x16xf32>,
          %get3A_202 = vector.shape_cast %get3A_201 : vector<1x16xf32> to vector<1x16xf32>
          %add3A_203 = arith.addf %get3A_198, %get3A_202 : vector<1x16xf32>
          %swap3A_204 = arith.index_cast %add3A_154 : i32 to index
          %swap3A_205 = arith.constant 48 : index
          %swap3A_206 = tpu.vector_load %arg15[%swap3A_204, %swap3A_205] {strides = array<i32>} : memref<128x128xf32, #tpu.memory_space<vmem>>, vector<1x16xf32>,
          %swap3A_207 = vector.shape_cast %swap3A_206 : vector<1x16xf32> to vector<1x16xf32>
          %swap3A_208 = vector.shape_cast %add3A_203 : vector<1x16xf32> to vector<1x16xf32>
          tpu.vector_store %arg15[%swap3A_204, %swap3A_205], %swap3A_208 {strides = array<i32>} : memref<128x128xf32, #tpu.memory_space<vmem>>, vector<1x16xf32>,
          %get3A_209 = arith.index_cast %add3A_154 : i32 to index
          %get3A_210 = arith.constant 64 : index
          %get3A_211 = tpu.vector_load %arg15[%get3A_209, %get3A_210] {strides = array<i32>} : memref<128x128xf32, #tpu.memory_space<vmem>>, vector<1x16xf32>,
          %get3A_212 = vector.shape_cast %get3A_211 : vector<1x16xf32> to vector<1x16xf32>
          %get3A_213 = arith.index_cast %add3A_154 : i32 to index
          %get3A_214 = arith.constant 64 : index
          %get3A_215 = tpu.vector_load %arg18[%get3A_213, %get3A_214] {strides = array<i32>} : memref<128x128xf32, #tpu.memory_space<vmem>>, vector<1x16xf32>,
          %get3A_216 = vector.shape_cast %get3A_215 : vector<1x16xf32> to vector<1x16xf32>
          %add3A_217 = arith.addf %get3A_212, %get3A_216 : vector<1x16xf32>
          %swap3A_218 = arith.index_cast %add3A_154 : i32 to index
          %swap3A_219 = arith.constant 64 : index
          %swap3A_220 = tpu.vector_load %arg15[%swap3A_218, %swap3A_219] {strides = array<i32>} : memref<128x128xf32, #tpu.memory_space<vmem>>, vector<1x16xf32>,
          %swap3A_221 = vector.shape_cast %swap3A_220 : vector<1x16xf32> to vector<1x16xf32>
          %swap3A_222 = vector.shape_cast %add3A_217 : vector<1x16xf32> to vector<1x16xf32>
          tpu.vector_store %arg15[%swap3A_218, %swap3A_219], %swap3A_222 {strides = array<i32>} : memref<128x128xf32, #tpu.memory_space<vmem>>, vector<1x16xf32>,
          %get3A_223 = arith.index_cast %add3A_154 : i32 to index
          %get3A_224 = arith.constant 80 : index
          %get3A_225 = tpu.vector_load %arg15[%get3A_223, %get3A_224] {strides = array<i32>} : memref<128x128xf32, #tpu.memory_space<vmem>>, vector<1x16xf32>,
          %get3A_226 = vector.shape_cast %get3A_225 : vector<1x16xf32> to vector<1x16xf32>
          %get3A_227 = arith.index_cast %add3A_154 : i32 to index
          %get3A_228 = arith.constant 80 : index
          %get3A_229 = tpu.vector_load %arg18[%get3A_227, %get3A_228] {strides = array<i32>} : memref<128x128xf32, #tpu.memory_space<vmem>>, vector<1x16xf32>,
          %get3A_230 = vector.shape_cast %get3A_229 : vector<1x16xf32> to vector<1x16xf32>
          %add3A_231 = arith.addf %get3A_226, %get3A_230 : vector<1x16xf32>
          %swap3A_232 = arith.index_cast %add3A_154 : i32 to index
          %swap3A_233 = arith.constant 80 : index
          %swap3A_234 = tpu.vector_load %arg15[%swap3A_232, %swap3A_233] {strides = array<i32>} : memref<128x128xf32, #tpu.memory_space<vmem>>, vector<1x16xf32>,
          %swap3A_235 = vector.shape_cast %swap3A_234 : vector<1x16xf32> to vector<1x16xf32>
          %swap3A_236 = vector.shape_cast %add3A_231 : vector<1x16xf32> to vector<1x16xf32>
          tpu.vector_store %arg15[%swap3A_232, %swap3A_233], %swap3A_236 {strides = array<i32>} : memref<128x128xf32, #tpu.memory_space<vmem>>, vector<1x16xf32>,
          %get3A_237 = arith.index_cast %add3A_154 : i32 to index
          %get3A_238 = arith.constant 96 : index
          %get3A_239 = tpu.vector_load %arg15[%get3A_237, %get3A_238] {strides = array<i32>} : memref<128x128xf32, #tpu.memory_space<vmem>>, vector<1x16xf32>,
          %get3A_240 = vector.shape_cast %get3A_239 : vector<1x16xf32> to vector<1x16xf32>
          %get3A_241 = arith.index_cast %add3A_154 : i32 to index
          %get3A_242 = arith.constant 96 : index
          %get3A_243 = tpu.vector_load %arg18[%get3A_241, %get3A_242] {strides = array<i32>} : memref<128x128xf32, #tpu.memory_space<vmem>>, vector<1x16xf32>,
          %get3A_244 = vector.shape_cast %get3A_243 : vector<1x16xf32> to vector<1x16xf32>
          %add3A_245 = arith.addf %get3A_240, %get3A_244 : vector<1x16xf32>
          %swap3A_246 = arith.index_cast %add3A_154 : i32 to index
          %swap3A_247 = arith.constant 96 : index
          %swap3A_248 = tpu.vector_load %arg15[%swap3A_246, %swap3A_247] {strides = array<i32>} : memref<128x128xf32, #tpu.memory_space<vmem>>, vector<1x16xf32>,
          %swap3A_249 = vector.shape_cast %swap3A_248 : vector<1x16xf32> to vector<1x16xf32>
          %swap3A_250 = vector.shape_cast %add3A_245 : vector<1x16xf32> to vector<1x16xf32>
          tpu.vector_store %arg15[%swap3A_246, %swap3A_247], %swap3A_250 {strides = array<i32>} : memref<128x128xf32, #tpu.memory_space<vmem>>, vector<1x16xf32>,
          %get3A_251 = arith.index_cast %add3A_154 : i32 to index
          %get3A_252 = arith.constant 112 : index
          %get3A_253 = tpu.vector_load %arg15[%get3A_251, %get3A_252] {strides = array<i32>} : memref<128x128xf32, #tpu.memory_space<vmem>>, vector<1x16xf32>,
          %get3A_254 = vector.shape_cast %get3A_253 : vector<1x16xf32> to vector<1x16xf32>
          %get3A_255 = arith.index_cast %add3A_154 : i32 to index
          %get3A_256 = arith.constant 112 : index
          %get3A_257 = tpu.vector_load %arg18[%get3A_255, %get3A_256] {strides = array<i32>} : memref<128x128xf32, #tpu.memory_space<vmem>>, vector<1x16xf32>,
          %get3A_258 = vector.shape_cast %get3A_257 : vector<1x16xf32> to vector<1x16xf32>
          %add3A_259 = arith.addf %get3A_254, %get3A_258 : vector<1x16xf32>
          %swap3A_260 = arith.index_cast %add3A_154 : i32 to index
          %swap3A_261 = arith.constant 112 : index
          %swap3A_262 = tpu.vector_load %arg15[%swap3A_260, %swap3A_261] {strides = array<i32>} : memref<128x128xf32, #tpu.memory_space<vmem>>, vector<1x16xf32>,
          %swap3A_263 = vector.shape_cast %swap3A_262 : vector<1x16xf32> to vector<1x16xf32>
          %swap3A_264 = vector.shape_cast %add3A_259 : vector<1x16xf32> to vector<1x16xf32>
          tpu.vector_store %arg15[%swap3A_260, %swap3A_261], %swap3A_264 {strides = array<i32>} : memref<128x128xf32, #tpu.memory_space<vmem>>, vector<1x16xf32>,
        }
        %scan3A_143 = arith.constant 128 : i32
        %mul3A_144 = arith.constant 128 : i32
        %mul3A_145 = arith.muli %add3A_60, %mul3A_144 : i32
        %min3A = arith.constant 239872 : i32
        %min3A_146 = arith.minsi %mul3A_145, %min3A : i32
        %dma_start3A = arith.constant 0 : i32
        %dma_start3A_147 = tpu.memref_slice %arg5[%min3A_146, %dma_start3A] : memref<240000x128xf32, #tpu.memory_space<hbm>> -> memref<128x128xf32, #tpu.memory_space<hbm>>
        %dma_start3A_148 = arith.constant 0 : i32
        %dma_start3A_149 = tpu.memref_slice %arg5[%min3A_146, %dma_start3A_148] : memref<240000x128xf32, #tpu.memory_space<hbm>> -> memref<128x128xf32, #tpu.memory_space<hbm>>
        tpu.enqueue_dma source(%arg15 : memref<128x128xf32, #tpu.memory_space<vmem>>) target(%dma_start3A_149 : memref<128x128xf32, #tpu.memory_space<hbm>>) target_semaphore(%arg9 : memref<!tpu.dma_semaphore, #tpu.memory_space<semaphore_mem>>)
      } else {
      }
      %add3A_69 = arith.constant 3 : i32
      %add3A_70 = arith.addi %add3A_59, %add3A_69 : i32
      %add3A_71 = arith.addi %mul3A_2, %add3A_70 : i32
      %lt3A_72 = arith.constant 1875 : i32
      %lt3A_73 = arith.cmpi slt, %add3A_71, %lt3A_72 : i32
      %lt3A_74 = arith.constant 59 : i32
      %lt3A_75 = arith.cmpi slt, %add3A_70, %lt3A_74 : i32
      %and3A_76 = arith.andi %lt3A_73, %lt3A_75 : i1
      %convert_element_type3A_77 = arith.extui %and3A_76 : i1 to i32
      %cond3A_78 = arith.constant 0 : i32
      %cond3A_79 = arith.cmpi ne, %convert_element_type3A_77, %cond3A_78 : i32
      scf.if %cond3A_79 {
        %dma_wait3A = arith.constant 0 : i32
        %dma_wait3A_128 = arith.constant 0 : i32
        %dma_wait3A_129 = tpu.memref_slice %arg2[%dma_wait3A, %dma_wait3A_128] : memref<50000x128xf32, #tpu.memory_space<hbm>> -> memref<128x128xf32, #tpu.memory_space<hbm>>
        %dma_wait3A_130 = arith.constant 0 : i32
        %dma_wait3A_131 = arith.constant 0 : i32
        %dma_wait3A_132 = tpu.memref_slice %arg2[%dma_wait3A_130, %dma_wait3A_131] : memref<50000x128xf32, #tpu.memory_space<hbm>> -> memref<128x128xf32, #tpu.memory_space<hbm>>
        tpu.wait_dma2 semaphore(%arg9 : memref<!tpu.dma_semaphore, #tpu.memory_space<semaphore_mem>>) src(%dma_wait3A_132 : memref<128x128xf32, #tpu.memory_space<hbm>>) dst(%arg15 : memref<128x128xf32, #tpu.memory_space<vmem>>)
        "tpu.region"() ({
          %run_scoped3A = tpu.sem_alloc : memref<!tpu.dma_semaphore, #tpu.memory_space<semaphore_mem>>
          %dma_start3A_146 = arith.constant 0 : i32
          %dma_start3A_147 = arith.constant 0 : i32
          %dma_start3A_148 = tpu.memref_slice %arg4[%add3A_71, %dma_start3A_146, %dma_start3A_147] : memref<1875x2x128xi32, #tpu.memory_space<hbm>> -> memref<1x2x128xi32, #tpu.memory_space<hbm>>
          %dma_start3A_149 = tpu.memref_squeeze %dma_start3A_148 : memref<1x2x128xi32, #tpu.memory_space<hbm>> -> memref<2x128xi32, #tpu.memory_space<hbm>>
          %dma_start3A_150 = arith.constant 0 : i32
          %dma_start3A_151 = arith.constant 0 : i32
          %dma_start3A_152 = tpu.memref_slice %arg4[%add3A_71, %dma_start3A_150, %dma_start3A_151] : memref<1875x2x128xi32, #tpu.memory_space<hbm>> -> memref<1x2x128xi32, #tpu.memory_space<hbm>>
          %dma_start3A_153 = tpu.memref_squeeze %dma_start3A_152 : memref<1x2x128xi32, #tpu.memory_space<hbm>> -> memref<2x128xi32, #tpu.memory_space<hbm>>
          tpu.enqueue_dma source(%dma_start3A_153 : memref<2x128xi32, #tpu.memory_space<hbm>>) target(%arg12 : memref<2x128xi32, #tpu.memory_space<vmem>>) target_semaphore(%run_scoped3A : memref<!tpu.dma_semaphore, #tpu.memory_space<semaphore_mem>>)
          %dma_wait3A_154 = arith.constant 0 : i32
          %dma_wait3A_155 = arith.constant 0 : i32
          %dma_wait3A_156 = tpu.memref_slice %arg4[%add3A_71, %dma_wait3A_154, %dma_wait3A_155] : memref<1875x2x128xi32, #tpu.memory_space<hbm>> -> memref<1x2x128xi32, #tpu.memory_space<hbm>>
          %dma_wait3A_157 = tpu.memref_squeeze %dma_wait3A_156 : memref<1x2x128xi32, #tpu.memory_space<hbm>> -> memref<2x128xi32, #tpu.memory_space<hbm>>
          %dma_wait3A_158 = arith.constant 0 : i32
          %dma_wait3A_159 = arith.constant 0 : i32
          %dma_wait3A_160 = tpu.memref_slice %arg4[%add3A_71, %dma_wait3A_158, %dma_wait3A_159] : memref<1875x2x128xi32, #tpu.memory_space<hbm>> -> memref<1x2x128xi32, #tpu.memory_space<hbm>>
          %dma_wait3A_161 = tpu.memref_squeeze %dma_wait3A_160 : memref<1x2x128xi32, #tpu.memory_space<hbm>> -> memref<2x128xi32, #tpu.memory_space<hbm>>
          tpu.wait_dma2 semaphore(%run_scoped3A : memref<!tpu.dma_semaphore, #tpu.memory_space<semaphore_mem>>) src(%dma_wait3A_161 : memref<2x128xi32, #tpu.memory_space<hbm>>) dst(%arg12 : memref<2x128xi32, #tpu.memory_space<vmem>>)
          tpu.yield
        }) : () -> ()
        %dma_start3A = arith.constant 0 : i32
        %dma_start3A_133 = arith.constant 0 : i32
        %dma_start3A_134 = tpu.memref_slice %arg12[%dma_start3A, %dma_start3A_133] : memref<2x128xi32, #tpu.memory_space<vmem>> -> memref<1x128xi32, #tpu.memory_space<vmem>>
        %dma_start3A_135 = tpu.memref_squeeze %dma_start3A_134 : memref<1x128xi32, #tpu.memory_space<vmem>> -> memref<128xi32, #tpu.memory_space<vmem>>
        %dma_start3A_136 = arith.constant 0 : i32
        %dma_start3A_137 = arith.constant 0 : i32
        %dma_start3A_138 = tpu.memref_slice %arg2[%dma_start3A_136, %dma_start3A_137] : memref<50000x128xf32, #tpu.memory_space<hbm>> -> memref<50000x128xf32, #tpu.memory_space<hbm>>
        tpu.enqueue_indirect_dma source(%dma_start3A_138 : memref<50000x128xf32, #tpu.memory_space<hbm>>) target(%arg15 : memref<128x128xf32, #tpu.memory_space<vmem>>) offsets(%dma_start3A_135 : memref<128xi32, #tpu.memory_space<vmem>>) semaphore(%arg6 : memref<!tpu.dma_semaphore, #tpu.memory_space<semaphore_mem>>)
        %dma_start3A_139 = arith.constant 1 : i32
        %dma_start3A_140 = arith.constant 0 : i32
        %dma_start3A_141 = tpu.memref_slice %arg12[%dma_start3A_139, %dma_start3A_140] : memref<2x128xi32, #tpu.memory_space<vmem>> -> memref<1x128xi32, #tpu.memory_space<vmem>>
        %dma_start3A_142 = tpu.memref_squeeze %dma_start3A_141 : memref<1x128xi32, #tpu.memory_space<vmem>> -> memref<128xi32, #tpu.memory_space<vmem>>
        %dma_start3A_143 = arith.constant 0 : i32
        %dma_start3A_144 = arith.constant 0 : i32
        %dma_start3A_145 = tpu.memref_slice %arg3[%dma_start3A_143, %dma_start3A_144] : memref<50000x128xf32, #tpu.memory_space<hbm>> -> memref<50000x128xf32, #tpu.memory_space<hbm>>
        tpu.enqueue_indirect_dma source(%dma_start3A_145 : memref<50000x128xf32, #tpu.memory_space<hbm>>) target(%arg18 : memref<128x128xf32, #tpu.memory_space<vmem>>) offsets(%dma_start3A_142 : memref<128xi32, #tpu.memory_space<vmem>>) semaphore(%arg6 : memref<!tpu.dma_semaphore, #tpu.memory_space<semaphore_mem>>)
      } else {
      }
      %mul3A_80 = arith.constant 3 : i32
      %mul3A_81 = arith.muli %add3A_55, %mul3A_80 : i32
      %add3A_82 = arith.constant 1 : i32
      %add3A_83 = arith.addi %mul3A_81, %add3A_82 : i32
      %add3A_84 = arith.addi %mul3A_2, %add3A_83 : i32
      %lt3A_85 = arith.constant 1875 : i32
      %lt3A_86 = arith.cmpi slt, %add3A_84, %lt3A_85 : i32
      %lt3A_87 = arith.constant 59 : i32
      %lt3A_88 = arith.cmpi slt, %add3A_83, %lt3A_87 : i32
      %and3A_89 = arith.andi %lt3A_86, %lt3A_88 : i1
      %convert_element_type3A_90 = arith.extui %and3A_89 : i1 to i32
      %cond3A_91 = arith.constant 0 : i32
      %cond3A_92 = arith.cmpi ne, %convert_element_type3A_90, %cond3A_91 : i32
      scf.if %cond3A_92 {
        %dma_wait3A = arith.constant 0 : i32
        %dma_wait3A_128 = arith.constant 0 : i32
        %dma_wait3A_129 = tpu.memref_slice %arg2[%dma_wait3A, %dma_wait3A_128] : memref<50000x128xf32, #tpu.memory_space<hbm>> -> memref<128x128xf32, #tpu.memory_space<hbm>>
        %dma_wait3A_130 = arith.constant 0 : i32
        %dma_wait3A_131 = arith.constant 0 : i32
        %dma_wait3A_132 = tpu.memref_slice %arg2[%dma_wait3A_130, %dma_wait3A_131] : memref<50000x128xf32, #tpu.memory_space<hbm>> -> memref<128x128xf32, #tpu.memory_space<hbm>>
        tpu.wait_dma2 semaphore(%arg7 : memref<!tpu.dma_semaphore, #tpu.memory_space<semaphore_mem>>) src(%dma_wait3A_132 : memref<128x128xf32, #tpu.memory_space<hbm>>) dst(%arg16 : memref<128x128xf32, #tpu.memory_space<vmem>>)
        %dma_wait3A_133 = arith.constant 0 : i32
        %dma_wait3A_134 = arith.constant 0 : i32
        %dma_wait3A_135 = tpu.memref_slice %arg2[%dma_wait3A_133, %dma_wait3A_134] : memref<50000x128xf32, #tpu.memory_space<hbm>> -> memref<128x128xf32, #tpu.memory_space<hbm>>
        %dma_wait3A_136 = arith.constant 0 : i32
        %dma_wait3A_137 = arith.constant 0 : i32
        %dma_wait3A_138 = tpu.memref_slice %arg2[%dma_wait3A_136, %dma_wait3A_137] : memref<50000x128xf32, #tpu.memory_space<hbm>> -> memref<128x128xf32, #tpu.memory_space<hbm>>
        tpu.wait_dma2 semaphore(%arg7 : memref<!tpu.dma_semaphore, #tpu.memory_space<semaphore_mem>>) src(%dma_wait3A_138 : memref<128x128xf32, #tpu.memory_space<hbm>>) dst(%arg19 : memref<128x128xf32, #tpu.memory_space<vmem>>)
        %scan3A_139 = arith.constant 0 : i32
        %scan3A_140 = arith.constant 128 : i32
        %scan3A_141 = arith.addi %scan3A_139, %scan3A_140 : i32
        %scan3A_142 = arith.constant 1 : i32
        scf.for %scan3A_150 = %scan3A_139 to %scan3A_141 step %scan3A_142  : i32 {
          %mul3A_151 = arith.constant 1 : i32
          %mul3A_152 = arith.muli %scan3A_150, %mul3A_151 : i32
          %add3A_153 = arith.constant 0 : i32
          %add3A_154 = arith.addi %add3A_153, %mul3A_152 : i32
          %get3A = arith.index_cast %add3A_154 : i32 to index
          %get3A_155 = arith.constant 0 : index
          %get3A_156 = tpu.vector_load %arg16[%get3A, %get3A_155] {strides = array<i32>} : memref<128x128xf32, #tpu.memory_space<vmem>>, vector<1x16xf32>,
          %get3A_157 = vector.shape_cast %get3A_156 : vector<1x16xf32> to vector<1x16xf32>
          %get3A_158 = arith.index_cast %add3A_154 : i32 to index
          %get3A_159 = arith.constant 0 : index
          %get3A_160 = tpu.vector_load %arg19[%get3A_158, %get3A_159] {strides = array<i32>} : memref<128x128xf32, #tpu.memory_space<vmem>>, vector<1x16xf32>,
          %get3A_161 = vector.shape_cast %get3A_160 : vector<1x16xf32> to vector<1x16xf32>
          %add3A_162 = arith.addf %get3A_157, %get3A_161 : vector<1x16xf32>
          %swap3A = arith.index_cast %add3A_154 : i32 to index
          %swap3A_163 = arith.constant 0 : index
          %swap3A_164 = tpu.vector_load %arg16[%swap3A, %swap3A_163] {strides = array<i32>} : memref<128x128xf32, #tpu.memory_space<vmem>>, vector<1x16xf32>,
          %swap3A_165 = vector.shape_cast %swap3A_164 : vector<1x16xf32> to vector<1x16xf32>
          %swap3A_166 = vector.shape_cast %add3A_162 : vector<1x16xf32> to vector<1x16xf32>
          tpu.vector_store %arg16[%swap3A, %swap3A_163], %swap3A_166 {strides = array<i32>} : memref<128x128xf32, #tpu.memory_space<vmem>>, vector<1x16xf32>,
          %get3A_167 = arith.index_cast %add3A_154 : i32 to index
          %get3A_168 = arith.constant 16 : index
          %get3A_169 = tpu.vector_load %arg16[%get3A_167, %get3A_168] {strides = array<i32>} : memref<128x128xf32, #tpu.memory_space<vmem>>, vector<1x16xf32>,
          %get3A_170 = vector.shape_cast %get3A_169 : vector<1x16xf32> to vector<1x16xf32>
          %get3A_171 = arith.index_cast %add3A_154 : i32 to index
          %get3A_172 = arith.constant 16 : index
          %get3A_173 = tpu.vector_load %arg19[%get3A_171, %get3A_172] {strides = array<i32>} : memref<128x128xf32, #tpu.memory_space<vmem>>, vector<1x16xf32>,
          %get3A_174 = vector.shape_cast %get3A_173 : vector<1x16xf32> to vector<1x16xf32>
          %add3A_175 = arith.addf %get3A_170, %get3A_174 : vector<1x16xf32>
          %swap3A_176 = arith.index_cast %add3A_154 : i32 to index
          %swap3A_177 = arith.constant 16 : index
          %swap3A_178 = tpu.vector_load %arg16[%swap3A_176, %swap3A_177] {strides = array<i32>} : memref<128x128xf32, #tpu.memory_space<vmem>>, vector<1x16xf32>,
          %swap3A_179 = vector.shape_cast %swap3A_178 : vector<1x16xf32> to vector<1x16xf32>
          %swap3A_180 = vector.shape_cast %add3A_175 : vector<1x16xf32> to vector<1x16xf32>
          tpu.vector_store %arg16[%swap3A_176, %swap3A_177], %swap3A_180 {strides = array<i32>} : memref<128x128xf32, #tpu.memory_space<vmem>>, vector<1x16xf32>,
          %get3A_181 = arith.index_cast %add3A_154 : i32 to index
          %get3A_182 = arith.constant 32 : index
          %get3A_183 = tpu.vector_load %arg16[%get3A_181, %get3A_182] {strides = array<i32>} : memref<128x128xf32, #tpu.memory_space<vmem>>, vector<1x16xf32>,
          %get3A_184 = vector.shape_cast %get3A_183 : vector<1x16xf32> to vector<1x16xf32>
          %get3A_185 = arith.index_cast %add3A_154 : i32 to index
          %get3A_186 = arith.constant 32 : index
          %get3A_187 = tpu.vector_load %arg19[%get3A_185, %get3A_186] {strides = array<i32>} : memref<128x128xf32, #tpu.memory_space<vmem>>, vector<1x16xf32>,
          %get3A_188 = vector.shape_cast %get3A_187 : vector<1x16xf32> to vector<1x16xf32>
          %add3A_189 = arith.addf %get3A_184, %get3A_188 : vector<1x16xf32>
          %swap3A_190 = arith.index_cast %add3A_154 : i32 to index
          %swap3A_191 = arith.constant 32 : index
          %swap3A_192 = tpu.vector_load %arg16[%swap3A_190, %swap3A_191] {strides = array<i32>} : memref<128x128xf32, #tpu.memory_space<vmem>>, vector<1x16xf32>,
          %swap3A_193 = vector.shape_cast %swap3A_192 : vector<1x16xf32> to vector<1x16xf32>
          %swap3A_194 = vector.shape_cast %add3A_189 : vector<1x16xf32> to vector<1x16xf32>
          tpu.vector_store %arg16[%swap3A_190, %swap3A_191], %swap3A_194 {strides = array<i32>} : memref<128x128xf32, #tpu.memory_space<vmem>>, vector<1x16xf32>,
          %get3A_195 = arith.index_cast %add3A_154 : i32 to index
          %get3A_196 = arith.constant 48 : index
          %get3A_197 = tpu.vector_load %arg16[%get3A_195, %get3A_196] {strides = array<i32>} : memref<128x128xf32, #tpu.memory_space<vmem>>, vector<1x16xf32>,
          %get3A_198 = vector.shape_cast %get3A_197 : vector<1x16xf32> to vector<1x16xf32>
          %get3A_199 = arith.index_cast %add3A_154 : i32 to index
          %get3A_200 = arith.constant 48 : index
          %get3A_201 = tpu.vector_load %arg19[%get3A_199, %get3A_200] {strides = array<i32>} : memref<128x128xf32, #tpu.memory_space<vmem>>, vector<1x16xf32>,
          %get3A_202 = vector.shape_cast %get3A_201 : vector<1x16xf32> to vector<1x16xf32>
          %add3A_203 = arith.addf %get3A_198, %get3A_202 : vector<1x16xf32>
          %swap3A_204 = arith.index_cast %add3A_154 : i32 to index
          %swap3A_205 = arith.constant 48 : index
          %swap3A_206 = tpu.vector_load %arg16[%swap3A_204, %swap3A_205] {strides = array<i32>} : memref<128x128xf32, #tpu.memory_space<vmem>>, vector<1x16xf32>,
          %swap3A_207 = vector.shape_cast %swap3A_206 : vector<1x16xf32> to vector<1x16xf32>
          %swap3A_208 = vector.shape_cast %add3A_203 : vector<1x16xf32> to vector<1x16xf32>
          tpu.vector_store %arg16[%swap3A_204, %swap3A_205], %swap3A_208 {strides = array<i32>} : memref<128x128xf32, #tpu.memory_space<vmem>>, vector<1x16xf32>,
          %get3A_209 = arith.index_cast %add3A_154 : i32 to index
          %get3A_210 = arith.constant 64 : index
          %get3A_211 = tpu.vector_load %arg16[%get3A_209, %get3A_210] {strides = array<i32>} : memref<128x128xf32, #tpu.memory_space<vmem>>, vector<1x16xf32>,
          %get3A_212 = vector.shape_cast %get3A_211 : vector<1x16xf32> to vector<1x16xf32>
          %get3A_213 = arith.index_cast %add3A_154 : i32 to index
          %get3A_214 = arith.constant 64 : index
          %get3A_215 = tpu.vector_load %arg19[%get3A_213, %get3A_214] {strides = array<i32>} : memref<128x128xf32, #tpu.memory_space<vmem>>, vector<1x16xf32>,
          %get3A_216 = vector.shape_cast %get3A_215 : vector<1x16xf32> to vector<1x16xf32>
          %add3A_217 = arith.addf %get3A_212, %get3A_216 : vector<1x16xf32>
          %swap3A_218 = arith.index_cast %add3A_154 : i32 to index
          %swap3A_219 = arith.constant 64 : index
          %swap3A_220 = tpu.vector_load %arg16[%swap3A_218, %swap3A_219] {strides = array<i32>} : memref<128x128xf32, #tpu.memory_space<vmem>>, vector<1x16xf32>,
          %swap3A_221 = vector.shape_cast %swap3A_220 : vector<1x16xf32> to vector<1x16xf32>
          %swap3A_222 = vector.shape_cast %add3A_217 : vector<1x16xf32> to vector<1x16xf32>
          tpu.vector_store %arg16[%swap3A_218, %swap3A_219], %swap3A_222 {strides = array<i32>} : memref<128x128xf32, #tpu.memory_space<vmem>>, vector<1x16xf32>,
          %get3A_223 = arith.index_cast %add3A_154 : i32 to index
          %get3A_224 = arith.constant 80 : index
          %get3A_225 = tpu.vector_load %arg16[%get3A_223, %get3A_224] {strides = array<i32>} : memref<128x128xf32, #tpu.memory_space<vmem>>, vector<1x16xf32>,
          %get3A_226 = vector.shape_cast %get3A_225 : vector<1x16xf32> to vector<1x16xf32>
          %get3A_227 = arith.index_cast %add3A_154 : i32 to index
          %get3A_228 = arith.constant 80 : index
          %get3A_229 = tpu.vector_load %arg19[%get3A_227, %get3A_228] {strides = array<i32>} : memref<128x128xf32, #tpu.memory_space<vmem>>, vector<1x16xf32>,
          %get3A_230 = vector.shape_cast %get3A_229 : vector<1x16xf32> to vector<1x16xf32>
          %add3A_231 = arith.addf %get3A_226, %get3A_230 : vector<1x16xf32>
          %swap3A_232 = arith.index_cast %add3A_154 : i32 to index
          %swap3A_233 = arith.constant 80 : index
          %swap3A_234 = tpu.vector_load %arg16[%swap3A_232, %swap3A_233] {strides = array<i32>} : memref<128x128xf32, #tpu.memory_space<vmem>>, vector<1x16xf32>,
          %swap3A_235 = vector.shape_cast %swap3A_234 : vector<1x16xf32> to vector<1x16xf32>
          %swap3A_236 = vector.shape_cast %add3A_231 : vector<1x16xf32> to vector<1x16xf32>
          tpu.vector_store %arg16[%swap3A_232, %swap3A_233], %swap3A_236 {strides = array<i32>} : memref<128x128xf32, #tpu.memory_space<vmem>>, vector<1x16xf32>,
          %get3A_237 = arith.index_cast %add3A_154 : i32 to index
          %get3A_238 = arith.constant 96 : index
          %get3A_239 = tpu.vector_load %arg16[%get3A_237, %get3A_238] {strides = array<i32>} : memref<128x128xf32, #tpu.memory_space<vmem>>, vector<1x16xf32>,
          %get3A_240 = vector.shape_cast %get3A_239 : vector<1x16xf32> to vector<1x16xf32>
          %get3A_241 = arith.index_cast %add3A_154 : i32 to index
          %get3A_242 = arith.constant 96 : index
          %get3A_243 = tpu.vector_load %arg19[%get3A_241, %get3A_242] {strides = array<i32>} : memref<128x128xf32, #tpu.memory_space<vmem>>, vector<1x16xf32>,
          %get3A_244 = vector.shape_cast %get3A_243 : vector<1x16xf32> to vector<1x16xf32>
          %add3A_245 = arith.addf %get3A_240, %get3A_244 : vector<1x16xf32>
          %swap3A_246 = arith.index_cast %add3A_154 : i32 to index
          %swap3A_247 = arith.constant 96 : index
          %swap3A_248 = tpu.vector_load %arg16[%swap3A_246, %swap3A_247] {strides = array<i32>} : memref<128x128xf32, #tpu.memory_space<vmem>>, vector<1x16xf32>,
          %swap3A_249 = vector.shape_cast %swap3A_248 : vector<1x16xf32> to vector<1x16xf32>
          %swap3A_250 = vector.shape_cast %add3A_245 : vector<1x16xf32> to vector<1x16xf32>
          tpu.vector_store %arg16[%swap3A_246, %swap3A_247], %swap3A_250 {strides = array<i32>} : memref<128x128xf32, #tpu.memory_space<vmem>>, vector<1x16xf32>,
          %get3A_251 = arith.index_cast %add3A_154 : i32 to index
          %get3A_252 = arith.constant 112 : index
          %get3A_253 = tpu.vector_load %arg16[%get3A_251, %get3A_252] {strides = array<i32>} : memref<128x128xf32, #tpu.memory_space<vmem>>, vector<1x16xf32>,
          %get3A_254 = vector.shape_cast %get3A_253 : vector<1x16xf32> to vector<1x16xf32>
          %get3A_255 = arith.index_cast %add3A_154 : i32 to index
          %get3A_256 = arith.constant 112 : index
          %get3A_257 = tpu.vector_load %arg19[%get3A_255, %get3A_256] {strides = array<i32>} : memref<128x128xf32, #tpu.memory_space<vmem>>, vector<1x16xf32>,
          %get3A_258 = vector.shape_cast %get3A_257 : vector<1x16xf32> to vector<1x16xf32>
          %add3A_259 = arith.addf %get3A_254, %get3A_258 : vector<1x16xf32>
          %swap3A_260 = arith.index_cast %add3A_154 : i32 to index
          %swap3A_261 = arith.constant 112 : index
          %swap3A_262 = tpu.vector_load %arg16[%swap3A_260, %swap3A_261] {strides = array<i32>} : memref<128x128xf32, #tpu.memory_space<vmem>>, vector<1x16xf32>,
          %swap3A_263 = vector.shape_cast %swap3A_262 : vector<1x16xf32> to vector<1x16xf32>
          %swap3A_264 = vector.shape_cast %add3A_259 : vector<1x16xf32> to vector<1x16xf32>
          tpu.vector_store %arg16[%swap3A_260, %swap3A_261], %swap3A_264 {strides = array<i32>} : memref<128x128xf32, #tpu.memory_space<vmem>>, vector<1x16xf32>,
        }
        %scan3A_143 = arith.constant 128 : i32
        %mul3A_144 = arith.constant 128 : i32
        %mul3A_145 = arith.muli %add3A_84, %mul3A_144 : i32
        %min3A = arith.constant 239872 : i32
        %min3A_146 = arith.minsi %mul3A_145, %min3A : i32
        %dma_start3A = arith.constant 0 : i32
        %dma_start3A_147 = tpu.memref_slice %arg5[%min3A_146, %dma_start3A] : memref<240000x128xf32, #tpu.memory_space<hbm>> -> memref<128x128xf32, #tpu.memory_space<hbm>>
        %dma_start3A_148 = arith.constant 0 : i32
        %dma_start3A_149 = tpu.memref_slice %arg5[%min3A_146, %dma_start3A_148] : memref<240000x128xf32, #tpu.memory_space<hbm>> -> memref<128x128xf32, #tpu.memory_space<hbm>>
        tpu.enqueue_dma source(%arg16 : memref<128x128xf32, #tpu.memory_space<vmem>>) target(%dma_start3A_149 : memref<128x128xf32, #tpu.memory_space<hbm>>) target_semaphore(%arg10 : memref<!tpu.dma_semaphore, #tpu.memory_space<semaphore_mem>>)
      } else {
      }
      %add3A_93 = arith.constant 3 : i32
      %add3A_94 = arith.addi %add3A_83, %add3A_93 : i32
      %add3A_95 = arith.addi %mul3A_2, %add3A_94 : i32
      %lt3A_96 = arith.constant 1875 : i32
      %lt3A_97 = arith.cmpi slt, %add3A_95, %lt3A_96 : i32
      %lt3A_98 = arith.constant 59 : i32
      %lt3A_99 = arith.cmpi slt, %add3A_94, %lt3A_98 : i32
      %and3A_100 = arith.andi %lt3A_97, %lt3A_99 : i1
      %convert_element_type3A_101 = arith.extui %and3A_100 : i1 to i32
      %cond3A_102 = arith.constant 0 : i32
      %cond3A_103 = arith.cmpi ne, %convert_element_type3A_101, %cond3A_102 : i32
      scf.if %cond3A_103 {
        %dma_wait3A = arith.constant 0 : i32
        %dma_wait3A_128 = arith.constant 0 : i32
        %dma_wait3A_129 = tpu.memref_slice %arg2[%dma_wait3A, %dma_wait3A_128] : memref<50000x128xf32, #tpu.memory_space<hbm>> -> memref<128x128xf32, #tpu.memory_space<hbm>>
        %dma_wait3A_130 = arith.constant 0 : i32
        %dma_wait3A_131 = arith.constant 0 : i32
        %dma_wait3A_132 = tpu.memref_slice %arg2[%dma_wait3A_130, %dma_wait3A_131] : memref<50000x128xf32, #tpu.memory_space<hbm>> -> memref<128x128xf32, #tpu.memory_space<hbm>>
        tpu.wait_dma2 semaphore(%arg10 : memref<!tpu.dma_semaphore, #tpu.memory_space<semaphore_mem>>) src(%dma_wait3A_132 : memref<128x128xf32, #tpu.memory_space<hbm>>) dst(%arg16 : memref<128x128xf32, #tpu.memory_space<vmem>>)
        "tpu.region"() ({
          %run_scoped3A = tpu.sem_alloc : memref<!tpu.dma_semaphore, #tpu.memory_space<semaphore_mem>>
          %dma_start3A_146 = arith.constant 0 : i32
          %dma_start3A_147 = arith.constant 0 : i32
          %dma_start3A_148 = tpu.memref_slice %arg4[%add3A_95, %dma_start3A_146, %dma_start3A_147] : memref<1875x2x128xi32, #tpu.memory_space<hbm>> -> memref<1x2x128xi32, #tpu.memory_space<hbm>>
          %dma_start3A_149 = tpu.memref_squeeze %dma_start3A_148 : memref<1x2x128xi32, #tpu.memory_space<hbm>> -> memref<2x128xi32, #tpu.memory_space<hbm>>
          %dma_start3A_150 = arith.constant 0 : i32
          %dma_start3A_151 = arith.constant 0 : i32
          %dma_start3A_152 = tpu.memref_slice %arg4[%add3A_95, %dma_start3A_150, %dma_start3A_151] : memref<1875x2x128xi32, #tpu.memory_space<hbm>> -> memref<1x2x128xi32, #tpu.memory_space<hbm>>
          %dma_start3A_153 = tpu.memref_squeeze %dma_start3A_152 : memref<1x2x128xi32, #tpu.memory_space<hbm>> -> memref<2x128xi32, #tpu.memory_space<hbm>>
          tpu.enqueue_dma source(%dma_start3A_153 : memref<2x128xi32, #tpu.memory_space<hbm>>) target(%arg13 : memref<2x128xi32, #tpu.memory_space<vmem>>) target_semaphore(%run_scoped3A : memref<!tpu.dma_semaphore, #tpu.memory_space<semaphore_mem>>)
          %dma_wait3A_154 = arith.constant 0 : i32
          %dma_wait3A_155 = arith.constant 0 : i32
          %dma_wait3A_156 = tpu.memref_slice %arg4[%add3A_95, %dma_wait3A_154, %dma_wait3A_155] : memref<1875x2x128xi32, #tpu.memory_space<hbm>> -> memref<1x2x128xi32, #tpu.memory_space<hbm>>
          %dma_wait3A_157 = tpu.memref_squeeze %dma_wait3A_156 : memref<1x2x128xi32, #tpu.memory_space<hbm>> -> memref<2x128xi32, #tpu.memory_space<hbm>>
          %dma_wait3A_158 = arith.constant 0 : i32
          %dma_wait3A_159 = arith.constant 0 : i32
          %dma_wait3A_160 = tpu.memref_slice %arg4[%add3A_95, %dma_wait3A_158, %dma_wait3A_159] : memref<1875x2x128xi32, #tpu.memory_space<hbm>> -> memref<1x2x128xi32, #tpu.memory_space<hbm>>
          %dma_wait3A_161 = tpu.memref_squeeze %dma_wait3A_160 : memref<1x2x128xi32, #tpu.memory_space<hbm>> -> memref<2x128xi32, #tpu.memory_space<hbm>>
          tpu.wait_dma2 semaphore(%run_scoped3A : memref<!tpu.dma_semaphore, #tpu.memory_space<semaphore_mem>>) src(%dma_wait3A_161 : memref<2x128xi32, #tpu.memory_space<hbm>>) dst(%arg13 : memref<2x128xi32, #tpu.memory_space<vmem>>)
          tpu.yield
        }) : () -> ()
        %dma_start3A = arith.constant 0 : i32
        %dma_start3A_133 = arith.constant 0 : i32
        %dma_start3A_134 = tpu.memref_slice %arg13[%dma_start3A, %dma_start3A_133] : memref<2x128xi32, #tpu.memory_space<vmem>> -> memref<1x128xi32, #tpu.memory_space<vmem>>
        %dma_start3A_135 = tpu.memref_squeeze %dma_start3A_134 : memref<1x128xi32, #tpu.memory_space<vmem>> -> memref<128xi32, #tpu.memory_space<vmem>>
        %dma_start3A_136 = arith.constant 0 : i32
        %dma_start3A_137 = arith.constant 0 : i32
        %dma_start3A_138 = tpu.memref_slice %arg2[%dma_start3A_136, %dma_start3A_137] : memref<50000x128xf32, #tpu.memory_space<hbm>> -> memref<50000x128xf32, #tpu.memory_space<hbm>>
        tpu.enqueue_indirect_dma source(%dma_start3A_138 : memref<50000x128xf32, #tpu.memory_space<hbm>>) target(%arg16 : memref<128x128xf32, #tpu.memory_space<vmem>>) offsets(%dma_start3A_135 : memref<128xi32, #tpu.memory_space<vmem>>) semaphore(%arg7 : memref<!tpu.dma_semaphore, #tpu.memory_space<semaphore_mem>>)
        %dma_start3A_139 = arith.constant 1 : i32
        %dma_start3A_140 = arith.constant 0 : i32
        %dma_start3A_141 = tpu.memref_slice %arg13[%dma_start3A_139, %dma_start3A_140] : memref<2x128xi32, #tpu.memory_space<vmem>> -> memref<1x128xi32, #tpu.memory_space<vmem>>
        %dma_start3A_142 = tpu.memref_squeeze %dma_start3A_141 : memref<1x128xi32, #tpu.memory_space<vmem>> -> memref<128xi32, #tpu.memory_space<vmem>>
        %dma_start3A_143 = arith.constant 0 : i32
        %dma_start3A_144 = arith.constant 0 : i32
        %dma_start3A_145 = tpu.memref_slice %arg3[%dma_start3A_143, %dma_start3A_144] : memref<50000x128xf32, #tpu.memory_space<hbm>> -> memref<50000x128xf32, #tpu.memory_space<hbm>>
        tpu.enqueue_indirect_dma source(%dma_start3A_145 : memref<50000x128xf32, #tpu.memory_space<hbm>>) target(%arg19 : memref<128x128xf32, #tpu.memory_space<vmem>>) offsets(%dma_start3A_142 : memref<128xi32, #tpu.memory_space<vmem>>) semaphore(%arg7 : memref<!tpu.dma_semaphore, #tpu.memory_space<semaphore_mem>>)
      } else {
      }
      %mul3A_104 = arith.constant 3 : i32
      %mul3A_105 = arith.muli %add3A_55, %mul3A_104 : i32
      %add3A_106 = arith.constant 2 : i32
      %add3A_107 = arith.addi %mul3A_105, %add3A_106 : i32
      %add3A_108 = arith.addi %mul3A_2, %add3A_107 : i32
      %lt3A_109 = arith.constant 1875 : i32
      %lt3A_110 = arith.cmpi slt, %add3A_108, %lt3A_109 : i32
      %lt3A_111 = arith.constant 59 : i32
      %lt3A_112 = arith.cmpi slt, %add3A_107, %lt3A_111 : i32
      %and3A_113 = arith.andi %lt3A_110, %lt3A_112 : i1
      %convert_element_type3A_114 = arith.extui %and3A_113 : i1 to i32
      %cond3A_115 = arith.constant 0 : i32
      %cond3A_116 = arith.cmpi ne, %convert_element_type3A_114, %cond3A_115 : i32
      scf.if %cond3A_116 {
        %dma_wait3A = arith.constant 0 : i32
        %dma_wait3A_128 = arith.constant 0 : i32
        %dma_wait3A_129 = tpu.memref_slice %arg2[%dma_wait3A, %dma_wait3A_128] : memref<50000x128xf32, #tpu.memory_space<hbm>> -> memref<128x128xf32, #tpu.memory_space<hbm>>
        %dma_wait3A_130 = arith.constant 0 : i32
        %dma_wait3A_131 = arith.constant 0 : i32
        %dma_wait3A_132 = tpu.memref_slice %arg2[%dma_wait3A_130, %dma_wait3A_131] : memref<50000x128xf32, #tpu.memory_space<hbm>> -> memref<128x128xf32, #tpu.memory_space<hbm>>
        tpu.wait_dma2 semaphore(%arg8 : memref<!tpu.dma_semaphore, #tpu.memory_space<semaphore_mem>>) src(%dma_wait3A_132 : memref<128x128xf32, #tpu.memory_space<hbm>>) dst(%arg17 : memref<128x128xf32, #tpu.memory_space<vmem>>)
        %dma_wait3A_133 = arith.constant 0 : i32
        %dma_wait3A_134 = arith.constant 0 : i32
        %dma_wait3A_135 = tpu.memref_slice %arg2[%dma_wait3A_133, %dma_wait3A_134] : memref<50000x128xf32, #tpu.memory_space<hbm>> -> memref<128x128xf32, #tpu.memory_space<hbm>>
        %dma_wait3A_136 = arith.constant 0 : i32
        %dma_wait3A_137 = arith.constant 0 : i32
        %dma_wait3A_138 = tpu.memref_slice %arg2[%dma_wait3A_136, %dma_wait3A_137] : memref<50000x128xf32, #tpu.memory_space<hbm>> -> memref<128x128xf32, #tpu.memory_space<hbm>>
        tpu.wait_dma2 semaphore(%arg8 : memref<!tpu.dma_semaphore, #tpu.memory_space<semaphore_mem>>) src(%dma_wait3A_138 : memref<128x128xf32, #tpu.memory_space<hbm>>) dst(%arg20 : memref<128x128xf32, #tpu.memory_space<vmem>>)
        %scan3A_139 = arith.constant 0 : i32
        %scan3A_140 = arith.constant 128 : i32
        %scan3A_141 = arith.addi %scan3A_139, %scan3A_140 : i32
        %scan3A_142 = arith.constant 1 : i32
        scf.for %scan3A_150 = %scan3A_139 to %scan3A_141 step %scan3A_142  : i32 {
          %mul3A_151 = arith.constant 1 : i32
          %mul3A_152 = arith.muli %scan3A_150, %mul3A_151 : i32
          %add3A_153 = arith.constant 0 : i32
          %add3A_154 = arith.addi %add3A_153, %mul3A_152 : i32
          %get3A = arith.index_cast %add3A_154 : i32 to index
          %get3A_155 = arith.constant 0 : index
          %get3A_156 = tpu.vector_load %arg17[%get3A, %get3A_155] {strides = array<i32>} : memref<128x128xf32, #tpu.memory_space<vmem>>, vector<1x16xf32>,
          %get3A_157 = vector.shape_cast %get3A_156 : vector<1x16xf32> to vector<1x16xf32>
          %get3A_158 = arith.index_cast %add3A_154 : i32 to index
          %get3A_159 = arith.constant 0 : index
          %get3A_160 = tpu.vector_load %arg20[%get3A_158, %get3A_159] {strides = array<i32>} : memref<128x128xf32, #tpu.memory_space<vmem>>, vector<1x16xf32>,
          %get3A_161 = vector.shape_cast %get3A_160 : vector<1x16xf32> to vector<1x16xf32>
          %add3A_162 = arith.addf %get3A_157, %get3A_161 : vector<1x16xf32>
          %swap3A = arith.index_cast %add3A_154 : i32 to index
          %swap3A_163 = arith.constant 0 : index
          %swap3A_164 = tpu.vector_load %arg17[%swap3A, %swap3A_163] {strides = array<i32>} : memref<128x128xf32, #tpu.memory_space<vmem>>, vector<1x16xf32>,
          %swap3A_165 = vector.shape_cast %swap3A_164 : vector<1x16xf32> to vector<1x16xf32>
          %swap3A_166 = vector.shape_cast %add3A_162 : vector<1x16xf32> to vector<1x16xf32>
          tpu.vector_store %arg17[%swap3A, %swap3A_163], %swap3A_166 {strides = array<i32>} : memref<128x128xf32, #tpu.memory_space<vmem>>, vector<1x16xf32>,
          %get3A_167 = arith.index_cast %add3A_154 : i32 to index
          %get3A_168 = arith.constant 16 : index
          %get3A_169 = tpu.vector_load %arg17[%get3A_167, %get3A_168] {strides = array<i32>} : memref<128x128xf32, #tpu.memory_space<vmem>>, vector<1x16xf32>,
          %get3A_170 = vector.shape_cast %get3A_169 : vector<1x16xf32> to vector<1x16xf32>
          %get3A_171 = arith.index_cast %add3A_154 : i32 to index
          %get3A_172 = arith.constant 16 : index
          %get3A_173 = tpu.vector_load %arg20[%get3A_171, %get3A_172] {strides = array<i32>} : memref<128x128xf32, #tpu.memory_space<vmem>>, vector<1x16xf32>,
          %get3A_174 = vector.shape_cast %get3A_173 : vector<1x16xf32> to vector<1x16xf32>
          %add3A_175 = arith.addf %get3A_170, %get3A_174 : vector<1x16xf32>
          %swap3A_176 = arith.index_cast %add3A_154 : i32 to index
          %swap3A_177 = arith.constant 16 : index
          %swap3A_178 = tpu.vector_load %arg17[%swap3A_176, %swap3A_177] {strides = array<i32>} : memref<128x128xf32, #tpu.memory_space<vmem>>, vector<1x16xf32>,
          %swap3A_179 = vector.shape_cast %swap3A_178 : vector<1x16xf32> to vector<1x16xf32>
          %swap3A_180 = vector.shape_cast %add3A_175 : vector<1x16xf32> to vector<1x16xf32>
          tpu.vector_store %arg17[%swap3A_176, %swap3A_177], %swap3A_180 {strides = array<i32>} : memref<128x128xf32, #tpu.memory_space<vmem>>, vector<1x16xf32>,
          %get3A_181 = arith.index_cast %add3A_154 : i32 to index
          %get3A_182 = arith.constant 32 : index
          %get3A_183 = tpu.vector_load %arg17[%get3A_181, %get3A_182] {strides = array<i32>} : memref<128x128xf32, #tpu.memory_space<vmem>>, vector<1x16xf32>,
          %get3A_184 = vector.shape_cast %get3A_183 : vector<1x16xf32> to vector<1x16xf32>
          %get3A_185 = arith.index_cast %add3A_154 : i32 to index
          %get3A_186 = arith.constant 32 : index
          %get3A_187 = tpu.vector_load %arg20[%get3A_185, %get3A_186] {strides = array<i32>} : memref<128x128xf32, #tpu.memory_space<vmem>>, vector<1x16xf32>,
          %get3A_188 = vector.shape_cast %get3A_187 : vector<1x16xf32> to vector<1x16xf32>
          %add3A_189 = arith.addf %get3A_184, %get3A_188 : vector<1x16xf32>
          %swap3A_190 = arith.index_cast %add3A_154 : i32 to index
          %swap3A_191 = arith.constant 32 : index
          %swap3A_192 = tpu.vector_load %arg17[%swap3A_190, %swap3A_191] {strides = array<i32>} : memref<128x128xf32, #tpu.memory_space<vmem>>, vector<1x16xf32>,
          %swap3A_193 = vector.shape_cast %swap3A_192 : vector<1x16xf32> to vector<1x16xf32>
          %swap3A_194 = vector.shape_cast %add3A_189 : vector<1x16xf32> to vector<1x16xf32>
          tpu.vector_store %arg17[%swap3A_190, %swap3A_191], %swap3A_194 {strides = array<i32>} : memref<128x128xf32, #tpu.memory_space<vmem>>, vector<1x16xf32>,
          %get3A_195 = arith.index_cast %add3A_154 : i32 to index
          %get3A_196 = arith.constant 48 : index
          %get3A_197 = tpu.vector_load %arg17[%get3A_195, %get3A_196] {strides = array<i32>} : memref<128x128xf32, #tpu.memory_space<vmem>>, vector<1x16xf32>,
          %get3A_198 = vector.shape_cast %get3A_197 : vector<1x16xf32> to vector<1x16xf32>
          %get3A_199 = arith.index_cast %add3A_154 : i32 to index
          %get3A_200 = arith.constant 48 : index
          %get3A_201 = tpu.vector_load %arg20[%get3A_199, %get3A_200] {strides = array<i32>} : memref<128x128xf32, #tpu.memory_space<vmem>>, vector<1x16xf32>,
          %get3A_202 = vector.shape_cast %get3A_201 : vector<1x16xf32> to vector<1x16xf32>
          %add3A_203 = arith.addf %get3A_198, %get3A_202 : vector<1x16xf32>
          %swap3A_204 = arith.index_cast %add3A_154 : i32 to index
          %swap3A_205 = arith.constant 48 : index
          %swap3A_206 = tpu.vector_load %arg17[%swap3A_204, %swap3A_205] {strides = array<i32>} : memref<128x128xf32, #tpu.memory_space<vmem>>, vector<1x16xf32>,
          %swap3A_207 = vector.shape_cast %swap3A_206 : vector<1x16xf32> to vector<1x16xf32>
          %swap3A_208 = vector.shape_cast %add3A_203 : vector<1x16xf32> to vector<1x16xf32>
          tpu.vector_store %arg17[%swap3A_204, %swap3A_205], %swap3A_208 {strides = array<i32>} : memref<128x128xf32, #tpu.memory_space<vmem>>, vector<1x16xf32>,
          %get3A_209 = arith.index_cast %add3A_154 : i32 to index
          %get3A_210 = arith.constant 64 : index
          %get3A_211 = tpu.vector_load %arg17[%get3A_209, %get3A_210] {strides = array<i32>} : memref<128x128xf32, #tpu.memory_space<vmem>>, vector<1x16xf32>,
          %get3A_212 = vector.shape_cast %get3A_211 : vector<1x16xf32> to vector<1x16xf32>
          %get3A_213 = arith.index_cast %add3A_154 : i32 to index
          %get3A_214 = arith.constant 64 : index
          %get3A_215 = tpu.vector_load %arg20[%get3A_213, %get3A_214] {strides = array<i32>} : memref<128x128xf32, #tpu.memory_space<vmem>>, vector<1x16xf32>,
          %get3A_216 = vector.shape_cast %get3A_215 : vector<1x16xf32> to vector<1x16xf32>
          %add3A_217 = arith.addf %get3A_212, %get3A_216 : vector<1x16xf32>
          %swap3A_218 = arith.index_cast %add3A_154 : i32 to index
          %swap3A_219 = arith.constant 64 : index
          %swap3A_220 = tpu.vector_load %arg17[%swap3A_218, %swap3A_219] {strides = array<i32>} : memref<128x128xf32, #tpu.memory_space<vmem>>, vector<1x16xf32>,
          %swap3A_221 = vector.shape_cast %swap3A_220 : vector<1x16xf32> to vector<1x16xf32>
          %swap3A_222 = vector.shape_cast %add3A_217 : vector<1x16xf32> to vector<1x16xf32>
          tpu.vector_store %arg17[%swap3A_218, %swap3A_219], %swap3A_222 {strides = array<i32>} : memref<128x128xf32, #tpu.memory_space<vmem>>, vector<1x16xf32>,
          %get3A_223 = arith.index_cast %add3A_154 : i32 to index
          %get3A_224 = arith.constant 80 : index
          %get3A_225 = tpu.vector_load %arg17[%get3A_223, %get3A_224] {strides = array<i32>} : memref<128x128xf32, #tpu.memory_space<vmem>>, vector<1x16xf32>,
          %get3A_226 = vector.shape_cast %get3A_225 : vector<1x16xf32> to vector<1x16xf32>
          %get3A_227 = arith.index_cast %add3A_154 : i32 to index
          %get3A_228 = arith.constant 80 : index
          %get3A_229 = tpu.vector_load %arg20[%get3A_227, %get3A_228] {strides = array<i32>} : memref<128x128xf32, #tpu.memory_space<vmem>>, vector<1x16xf32>,
          %get3A_230 = vector.shape_cast %get3A_229 : vector<1x16xf32> to vector<1x16xf32>
          %add3A_231 = arith.addf %get3A_226, %get3A_230 : vector<1x16xf32>
          %swap3A_232 = arith.index_cast %add3A_154 : i32 to index
          %swap3A_233 = arith.constant 80 : index
          %swap3A_234 = tpu.vector_load %arg17[%swap3A_232, %swap3A_233] {strides = array<i32>} : memref<128x128xf32, #tpu.memory_space<vmem>>, vector<1x16xf32>,
          %swap3A_235 = vector.shape_cast %swap3A_234 : vector<1x16xf32> to vector<1x16xf32>
          %swap3A_236 = vector.shape_cast %add3A_231 : vector<1x16xf32> to vector<1x16xf32>
          tpu.vector_store %arg17[%swap3A_232, %swap3A_233], %swap3A_236 {strides = array<i32>} : memref<128x128xf32, #tpu.memory_space<vmem>>, vector<1x16xf32>,
          %get3A_237 = arith.index_cast %add3A_154 : i32 to index
          %get3A_238 = arith.constant 96 : index
          %get3A_239 = tpu.vector_load %arg17[%get3A_237, %get3A_238] {strides = array<i32>} : memref<128x128xf32, #tpu.memory_space<vmem>>, vector<1x16xf32>,
          %get3A_240 = vector.shape_cast %get3A_239 : vector<1x16xf32> to vector<1x16xf32>
          %get3A_241 = arith.index_cast %add3A_154 : i32 to index
          %get3A_242 = arith.constant 96 : index
          %get3A_243 = tpu.vector_load %arg20[%get3A_241, %get3A_242] {strides = array<i32>} : memref<128x128xf32, #tpu.memory_space<vmem>>, vector<1x16xf32>,
          %get3A_244 = vector.shape_cast %get3A_243 : vector<1x16xf32> to vector<1x16xf32>
          %add3A_245 = arith.addf %get3A_240, %get3A_244 : vector<1x16xf32>
          %swap3A_246 = arith.index_cast %add3A_154 : i32 to index
          %swap3A_247 = arith.constant 96 : index
          %swap3A_248 = tpu.vector_load %arg17[%swap3A_246, %swap3A_247] {strides = array<i32>} : memref<128x128xf32, #tpu.memory_space<vmem>>, vector<1x16xf32>,
          %swap3A_249 = vector.shape_cast %swap3A_248 : vector<1x16xf32> to vector<1x16xf32>
          %swap3A_250 = vector.shape_cast %add3A_245 : vector<1x16xf32> to vector<1x16xf32>
          tpu.vector_store %arg17[%swap3A_246, %swap3A_247], %swap3A_250 {strides = array<i32>} : memref<128x128xf32, #tpu.memory_space<vmem>>, vector<1x16xf32>,
          %get3A_251 = arith.index_cast %add3A_154 : i32 to index
          %get3A_252 = arith.constant 112 : index
          %get3A_253 = tpu.vector_load %arg17[%get3A_251, %get3A_252] {strides = array<i32>} : memref<128x128xf32, #tpu.memory_space<vmem>>, vector<1x16xf32>,
          %get3A_254 = vector.shape_cast %get3A_253 : vector<1x16xf32> to vector<1x16xf32>
          %get3A_255 = arith.index_cast %add3A_154 : i32 to index
          %get3A_256 = arith.constant 112 : index
          %get3A_257 = tpu.vector_load %arg20[%get3A_255, %get3A_256] {strides = array<i32>} : memref<128x128xf32, #tpu.memory_space<vmem>>, vector<1x16xf32>,
          %get3A_258 = vector.shape_cast %get3A_257 : vector<1x16xf32> to vector<1x16xf32>
          %add3A_259 = arith.addf %get3A_254, %get3A_258 : vector<1x16xf32>
          %swap3A_260 = arith.index_cast %add3A_154 : i32 to index
          %swap3A_261 = arith.constant 112 : index
          %swap3A_262 = tpu.vector_load %arg17[%swap3A_260, %swap3A_261] {strides = array<i32>} : memref<128x128xf32, #tpu.memory_space<vmem>>, vector<1x16xf32>,
          %swap3A_263 = vector.shape_cast %swap3A_262 : vector<1x16xf32> to vector<1x16xf32>
          %swap3A_264 = vector.shape_cast %add3A_259 : vector<1x16xf32> to vector<1x16xf32>
          tpu.vector_store %arg17[%swap3A_260, %swap3A_261], %swap3A_264 {strides = array<i32>} : memref<128x128xf32, #tpu.memory_space<vmem>>, vector<1x16xf32>,
        }
        %scan3A_143 = arith.constant 128 : i32
        %mul3A_144 = arith.constant 128 : i32
        %mul3A_145 = arith.muli %add3A_108, %mul3A_144 : i32
        %min3A = arith.constant 239872 : i32
        %min3A_146 = arith.minsi %mul3A_145, %min3A : i32
        %dma_start3A = arith.constant 0 : i32
        %dma_start3A_147 = tpu.memref_slice %arg5[%min3A_146, %dma_start3A] : memref<240000x128xf32, #tpu.memory_space<hbm>> -> memref<128x128xf32, #tpu.memory_space<hbm>>
        %dma_start3A_148 = arith.constant 0 : i32
        %dma_start3A_149 = tpu.memref_slice %arg5[%min3A_146, %dma_start3A_148] : memref<240000x128xf32, #tpu.memory_space<hbm>> -> memref<128x128xf32, #tpu.memory_space<hbm>>
        tpu.enqueue_dma source(%arg17 : memref<128x128xf32, #tpu.memory_space<vmem>>) target(%dma_start3A_149 : memref<128x128xf32, #tpu.memory_space<hbm>>) target_semaphore(%arg11 : memref<!tpu.dma_semaphore, #tpu.memory_space<semaphore_mem>>)
      } else {
      }
      %add3A_117 = arith.constant 3 : i32
      %add3A_118 = arith.addi %add3A_107, %add3A_117 : i32
      %add3A_119 = arith.addi %mul3A_2, %add3A_118 : i32
      %lt3A_120 = arith.constant 1875 : i32
      %lt3A_121 = arith.cmpi slt, %add3A_119, %lt3A_120 : i32
      %lt3A_122 = arith.constant 59 : i32
      %lt3A_123 = arith.cmpi slt, %add3A_118, %lt3A_122 : i32
      %and3A_124 = arith.andi %lt3A_121, %lt3A_123 : i1
      %convert_element_type3A_125 = arith.extui %and3A_124 : i1 to i32
      %cond3A_126 = arith.constant 0 : i32
      %cond3A_127 = arith.cmpi ne, %convert_element_type3A_125, %cond3A_126 : i32
      scf.if %cond3A_127 {
        %dma_wait3A = arith.constant 0 : i32
        %dma_wait3A_128 = arith.constant 0 : i32
        %dma_wait3A_129 = tpu.memref_slice %arg2[%dma_wait3A, %dma_wait3A_128] : memref<50000x128xf32, #tpu.memory_space<hbm>> -> memref<128x128xf32, #tpu.memory_space<hbm>>
        %dma_wait3A_130 = arith.constant 0 : i32
        %dma_wait3A_131 = arith.constant 0 : i32
        %dma_wait3A_132 = tpu.memref_slice %arg2[%dma_wait3A_130, %dma_wait3A_131] : memref<50000x128xf32, #tpu.memory_space<hbm>> -> memref<128x128xf32, #tpu.memory_space<hbm>>
        tpu.wait_dma2 semaphore(%arg11 : memref<!tpu.dma_semaphore, #tpu.memory_space<semaphore_mem>>) src(%dma_wait3A_132 : memref<128x128xf32, #tpu.memory_space<hbm>>) dst(%arg17 : memref<128x128xf32, #tpu.memory_space<vmem>>)
        "tpu.region"() ({
          %run_scoped3A = tpu.sem_alloc : memref<!tpu.dma_semaphore, #tpu.memory_space<semaphore_mem>>
          %dma_start3A_146 = arith.constant 0 : i32
          %dma_start3A_147 = arith.constant 0 : i32
          %dma_start3A_148 = tpu.memref_slice %arg4[%add3A_119, %dma_start3A_146, %dma_start3A_147] : memref<1875x2x128xi32, #tpu.memory_space<hbm>> -> memref<1x2x128xi32, #tpu.memory_space<hbm>>
          %dma_start3A_149 = tpu.memref_squeeze %dma_start3A_148 : memref<1x2x128xi32, #tpu.memory_space<hbm>> -> memref<2x128xi32, #tpu.memory_space<hbm>>
          %dma_start3A_150 = arith.constant 0 : i32
          %dma_start3A_151 = arith.constant 0 : i32
          %dma_start3A_152 = tpu.memref_slice %arg4[%add3A_119, %dma_start3A_150, %dma_start3A_151] : memref<1875x2x128xi32, #tpu.memory_space<hbm>> -> memref<1x2x128xi32, #tpu.memory_space<hbm>>
          %dma_start3A_153 = tpu.memref_squeeze %dma_start3A_152 : memref<1x2x128xi32, #tpu.memory_space<hbm>> -> memref<2x128xi32, #tpu.memory_space<hbm>>
          tpu.enqueue_dma source(%dma_start3A_153 : memref<2x128xi32, #tpu.memory_space<hbm>>) target(%arg14 : memref<2x128xi32, #tpu.memory_space<vmem>>) target_semaphore(%run_scoped3A : memref<!tpu.dma_semaphore, #tpu.memory_space<semaphore_mem>>)
          %dma_wait3A_154 = arith.constant 0 : i32
          %dma_wait3A_155 = arith.constant 0 : i32
          %dma_wait3A_156 = tpu.memref_slice %arg4[%add3A_119, %dma_wait3A_154, %dma_wait3A_155] : memref<1875x2x128xi32, #tpu.memory_space<hbm>> -> memref<1x2x128xi32, #tpu.memory_space<hbm>>
          %dma_wait3A_157 = tpu.memref_squeeze %dma_wait3A_156 : memref<1x2x128xi32, #tpu.memory_space<hbm>> -> memref<2x128xi32, #tpu.memory_space<hbm>>
          %dma_wait3A_158 = arith.constant 0 : i32
          %dma_wait3A_159 = arith.constant 0 : i32
          %dma_wait3A_160 = tpu.memref_slice %arg4[%add3A_119, %dma_wait3A_158, %dma_wait3A_159] : memref<1875x2x128xi32, #tpu.memory_space<hbm>> -> memref<1x2x128xi32, #tpu.memory_space<hbm>>
          %dma_wait3A_161 = tpu.memref_squeeze %dma_wait3A_160 : memref<1x2x128xi32, #tpu.memory_space<hbm>> -> memref<2x128xi32, #tpu.memory_space<hbm>>
          tpu.wait_dma2 semaphore(%run_scoped3A : memref<!tpu.dma_semaphore, #tpu.memory_space<semaphore_mem>>) src(%dma_wait3A_161 : memref<2x128xi32, #tpu.memory_space<hbm>>) dst(%arg14 : memref<2x128xi32, #tpu.memory_space<vmem>>)
          tpu.yield
        }) : () -> ()
        %dma_start3A = arith.constant 0 : i32
        %dma_start3A_133 = arith.constant 0 : i32
        %dma_start3A_134 = tpu.memref_slice %arg14[%dma_start3A, %dma_start3A_133] : memref<2x128xi32, #tpu.memory_space<vmem>> -> memref<1x128xi32, #tpu.memory_space<vmem>>
        %dma_start3A_135 = tpu.memref_squeeze %dma_start3A_134 : memref<1x128xi32, #tpu.memory_space<vmem>> -> memref<128xi32, #tpu.memory_space<vmem>>
        %dma_start3A_136 = arith.constant 0 : i32
        %dma_start3A_137 = arith.constant 0 : i32
        %dma_start3A_138 = tpu.memref_slice %arg2[%dma_start3A_136, %dma_start3A_137] : memref<50000x128xf32, #tpu.memory_space<hbm>> -> memref<50000x128xf32, #tpu.memory_space<hbm>>
        tpu.enqueue_indirect_dma source(%dma_start3A_138 : memref<50000x128xf32, #tpu.memory_space<hbm>>) target(%arg17 : memref<128x128xf32, #tpu.memory_space<vmem>>) offsets(%dma_start3A_135 : memref<128xi32, #tpu.memory_space<vmem>>) semaphore(%arg8 : memref<!tpu.dma_semaphore, #tpu.memory_space<semaphore_mem>>)
        %dma_start3A_139 = arith.constant 1 : i32
        %dma_start3A_140 = arith.constant 0 : i32
        %dma_start3A_141 = tpu.memref_slice %arg14[%dma_start3A_139, %dma_start3A_140] : memref<2x128xi32, #tpu.memory_space<vmem>> -> memref<1x128xi32, #tpu.memory_space<vmem>>
        %dma_start3A_142 = tpu.memref_squeeze %dma_start3A_141 : memref<1x128xi32, #tpu.memory_space<vmem>> -> memref<128xi32, #tpu.memory_space<vmem>>
        %dma_start3A_143 = arith.constant 0 : i32
        %dma_start3A_144 = arith.constant 0 : i32
        %dma_start3A_145 = tpu.memref_slice %arg3[%dma_start3A_143, %dma_start3A_144] : memref<50000x128xf32, #tpu.memory_space<hbm>> -> memref<50000x128xf32, #tpu.memory_space<hbm>>
        tpu.enqueue_indirect_dma source(%dma_start3A_145 : memref<50000x128xf32, #tpu.memory_space<hbm>>) target(%arg20 : memref<128x128xf32, #tpu.memory_space<vmem>>) offsets(%dma_start3A_142 : memref<128xi32, #tpu.memory_space<vmem>>) semaphore(%arg8 : memref<!tpu.dma_semaphore, #tpu.memory_space<semaphore_mem>>)
      } else {
      }
    }
    %scan3A_29 = arith.constant 20 : i32
    %add3A_30 = arith.constant 0 : i32
    %add3A_31 = arith.addi %mul3A_2, %add3A_30 : i32
    %lt3A_32 = arith.constant 1875 : i32
    %lt3A_33 = arith.cmpi slt, %add3A_31, %lt3A_32 : i32
    %convert_element_type3A_34 = arith.extui %lt3A_33 : i1 to i32
    %cond3A_35 = arith.constant 0 : i32
    %cond3A_36 = arith.cmpi ne, %convert_element_type3A_34, %cond3A_35 : i32
    scf.if %cond3A_36 {
      %dma_wait3A = arith.constant 0 : i32
      %dma_wait3A_51 = arith.constant 0 : i32
      %dma_wait3A_52 = tpu.memref_slice %arg2[%dma_wait3A, %dma_wait3A_51] : memref<50000x128xf32, #tpu.memory_space<hbm>> -> memref<128x128xf32, #tpu.memory_space<hbm>>
      %dma_wait3A_53 = arith.constant 0 : i32
      %dma_wait3A_54 = arith.constant 0 : i32
      %dma_wait3A_55 = tpu.memref_slice %arg2[%dma_wait3A_53, %dma_wait3A_54] : memref<50000x128xf32, #tpu.memory_space<hbm>> -> memref<128x128xf32, #tpu.memory_space<hbm>>
      tpu.wait_dma2 semaphore(%arg9 : memref<!tpu.dma_semaphore, #tpu.memory_space<semaphore_mem>>) src(%dma_wait3A_55 : memref<128x128xf32, #tpu.memory_space<hbm>>) dst(%arg15 : memref<128x128xf32, #tpu.memory_space<vmem>>)
    } else {
    }
    %add3A_37 = arith.constant 1 : i32
    %add3A_38 = arith.addi %mul3A_2, %add3A_37 : i32
    %lt3A_39 = arith.constant 1875 : i32
    %lt3A_40 = arith.cmpi slt, %add3A_38, %lt3A_39 : i32
    %convert_element_type3A_41 = arith.extui %lt3A_40 : i1 to i32
    %cond3A_42 = arith.constant 0 : i32
    %cond3A_43 = arith.cmpi ne, %convert_element_type3A_41, %cond3A_42 : i32
    scf.if %cond3A_43 {
      %dma_wait3A = arith.constant 0 : i32
      %dma_wait3A_51 = arith.constant 0 : i32
      %dma_wait3A_52 = tpu.memref_slice %arg2[%dma_wait3A, %dma_wait3A_51] : memref<50000x128xf32, #tpu.memory_space<hbm>> -> memref<128x128xf32, #tpu.memory_space<hbm>>
      %dma_wait3A_53 = arith.constant 0 : i32
      %dma_wait3A_54 = arith.constant 0 : i32
      %dma_wait3A_55 = tpu.memref_slice %arg2[%dma_wait3A_53, %dma_wait3A_54] : memref<50000x128xf32, #tpu.memory_space<hbm>> -> memref<128x128xf32, #tpu.memory_space<hbm>>
      tpu.wait_dma2 semaphore(%arg10 : memref<!tpu.dma_semaphore, #tpu.memory_space<semaphore_mem>>) src(%dma_wait3A_55 : memref<128x128xf32, #tpu.memory_space<hbm>>) dst(%arg16 : memref<128x128xf32, #tpu.memory_space<vmem>>)
    } else {
    }
    %add3A_44 = arith.constant 2 : i32
    %add3A_45 = arith.addi %mul3A_2, %add3A_44 : i32
    %lt3A_46 = arith.constant 1875 : i32
    %lt3A_47 = arith.cmpi slt, %add3A_45, %lt3A_46 : i32
    %convert_element_type3A_48 = arith.extui %lt3A_47 : i1 to i32
    %cond3A_49 = arith.constant 0 : i32
    %cond3A_50 = arith.cmpi ne, %convert_element_type3A_48, %cond3A_49 : i32
    scf.if %cond3A_50 {
      %dma_wait3A = arith.constant 0 : i32
      %dma_wait3A_51 = arith.constant 0 : i32
      %dma_wait3A_52 = tpu.memref_slice %arg2[%dma_wait3A, %dma_wait3A_51] : memref<50000x128xf32, #tpu.memory_space<hbm>> -> memref<128x128xf32, #tpu.memory_space<hbm>>
      %dma_wait3A_53 = arith.constant 0 : i32
      %dma_wait3A_54 = arith.constant 0 : i32
      %dma_wait3A_55 = tpu.memref_slice %arg2[%dma_wait3A_53, %dma_wait3A_54] : memref<50000x128xf32, #tpu.memory_space<hbm>> -> memref<128x128xf32, #tpu.memory_space<hbm>>
      tpu.wait_dma2 semaphore(%arg11 : memref<!tpu.dma_semaphore, #tpu.memory_space<semaphore_mem>>) src(%dma_wait3A_55 : memref<128x128xf32, #tpu.memory_space<hbm>>) dst(%arg17 : memref<128x128xf32, #tpu.memory_space<vmem>>)
    } else {
    }
    return
  }
}

#map = affine_map<(d0, d1) -> (0, 0)>
#map1 = affine_map<(d0, d1) -> (0, 0, 0)>
module attributes {stable_mosaic.version = 14 : i64} {
  func.func @gather_add_kernel(%arg0: i32, %arg1: i32, %arg2: memref<50000x128xf32, #tpu.memory_space<hbm>>, %arg3: memref<50000x128xf32, #tpu.memory_space<hbm>>, %arg4: memref<1875x2x128xi32, #tpu.memory_space<hbm>>, %arg5: memref<240000x128xf32, #tpu.memory_space<hbm>>, %arg6: memref<!tpu.dma_semaphore, #tpu.memory_space<semaphore_mem>>, %arg7: memref<!tpu.dma_semaphore, #tpu.memory_space<semaphore_mem>>, %arg8: memref<!tpu.dma_semaphore, #tpu.memory_space<semaphore_mem>>, %arg9: memref<!tpu.dma_semaphore, #tpu.memory_space<semaphore_mem>>, %arg10: memref<!tpu.dma_semaphore, #tpu.memory_space<semaphore_mem>>, %arg11: memref<!tpu.dma_semaphore, #tpu.memory_space<semaphore_mem>>, %arg12: memref<2x128xi32, #tpu.memory_space<vmem>>, %arg13: memref<2x128xi32, #tpu.memory_space<vmem>>, %arg14: memref<2x128xi32, #tpu.memory_space<vmem>>, %arg15: memref<128x128xf32, #tpu.memory_space<vmem>>, %arg16: memref<128x128xf32, #tpu.memory_space<vmem>>, %arg17: memref<128x128xf32, #tpu.memory_space<vmem>>, %arg18: memref<128x128xf32, #tpu.memory_space<vmem>>, %arg19: memref<128x128xf32, #tpu.memory_space<vmem>>, %arg20: memref<128x128xf32, #tpu.memory_space<vmem>>) attributes {dimension_semantics = [#tpu.dimension_semantics<core_parallel>, #tpu.dimension_semantics<subcore_parallel>], iteration_bounds = array<i64: 2, 16>, scalar_prefetch = 0 : i64, scratch_operands = 15 : i64, tpu.core_type = #tpu.core_type<sc_vector_subcore>, window_params = [{transform_indices = #map}, {transform_indices = #map}, {transform_indices = #map1}, {transform_indices = #map}]} {
    %mul3A = arith.constant 2 : i32
    %mul3A_0 = arith.muli %arg1, %mul3A : i32
    %add3A = arith.addi %mul3A_0, %arg0 : i32
    %mul3A_1 = arith.constant 59 : i32
    %mul3A_2 = arith.muli %add3A, %mul3A_1 : i32
    %add3A_3 = arith.constant 0 : i32
    %add3A_4 = arith.addi %mul3A_2, %add3A_3 : i32
    %lt3A = arith.constant 1875 : i32
    %lt3A_5 = arith.cmpi slt, %add3A_4, %lt3A : i32
    %and3A = arith.constant true
    %and3A_6 = arith.andi %lt3A_5, %and3A : i1
    %convert_element_type3A = arith.extui %and3A_6 : i1 to i32
    %cond3A = arith.constant 0 : i32
    %cond3A_7 = arith.cmpi ne, %convert_element_type3A, %cond3A : i32
    scf.if %cond3A_7 {
      "tpu.region"() ({
        %run_scoped3A = tpu.sem_alloc : memref<!tpu.dma_semaphore, #tpu.memory_space<semaphore_mem>>
        %dma_start3A_64 = arith.constant 0 : i32
        %dma_start3A_65 = arith.constant 0 : i32
        %dma_start3A_66 = tpu.memref_slice %arg4[%add3A_4, %dma_start3A_64, %dma_start3A_65] : memref<1875x2x128xi32, #tpu.memory_space<hbm>> -> memref<1x2x128xi32, #tpu.memory_space<hbm>>
        %dma_start3A_67 = tpu.memref_squeeze %dma_start3A_66 : memref<1x2x128xi32, #tpu.memory_space<hbm>> -> memref<2x128xi32, #tpu.memory_space<hbm>>
        %dma_start3A_68 = arith.constant 0 : i32
        %dma_start3A_69 = arith.constant 0 : i32
        %dma_start3A_70 = tpu.memref_slice %arg4[%add3A_4, %dma_start3A_68, %dma_start3A_69] : memref<1875x2x128xi32, #tpu.memory_space<hbm>> -> memref<1x2x128xi32, #tpu.memory_space<hbm>>
        %dma_start3A_71 = tpu.memref_squeeze %dma_start3A_70 : memref<1x2x128xi32, #tpu.memory_space<hbm>> -> memref<2x128xi32, #tpu.memory_space<hbm>>
        tpu.enqueue_dma source(%dma_start3A_71 : memref<2x128xi32, #tpu.memory_space<hbm>>) target(%arg12 : memref<2x128xi32, #tpu.memory_space<vmem>>) target_semaphore(%run_scoped3A : memref<!tpu.dma_semaphore, #tpu.memory_space<semaphore_mem>>)
        %dma_wait3A = arith.constant 0 : i32
        %dma_wait3A_72 = arith.constant 0 : i32
        %dma_wait3A_73 = tpu.memref_slice %arg4[%add3A_4, %dma_wait3A, %dma_wait3A_72] : memref<1875x2x128xi32, #tpu.memory_space<hbm>> -> memref<1x2x128xi32, #tpu.memory_space<hbm>>
        %dma_wait3A_74 = tpu.memref_squeeze %dma_wait3A_73 : memref<1x2x128xi32, #tpu.memory_space<hbm>> -> memref<2x128xi32, #tpu.memory_space<hbm>>
        %dma_wait3A_75 = arith.constant 0 : i32
        %dma_wait3A_76 = arith.constant 0 : i32
        %dma_wait3A_77 = tpu.memref_slice %arg4[%add3A_4, %dma_wait3A_75, %dma_wait3A_76] : memref<1875x2x128xi32, #tpu.memory_space<hbm>> -> memref<1x2x128xi32, #tpu.memory_space<hbm>>
        %dma_wait3A_78 = tpu.memref_squeeze %dma_wait3A_77 : memref<1x2x128xi32, #tpu.memory_space<hbm>> -> memref<2x128xi32, #tpu.memory_space<hbm>>
        tpu.wait_dma2 semaphore(%run_scoped3A : memref<!tpu.dma_semaphore, #tpu.memory_space<semaphore_mem>>) src(%dma_wait3A_78 : memref<2x128xi32, #tpu.memory_space<hbm>>) dst(%arg12 : memref<2x128xi32, #tpu.memory_space<vmem>>)
        tpu.yield
      }) : () -> ()
      %dma_start3A = arith.constant 0 : i32
      %dma_start3A_51 = arith.constant 0 : i32
      %dma_start3A_52 = tpu.memref_slice %arg12[%dma_start3A, %dma_start3A_51] : memref<2x128xi32, #tpu.memory_space<vmem>> -> memref<1x128xi32, #tpu.memory_space<vmem>>
      %dma_start3A_53 = tpu.memref_squeeze %dma_start3A_52 : memref<1x128xi32, #tpu.memory_space<vmem>> -> memref<128xi32, #tpu.memory_space<vmem>>
      %dma_start3A_54 = arith.constant 0 : i32
      %dma_start3A_55 = arith.constant 0 : i32
      %dma_start3A_56 = tpu.memref_slice %arg2[%dma_start3A_54, %dma_start3A_55] : memref<50000x128xf32, #tpu.memory_space<hbm>> -> memref<50000x128xf32, #tpu.memory_space<hbm>>
      tpu.enqueue_indirect_dma source(%dma_start3A_56 : memref<50000x128xf32, #tpu.memory_space<hbm>>) target(%arg15 : memref<128x128xf32, #tpu.memory_space<vmem>>) offsets(%dma_start3A_53 : memref<128xi32, #tpu.memory_space<vmem>>) semaphore(%arg6 : memref<!tpu.dma_semaphore, #tpu.memory_space<semaphore_mem>>)
      %dma_start3A_57 = arith.constant 1 : i32
      %dma_start3A_58 = arith.constant 0 : i32
      %dma_start3A_59 = tpu.memref_slice %arg12[%dma_start3A_57, %dma_start3A_58] : memref<2x128xi32, #tpu.memory_space<vmem>> -> memref<1x128xi32, #tpu.memory_space<vmem>>
      %dma_start3A_60 = tpu.memref_squeeze %dma_start3A_59 : memref<1x128xi32, #tpu.memory_space<vmem>> -> memref<128xi32, #tpu.memory_space<vmem>>
      %dma_start3A_61 = arith.constant 0 : i32
      %dma_start3A_62 = arith.constant 0 : i32
      %dma_start3A_63 = tpu.memref_slice %arg3[%dma_start3A_61, %dma_start3A_62] : memref<50000x128xf32, #tpu.memory_space<hbm>> -> memref<50000x128xf32, #tpu.memory_space<hbm>>
      tpu.enqueue_indirect_dma source(%dma_start3A_63 : memref<50000x128xf32, #tpu.memory_space<hbm>>) target(%arg18 : memref<128x128xf32, #tpu.memory_space<vmem>>) offsets(%dma_start3A_60 : memref<128xi32, #tpu.memory_space<vmem>>) semaphore(%arg6 : memref<!tpu.dma_semaphore, #tpu.memory_space<semaphore_mem>>)
    } else {
    }
    %add3A_8 = arith.constant 1 : i32
    %add3A_9 = arith.addi %mul3A_2, %add3A_8 : i32
    %lt3A_10 = arith.constant 1875 : i32
    %lt3A_11 = arith.cmpi slt, %add3A_9, %lt3A_10 : i32
    %and3A_12 = arith.constant true
    %and3A_13 = arith.andi %lt3A_11, %and3A_12 : i1
    %convert_element_type3A_14 = arith.extui %and3A_13 : i1 to i32
    %cond3A_15 = arith.constant 0 : i32
    %cond3A_16 = arith.cmpi ne, %convert_element_type3A_14, %cond3A_15 : i32
    scf.if %cond3A_16 {
      "tpu.region"() ({
        %run_scoped3A = tpu.sem_alloc : memref<!tpu.dma_semaphore, #tpu.memory_space<semaphore_mem>>
        %dma_start3A_64 = arith.constant 0 : i32
        %dma_start3A_65 = arith.constant 0 : i32
        %dma_start3A_66 = tpu.memref_slice %arg4[%add3A_9, %dma_start3A_64, %dma_start3A_65] : memref<1875x2x128xi32, #tpu.memory_space<hbm>> -> memref<1x2x128xi32, #tpu.memory_space<hbm>>
        %dma_start3A_67 = tpu.memref_squeeze %dma_start3A_66 : memref<1x2x128xi32, #tpu.memory_space<hbm>> -> memref<2x128xi32, #tpu.memory_space<hbm>>
        %dma_start3A_68 = arith.constant 0 : i32
        %dma_start3A_69 = arith.constant 0 : i32
        %dma_start3A_70 = tpu.memref_slice %arg4[%add3A_9, %dma_start3A_68, %dma_start3A_69] : memref<1875x2x128xi32, #tpu.memory_space<hbm>> -> memref<1x2x128xi32, #tpu.memory_space<hbm>>
        %dma_start3A_71 = tpu.memref_squeeze %dma_start3A_70 : memref<1x2x128xi32, #tpu.memory_space<hbm>> -> memref<2x128xi32, #tpu.memory_space<hbm>>
        tpu.enqueue_dma source(%dma_start3A_71 : memref<2x128xi32, #tpu.memory_space<hbm>>) target(%arg13 : memref<2x128xi32, #tpu.memory_space<vmem>>) target_semaphore(%run_scoped3A : memref<!tpu.dma_semaphore, #tpu.memory_space<semaphore_mem>>)
        %dma_wait3A = arith.constant 0 : i32
        %dma_wait3A_72 = arith.constant 0 : i32
        %dma_wait3A_73 = tpu.memref_slice %arg4[%add3A_9, %dma_wait3A, %dma_wait3A_72] : memref<1875x2x128xi32, #tpu.memory_space<hbm>> -> memref<1x2x128xi32, #tpu.memory_space<hbm>>
        %dma_wait3A_74 = tpu.memref_squeeze %dma_wait3A_73 : memref<1x2x128xi32, #tpu.memory_space<hbm>> -> memref<2x128xi32, #tpu.memory_space<hbm>>
        %dma_wait3A_75 = arith.constant 0 : i32
        %dma_wait3A_76 = arith.constant 0 : i32
        %dma_wait3A_77 = tpu.memref_slice %arg4[%add3A_9, %dma_wait3A_75, %dma_wait3A_76] : memref<1875x2x128xi32, #tpu.memory_space<hbm>> -> memref<1x2x128xi32, #tpu.memory_space<hbm>>
        %dma_wait3A_78 = tpu.memref_squeeze %dma_wait3A_77 : memref<1x2x128xi32, #tpu.memory_space<hbm>> -> memref<2x128xi32, #tpu.memory_space<hbm>>
        tpu.wait_dma2 semaphore(%run_scoped3A : memref<!tpu.dma_semaphore, #tpu.memory_space<semaphore_mem>>) src(%dma_wait3A_78 : memref<2x128xi32, #tpu.memory_space<hbm>>) dst(%arg13 : memref<2x128xi32, #tpu.memory_space<vmem>>)
        tpu.yield
      }) : () -> ()
      %dma_start3A = arith.constant 0 : i32
      %dma_start3A_51 = arith.constant 0 : i32
      %dma_start3A_52 = tpu.memref_slice %arg13[%dma_start3A, %dma_start3A_51] : memref<2x128xi32, #tpu.memory_space<vmem>> -> memref<1x128xi32, #tpu.memory_space<vmem>>
      %dma_start3A_53 = tpu.memref_squeeze %dma_start3A_52 : memref<1x128xi32, #tpu.memory_space<vmem>> -> memref<128xi32, #tpu.memory_space<vmem>>
      %dma_start3A_54 = arith.constant 0 : i32
      %dma_start3A_55 = arith.constant 0 : i32
      %dma_start3A_56 = tpu.memref_slice %arg2[%dma_start3A_54, %dma_start3A_55] : memref<50000x128xf32, #tpu.memory_space<hbm>> -> memref<50000x128xf32, #tpu.memory_space<hbm>>
      tpu.enqueue_indirect_dma source(%dma_start3A_56 : memref<50000x128xf32, #tpu.memory_space<hbm>>) target(%arg16 : memref<128x128xf32, #tpu.memory_space<vmem>>) offsets(%dma_start3A_53 : memref<128xi32, #tpu.memory_space<vmem>>) semaphore(%arg7 : memref<!tpu.dma_semaphore, #tpu.memory_space<semaphore_mem>>)
      %dma_start3A_57 = arith.constant 1 : i32
      %dma_start3A_58 = arith.constant 0 : i32
      %dma_start3A_59 = tpu.memref_slice %arg13[%dma_start3A_57, %dma_start3A_58] : memref<2x128xi32, #tpu.memory_space<vmem>> -> memref<1x128xi32, #tpu.memory_space<vmem>>
      %dma_start3A_60 = tpu.memref_squeeze %dma_start3A_59 : memref<1x128xi32, #tpu.memory_space<vmem>> -> memref<128xi32, #tpu.memory_space<vmem>>
      %dma_start3A_61 = arith.constant 0 : i32
      %dma_start3A_62 = arith.constant 0 : i32
      %dma_start3A_63 = tpu.memref_slice %arg3[%dma_start3A_61, %dma_start3A_62] : memref<50000x128xf32, #tpu.memory_space<hbm>> -> memref<50000x128xf32, #tpu.memory_space<hbm>>
      tpu.enqueue_indirect_dma source(%dma_start3A_63 : memref<50000x128xf32, #tpu.memory_space<hbm>>) target(%arg19 : memref<128x128xf32, #tpu.memory_space<vmem>>) offsets(%dma_start3A_60 : memref<128xi32, #tpu.memory_space<vmem>>) semaphore(%arg7 : memref<!tpu.dma_semaphore, #tpu.memory_space<semaphore_mem>>)
    } else {
    }
    %add3A_17 = arith.constant 2 : i32
    %add3A_18 = arith.addi %mul3A_2, %add3A_17 : i32
    %lt3A_19 = arith.constant 1875 : i32
    %lt3A_20 = arith.cmpi slt, %add3A_18, %lt3A_19 : i32
    %and3A_21 = arith.constant true
    %and3A_22 = arith.andi %lt3A_20, %and3A_21 : i1
    %convert_element_type3A_23 = arith.extui %and3A_22 : i1 to i32
    %cond3A_24 = arith.constant 0 : i32
    %cond3A_25 = arith.cmpi ne, %convert_element_type3A_23, %cond3A_24 : i32
    scf.if %cond3A_25 {
      "tpu.region"() ({
        %run_scoped3A = tpu.sem_alloc : memref<!tpu.dma_semaphore, #tpu.memory_space<semaphore_mem>>
        %dma_start3A_64 = arith.constant 0 : i32
        %dma_start3A_65 = arith.constant 0 : i32
        %dma_start3A_66 = tpu.memref_slice %arg4[%add3A_18, %dma_start3A_64, %dma_start3A_65] : memref<1875x2x128xi32, #tpu.memory_space<hbm>> -> memref<1x2x128xi32, #tpu.memory_space<hbm>>
        %dma_start3A_67 = tpu.memref_squeeze %dma_start3A_66 : memref<1x2x128xi32, #tpu.memory_space<hbm>> -> memref<2x128xi32, #tpu.memory_space<hbm>>
        %dma_start3A_68 = arith.constant 0 : i32
        %dma_start3A_69 = arith.constant 0 : i32
        %dma_start3A_70 = tpu.memref_slice %arg4[%add3A_18, %dma_start3A_68, %dma_start3A_69] : memref<1875x2x128xi32, #tpu.memory_space<hbm>> -> memref<1x2x128xi32, #tpu.memory_space<hbm>>
        %dma_start3A_71 = tpu.memref_squeeze %dma_start3A_70 : memref<1x2x128xi32, #tpu.memory_space<hbm>> -> memref<2x128xi32, #tpu.memory_space<hbm>>
        tpu.enqueue_dma source(%dma_start3A_71 : memref<2x128xi32, #tpu.memory_space<hbm>>) target(%arg14 : memref<2x128xi32, #tpu.memory_space<vmem>>) target_semaphore(%run_scoped3A : memref<!tpu.dma_semaphore, #tpu.memory_space<semaphore_mem>>)
        %dma_wait3A = arith.constant 0 : i32
        %dma_wait3A_72 = arith.constant 0 : i32
        %dma_wait3A_73 = tpu.memref_slice %arg4[%add3A_18, %dma_wait3A, %dma_wait3A_72] : memref<1875x2x128xi32, #tpu.memory_space<hbm>> -> memref<1x2x128xi32, #tpu.memory_space<hbm>>
        %dma_wait3A_74 = tpu.memref_squeeze %dma_wait3A_73 : memref<1x2x128xi32, #tpu.memory_space<hbm>> -> memref<2x128xi32, #tpu.memory_space<hbm>>
        %dma_wait3A_75 = arith.constant 0 : i32
        %dma_wait3A_76 = arith.constant 0 : i32
        %dma_wait3A_77 = tpu.memref_slice %arg4[%add3A_18, %dma_wait3A_75, %dma_wait3A_76] : memref<1875x2x128xi32, #tpu.memory_space<hbm>> -> memref<1x2x128xi32, #tpu.memory_space<hbm>>
        %dma_wait3A_78 = tpu.memref_squeeze %dma_wait3A_77 : memref<1x2x128xi32, #tpu.memory_space<hbm>> -> memref<2x128xi32, #tpu.memory_space<hbm>>
        tpu.wait_dma2 semaphore(%run_scoped3A : memref<!tpu.dma_semaphore, #tpu.memory_space<semaphore_mem>>) src(%dma_wait3A_78 : memref<2x128xi32, #tpu.memory_space<hbm>>) dst(%arg14 : memref<2x128xi32, #tpu.memory_space<vmem>>)
        tpu.yield
      }) : () -> ()
      %dma_start3A = arith.constant 0 : i32
      %dma_start3A_51 = arith.constant 0 : i32
      %dma_start3A_52 = tpu.memref_slice %arg14[%dma_start3A, %dma_start3A_51] : memref<2x128xi32, #tpu.memory_space<vmem>> -> memref<1x128xi32, #tpu.memory_space<vmem>>
      %dma_start3A_53 = tpu.memref_squeeze %dma_start3A_52 : memref<1x128xi32, #tpu.memory_space<vmem>> -> memref<128xi32, #tpu.memory_space<vmem>>
      %dma_start3A_54 = arith.constant 0 : i32
      %dma_start3A_55 = arith.constant 0 : i32
      %dma_start3A_56 = tpu.memref_slice %arg2[%dma_start3A_54, %dma_start3A_55] : memref<50000x128xf32, #tpu.memory_space<hbm>> -> memref<50000x128xf32, #tpu.memory_space<hbm>>
      tpu.enqueue_indirect_dma source(%dma_start3A_56 : memref<50000x128xf32, #tpu.memory_space<hbm>>) target(%arg17 : memref<128x128xf32, #tpu.memory_space<vmem>>) offsets(%dma_start3A_53 : memref<128xi32, #tpu.memory_space<vmem>>) semaphore(%arg8 : memref<!tpu.dma_semaphore, #tpu.memory_space<semaphore_mem>>)
      %dma_start3A_57 = arith.constant 1 : i32
      %dma_start3A_58 = arith.constant 0 : i32
      %dma_start3A_59 = tpu.memref_slice %arg14[%dma_start3A_57, %dma_start3A_58] : memref<2x128xi32, #tpu.memory_space<vmem>> -> memref<1x128xi32, #tpu.memory_space<vmem>>
      %dma_start3A_60 = tpu.memref_squeeze %dma_start3A_59 : memref<1x128xi32, #tpu.memory_space<vmem>> -> memref<128xi32, #tpu.memory_space<vmem>>
      %dma_start3A_61 = arith.constant 0 : i32
      %dma_start3A_62 = arith.constant 0 : i32
      %dma_start3A_63 = tpu.memref_slice %arg3[%dma_start3A_61, %dma_start3A_62] : memref<50000x128xf32, #tpu.memory_space<hbm>> -> memref<50000x128xf32, #tpu.memory_space<hbm>>
      tpu.enqueue_indirect_dma source(%dma_start3A_63 : memref<50000x128xf32, #tpu.memory_space<hbm>>) target(%arg20 : memref<128x128xf32, #tpu.memory_space<vmem>>) offsets(%dma_start3A_60 : memref<128xi32, #tpu.memory_space<vmem>>) semaphore(%arg8 : memref<!tpu.dma_semaphore, #tpu.memory_space<semaphore_mem>>)
    } else {
    }
    %scan3A = arith.constant 0 : i32
    %scan3A_26 = arith.constant 20 : i32
    %scan3A_27 = arith.addi %scan3A, %scan3A_26 : i32
    %scan3A_28 = arith.constant 1 : i32
    scf.for %scan3A_51 = %scan3A to %scan3A_27 step %scan3A_28  : i32 {
      %mul3A_52 = arith.constant 1 : i32
      %mul3A_53 = arith.muli %scan3A_51, %mul3A_52 : i32
      %add3A_54 = arith.constant 0 : i32
      %add3A_55 = arith.addi %add3A_54, %mul3A_53 : i32
      %mul3A_56 = arith.constant 3 : i32
      %mul3A_57 = arith.muli %add3A_55, %mul3A_56 : i32
      %add3A_58 = arith.constant 0 : i32
      %add3A_59 = arith.addi %mul3A_57, %add3A_58 : i32
      %add3A_60 = arith.addi %mul3A_2, %add3A_59 : i32
      %lt3A_61 = arith.constant 1875 : i32
      %lt3A_62 = arith.cmpi slt, %add3A_60, %lt3A_61 : i32
      %lt3A_63 = arith.constant 59 : i32
      %lt3A_64 = arith.cmpi slt, %add3A_59, %lt3A_63 : i32
      %and3A_65 = arith.andi %lt3A_62, %lt3A_64 : i1
      %convert_element_type3A_66 = arith.extui %and3A_65 : i1 to i32
      %cond3A_67 = arith.constant 0 : i32
      %cond3A_68 = arith.cmpi ne, %convert_element_type3A_66, %cond3A_67 : i32
      scf.if %cond3A_68 {
        %dma_wait3A = arith.constant 0 : i32
        %dma_wait3A_128 = arith.constant 0 : i32
        %dma_wait3A_129 = tpu.memref_slice %arg2[%dma_wait3A, %dma_wait3A_128] : memref<50000x128xf32, #tpu.memory_space<hbm>> -> memref<128x128xf32, #tpu.memory_space<hbm>>
        %dma_wait3A_130 = arith.constant 0 : i32
        %dma_wait3A_131 = arith.constant 0 : i32
        %dma_wait3A_132 = tpu.memref_slice %arg2[%dma_wait3A_130, %dma_wait3A_131] : memref<50000x128xf32, #tpu.memory_space<hbm>> -> memref<128x128xf32, #tpu.memory_space<hbm>>
        tpu.wait_dma2 semaphore(%arg6 : memref<!tpu.dma_semaphore, #tpu.memory_space<semaphore_mem>>) src(%dma_wait3A_132 : memref<128x128xf32, #tpu.memory_space<hbm>>) dst(%arg15 : memref<128x128xf32, #tpu.memory_space<vmem>>)
        %dma_wait3A_133 = arith.constant 0 : i32
        %dma_wait3A_134 = arith.constant 0 : i32
        %dma_wait3A_135 = tpu.memref_slice %arg2[%dma_wait3A_133, %dma_wait3A_134] : memref<50000x128xf32, #tpu.memory_space<hbm>> -> memref<128x128xf32, #tpu.memory_space<hbm>>
        %dma_wait3A_136 = arith.constant 0 : i32
        %dma_wait3A_137 = arith.constant 0 : i32
        %dma_wait3A_138 = tpu.memref_slice %arg2[%dma_wait3A_136, %dma_wait3A_137] : memref<50000x128xf32, #tpu.memory_space<hbm>> -> memref<128x128xf32, #tpu.memory_space<hbm>>
        tpu.wait_dma2 semaphore(%arg6 : memref<!tpu.dma_semaphore, #tpu.memory_space<semaphore_mem>>) src(%dma_wait3A_138 : memref<128x128xf32, #tpu.memory_space<hbm>>) dst(%arg18 : memref<128x128xf32, #tpu.memory_space<vmem>>)
        %scan3A_139 = arith.constant 0 : i32
        %scan3A_140 = arith.constant 128 : i32
        %scan3A_141 = arith.addi %scan3A_139, %scan3A_140 : i32
        %scan3A_142 = arith.constant 1 : i32
        scf.for %scan3A_150 = %scan3A_139 to %scan3A_141 step %scan3A_142  : i32 {
          %mul3A_151 = arith.constant 1 : i32
          %mul3A_152 = arith.muli %scan3A_150, %mul3A_151 : i32
          %add3A_153 = arith.constant 0 : i32
          %add3A_154 = arith.addi %add3A_153, %mul3A_152 : i32
          %get3A = arith.index_cast %add3A_154 : i32 to index
          %get3A_155 = arith.constant 0 : index
          %get3A_156 = tpu.vector_load %arg15[%get3A, %get3A_155] {strides = array<i32>} : memref<128x128xf32, #tpu.memory_space<vmem>>, vector<1x16xf32>,
          %get3A_157 = vector.shape_cast %get3A_156 : vector<1x16xf32> to vector<1x16xf32>
          %get3A_158 = arith.index_cast %add3A_154 : i32 to index
          %get3A_159 = arith.constant 0 : index
          %get3A_160 = tpu.vector_load %arg18[%get3A_158, %get3A_159] {strides = array<i32>} : memref<128x128xf32, #tpu.memory_space<vmem>>, vector<1x16xf32>,
          %get3A_161 = vector.shape_cast %get3A_160 : vector<1x16xf32> to vector<1x16xf32>
          %add3A_162 = arith.addf %get3A_157, %get3A_161 : vector<1x16xf32>
          %swap3A = arith.index_cast %add3A_154 : i32 to index
          %swap3A_163 = arith.constant 0 : index
          %swap3A_164 = tpu.vector_load %arg15[%swap3A, %swap3A_163] {strides = array<i32>} : memref<128x128xf32, #tpu.memory_space<vmem>>, vector<1x16xf32>,
          %swap3A_165 = vector.shape_cast %swap3A_164 : vector<1x16xf32> to vector<1x16xf32>
          %swap3A_166 = vector.shape_cast %add3A_162 : vector<1x16xf32> to vector<1x16xf32>
          tpu.vector_store %arg15[%swap3A, %swap3A_163], %swap3A_166 {strides = array<i32>} : memref<128x128xf32, #tpu.memory_space<vmem>>, vector<1x16xf32>,
          %get3A_167 = arith.index_cast %add3A_154 : i32 to index
          %get3A_168 = arith.constant 16 : index
          %get3A_169 = tpu.vector_load %arg15[%get3A_167, %get3A_168] {strides = array<i32>} : memref<128x128xf32, #tpu.memory_space<vmem>>, vector<1x16xf32>,
          %get3A_170 = vector.shape_cast %get3A_169 : vector<1x16xf32> to vector<1x16xf32>
          %get3A_171 = arith.index_cast %add3A_154 : i32 to index
          %get3A_172 = arith.constant 16 : index
          %get3A_173 = tpu.vector_load %arg18[%get3A_171, %get3A_172] {strides = array<i32>} : memref<128x128xf32, #tpu.memory_space<vmem>>, vector<1x16xf32>,
          %get3A_174 = vector.shape_cast %get3A_173 : vector<1x16xf32> to vector<1x16xf32>
          %add3A_175 = arith.addf %get3A_170, %get3A_174 : vector<1x16xf32>
          %swap3A_176 = arith.index_cast %add3A_154 : i32 to index
          %swap3A_177 = arith.constant 16 : index
          %swap3A_178 = tpu.vector_load %arg15[%swap3A_176, %swap3A_177] {strides = array<i32>} : memref<128x128xf32, #tpu.memory_space<vmem>>, vector<1x16xf32>,
          %swap3A_179 = vector.shape_cast %swap3A_178 : vector<1x16xf32> to vector<1x16xf32>
          %swap3A_180 = vector.shape_cast %add3A_175 : vector<1x16xf32> to vector<1x16xf32>
          tpu.vector_store %arg15[%swap3A_176, %swap3A_177], %swap3A_180 {strides = array<i32>} : memref<128x128xf32, #tpu.memory_space<vmem>>, vector<1x16xf32>,
          %get3A_181 = arith.index_cast %add3A_154 : i32 to index
          %get3A_182 = arith.constant 32 : index
          %get3A_183 = tpu.vector_load %arg15[%get3A_181, %get3A_182] {strides = array<i32>} : memref<128x128xf32, #tpu.memory_space<vmem>>, vector<1x16xf32>,
          %get3A_184 = vector.shape_cast %get3A_183 : vector<1x16xf32> to vector<1x16xf32>
          %get3A_185 = arith.index_cast %add3A_154 : i32 to index
          %get3A_186 = arith.constant 32 : index
          %get3A_187 = tpu.vector_load %arg18[%get3A_185, %get3A_186] {strides = array<i32>} : memref<128x128xf32, #tpu.memory_space<vmem>>, vector<1x16xf32>,
          %get3A_188 = vector.shape_cast %get3A_187 : vector<1x16xf32> to vector<1x16xf32>
          %add3A_189 = arith.addf %get3A_184, %get3A_188 : vector<1x16xf32>
          %swap3A_190 = arith.index_cast %add3A_154 : i32 to index
          %swap3A_191 = arith.constant 32 : index
          %swap3A_192 = tpu.vector_load %arg15[%swap3A_190, %swap3A_191] {strides = array<i32>} : memref<128x128xf32, #tpu.memory_space<vmem>>, vector<1x16xf32>,
          %swap3A_193 = vector.shape_cast %swap3A_192 : vector<1x16xf32> to vector<1x16xf32>
          %swap3A_194 = vector.shape_cast %add3A_189 : vector<1x16xf32> to vector<1x16xf32>
          tpu.vector_store %arg15[%swap3A_190, %swap3A_191], %swap3A_194 {strides = array<i32>} : memref<128x128xf32, #tpu.memory_space<vmem>>, vector<1x16xf32>,
          %get3A_195 = arith.index_cast %add3A_154 : i32 to index
          %get3A_196 = arith.constant 48 : index
          %get3A_197 = tpu.vector_load %arg15[%get3A_195, %get3A_196] {strides = array<i32>} : memref<128x128xf32, #tpu.memory_space<vmem>>, vector<1x16xf32>,
          %get3A_198 = vector.shape_cast %get3A_197 : vector<1x16xf32> to vector<1x16xf32>
          %get3A_199 = arith.index_cast %add3A_154 : i32 to index
          %get3A_200 = arith.constant 48 : index
          %get3A_201 = tpu.vector_load %arg18[%get3A_199, %get3A_200] {strides = array<i32>} : memref<128x128xf32, #tpu.memory_space<vmem>>, vector<1x16xf32>,
          %get3A_202 = vector.shape_cast %get3A_201 : vector<1x16xf32> to vector<1x16xf32>
          %add3A_203 = arith.addf %get3A_198, %get3A_202 : vector<1x16xf32>
          %swap3A_204 = arith.index_cast %add3A_154 : i32 to index
          %swap3A_205 = arith.constant 48 : index
          %swap3A_206 = tpu.vector_load %arg15[%swap3A_204, %swap3A_205] {strides = array<i32>} : memref<128x128xf32, #tpu.memory_space<vmem>>, vector<1x16xf32>,
          %swap3A_207 = vector.shape_cast %swap3A_206 : vector<1x16xf32> to vector<1x16xf32>
          %swap3A_208 = vector.shape_cast %add3A_203 : vector<1x16xf32> to vector<1x16xf32>
          tpu.vector_store %arg15[%swap3A_204, %swap3A_205], %swap3A_208 {strides = array<i32>} : memref<128x128xf32, #tpu.memory_space<vmem>>, vector<1x16xf32>,
          %get3A_209 = arith.index_cast %add3A_154 : i32 to index
          %get3A_210 = arith.constant 64 : index
          %get3A_211 = tpu.vector_load %arg15[%get3A_209, %get3A_210] {strides = array<i32>} : memref<128x128xf32, #tpu.memory_space<vmem>>, vector<1x16xf32>,
          %get3A_212 = vector.shape_cast %get3A_211 : vector<1x16xf32> to vector<1x16xf32>
          %get3A_213 = arith.index_cast %add3A_154 : i32 to index
          %get3A_214 = arith.constant 64 : index
          %get3A_215 = tpu.vector_load %arg18[%get3A_213, %get3A_214] {strides = array<i32>} : memref<128x128xf32, #tpu.memory_space<vmem>>, vector<1x16xf32>,
          %get3A_216 = vector.shape_cast %get3A_215 : vector<1x16xf32> to vector<1x16xf32>
          %add3A_217 = arith.addf %get3A_212, %get3A_216 : vector<1x16xf32>
          %swap3A_218 = arith.index_cast %add3A_154 : i32 to index
          %swap3A_219 = arith.constant 64 : index
          %swap3A_220 = tpu.vector_load %arg15[%swap3A_218, %swap3A_219] {strides = array<i32>} : memref<128x128xf32, #tpu.memory_space<vmem>>, vector<1x16xf32>,
          %swap3A_221 = vector.shape_cast %swap3A_220 : vector<1x16xf32> to vector<1x16xf32>
          %swap3A_222 = vector.shape_cast %add3A_217 : vector<1x16xf32> to vector<1x16xf32>
          tpu.vector_store %arg15[%swap3A_218, %swap3A_219], %swap3A_222 {strides = array<i32>} : memref<128x128xf32, #tpu.memory_space<vmem>>, vector<1x16xf32>,
          %get3A_223 = arith.index_cast %add3A_154 : i32 to index
          %get3A_224 = arith.constant 80 : index
          %get3A_225 = tpu.vector_load %arg15[%get3A_223, %get3A_224] {strides = array<i32>} : memref<128x128xf32, #tpu.memory_space<vmem>>, vector<1x16xf32>,
          %get3A_226 = vector.shape_cast %get3A_225 : vector<1x16xf32> to vector<1x16xf32>
          %get3A_227 = arith.index_cast %add3A_154 : i32 to index
          %get3A_228 = arith.constant 80 : index
          %get3A_229 = tpu.vector_load %arg18[%get3A_227, %get3A_228] {strides = array<i32>} : memref<128x128xf32, #tpu.memory_space<vmem>>, vector<1x16xf32>,
          %get3A_230 = vector.shape_cast %get3A_229 : vector<1x16xf32> to vector<1x16xf32>
          %add3A_231 = arith.addf %get3A_226, %get3A_230 : vector<1x16xf32>
          %swap3A_232 = arith.index_cast %add3A_154 : i32 to index
          %swap3A_233 = arith.constant 80 : index
          %swap3A_234 = tpu.vector_load %arg15[%swap3A_232, %swap3A_233] {strides = array<i32>} : memref<128x128xf32, #tpu.memory_space<vmem>>, vector<1x16xf32>,
          %swap3A_235 = vector.shape_cast %swap3A_234 : vector<1x16xf32> to vector<1x16xf32>
          %swap3A_236 = vector.shape_cast %add3A_231 : vector<1x16xf32> to vector<1x16xf32>
          tpu.vector_store %arg15[%swap3A_232, %swap3A_233], %swap3A_236 {strides = array<i32>} : memref<128x128xf32, #tpu.memory_space<vmem>>, vector<1x16xf32>,
          %get3A_237 = arith.index_cast %add3A_154 : i32 to index
          %get3A_238 = arith.constant 96 : index
          %get3A_239 = tpu.vector_load %arg15[%get3A_237, %get3A_238] {strides = array<i32>} : memref<128x128xf32, #tpu.memory_space<vmem>>, vector<1x16xf32>,
          %get3A_240 = vector.shape_cast %get3A_239 : vector<1x16xf32> to vector<1x16xf32>
          %get3A_241 = arith.index_cast %add3A_154 : i32 to index
          %get3A_242 = arith.constant 96 : index
          %get3A_243 = tpu.vector_load %arg18[%get3A_241, %get3A_242] {strides = array<i32>} : memref<128x128xf32, #tpu.memory_space<vmem>>, vector<1x16xf32>,
          %get3A_244 = vector.shape_cast %get3A_243 : vector<1x16xf32> to vector<1x16xf32>
          %add3A_245 = arith.addf %get3A_240, %get3A_244 : vector<1x16xf32>
          %swap3A_246 = arith.index_cast %add3A_154 : i32 to index
          %swap3A_247 = arith.constant 96 : index
          %swap3A_248 = tpu.vector_load %arg15[%swap3A_246, %swap3A_247] {strides = array<i32>} : memref<128x128xf32, #tpu.memory_space<vmem>>, vector<1x16xf32>,
          %swap3A_249 = vector.shape_cast %swap3A_248 : vector<1x16xf32> to vector<1x16xf32>
          %swap3A_250 = vector.shape_cast %add3A_245 : vector<1x16xf32> to vector<1x16xf32>
          tpu.vector_store %arg15[%swap3A_246, %swap3A_247], %swap3A_250 {strides = array<i32>} : memref<128x128xf32, #tpu.memory_space<vmem>>, vector<1x16xf32>,
          %get3A_251 = arith.index_cast %add3A_154 : i32 to index
          %get3A_252 = arith.constant 112 : index
          %get3A_253 = tpu.vector_load %arg15[%get3A_251, %get3A_252] {strides = array<i32>} : memref<128x128xf32, #tpu.memory_space<vmem>>, vector<1x16xf32>,
          %get3A_254 = vector.shape_cast %get3A_253 : vector<1x16xf32> to vector<1x16xf32>
          %get3A_255 = arith.index_cast %add3A_154 : i32 to index
          %get3A_256 = arith.constant 112 : index
          %get3A_257 = tpu.vector_load %arg18[%get3A_255, %get3A_256] {strides = array<i32>} : memref<128x128xf32, #tpu.memory_space<vmem>>, vector<1x16xf32>,
          %get3A_258 = vector.shape_cast %get3A_257 : vector<1x16xf32> to vector<1x16xf32>
          %add3A_259 = arith.addf %get3A_254, %get3A_258 : vector<1x16xf32>
          %swap3A_260 = arith.index_cast %add3A_154 : i32 to index
          %swap3A_261 = arith.constant 112 : index
          %swap3A_262 = tpu.vector_load %arg15[%swap3A_260, %swap3A_261] {strides = array<i32>} : memref<128x128xf32, #tpu.memory_space<vmem>>, vector<1x16xf32>,
          %swap3A_263 = vector.shape_cast %swap3A_262 : vector<1x16xf32> to vector<1x16xf32>
          %swap3A_264 = vector.shape_cast %add3A_259 : vector<1x16xf32> to vector<1x16xf32>
          tpu.vector_store %arg15[%swap3A_260, %swap3A_261], %swap3A_264 {strides = array<i32>} : memref<128x128xf32, #tpu.memory_space<vmem>>, vector<1x16xf32>,
        }
        %scan3A_143 = arith.constant 128 : i32
        %mul3A_144 = arith.constant 128 : i32
        %mul3A_145 = arith.muli %add3A_60, %mul3A_144 : i32
        %min3A = arith.constant 239872 : i32
        %min3A_146 = arith.minsi %mul3A_145, %min3A : i32
        %dma_start3A = arith.constant 0 : i32
        %dma_start3A_147 = tpu.memref_slice %arg5[%min3A_146, %dma_start3A] : memref<240000x128xf32, #tpu.memory_space<hbm>> -> memref<128x128xf32, #tpu.memory_space<hbm>>
        %dma_start3A_148 = arith.constant 0 : i32
        %dma_start3A_149 = tpu.memref_slice %arg5[%min3A_146, %dma_start3A_148] : memref<240000x128xf32, #tpu.memory_space<hbm>> -> memref<128x128xf32, #tpu.memory_space<hbm>>
        tpu.enqueue_dma source(%arg15 : memref<128x128xf32, #tpu.memory_space<vmem>>) target(%dma_start3A_149 : memref<128x128xf32, #tpu.memory_space<hbm>>) target_semaphore(%arg9 : memref<!tpu.dma_semaphore, #tpu.memory_space<semaphore_mem>>)
      } else {
      }
      %add3A_69 = arith.constant 3 : i32
      %add3A_70 = arith.addi %add3A_59, %add3A_69 : i32
      %add3A_71 = arith.addi %mul3A_2, %add3A_70 : i32
      %lt3A_72 = arith.constant 1875 : i32
      %lt3A_73 = arith.cmpi slt, %add3A_71, %lt3A_72 : i32
      %lt3A_74 = arith.constant 59 : i32
      %lt3A_75 = arith.cmpi slt, %add3A_70, %lt3A_74 : i32
      %and3A_76 = arith.andi %lt3A_73, %lt3A_75 : i1
      %convert_element_type3A_77 = arith.extui %and3A_76 : i1 to i32
      %cond3A_78 = arith.constant 0 : i32
      %cond3A_79 = arith.cmpi ne, %convert_element_type3A_77, %cond3A_78 : i32
      scf.if %cond3A_79 {
        %dma_wait3A = arith.constant 0 : i32
        %dma_wait3A_128 = arith.constant 0 : i32
        %dma_wait3A_129 = tpu.memref_slice %arg2[%dma_wait3A, %dma_wait3A_128] : memref<50000x128xf32, #tpu.memory_space<hbm>> -> memref<128x128xf32, #tpu.memory_space<hbm>>
        %dma_wait3A_130 = arith.constant 0 : i32
        %dma_wait3A_131 = arith.constant 0 : i32
        %dma_wait3A_132 = tpu.memref_slice %arg2[%dma_wait3A_130, %dma_wait3A_131] : memref<50000x128xf32, #tpu.memory_space<hbm>> -> memref<128x128xf32, #tpu.memory_space<hbm>>
        tpu.wait_dma2 semaphore(%arg9 : memref<!tpu.dma_semaphore, #tpu.memory_space<semaphore_mem>>) src(%dma_wait3A_132 : memref<128x128xf32, #tpu.memory_space<hbm>>) dst(%arg15 : memref<128x128xf32, #tpu.memory_space<vmem>>)
        "tpu.region"() ({
          %run_scoped3A = tpu.sem_alloc : memref<!tpu.dma_semaphore, #tpu.memory_space<semaphore_mem>>
          %dma_start3A_146 = arith.constant 0 : i32
          %dma_start3A_147 = arith.constant 0 : i32
          %dma_start3A_148 = tpu.memref_slice %arg4[%add3A_71, %dma_start3A_146, %dma_start3A_147] : memref<1875x2x128xi32, #tpu.memory_space<hbm>> -> memref<1x2x128xi32, #tpu.memory_space<hbm>>
          %dma_start3A_149 = tpu.memref_squeeze %dma_start3A_148 : memref<1x2x128xi32, #tpu.memory_space<hbm>> -> memref<2x128xi32, #tpu.memory_space<hbm>>
          %dma_start3A_150 = arith.constant 0 : i32
          %dma_start3A_151 = arith.constant 0 : i32
          %dma_start3A_152 = tpu.memref_slice %arg4[%add3A_71, %dma_start3A_150, %dma_start3A_151] : memref<1875x2x128xi32, #tpu.memory_space<hbm>> -> memref<1x2x128xi32, #tpu.memory_space<hbm>>
          %dma_start3A_153 = tpu.memref_squeeze %dma_start3A_152 : memref<1x2x128xi32, #tpu.memory_space<hbm>> -> memref<2x128xi32, #tpu.memory_space<hbm>>
          tpu.enqueue_dma source(%dma_start3A_153 : memref<2x128xi32, #tpu.memory_space<hbm>>) target(%arg12 : memref<2x128xi32, #tpu.memory_space<vmem>>) target_semaphore(%run_scoped3A : memref<!tpu.dma_semaphore, #tpu.memory_space<semaphore_mem>>)
          %dma_wait3A_154 = arith.constant 0 : i32
          %dma_wait3A_155 = arith.constant 0 : i32
          %dma_wait3A_156 = tpu.memref_slice %arg4[%add3A_71, %dma_wait3A_154, %dma_wait3A_155] : memref<1875x2x128xi32, #tpu.memory_space<hbm>> -> memref<1x2x128xi32, #tpu.memory_space<hbm>>
          %dma_wait3A_157 = tpu.memref_squeeze %dma_wait3A_156 : memref<1x2x128xi32, #tpu.memory_space<hbm>> -> memref<2x128xi32, #tpu.memory_space<hbm>>
          %dma_wait3A_158 = arith.constant 0 : i32
          %dma_wait3A_159 = arith.constant 0 : i32
          %dma_wait3A_160 = tpu.memref_slice %arg4[%add3A_71, %dma_wait3A_158, %dma_wait3A_159] : memref<1875x2x128xi32, #tpu.memory_space<hbm>> -> memref<1x2x128xi32, #tpu.memory_space<hbm>>
          %dma_wait3A_161 = tpu.memref_squeeze %dma_wait3A_160 : memref<1x2x128xi32, #tpu.memory_space<hbm>> -> memref<2x128xi32, #tpu.memory_space<hbm>>
          tpu.wait_dma2 semaphore(%run_scoped3A : memref<!tpu.dma_semaphore, #tpu.memory_space<semaphore_mem>>) src(%dma_wait3A_161 : memref<2x128xi32, #tpu.memory_space<hbm>>) dst(%arg12 : memref<2x128xi32, #tpu.memory_space<vmem>>)
          tpu.yield
        }) : () -> ()
        %dma_start3A = arith.constant 0 : i32
        %dma_start3A_133 = arith.constant 0 : i32
        %dma_start3A_134 = tpu.memref_slice %arg12[%dma_start3A, %dma_start3A_133] : memref<2x128xi32, #tpu.memory_space<vmem>> -> memref<1x128xi32, #tpu.memory_space<vmem>>
        %dma_start3A_135 = tpu.memref_squeeze %dma_start3A_134 : memref<1x128xi32, #tpu.memory_space<vmem>> -> memref<128xi32, #tpu.memory_space<vmem>>
        %dma_start3A_136 = arith.constant 0 : i32
        %dma_start3A_137 = arith.constant 0 : i32
        %dma_start3A_138 = tpu.memref_slice %arg2[%dma_start3A_136, %dma_start3A_137] : memref<50000x128xf32, #tpu.memory_space<hbm>> -> memref<50000x128xf32, #tpu.memory_space<hbm>>
        tpu.enqueue_indirect_dma source(%dma_start3A_138 : memref<50000x128xf32, #tpu.memory_space<hbm>>) target(%arg15 : memref<128x128xf32, #tpu.memory_space<vmem>>) offsets(%dma_start3A_135 : memref<128xi32, #tpu.memory_space<vmem>>) semaphore(%arg6 : memref<!tpu.dma_semaphore, #tpu.memory_space<semaphore_mem>>)
        %dma_start3A_139 = arith.constant 1 : i32
        %dma_start3A_140 = arith.constant 0 : i32
        %dma_start3A_141 = tpu.memref_slice %arg12[%dma_start3A_139, %dma_start3A_140] : memref<2x128xi32, #tpu.memory_space<vmem>> -> memref<1x128xi32, #tpu.memory_space<vmem>>
        %dma_start3A_142 = tpu.memref_squeeze %dma_start3A_141 : memref<1x128xi32, #tpu.memory_space<vmem>> -> memref<128xi32, #tpu.memory_space<vmem>>
        %dma_start3A_143 = arith.constant 0 : i32
        %dma_start3A_144 = arith.constant 0 : i32
        %dma_start3A_145 = tpu.memref_slice %arg3[%dma_start3A_143, %dma_start3A_144] : memref<50000x128xf32, #tpu.memory_space<hbm>> -> memref<50000x128xf32, #tpu.memory_space<hbm>>
        tpu.enqueue_indirect_dma source(%dma_start3A_145 : memref<50000x128xf32, #tpu.memory_space<hbm>>) target(%arg18 : memref<128x128xf32, #tpu.memory_space<vmem>>) offsets(%dma_start3A_142 : memref<128xi32, #tpu.memory_space<vmem>>) semaphore(%arg6 : memref<!tpu.dma_semaphore, #tpu.memory_space<semaphore_mem>>)
      } else {
      }
      %mul3A_80 = arith.constant 3 : i32
      %mul3A_81 = arith.muli %add3A_55, %mul3A_80 : i32
      %add3A_82 = arith.constant 1 : i32
      %add3A_83 = arith.addi %mul3A_81, %add3A_82 : i32
      %add3A_84 = arith.addi %mul3A_2, %add3A_83 : i32
      %lt3A_85 = arith.constant 1875 : i32
      %lt3A_86 = arith.cmpi slt, %add3A_84, %lt3A_85 : i32
      %lt3A_87 = arith.constant 59 : i32
      %lt3A_88 = arith.cmpi slt, %add3A_83, %lt3A_87 : i32
      %and3A_89 = arith.andi %lt3A_86, %lt3A_88 : i1
      %convert_element_type3A_90 = arith.extui %and3A_89 : i1 to i32
      %cond3A_91 = arith.constant 0 : i32
      %cond3A_92 = arith.cmpi ne, %convert_element_type3A_90, %cond3A_91 : i32
      scf.if %cond3A_92 {
        %dma_wait3A = arith.constant 0 : i32
        %dma_wait3A_128 = arith.constant 0 : i32
        %dma_wait3A_129 = tpu.memref_slice %arg2[%dma_wait3A, %dma_wait3A_128] : memref<50000x128xf32, #tpu.memory_space<hbm>> -> memref<128x128xf32, #tpu.memory_space<hbm>>
        %dma_wait3A_130 = arith.constant 0 : i32
        %dma_wait3A_131 = arith.constant 0 : i32
        %dma_wait3A_132 = tpu.memref_slice %arg2[%dma_wait3A_130, %dma_wait3A_131] : memref<50000x128xf32, #tpu.memory_space<hbm>> -> memref<128x128xf32, #tpu.memory_space<hbm>>
        tpu.wait_dma2 semaphore(%arg7 : memref<!tpu.dma_semaphore, #tpu.memory_space<semaphore_mem>>) src(%dma_wait3A_132 : memref<128x128xf32, #tpu.memory_space<hbm>>) dst(%arg16 : memref<128x128xf32, #tpu.memory_space<vmem>>)
        %dma_wait3A_133 = arith.constant 0 : i32
        %dma_wait3A_134 = arith.constant 0 : i32
        %dma_wait3A_135 = tpu.memref_slice %arg2[%dma_wait3A_133, %dma_wait3A_134] : memref<50000x128xf32, #tpu.memory_space<hbm>> -> memref<128x128xf32, #tpu.memory_space<hbm>>
        %dma_wait3A_136 = arith.constant 0 : i32
        %dma_wait3A_137 = arith.constant 0 : i32
        %dma_wait3A_138 = tpu.memref_slice %arg2[%dma_wait3A_136, %dma_wait3A_137] : memref<50000x128xf32, #tpu.memory_space<hbm>> -> memref<128x128xf32, #tpu.memory_space<hbm>>
        tpu.wait_dma2 semaphore(%arg7 : memref<!tpu.dma_semaphore, #tpu.memory_space<semaphore_mem>>) src(%dma_wait3A_138 : memref<128x128xf32, #tpu.memory_space<hbm>>) dst(%arg19 : memref<128x128xf32, #tpu.memory_space<vmem>>)
        %scan3A_139 = arith.constant 0 : i32
        %scan3A_140 = arith.constant 128 : i32
        %scan3A_141 = arith.addi %scan3A_139, %scan3A_140 : i32
        %scan3A_142 = arith.constant 1 : i32
        scf.for %scan3A_150 = %scan3A_139 to %scan3A_141 step %scan3A_142  : i32 {
          %mul3A_151 = arith.constant 1 : i32
          %mul3A_152 = arith.muli %scan3A_150, %mul3A_151 : i32
          %add3A_153 = arith.constant 0 : i32
          %add3A_154 = arith.addi %add3A_153, %mul3A_152 : i32
          %get3A = arith.index_cast %add3A_154 : i32 to index
          %get3A_155 = arith.constant 0 : index
          %get3A_156 = tpu.vector_load %arg16[%get3A, %get3A_155] {strides = array<i32>} : memref<128x128xf32, #tpu.memory_space<vmem>>, vector<1x16xf32>,
          %get3A_157 = vector.shape_cast %get3A_156 : vector<1x16xf32> to vector<1x16xf32>
          %get3A_158 = arith.index_cast %add3A_154 : i32 to index
          %get3A_159 = arith.constant 0 : index
          %get3A_160 = tpu.vector_load %arg19[%get3A_158, %get3A_159] {strides = array<i32>} : memref<128x128xf32, #tpu.memory_space<vmem>>, vector<1x16xf32>,
          %get3A_161 = vector.shape_cast %get3A_160 : vector<1x16xf32> to vector<1x16xf32>
          %add3A_162 = arith.addf %get3A_157, %get3A_161 : vector<1x16xf32>
          %swap3A = arith.index_cast %add3A_154 : i32 to index
          %swap3A_163 = arith.constant 0 : index
          %swap3A_164 = tpu.vector_load %arg16[%swap3A, %swap3A_163] {strides = array<i32>} : memref<128x128xf32, #tpu.memory_space<vmem>>, vector<1x16xf32>,
          %swap3A_165 = vector.shape_cast %swap3A_164 : vector<1x16xf32> to vector<1x16xf32>
          %swap3A_166 = vector.shape_cast %add3A_162 : vector<1x16xf32> to vector<1x16xf32>
          tpu.vector_store %arg16[%swap3A, %swap3A_163], %swap3A_166 {strides = array<i32>} : memref<128x128xf32, #tpu.memory_space<vmem>>, vector<1x16xf32>,
          %get3A_167 = arith.index_cast %add3A_154 : i32 to index
          %get3A_168 = arith.constant 16 : index
          %get3A_169 = tpu.vector_load %arg16[%get3A_167, %get3A_168] {strides = array<i32>} : memref<128x128xf32, #tpu.memory_space<vmem>>, vector<1x16xf32>,
          %get3A_170 = vector.shape_cast %get3A_169 : vector<1x16xf32> to vector<1x16xf32>
          %get3A_171 = arith.index_cast %add3A_154 : i32 to index
          %get3A_172 = arith.constant 16 : index
          %get3A_173 = tpu.vector_load %arg19[%get3A_171, %get3A_172] {strides = array<i32>} : memref<128x128xf32, #tpu.memory_space<vmem>>, vector<1x16xf32>,
          %get3A_174 = vector.shape_cast %get3A_173 : vector<1x16xf32> to vector<1x16xf32>
          %add3A_175 = arith.addf %get3A_170, %get3A_174 : vector<1x16xf32>
          %swap3A_176 = arith.index_cast %add3A_154 : i32 to index
          %swap3A_177 = arith.constant 16 : index
          %swap3A_178 = tpu.vector_load %arg16[%swap3A_176, %swap3A_177] {strides = array<i32>} : memref<128x128xf32, #tpu.memory_space<vmem>>, vector<1x16xf32>,
          %swap3A_179 = vector.shape_cast %swap3A_178 : vector<1x16xf32> to vector<1x16xf32>
          %swap3A_180 = vector.shape_cast %add3A_175 : vector<1x16xf32> to vector<1x16xf32>
          tpu.vector_store %arg16[%swap3A_176, %swap3A_177], %swap3A_180 {strides = array<i32>} : memref<128x128xf32, #tpu.memory_space<vmem>>, vector<1x16xf32>,
          %get3A_181 = arith.index_cast %add3A_154 : i32 to index
          %get3A_182 = arith.constant 32 : index
          %get3A_183 = tpu.vector_load %arg16[%get3A_181, %get3A_182] {strides = array<i32>} : memref<128x128xf32, #tpu.memory_space<vmem>>, vector<1x16xf32>,
          %get3A_184 = vector.shape_cast %get3A_183 : vector<1x16xf32> to vector<1x16xf32>
          %get3A_185 = arith.index_cast %add3A_154 : i32 to index
          %get3A_186 = arith.constant 32 : index
          %get3A_187 = tpu.vector_load %arg19[%get3A_185, %get3A_186] {strides = array<i32>} : memref<128x128xf32, #tpu.memory_space<vmem>>, vector<1x16xf32>,
          %get3A_188 = vector.shape_cast %get3A_187 : vector<1x16xf32> to vector<1x16xf32>
          %add3A_189 = arith.addf %get3A_184, %get3A_188 : vector<1x16xf32>
          %swap3A_190 = arith.index_cast %add3A_154 : i32 to index
          %swap3A_191 = arith.constant 32 : index
          %swap3A_192 = tpu.vector_load %arg16[%swap3A_190, %swap3A_191] {strides = array<i32>} : memref<128x128xf32, #tpu.memory_space<vmem>>, vector<1x16xf32>,
          %swap3A_193 = vector.shape_cast %swap3A_192 : vector<1x16xf32> to vector<1x16xf32>
          %swap3A_194 = vector.shape_cast %add3A_189 : vector<1x16xf32> to vector<1x16xf32>
          tpu.vector_store %arg16[%swap3A_190, %swap3A_191], %swap3A_194 {strides = array<i32>} : memref<128x128xf32, #tpu.memory_space<vmem>>, vector<1x16xf32>,
          %get3A_195 = arith.index_cast %add3A_154 : i32 to index
          %get3A_196 = arith.constant 48 : index
          %get3A_197 = tpu.vector_load %arg16[%get3A_195, %get3A_196] {strides = array<i32>} : memref<128x128xf32, #tpu.memory_space<vmem>>, vector<1x16xf32>,
          %get3A_198 = vector.shape_cast %get3A_197 : vector<1x16xf32> to vector<1x16xf32>
          %get3A_199 = arith.index_cast %add3A_154 : i32 to index
          %get3A_200 = arith.constant 48 : index
          %get3A_201 = tpu.vector_load %arg19[%get3A_199, %get3A_200] {strides = array<i32>} : memref<128x128xf32, #tpu.memory_space<vmem>>, vector<1x16xf32>,
          %get3A_202 = vector.shape_cast %get3A_201 : vector<1x16xf32> to vector<1x16xf32>
          %add3A_203 = arith.addf %get3A_198, %get3A_202 : vector<1x16xf32>
          %swap3A_204 = arith.index_cast %add3A_154 : i32 to index
          %swap3A_205 = arith.constant 48 : index
          %swap3A_206 = tpu.vector_load %arg16[%swap3A_204, %swap3A_205] {strides = array<i32>} : memref<128x128xf32, #tpu.memory_space<vmem>>, vector<1x16xf32>,
          %swap3A_207 = vector.shape_cast %swap3A_206 : vector<1x16xf32> to vector<1x16xf32>
          %swap3A_208 = vector.shape_cast %add3A_203 : vector<1x16xf32> to vector<1x16xf32>
          tpu.vector_store %arg16[%swap3A_204, %swap3A_205], %swap3A_208 {strides = array<i32>} : memref<128x128xf32, #tpu.memory_space<vmem>>, vector<1x16xf32>,
          %get3A_209 = arith.index_cast %add3A_154 : i32 to index
          %get3A_210 = arith.constant 64 : index
          %get3A_211 = tpu.vector_load %arg16[%get3A_209, %get3A_210] {strides = array<i32>} : memref<128x128xf32, #tpu.memory_space<vmem>>, vector<1x16xf32>,
          %get3A_212 = vector.shape_cast %get3A_211 : vector<1x16xf32> to vector<1x16xf32>
          %get3A_213 = arith.index_cast %add3A_154 : i32 to index
          %get3A_214 = arith.constant 64 : index
          %get3A_215 = tpu.vector_load %arg19[%get3A_213, %get3A_214] {strides = array<i32>} : memref<128x128xf32, #tpu.memory_space<vmem>>, vector<1x16xf32>,
          %get3A_216 = vector.shape_cast %get3A_215 : vector<1x16xf32> to vector<1x16xf32>
          %add3A_217 = arith.addf %get3A_212, %get3A_216 : vector<1x16xf32>
          %swap3A_218 = arith.index_cast %add3A_154 : i32 to index
          %swap3A_219 = arith.constant 64 : index
          %swap3A_220 = tpu.vector_load %arg16[%swap3A_218, %swap3A_219] {strides = array<i32>} : memref<128x128xf32, #tpu.memory_space<vmem>>, vector<1x16xf32>,
          %swap3A_221 = vector.shape_cast %swap3A_220 : vector<1x16xf32> to vector<1x16xf32>
          %swap3A_222 = vector.shape_cast %add3A_217 : vector<1x16xf32> to vector<1x16xf32>
          tpu.vector_store %arg16[%swap3A_218, %swap3A_219], %swap3A_222 {strides = array<i32>} : memref<128x128xf32, #tpu.memory_space<vmem>>, vector<1x16xf32>,
          %get3A_223 = arith.index_cast %add3A_154 : i32 to index
          %get3A_224 = arith.constant 80 : index
          %get3A_225 = tpu.vector_load %arg16[%get3A_223, %get3A_224] {strides = array<i32>} : memref<128x128xf32, #tpu.memory_space<vmem>>, vector<1x16xf32>,
          %get3A_226 = vector.shape_cast %get3A_225 : vector<1x16xf32> to vector<1x16xf32>
          %get3A_227 = arith.index_cast %add3A_154 : i32 to index
          %get3A_228 = arith.constant 80 : index
          %get3A_229 = tpu.vector_load %arg19[%get3A_227, %get3A_228] {strides = array<i32>} : memref<128x128xf32, #tpu.memory_space<vmem>>, vector<1x16xf32>,
          %get3A_230 = vector.shape_cast %get3A_229 : vector<1x16xf32> to vector<1x16xf32>
          %add3A_231 = arith.addf %get3A_226, %get3A_230 : vector<1x16xf32>
          %swap3A_232 = arith.index_cast %add3A_154 : i32 to index
          %swap3A_233 = arith.constant 80 : index
          %swap3A_234 = tpu.vector_load %arg16[%swap3A_232, %swap3A_233] {strides = array<i32>} : memref<128x128xf32, #tpu.memory_space<vmem>>, vector<1x16xf32>,
          %swap3A_235 = vector.shape_cast %swap3A_234 : vector<1x16xf32> to vector<1x16xf32>
          %swap3A_236 = vector.shape_cast %add3A_231 : vector<1x16xf32> to vector<1x16xf32>
          tpu.vector_store %arg16[%swap3A_232, %swap3A_233], %swap3A_236 {strides = array<i32>} : memref<128x128xf32, #tpu.memory_space<vmem>>, vector<1x16xf32>,
          %get3A_237 = arith.index_cast %add3A_154 : i32 to index
          %get3A_238 = arith.constant 96 : index
          %get3A_239 = tpu.vector_load %arg16[%get3A_237, %get3A_238] {strides = array<i32>} : memref<128x128xf32, #tpu.memory_space<vmem>>, vector<1x16xf32>,
          %get3A_240 = vector.shape_cast %get3A_239 : vector<1x16xf32> to vector<1x16xf32>
          %get3A_241 = arith.index_cast %add3A_154 : i32 to index
          %get3A_242 = arith.constant 96 : index
          %get3A_243 = tpu.vector_load %arg19[%get3A_241, %get3A_242] {strides = array<i32>} : memref<128x128xf32, #tpu.memory_space<vmem>>, vector<1x16xf32>,
          %get3A_244 = vector.shape_cast %get3A_243 : vector<1x16xf32> to vector<1x16xf32>
          %add3A_245 = arith.addf %get3A_240, %get3A_244 : vector<1x16xf32>
          %swap3A_246 = arith.index_cast %add3A_154 : i32 to index
          %swap3A_247 = arith.constant 96 : index
          %swap3A_248 = tpu.vector_load %arg16[%swap3A_246, %swap3A_247] {strides = array<i32>} : memref<128x128xf32, #tpu.memory_space<vmem>>, vector<1x16xf32>,
          %swap3A_249 = vector.shape_cast %swap3A_248 : vector<1x16xf32> to vector<1x16xf32>
          %swap3A_250 = vector.shape_cast %add3A_245 : vector<1x16xf32> to vector<1x16xf32>
          tpu.vector_store %arg16[%swap3A_246, %swap3A_247], %swap3A_250 {strides = array<i32>} : memref<128x128xf32, #tpu.memory_space<vmem>>, vector<1x16xf32>,
          %get3A_251 = arith.index_cast %add3A_154 : i32 to index
          %get3A_252 = arith.constant 112 : index
          %get3A_253 = tpu.vector_load %arg16[%get3A_251, %get3A_252] {strides = array<i32>} : memref<128x128xf32, #tpu.memory_space<vmem>>, vector<1x16xf32>,
          %get3A_254 = vector.shape_cast %get3A_253 : vector<1x16xf32> to vector<1x16xf32>
          %get3A_255 = arith.index_cast %add3A_154 : i32 to index
          %get3A_256 = arith.constant 112 : index
          %get3A_257 = tpu.vector_load %arg19[%get3A_255, %get3A_256] {strides = array<i32>} : memref<128x128xf32, #tpu.memory_space<vmem>>, vector<1x16xf32>,
          %get3A_258 = vector.shape_cast %get3A_257 : vector<1x16xf32> to vector<1x16xf32>
          %add3A_259 = arith.addf %get3A_254, %get3A_258 : vector<1x16xf32>
          %swap3A_260 = arith.index_cast %add3A_154 : i32 to index
          %swap3A_261 = arith.constant 112 : index
          %swap3A_262 = tpu.vector_load %arg16[%swap3A_260, %swap3A_261] {strides = array<i32>} : memref<128x128xf32, #tpu.memory_space<vmem>>, vector<1x16xf32>,
          %swap3A_263 = vector.shape_cast %swap3A_262 : vector<1x16xf32> to vector<1x16xf32>
          %swap3A_264 = vector.shape_cast %add3A_259 : vector<1x16xf32> to vector<1x16xf32>
          tpu.vector_store %arg16[%swap3A_260, %swap3A_261], %swap3A_264 {strides = array<i32>} : memref<128x128xf32, #tpu.memory_space<vmem>>, vector<1x16xf32>,
        }
        %scan3A_143 = arith.constant 128 : i32
        %mul3A_144 = arith.constant 128 : i32
        %mul3A_145 = arith.muli %add3A_84, %mul3A_144 : i32
        %min3A = arith.constant 239872 : i32
        %min3A_146 = arith.minsi %mul3A_145, %min3A : i32
        %dma_start3A = arith.constant 0 : i32
        %dma_start3A_147 = tpu.memref_slice %arg5[%min3A_146, %dma_start3A] : memref<240000x128xf32, #tpu.memory_space<hbm>> -> memref<128x128xf32, #tpu.memory_space<hbm>>
        %dma_start3A_148 = arith.constant 0 : i32
        %dma_start3A_149 = tpu.memref_slice %arg5[%min3A_146, %dma_start3A_148] : memref<240000x128xf32, #tpu.memory_space<hbm>> -> memref<128x128xf32, #tpu.memory_space<hbm>>
        tpu.enqueue_dma source(%arg16 : memref<128x128xf32, #tpu.memory_space<vmem>>) target(%dma_start3A_149 : memref<128x128xf32, #tpu.memory_space<hbm>>) target_semaphore(%arg10 : memref<!tpu.dma_semaphore, #tpu.memory_space<semaphore_mem>>)
      } else {
      }
      %add3A_93 = arith.constant 3 : i32
      %add3A_94 = arith.addi %add3A_83, %add3A_93 : i32
      %add3A_95 = arith.addi %mul3A_2, %add3A_94 : i32
      %lt3A_96 = arith.constant 1875 : i32
      %lt3A_97 = arith.cmpi slt, %add3A_95, %lt3A_96 : i32
      %lt3A_98 = arith.constant 59 : i32
      %lt3A_99 = arith.cmpi slt, %add3A_94, %lt3A_98 : i32
      %and3A_100 = arith.andi %lt3A_97, %lt3A_99 : i1
      %convert_element_type3A_101 = arith.extui %and3A_100 : i1 to i32
      %cond3A_102 = arith.constant 0 : i32
      %cond3A_103 = arith.cmpi ne, %convert_element_type3A_101, %cond3A_102 : i32
      scf.if %cond3A_103 {
        %dma_wait3A = arith.constant 0 : i32
        %dma_wait3A_128 = arith.constant 0 : i32
        %dma_wait3A_129 = tpu.memref_slice %arg2[%dma_wait3A, %dma_wait3A_128] : memref<50000x128xf32, #tpu.memory_space<hbm>> -> memref<128x128xf32, #tpu.memory_space<hbm>>
        %dma_wait3A_130 = arith.constant 0 : i32
        %dma_wait3A_131 = arith.constant 0 : i32
        %dma_wait3A_132 = tpu.memref_slice %arg2[%dma_wait3A_130, %dma_wait3A_131] : memref<50000x128xf32, #tpu.memory_space<hbm>> -> memref<128x128xf32, #tpu.memory_space<hbm>>
        tpu.wait_dma2 semaphore(%arg10 : memref<!tpu.dma_semaphore, #tpu.memory_space<semaphore_mem>>) src(%dma_wait3A_132 : memref<128x128xf32, #tpu.memory_space<hbm>>) dst(%arg16 : memref<128x128xf32, #tpu.memory_space<vmem>>)
        "tpu.region"() ({
          %run_scoped3A = tpu.sem_alloc : memref<!tpu.dma_semaphore, #tpu.memory_space<semaphore_mem>>
          %dma_start3A_146 = arith.constant 0 : i32
          %dma_start3A_147 = arith.constant 0 : i32
          %dma_start3A_148 = tpu.memref_slice %arg4[%add3A_95, %dma_start3A_146, %dma_start3A_147] : memref<1875x2x128xi32, #tpu.memory_space<hbm>> -> memref<1x2x128xi32, #tpu.memory_space<hbm>>
          %dma_start3A_149 = tpu.memref_squeeze %dma_start3A_148 : memref<1x2x128xi32, #tpu.memory_space<hbm>> -> memref<2x128xi32, #tpu.memory_space<hbm>>
          %dma_start3A_150 = arith.constant 0 : i32
          %dma_start3A_151 = arith.constant 0 : i32
          %dma_start3A_152 = tpu.memref_slice %arg4[%add3A_95, %dma_start3A_150, %dma_start3A_151] : memref<1875x2x128xi32, #tpu.memory_space<hbm>> -> memref<1x2x128xi32, #tpu.memory_space<hbm>>
          %dma_start3A_153 = tpu.memref_squeeze %dma_start3A_152 : memref<1x2x128xi32, #tpu.memory_space<hbm>> -> memref<2x128xi32, #tpu.memory_space<hbm>>
          tpu.enqueue_dma source(%dma_start3A_153 : memref<2x128xi32, #tpu.memory_space<hbm>>) target(%arg13 : memref<2x128xi32, #tpu.memory_space<vmem>>) target_semaphore(%run_scoped3A : memref<!tpu.dma_semaphore, #tpu.memory_space<semaphore_mem>>)
          %dma_wait3A_154 = arith.constant 0 : i32
          %dma_wait3A_155 = arith.constant 0 : i32
          %dma_wait3A_156 = tpu.memref_slice %arg4[%add3A_95, %dma_wait3A_154, %dma_wait3A_155] : memref<1875x2x128xi32, #tpu.memory_space<hbm>> -> memref<1x2x128xi32, #tpu.memory_space<hbm>>
          %dma_wait3A_157 = tpu.memref_squeeze %dma_wait3A_156 : memref<1x2x128xi32, #tpu.memory_space<hbm>> -> memref<2x128xi32, #tpu.memory_space<hbm>>
          %dma_wait3A_158 = arith.constant 0 : i32
          %dma_wait3A_159 = arith.constant 0 : i32
          %dma_wait3A_160 = tpu.memref_slice %arg4[%add3A_95, %dma_wait3A_158, %dma_wait3A_159] : memref<1875x2x128xi32, #tpu.memory_space<hbm>> -> memref<1x2x128xi32, #tpu.memory_space<hbm>>
          %dma_wait3A_161 = tpu.memref_squeeze %dma_wait3A_160 : memref<1x2x128xi32, #tpu.memory_space<hbm>> -> memref<2x128xi32, #tpu.memory_space<hbm>>
          tpu.wait_dma2 semaphore(%run_scoped3A : memref<!tpu.dma_semaphore, #tpu.memory_space<semaphore_mem>>) src(%dma_wait3A_161 : memref<2x128xi32, #tpu.memory_space<hbm>>) dst(%arg13 : memref<2x128xi32, #tpu.memory_space<vmem>>)
          tpu.yield
        }) : () -> ()
        %dma_start3A = arith.constant 0 : i32
        %dma_start3A_133 = arith.constant 0 : i32
        %dma_start3A_134 = tpu.memref_slice %arg13[%dma_start3A, %dma_start3A_133] : memref<2x128xi32, #tpu.memory_space<vmem>> -> memref<1x128xi32, #tpu.memory_space<vmem>>
        %dma_start3A_135 = tpu.memref_squeeze %dma_start3A_134 : memref<1x128xi32, #tpu.memory_space<vmem>> -> memref<128xi32, #tpu.memory_space<vmem>>
        %dma_start3A_136 = arith.constant 0 : i32
        %dma_start3A_137 = arith.constant 0 : i32
        %dma_start3A_138 = tpu.memref_slice %arg2[%dma_start3A_136, %dma_start3A_137] : memref<50000x128xf32, #tpu.memory_space<hbm>> -> memref<50000x128xf32, #tpu.memory_space<hbm>>
        tpu.enqueue_indirect_dma source(%dma_start3A_138 : memref<50000x128xf32, #tpu.memory_space<hbm>>) target(%arg16 : memref<128x128xf32, #tpu.memory_space<vmem>>) offsets(%dma_start3A_135 : memref<128xi32, #tpu.memory_space<vmem>>) semaphore(%arg7 : memref<!tpu.dma_semaphore, #tpu.memory_space<semaphore_mem>>)
        %dma_start3A_139 = arith.constant 1 : i32
        %dma_start3A_140 = arith.constant 0 : i32
        %dma_start3A_141 = tpu.memref_slice %arg13[%dma_start3A_139, %dma_start3A_140] : memref<2x128xi32, #tpu.memory_space<vmem>> -> memref<1x128xi32, #tpu.memory_space<vmem>>
        %dma_start3A_142 = tpu.memref_squeeze %dma_start3A_141 : memref<1x128xi32, #tpu.memory_space<vmem>> -> memref<128xi32, #tpu.memory_space<vmem>>
        %dma_start3A_143 = arith.constant 0 : i32
        %dma_start3A_144 = arith.constant 0 : i32
        %dma_start3A_145 = tpu.memref_slice %arg3[%dma_start3A_143, %dma_start3A_144] : memref<50000x128xf32, #tpu.memory_space<hbm>> -> memref<50000x128xf32, #tpu.memory_space<hbm>>
        tpu.enqueue_indirect_dma source(%dma_start3A_145 : memref<50000x128xf32, #tpu.memory_space<hbm>>) target(%arg19 : memref<128x128xf32, #tpu.memory_space<vmem>>) offsets(%dma_start3A_142 : memref<128xi32, #tpu.memory_space<vmem>>) semaphore(%arg7 : memref<!tpu.dma_semaphore, #tpu.memory_space<semaphore_mem>>)
      } else {
      }
      %mul3A_104 = arith.constant 3 : i32
      %mul3A_105 = arith.muli %add3A_55, %mul3A_104 : i32
      %add3A_106 = arith.constant 2 : i32
      %add3A_107 = arith.addi %mul3A_105, %add3A_106 : i32
      %add3A_108 = arith.addi %mul3A_2, %add3A_107 : i32
      %lt3A_109 = arith.constant 1875 : i32
      %lt3A_110 = arith.cmpi slt, %add3A_108, %lt3A_109 : i32
      %lt3A_111 = arith.constant 59 : i32
      %lt3A_112 = arith.cmpi slt, %add3A_107, %lt3A_111 : i32
      %and3A_113 = arith.andi %lt3A_110, %lt3A_112 : i1
      %convert_element_type3A_114 = arith.extui %and3A_113 : i1 to i32
      %cond3A_115 = arith.constant 0 : i32
      %cond3A_116 = arith.cmpi ne, %convert_element_type3A_114, %cond3A_115 : i32
      scf.if %cond3A_116 {
        %dma_wait3A = arith.constant 0 : i32
        %dma_wait3A_128 = arith.constant 0 : i32
        %dma_wait3A_129 = tpu.memref_slice %arg2[%dma_wait3A, %dma_wait3A_128] : memref<50000x128xf32, #tpu.memory_space<hbm>> -> memref<128x128xf32, #tpu.memory_space<hbm>>
        %dma_wait3A_130 = arith.constant 0 : i32
        %dma_wait3A_131 = arith.constant 0 : i32
        %dma_wait3A_132 = tpu.memref_slice %arg2[%dma_wait3A_130, %dma_wait3A_131] : memref<50000x128xf32, #tpu.memory_space<hbm>> -> memref<128x128xf32, #tpu.memory_space<hbm>>
        tpu.wait_dma2 semaphore(%arg8 : memref<!tpu.dma_semaphore, #tpu.memory_space<semaphore_mem>>) src(%dma_wait3A_132 : memref<128x128xf32, #tpu.memory_space<hbm>>) dst(%arg17 : memref<128x128xf32, #tpu.memory_space<vmem>>)
        %dma_wait3A_133 = arith.constant 0 : i32
        %dma_wait3A_134 = arith.constant 0 : i32
        %dma_wait3A_135 = tpu.memref_slice %arg2[%dma_wait3A_133, %dma_wait3A_134] : memref<50000x128xf32, #tpu.memory_space<hbm>> -> memref<128x128xf32, #tpu.memory_space<hbm>>
        %dma_wait3A_136 = arith.constant 0 : i32
        %dma_wait3A_137 = arith.constant 0 : i32
        %dma_wait3A_138 = tpu.memref_slice %arg2[%dma_wait3A_136, %dma_wait3A_137] : memref<50000x128xf32, #tpu.memory_space<hbm>> -> memref<128x128xf32, #tpu.memory_space<hbm>>
        tpu.wait_dma2 semaphore(%arg8 : memref<!tpu.dma_semaphore, #tpu.memory_space<semaphore_mem>>) src(%dma_wait3A_138 : memref<128x128xf32, #tpu.memory_space<hbm>>) dst(%arg20 : memref<128x128xf32, #tpu.memory_space<vmem>>)
        %scan3A_139 = arith.constant 0 : i32
        %scan3A_140 = arith.constant 128 : i32
        %scan3A_141 = arith.addi %scan3A_139, %scan3A_140 : i32
        %scan3A_142 = arith.constant 1 : i32
        scf.for %scan3A_150 = %scan3A_139 to %scan3A_141 step %scan3A_142  : i32 {
          %mul3A_151 = arith.constant 1 : i32
          %mul3A_152 = arith.muli %scan3A_150, %mul3A_151 : i32
          %add3A_153 = arith.constant 0 : i32
          %add3A_154 = arith.addi %add3A_153, %mul3A_152 : i32
          %get3A = arith.index_cast %add3A_154 : i32 to index
          %get3A_155 = arith.constant 0 : index
          %get3A_156 = tpu.vector_load %arg17[%get3A, %get3A_155] {strides = array<i32>} : memref<128x128xf32, #tpu.memory_space<vmem>>, vector<1x16xf32>,
          %get3A_157 = vector.shape_cast %get3A_156 : vector<1x16xf32> to vector<1x16xf32>
          %get3A_158 = arith.index_cast %add3A_154 : i32 to index
          %get3A_159 = arith.constant 0 : index
          %get3A_160 = tpu.vector_load %arg20[%get3A_158, %get3A_159] {strides = array<i32>} : memref<128x128xf32, #tpu.memory_space<vmem>>, vector<1x16xf32>,
          %get3A_161 = vector.shape_cast %get3A_160 : vector<1x16xf32> to vector<1x16xf32>
          %add3A_162 = arith.addf %get3A_157, %get3A_161 : vector<1x16xf32>
          %swap3A = arith.index_cast %add3A_154 : i32 to index
          %swap3A_163 = arith.constant 0 : index
          %swap3A_164 = tpu.vector_load %arg17[%swap3A, %swap3A_163] {strides = array<i32>} : memref<128x128xf32, #tpu.memory_space<vmem>>, vector<1x16xf32>,
          %swap3A_165 = vector.shape_cast %swap3A_164 : vector<1x16xf32> to vector<1x16xf32>
          %swap3A_166 = vector.shape_cast %add3A_162 : vector<1x16xf32> to vector<1x16xf32>
          tpu.vector_store %arg17[%swap3A, %swap3A_163], %swap3A_166 {strides = array<i32>} : memref<128x128xf32, #tpu.memory_space<vmem>>, vector<1x16xf32>,
          %get3A_167 = arith.index_cast %add3A_154 : i32 to index
          %get3A_168 = arith.constant 16 : index
          %get3A_169 = tpu.vector_load %arg17[%get3A_167, %get3A_168] {strides = array<i32>} : memref<128x128xf32, #tpu.memory_space<vmem>>, vector<1x16xf32>,
          %get3A_170 = vector.shape_cast %get3A_169 : vector<1x16xf32> to vector<1x16xf32>
          %get3A_171 = arith.index_cast %add3A_154 : i32 to index
          %get3A_172 = arith.constant 16 : index
          %get3A_173 = tpu.vector_load %arg20[%get3A_171, %get3A_172] {strides = array<i32>} : memref<128x128xf32, #tpu.memory_space<vmem>>, vector<1x16xf32>,
          %get3A_174 = vector.shape_cast %get3A_173 : vector<1x16xf32> to vector<1x16xf32>
          %add3A_175 = arith.addf %get3A_170, %get3A_174 : vector<1x16xf32>
          %swap3A_176 = arith.index_cast %add3A_154 : i32 to index
          %swap3A_177 = arith.constant 16 : index
          %swap3A_178 = tpu.vector_load %arg17[%swap3A_176, %swap3A_177] {strides = array<i32>} : memref<128x128xf32, #tpu.memory_space<vmem>>, vector<1x16xf32>,
          %swap3A_179 = vector.shape_cast %swap3A_178 : vector<1x16xf32> to vector<1x16xf32>
          %swap3A_180 = vector.shape_cast %add3A_175 : vector<1x16xf32> to vector<1x16xf32>
          tpu.vector_store %arg17[%swap3A_176, %swap3A_177], %swap3A_180 {strides = array<i32>} : memref<128x128xf32, #tpu.memory_space<vmem>>, vector<1x16xf32>,
          %get3A_181 = arith.index_cast %add3A_154 : i32 to index
          %get3A_182 = arith.constant 32 : index
          %get3A_183 = tpu.vector_load %arg17[%get3A_181, %get3A_182] {strides = array<i32>} : memref<128x128xf32, #tpu.memory_space<vmem>>, vector<1x16xf32>,
          %get3A_184 = vector.shape_cast %get3A_183 : vector<1x16xf32> to vector<1x16xf32>
          %get3A_185 = arith.index_cast %add3A_154 : i32 to index
          %get3A_186 = arith.constant 32 : index
          %get3A_187 = tpu.vector_load %arg20[%get3A_185, %get3A_186] {strides = array<i32>} : memref<128x128xf32, #tpu.memory_space<vmem>>, vector<1x16xf32>,
          %get3A_188 = vector.shape_cast %get3A_187 : vector<1x16xf32> to vector<1x16xf32>
          %add3A_189 = arith.addf %get3A_184, %get3A_188 : vector<1x16xf32>
          %swap3A_190 = arith.index_cast %add3A_154 : i32 to index
          %swap3A_191 = arith.constant 32 : index
          %swap3A_192 = tpu.vector_load %arg17[%swap3A_190, %swap3A_191] {strides = array<i32>} : memref<128x128xf32, #tpu.memory_space<vmem>>, vector<1x16xf32>,
          %swap3A_193 = vector.shape_cast %swap3A_192 : vector<1x16xf32> to vector<1x16xf32>
          %swap3A_194 = vector.shape_cast %add3A_189 : vector<1x16xf32> to vector<1x16xf32>
          tpu.vector_store %arg17[%swap3A_190, %swap3A_191], %swap3A_194 {strides = array<i32>} : memref<128x128xf32, #tpu.memory_space<vmem>>, vector<1x16xf32>,
          %get3A_195 = arith.index_cast %add3A_154 : i32 to index
          %get3A_196 = arith.constant 48 : index
          %get3A_197 = tpu.vector_load %arg17[%get3A_195, %get3A_196] {strides = array<i32>} : memref<128x128xf32, #tpu.memory_space<vmem>>, vector<1x16xf32>,
          %get3A_198 = vector.shape_cast %get3A_197 : vector<1x16xf32> to vector<1x16xf32>
          %get3A_199 = arith.index_cast %add3A_154 : i32 to index
          %get3A_200 = arith.constant 48 : index
          %get3A_201 = tpu.vector_load %arg20[%get3A_199, %get3A_200] {strides = array<i32>} : memref<128x128xf32, #tpu.memory_space<vmem>>, vector<1x16xf32>,
          %get3A_202 = vector.shape_cast %get3A_201 : vector<1x16xf32> to vector<1x16xf32>
          %add3A_203 = arith.addf %get3A_198, %get3A_202 : vector<1x16xf32>
          %swap3A_204 = arith.index_cast %add3A_154 : i32 to index
          %swap3A_205 = arith.constant 48 : index
          %swap3A_206 = tpu.vector_load %arg17[%swap3A_204, %swap3A_205] {strides = array<i32>} : memref<128x128xf32, #tpu.memory_space<vmem>>, vector<1x16xf32>,
          %swap3A_207 = vector.shape_cast %swap3A_206 : vector<1x16xf32> to vector<1x16xf32>
          %swap3A_208 = vector.shape_cast %add3A_203 : vector<1x16xf32> to vector<1x16xf32>
          tpu.vector_store %arg17[%swap3A_204, %swap3A_205], %swap3A_208 {strides = array<i32>} : memref<128x128xf32, #tpu.memory_space<vmem>>, vector<1x16xf32>,
          %get3A_209 = arith.index_cast %add3A_154 : i32 to index
          %get3A_210 = arith.constant 64 : index
          %get3A_211 = tpu.vector_load %arg17[%get3A_209, %get3A_210] {strides = array<i32>} : memref<128x128xf32, #tpu.memory_space<vmem>>, vector<1x16xf32>,
          %get3A_212 = vector.shape_cast %get3A_211 : vector<1x16xf32> to vector<1x16xf32>
          %get3A_213 = arith.index_cast %add3A_154 : i32 to index
          %get3A_214 = arith.constant 64 : index
          %get3A_215 = tpu.vector_load %arg20[%get3A_213, %get3A_214] {strides = array<i32>} : memref<128x128xf32, #tpu.memory_space<vmem>>, vector<1x16xf32>,
          %get3A_216 = vector.shape_cast %get3A_215 : vector<1x16xf32> to vector<1x16xf32>
          %add3A_217 = arith.addf %get3A_212, %get3A_216 : vector<1x16xf32>
          %swap3A_218 = arith.index_cast %add3A_154 : i32 to index
          %swap3A_219 = arith.constant 64 : index
          %swap3A_220 = tpu.vector_load %arg17[%swap3A_218, %swap3A_219] {strides = array<i32>} : memref<128x128xf32, #tpu.memory_space<vmem>>, vector<1x16xf32>,
          %swap3A_221 = vector.shape_cast %swap3A_220 : vector<1x16xf32> to vector<1x16xf32>
          %swap3A_222 = vector.shape_cast %add3A_217 : vector<1x16xf32> to vector<1x16xf32>
          tpu.vector_store %arg17[%swap3A_218, %swap3A_219], %swap3A_222 {strides = array<i32>} : memref<128x128xf32, #tpu.memory_space<vmem>>, vector<1x16xf32>,
          %get3A_223 = arith.index_cast %add3A_154 : i32 to index
          %get3A_224 = arith.constant 80 : index
          %get3A_225 = tpu.vector_load %arg17[%get3A_223, %get3A_224] {strides = array<i32>} : memref<128x128xf32, #tpu.memory_space<vmem>>, vector<1x16xf32>,
          %get3A_226 = vector.shape_cast %get3A_225 : vector<1x16xf32> to vector<1x16xf32>
          %get3A_227 = arith.index_cast %add3A_154 : i32 to index
          %get3A_228 = arith.constant 80 : index
          %get3A_229 = tpu.vector_load %arg20[%get3A_227, %get3A_228] {strides = array<i32>} : memref<128x128xf32, #tpu.memory_space<vmem>>, vector<1x16xf32>,
          %get3A_230 = vector.shape_cast %get3A_229 : vector<1x16xf32> to vector<1x16xf32>
          %add3A_231 = arith.addf %get3A_226, %get3A_230 : vector<1x16xf32>
          %swap3A_232 = arith.index_cast %add3A_154 : i32 to index
          %swap3A_233 = arith.constant 80 : index
          %swap3A_234 = tpu.vector_load %arg17[%swap3A_232, %swap3A_233] {strides = array<i32>} : memref<128x128xf32, #tpu.memory_space<vmem>>, vector<1x16xf32>,
          %swap3A_235 = vector.shape_cast %swap3A_234 : vector<1x16xf32> to vector<1x16xf32>
          %swap3A_236 = vector.shape_cast %add3A_231 : vector<1x16xf32> to vector<1x16xf32>
          tpu.vector_store %arg17[%swap3A_232, %swap3A_233], %swap3A_236 {strides = array<i32>} : memref<128x128xf32, #tpu.memory_space<vmem>>, vector<1x16xf32>,
          %get3A_237 = arith.index_cast %add3A_154 : i32 to index
          %get3A_238 = arith.constant 96 : index
          %get3A_239 = tpu.vector_load %arg17[%get3A_237, %get3A_238] {strides = array<i32>} : memref<128x128xf32, #tpu.memory_space<vmem>>, vector<1x16xf32>,
          %get3A_240 = vector.shape_cast %get3A_239 : vector<1x16xf32> to vector<1x16xf32>
          %get3A_241 = arith.index_cast %add3A_154 : i32 to index
          %get3A_242 = arith.constant 96 : index
          %get3A_243 = tpu.vector_load %arg20[%get3A_241, %get3A_242] {strides = array<i32>} : memref<128x128xf32, #tpu.memory_space<vmem>>, vector<1x16xf32>,
          %get3A_244 = vector.shape_cast %get3A_243 : vector<1x16xf32> to vector<1x16xf32>
          %add3A_245 = arith.addf %get3A_240, %get3A_244 : vector<1x16xf32>
          %swap3A_246 = arith.index_cast %add3A_154 : i32 to index
          %swap3A_247 = arith.constant 96 : index
          %swap3A_248 = tpu.vector_load %arg17[%swap3A_246, %swap3A_247] {strides = array<i32>} : memref<128x128xf32, #tpu.memory_space<vmem>>, vector<1x16xf32>,
          %swap3A_249 = vector.shape_cast %swap3A_248 : vector<1x16xf32> to vector<1x16xf32>
          %swap3A_250 = vector.shape_cast %add3A_245 : vector<1x16xf32> to vector<1x16xf32>
          tpu.vector_store %arg17[%swap3A_246, %swap3A_247], %swap3A_250 {strides = array<i32>} : memref<128x128xf32, #tpu.memory_space<vmem>>, vector<1x16xf32>,
          %get3A_251 = arith.index_cast %add3A_154 : i32 to index
          %get3A_252 = arith.constant 112 : index
          %get3A_253 = tpu.vector_load %arg17[%get3A_251, %get3A_252] {strides = array<i32>} : memref<128x128xf32, #tpu.memory_space<vmem>>, vector<1x16xf32>,
          %get3A_254 = vector.shape_cast %get3A_253 : vector<1x16xf32> to vector<1x16xf32>
          %get3A_255 = arith.index_cast %add3A_154 : i32 to index
          %get3A_256 = arith.constant 112 : index
          %get3A_257 = tpu.vector_load %arg20[%get3A_255, %get3A_256] {strides = array<i32>} : memref<128x128xf32, #tpu.memory_space<vmem>>, vector<1x16xf32>,
          %get3A_258 = vector.shape_cast %get3A_257 : vector<1x16xf32> to vector<1x16xf32>
          %add3A_259 = arith.addf %get3A_254, %get3A_258 : vector<1x16xf32>
          %swap3A_260 = arith.index_cast %add3A_154 : i32 to index
          %swap3A_261 = arith.constant 112 : index
          %swap3A_262 = tpu.vector_load %arg17[%swap3A_260, %swap3A_261] {strides = array<i32>} : memref<128x128xf32, #tpu.memory_space<vmem>>, vector<1x16xf32>,
          %swap3A_263 = vector.shape_cast %swap3A_262 : vector<1x16xf32> to vector<1x16xf32>
          %swap3A_264 = vector.shape_cast %add3A_259 : vector<1x16xf32> to vector<1x16xf32>
          tpu.vector_store %arg17[%swap3A_260, %swap3A_261], %swap3A_264 {strides = array<i32>} : memref<128x128xf32, #tpu.memory_space<vmem>>, vector<1x16xf32>,
        }
        %scan3A_143 = arith.constant 128 : i32
        %mul3A_144 = arith.constant 128 : i32
        %mul3A_145 = arith.muli %add3A_108, %mul3A_144 : i32
        %min3A = arith.constant 239872 : i32
        %min3A_146 = arith.minsi %mul3A_145, %min3A : i32
        %dma_start3A = arith.constant 0 : i32
        %dma_start3A_147 = tpu.memref_slice %arg5[%min3A_146, %dma_start3A] : memref<240000x128xf32, #tpu.memory_space<hbm>> -> memref<128x128xf32, #tpu.memory_space<hbm>>
        %dma_start3A_148 = arith.constant 0 : i32
        %dma_start3A_149 = tpu.memref_slice %arg5[%min3A_146, %dma_start3A_148] : memref<240000x128xf32, #tpu.memory_space<hbm>> -> memref<128x128xf32, #tpu.memory_space<hbm>>
        tpu.enqueue_dma source(%arg17 : memref<128x128xf32, #tpu.memory_space<vmem>>) target(%dma_start3A_149 : memref<128x128xf32, #tpu.memory_space<hbm>>) target_semaphore(%arg11 : memref<!tpu.dma_semaphore, #tpu.memory_space<semaphore_mem>>)
      } else {
      }
      %add3A_117 = arith.constant 3 : i32
      %add3A_118 = arith.addi %add3A_107, %add3A_117 : i32
      %add3A_119 = arith.addi %mul3A_2, %add3A_118 : i32
      %lt3A_120 = arith.constant 1875 : i32
      %lt3A_121 = arith.cmpi slt, %add3A_119, %lt3A_120 : i32
      %lt3A_122 = arith.constant 59 : i32
      %lt3A_123 = arith.cmpi slt, %add3A_118, %lt3A_122 : i32
      %and3A_124 = arith.andi %lt3A_121, %lt3A_123 : i1
      %convert_element_type3A_125 = arith.extui %and3A_124 : i1 to i32
      %cond3A_126 = arith.constant 0 : i32
      %cond3A_127 = arith.cmpi ne, %convert_element_type3A_125, %cond3A_126 : i32
      scf.if %cond3A_127 {
        %dma_wait3A = arith.constant 0 : i32
        %dma_wait3A_128 = arith.constant 0 : i32
        %dma_wait3A_129 = tpu.memref_slice %arg2[%dma_wait3A, %dma_wait3A_128] : memref<50000x128xf32, #tpu.memory_space<hbm>> -> memref<128x128xf32, #tpu.memory_space<hbm>>
        %dma_wait3A_130 = arith.constant 0 : i32
        %dma_wait3A_131 = arith.constant 0 : i32
        %dma_wait3A_132 = tpu.memref_slice %arg2[%dma_wait3A_130, %dma_wait3A_131] : memref<50000x128xf32, #tpu.memory_space<hbm>> -> memref<128x128xf32, #tpu.memory_space<hbm>>
        tpu.wait_dma2 semaphore(%arg11 : memref<!tpu.dma_semaphore, #tpu.memory_space<semaphore_mem>>) src(%dma_wait3A_132 : memref<128x128xf32, #tpu.memory_space<hbm>>) dst(%arg17 : memref<128x128xf32, #tpu.memory_space<vmem>>)
        "tpu.region"() ({
          %run_scoped3A = tpu.sem_alloc : memref<!tpu.dma_semaphore, #tpu.memory_space<semaphore_mem>>
          %dma_start3A_146 = arith.constant 0 : i32
          %dma_start3A_147 = arith.constant 0 : i32
          %dma_start3A_148 = tpu.memref_slice %arg4[%add3A_119, %dma_start3A_146, %dma_start3A_147] : memref<1875x2x128xi32, #tpu.memory_space<hbm>> -> memref<1x2x128xi32, #tpu.memory_space<hbm>>
          %dma_start3A_149 = tpu.memref_squeeze %dma_start3A_148 : memref<1x2x128xi32, #tpu.memory_space<hbm>> -> memref<2x128xi32, #tpu.memory_space<hbm>>
          %dma_start3A_150 = arith.constant 0 : i32
          %dma_start3A_151 = arith.constant 0 : i32
          %dma_start3A_152 = tpu.memref_slice %arg4[%add3A_119, %dma_start3A_150, %dma_start3A_151] : memref<1875x2x128xi32, #tpu.memory_space<hbm>> -> memref<1x2x128xi32, #tpu.memory_space<hbm>>
          %dma_start3A_153 = tpu.memref_squeeze %dma_start3A_152 : memref<1x2x128xi32, #tpu.memory_space<hbm>> -> memref<2x128xi32, #tpu.memory_space<hbm>>
          tpu.enqueue_dma source(%dma_start3A_153 : memref<2x128xi32, #tpu.memory_space<hbm>>) target(%arg14 : memref<2x128xi32, #tpu.memory_space<vmem>>) target_semaphore(%run_scoped3A : memref<!tpu.dma_semaphore, #tpu.memory_space<semaphore_mem>>)
          %dma_wait3A_154 = arith.constant 0 : i32
          %dma_wait3A_155 = arith.constant 0 : i32
          %dma_wait3A_156 = tpu.memref_slice %arg4[%add3A_119, %dma_wait3A_154, %dma_wait3A_155] : memref<1875x2x128xi32, #tpu.memory_space<hbm>> -> memref<1x2x128xi32, #tpu.memory_space<hbm>>
          %dma_wait3A_157 = tpu.memref_squeeze %dma_wait3A_156 : memref<1x2x128xi32, #tpu.memory_space<hbm>> -> memref<2x128xi32, #tpu.memory_space<hbm>>
          %dma_wait3A_158 = arith.constant 0 : i32
          %dma_wait3A_159 = arith.constant 0 : i32
          %dma_wait3A_160 = tpu.memref_slice %arg4[%add3A_119, %dma_wait3A_158, %dma_wait3A_159] : memref<1875x2x128xi32, #tpu.memory_space<hbm>> -> memref<1x2x128xi32, #tpu.memory_space<hbm>>
          %dma_wait3A_161 = tpu.memref_squeeze %dma_wait3A_160 : memref<1x2x128xi32, #tpu.memory_space<hbm>> -> memref<2x128xi32, #tpu.memory_space<hbm>>
          tpu.wait_dma2 semaphore(%run_scoped3A : memref<!tpu.dma_semaphore, #tpu.memory_space<semaphore_mem>>) src(%dma_wait3A_161 : memref<2x128xi32, #tpu.memory_space<hbm>>) dst(%arg14 : memref<2x128xi32, #tpu.memory_space<vmem>>)
          tpu.yield
        }) : () -> ()
        %dma_start3A = arith.constant 0 : i32
        %dma_start3A_133 = arith.constant 0 : i32
        %dma_start3A_134 = tpu.memref_slice %arg14[%dma_start3A, %dma_start3A_133] : memref<2x128xi32, #tpu.memory_space<vmem>> -> memref<1x128xi32, #tpu.memory_space<vmem>>
        %dma_start3A_135 = tpu.memref_squeeze %dma_start3A_134 : memref<1x128xi32, #tpu.memory_space<vmem>> -> memref<128xi32, #tpu.memory_space<vmem>>
        %dma_start3A_136 = arith.constant 0 : i32
        %dma_start3A_137 = arith.constant 0 : i32
        %dma_start3A_138 = tpu.memref_slice %arg2[%dma_start3A_136, %dma_start3A_137] : memref<50000x128xf32, #tpu.memory_space<hbm>> -> memref<50000x128xf32, #tpu.memory_space<hbm>>
        tpu.enqueue_indirect_dma source(%dma_start3A_138 : memref<50000x128xf32, #tpu.memory_space<hbm>>) target(%arg17 : memref<128x128xf32, #tpu.memory_space<vmem>>) offsets(%dma_start3A_135 : memref<128xi32, #tpu.memory_space<vmem>>) semaphore(%arg8 : memref<!tpu.dma_semaphore, #tpu.memory_space<semaphore_mem>>)
        %dma_start3A_139 = arith.constant 1 : i32
        %dma_start3A_140 = arith.constant 0 : i32
        %dma_start3A_141 = tpu.memref_slice %arg14[%dma_start3A_139, %dma_start3A_140] : memref<2x128xi32, #tpu.memory_space<vmem>> -> memref<1x128xi32, #tpu.memory_space<vmem>>
        %dma_start3A_142 = tpu.memref_squeeze %dma_start3A_141 : memref<1x128xi32, #tpu.memory_space<vmem>> -> memref<128xi32, #tpu.memory_space<vmem>>
        %dma_start3A_143 = arith.constant 0 : i32
        %dma_start3A_144 = arith.constant 0 : i32
        %dma_start3A_145 = tpu.memref_slice %arg3[%dma_start3A_143, %dma_start3A_144] : memref<50000x128xf32, #tpu.memory_space<hbm>> -> memref<50000x128xf32, #tpu.memory_space<hbm>>
        tpu.enqueue_indirect_dma source(%dma_start3A_145 : memref<50000x128xf32, #tpu.memory_space<hbm>>) target(%arg20 : memref<128x128xf32, #tpu.memory_space<vmem>>) offsets(%dma_start3A_142 : memref<128xi32, #tpu.memory_space<vmem>>) semaphore(%arg8 : memref<!tpu.dma_semaphore, #tpu.memory_space<semaphore_mem>>)
      } else {
      }
    }
    %scan3A_29 = arith.constant 20 : i32
    %add3A_30 = arith.constant 0 : i32
    %add3A_31 = arith.addi %mul3A_2, %add3A_30 : i32
    %lt3A_32 = arith.constant 1875 : i32
    %lt3A_33 = arith.cmpi slt, %add3A_31, %lt3A_32 : i32
    %convert_element_type3A_34 = arith.extui %lt3A_33 : i1 to i32
    %cond3A_35 = arith.constant 0 : i32
    %cond3A_36 = arith.cmpi ne, %convert_element_type3A_34, %cond3A_35 : i32
    scf.if %cond3A_36 {
      %dma_wait3A = arith.constant 0 : i32
      %dma_wait3A_51 = arith.constant 0 : i32
      %dma_wait3A_52 = tpu.memref_slice %arg2[%dma_wait3A, %dma_wait3A_51] : memref<50000x128xf32, #tpu.memory_space<hbm>> -> memref<128x128xf32, #tpu.memory_space<hbm>>
      %dma_wait3A_53 = arith.constant 0 : i32
      %dma_wait3A_54 = arith.constant 0 : i32
      %dma_wait3A_55 = tpu.memref_slice %arg2[%dma_wait3A_53, %dma_wait3A_54] : memref<50000x128xf32, #tpu.memory_space<hbm>> -> memref<128x128xf32, #tpu.memory_space<hbm>>
      tpu.wait_dma2 semaphore(%arg9 : memref<!tpu.dma_semaphore, #tpu.memory_space<semaphore_mem>>) src(%dma_wait3A_55 : memref<128x128xf32, #tpu.memory_space<hbm>>) dst(%arg15 : memref<128x128xf32, #tpu.memory_space<vmem>>)
    } else {
    }
    %add3A_37 = arith.constant 1 : i32
    %add3A_38 = arith.addi %mul3A_2, %add3A_37 : i32
    %lt3A_39 = arith.constant 1875 : i32
    %lt3A_40 = arith.cmpi slt, %add3A_38, %lt3A_39 : i32
    %convert_element_type3A_41 = arith.extui %lt3A_40 : i1 to i32
    %cond3A_42 = arith.constant 0 : i32
    %cond3A_43 = arith.cmpi ne, %convert_element_type3A_41, %cond3A_42 : i32
    scf.if %cond3A_43 {
      %dma_wait3A = arith.constant 0 : i32
      %dma_wait3A_51 = arith.constant 0 : i32
      %dma_wait3A_52 = tpu.memref_slice %arg2[%dma_wait3A, %dma_wait3A_51] : memref<50000x128xf32, #tpu.memory_space<hbm>> -> memref<128x128xf32, #tpu.memory_space<hbm>>
      %dma_wait3A_53 = arith.constant 0 : i32
      %dma_wait3A_54 = arith.constant 0 : i32
      %dma_wait3A_55 = tpu.memref_slice %arg2[%dma_wait3A_53, %dma_wait3A_54] : memref<50000x128xf32, #tpu.memory_space<hbm>> -> memref<128x128xf32, #tpu.memory_space<hbm>>
      tpu.wait_dma2 semaphore(%arg10 : memref<!tpu.dma_semaphore, #tpu.memory_space<semaphore_mem>>) src(%dma_wait3A_55 : memref<128x128xf32, #tpu.memory_space<hbm>>) dst(%arg16 : memref<128x128xf32, #tpu.memory_space<vmem>>)
    } else {
    }
    %add3A_44 = arith.constant 2 : i32
    %add3A_45 = arith.addi %mul3A_2, %add3A_44 : i32
    %lt3A_46 = arith.constant 1875 : i32
    %lt3A_47 = arith.cmpi slt, %add3A_45, %lt3A_46 : i32
    %convert_element_type3A_48 = arith.extui %lt3A_47 : i1 to i32
    %cond3A_49 = arith.constant 0 : i32
    %cond3A_50 = arith.cmpi ne, %convert_element_type3A_48, %cond3A_49 : i32
    scf.if %cond3A_50 {
      %dma_wait3A = arith.constant 0 : i32
      %dma_wait3A_51 = arith.constant 0 : i32
      %dma_wait3A_52 = tpu.memref_slice %arg2[%dma_wait3A, %dma_wait3A_51] : memref<50000x128xf32, #tpu.memory_space<hbm>> -> memref<128x128xf32, #tpu.memory_space<hbm>>
      %dma_wait3A_53 = arith.constant 0 : i32
      %dma_wait3A_54 = arith.constant 0 : i32
      %dma_wait3A_55 = tpu.memref_slice %arg2[%dma_wait3A_53, %dma_wait3A_54] : memref<50000x128xf32, #tpu.memory_space<hbm>> -> memref<128x128xf32, #tpu.memory_space<hbm>>
      tpu.wait_dma2 semaphore(%arg11 : memref<!tpu.dma_semaphore, #tpu.memory_space<semaphore_mem>>) src(%dma_wait3A_55 : memref<128x128xf32, #tpu.memory_space<hbm>>) dst(%arg17 : memref<128x128xf32, #tpu.memory_space<vmem>>)
    } else {
    }
    return
  }
}

module attributes {stable_mosaic.version = 14 : i64} {
  func.func @body(%arg0: i32, %arg1: memref<2000x128xf32, #tpu.memory_space<vmem>>, %arg2: memref<4x128x128xf32, #tpu.memory_space<vmem>>, %arg3: memref<2000x128xf32, #tpu.memory_space<vmem>>, %arg4: memref<2000x128xf32, #tpu.memory_space<vmem>>, %arg5: memref<2000x128xf32, #tpu.memory_space<vmem>>, %arg6: memref<2000x128xf32, #tpu.memory_space<vmem>>) attributes {dimension_semantics = [#tpu.dimension_semantics<arbitrary>], iteration_bounds = array<i64: 25>, scalar_prefetch = 0 : i64, scratch_operands = 0 : i64, tpu.core_type = #tpu.core_type<tc>, window_params = [{transform_indices = @transform_0, window_bounds = array<i64: 2000, 128>}, {pipeline_mode = #tpu.pipeline_mode<synchronous>, transform_indices = @transform_1, window_bounds = array<i64: 4, 128, 128>}, {transform_indices = @transform_2, window_bounds = array<i64: 2000, 128>}, {transform_indices = @transform_3, window_bounds = array<i64: 2000, 128>}, {transform_indices = @transform_4, window_bounds = array<i64: 2000, 128>}, {transform_indices = @transform_5, window_bounds = array<i64: 2000, 128>}]} {
    %get3A = arith.constant 0 : index
    %get3A_0 = arith.constant 0 : index
    %get3A_1 = vector.load %arg1[%get3A, %get3A_0] : memref<2000x128xf32, #tpu.memory_space<vmem>>, vector<2000x128xf32>
    %get3A_2 = arith.constant 0 : index
    %get3A_3 = arith.constant 0 : index
    %get3A_4 = arith.constant 0 : index
    %get3A_5 = vector.load %arg2[%get3A_2, %get3A_3, %get3A_4] : memref<4x128x128xf32, #tpu.memory_space<vmem>>, vector<1x128x128xf32>
    %get3A_6 = vector.shape_cast %get3A_5 : vector<1x128x128xf32> to vector<128x128xf32>
    %dot_general3A = arith.constant dense<0.000000e+00> : vector<2000x128xf32>
    %dot_general3A_7 = tpu.matmul %get3A_1, %get3A_6, %dot_general3A {dimension_numbers = #tpu.dot_dimension_numbers<[1], [0], [0], [1], [0, 0, 1, 1], [], []>, transpose_lhs_hint = false} : vector<2000x128xf32>, vector<128x128xf32>, vector<2000x128xf32> -> vector<2000x128xf32>
    %swap3A = arith.constant 0 : index
    %swap3A_8 = arith.constant 0 : index
    %swap3A_9 = vector.load %arg3[%swap3A, %swap3A_8] : memref<2000x128xf32, #tpu.memory_space<vmem>>, vector<2000x128xf32>
    tpu.vector_store %arg3[%swap3A, %swap3A_8], %dot_general3A_7 {strides = array<i32>} : memref<2000x128xf32, #tpu.memory_space<vmem>>, vector<2000x128xf32>,
    %get3A_10 = arith.constant 1 : index
    %get3A_11 = arith.constant 0 : index
    %get3A_12 = arith.constant 0 : index
    %get3A_13 = vector.load %arg2[%get3A_10, %get3A_11, %get3A_12] : memref<4x128x128xf32, #tpu.memory_space<vmem>>, vector<1x128x128xf32>
    %get3A_14 = vector.shape_cast %get3A_13 : vector<1x128x128xf32> to vector<128x128xf32>
    %dot_general3A_15 = arith.constant dense<0.000000e+00> : vector<2000x128xf32>
    %dot_general3A_16 = tpu.matmul %get3A_1, %get3A_14, %dot_general3A_15 {dimension_numbers = #tpu.dot_dimension_numbers<[1], [0], [0], [1], [0, 0, 1, 1], [], []>, transpose_lhs_hint = false} : vector<2000x128xf32>, vector<128x128xf32>, vector<2000x128xf32> -> vector<2000x128xf32>
    %swap3A_17 = arith.constant 0 : index
    %swap3A_18 = arith.constant 0 : index
    %swap3A_19 = vector.load %arg4[%swap3A_17, %swap3A_18] : memref<2000x128xf32, #tpu.memory_space<vmem>>, vector<2000x128xf32>
    tpu.vector_store %arg4[%swap3A_17, %swap3A_18], %dot_general3A_16 {strides = array<i32>} : memref<2000x128xf32, #tpu.memory_space<vmem>>, vector<2000x128xf32>,
    %get3A_20 = arith.constant 2 : index
    %get3A_21 = arith.constant 0 : index
    %get3A_22 = arith.constant 0 : index
    %get3A_23 = vector.load %arg2[%get3A_20, %get3A_21, %get3A_22] : memref<4x128x128xf32, #tpu.memory_space<vmem>>, vector<1x128x128xf32>
    %get3A_24 = vector.shape_cast %get3A_23 : vector<1x128x128xf32> to vector<128x128xf32>
    %dot_general3A_25 = arith.constant dense<0.000000e+00> : vector<2000x128xf32>
    %dot_general3A_26 = tpu.matmul %get3A_1, %get3A_24, %dot_general3A_25 {dimension_numbers = #tpu.dot_dimension_numbers<[1], [0], [0], [1], [0, 0, 1, 1], [], []>, transpose_lhs_hint = false} : vector<2000x128xf32>, vector<128x128xf32>, vector<2000x128xf32> -> vector<2000x128xf32>
    %swap3A_27 = arith.constant 0 : index
    %swap3A_28 = arith.constant 0 : index
    %swap3A_29 = vector.load %arg5[%swap3A_27, %swap3A_28] : memref<2000x128xf32, #tpu.memory_space<vmem>>, vector<2000x128xf32>
    tpu.vector_store %arg5[%swap3A_27, %swap3A_28], %dot_general3A_26 {strides = array<i32>} : memref<2000x128xf32, #tpu.memory_space<vmem>>, vector<2000x128xf32>,
    %get3A_30 = arith.constant 3 : index
    %get3A_31 = arith.constant 0 : index
    %get3A_32 = arith.constant 0 : index
    %get3A_33 = vector.load %arg2[%get3A_30, %get3A_31, %get3A_32] : memref<4x128x128xf32, #tpu.memory_space<vmem>>, vector<1x128x128xf32>
    %get3A_34 = vector.shape_cast %get3A_33 : vector<1x128x128xf32> to vector<128x128xf32>
    %dot_general3A_35 = arith.constant dense<0.000000e+00> : vector<2000x128xf32>
    %dot_general3A_36 = tpu.matmul %get3A_1, %get3A_34, %dot_general3A_35 {dimension_numbers = #tpu.dot_dimension_numbers<[1], [0], [0], [1], [0, 0, 1, 1], [], []>, transpose_lhs_hint = false} : vector<2000x128xf32>, vector<128x128xf32>, vector<2000x128xf32> -> vector<2000x128xf32>
    %swap3A_37 = arith.constant 0 : index
    %swap3A_38 = arith.constant 0 : index
    %swap3A_39 = vector.load %arg6[%swap3A_37, %swap3A_38] : memref<2000x128xf32, #tpu.memory_space<vmem>>, vector<2000x128xf32>
    tpu.vector_store %arg6[%swap3A_37, %swap3A_38], %dot_general3A_36 {strides = array<i32>} : memref<2000x128xf32, #tpu.memory_space<vmem>>, vector<2000x128xf32>,
    return
  }
  func.func @transform_0(%arg0: i32) -> (i32, i32) {
    %c0_i32 = arith.constant 0 : i32
    %c0_i32_0 = arith.constant 0 : i32
    return %arg0, %c0_i32 : i32, i32
  }
  func.func @transform_1(%arg0: i32) -> (i32, i32, i32) {
    %c0_i32 = arith.constant 0 : i32
    %c0_i32_0 = arith.constant 0 : i32
    %c0_i32_1 = arith.constant 0 : i32
    %c0_i32_2 = arith.constant 0 : i32
    return %c0_i32, %c0_i32_0, %c0_i32_1 : i32, i32, i32
  }
  func.func @transform_2(%arg0: i32) -> (i32, i32) {
    %c0_i32 = arith.constant 0 : i32
    %c0_i32_0 = arith.constant 0 : i32
    return %arg0, %c0_i32 : i32, i32
  }
  func.func @transform_3(%arg0: i32) -> (i32, i32) {
    %c0_i32 = arith.constant 0 : i32
    %c0_i32_0 = arith.constant 0 : i32
    return %arg0, %c0_i32 : i32, i32
  }
  func.func @transform_4(%arg0: i32) -> (i32, i32) {
    %c0_i32 = arith.constant 0 : i32
    %c0_i32_0 = arith.constant 0 : i32
    return %arg0, %c0_i32 : i32, i32
  }
  func.func @transform_5(%arg0: i32) -> (i32, i32) {
    %c0_i32 = arith.constant 0 : i32
    %c0_i32_0 = arith.constant 0 : i32
    return %arg0, %c0_i32 : i32, i32
  }
}

module attributes {stable_mosaic.version = 14 : i64} {
  func.func @compute(%arg0: i32, %arg1: memref<4000x128xf32, #tpu.memory_space<vmem>>, %arg2: memref<4000x128xf32, #tpu.memory_space<vmem>>, %arg3: memref<128x128xf32, #tpu.memory_space<vmem>>, %arg4: memref<1x128xf32, #tpu.memory_space<vmem>>, %arg5: memref<128x128xf32, #tpu.memory_space<vmem>>, %arg6: memref<1x128xf32, #tpu.memory_space<vmem>>, %arg7: memref<1x128xf32, #tpu.memory_space<vmem>>, %arg8: memref<1x128xf32, #tpu.memory_space<vmem>>, %arg9: memref<4000x128xf32, #tpu.memory_space<vmem>>) attributes {dimension_semantics = [#tpu.dimension_semantics<arbitrary>], iteration_bounds = array<i64: 60>, scalar_prefetch = 0 : i64, scratch_operands = 0 : i64, tpu.core_type = #tpu.core_type<tc>, window_params = [{transform_indices = @transform_0, window_bounds = array<i64: 4000, 128>}, {transform_indices = @transform_1, window_bounds = array<i64: 4000, 128>}, {pipeline_mode = #tpu.pipeline_mode<synchronous>, transform_indices = @transform_2, window_bounds = array<i64: 128, 128>}, {pipeline_mode = #tpu.pipeline_mode<synchronous>, transform_indices = @transform_3, window_bounds = array<i64: 1, 128>}, {pipeline_mode = #tpu.pipeline_mode<synchronous>, transform_indices = @transform_4, window_bounds = array<i64: 128, 128>}, {pipeline_mode = #tpu.pipeline_mode<synchronous>, transform_indices = @transform_5, window_bounds = array<i64: 1, 128>}, {pipeline_mode = #tpu.pipeline_mode<synchronous>, transform_indices = @transform_6, window_bounds = array<i64: 1, 128>}, {pipeline_mode = #tpu.pipeline_mode<synchronous>, transform_indices = @transform_7, window_bounds = array<i64: 1, 128>}, {transform_indices = @transform_8, window_bounds = array<i64: 4000, 128>}]} {
    %get3A = arith.constant 0 : index
    %get3A_0 = arith.constant 0 : index
    %get3A_1 = vector.load %arg2[%get3A, %get3A_0] : memref<4000x128xf32, #tpu.memory_space<vmem>>, vector<4000x128xf32>
    %get3A_2 = arith.constant 0 : index
    %get3A_3 = arith.constant 0 : index
    %get3A_4 = vector.load %arg1[%get3A_2, %get3A_3] : memref<4000x128xf32, #tpu.memory_space<vmem>>, vector<4000x128xf32>
    %get3A_5 = arith.constant 0 : index
    %get3A_6 = arith.constant 0 : index
    %get3A_7 = vector.load %arg4[%get3A_5, %get3A_6] : memref<1x128xf32, #tpu.memory_space<vmem>>, vector<1x128xf32>
    %add3A = vector.broadcast %get3A_7 : vector<1x128xf32> to vector<4000x128xf32>
    %add3A_8 = arith.addf %get3A_4, %add3A : vector<4000x128xf32>
    %get3A_9 = arith.constant 0 : index
    %get3A_10 = arith.constant 0 : index
    %get3A_11 = vector.load %arg3[%get3A_9, %get3A_10] : memref<128x128xf32, #tpu.memory_space<vmem>>, vector<128x128xf32>
    %dot_general3A = arith.constant dense<0.000000e+00> : vector<4000x128xf32>
    %dot_general3A_12 = tpu.matmul %get3A_1, %get3A_11, %dot_general3A {dimension_numbers = #tpu.dot_dimension_numbers<[1], [0], [0], [1], [0, 0, 1, 1], [], []>, transpose_lhs_hint = false} : vector<4000x128xf32>, vector<128x128xf32>, vector<4000x128xf32> -> vector<4000x128xf32>
    %add3A_13 = arith.addf %add3A_8, %dot_general3A_12 : vector<4000x128xf32>
    %max3A = arith.constant 0.000000e+00 : f32
    %max3A_14 = vector.broadcast %max3A : f32 to vector<4000x128xf32>
    %max3A_15 = arith.maximumf %add3A_13, %max3A_14 : vector<4000x128xf32>
    %get3A_16 = arith.constant 0 : index
    %get3A_17 = arith.constant 0 : index
    %get3A_18 = vector.load %arg5[%get3A_16, %get3A_17] : memref<128x128xf32, #tpu.memory_space<vmem>>, vector<128x128xf32>
    %dot_general3A_19 = arith.constant dense<0.000000e+00> : vector<4000x128xf32>
    %dot_general3A_20 = tpu.matmul %max3A_15, %get3A_18, %dot_general3A_19 {dimension_numbers = #tpu.dot_dimension_numbers<[1], [0], [0], [1], [0, 0, 1, 1], [], []>, transpose_lhs_hint = false} : vector<4000x128xf32>, vector<128x128xf32>, vector<4000x128xf32> -> vector<4000x128xf32>
    %get3A_21 = arith.constant 0 : index
    %get3A_22 = arith.constant 0 : index
    %get3A_23 = vector.load %arg6[%get3A_21, %get3A_22] : memref<1x128xf32, #tpu.memory_space<vmem>>, vector<1x128xf32>
    %add3A_24 = vector.broadcast %get3A_23 : vector<1x128xf32> to vector<4000x128xf32>
    %add3A_25 = arith.addf %dot_general3A_20, %add3A_24 : vector<4000x128xf32>
    %reduce_sum3A = arith.constant dense<0.000000e+00> : vector<4000xf32>
    %reduce_sum3A_26 = vector.multi_reduction <add>, %add3A_25, %reduce_sum3A [1] : vector<4000x128xf32> to vector<4000xf32>
    %broadcast_in_dim3A = vector.shape_cast %reduce_sum3A_26 : vector<4000xf32> to vector<4000x1xf32>
    %div3A = arith.constant 1.280000e+02 : f32
    %div3A_27 = vector.broadcast %div3A : f32 to vector<4000x1xf32>
    %div3A_28 = arith.divf %broadcast_in_dim3A, %div3A_27 : vector<4000x1xf32>
    %sub3A = vector.broadcast %div3A_28 : vector<4000x1xf32> to vector<4000x128xf32>
    %sub3A_29 = arith.subf %add3A_25, %sub3A : vector<4000x128xf32>
    %mul3A = arith.mulf %sub3A_29, %sub3A_29 : vector<4000x128xf32>
    %reduce_sum3A_30 = arith.constant dense<0.000000e+00> : vector<4000xf32>
    %reduce_sum3A_31 = vector.multi_reduction <add>, %mul3A, %reduce_sum3A_30 [1] : vector<4000x128xf32> to vector<4000xf32>
    %broadcast_in_dim3A_32 = vector.shape_cast %reduce_sum3A_31 : vector<4000xf32> to vector<4000x1xf32>
    %div3A_33 = arith.constant 1.280000e+02 : f32
    %div3A_34 = vector.broadcast %div3A_33 : f32 to vector<4000x1xf32>
    %div3A_35 = arith.divf %broadcast_in_dim3A_32, %div3A_34 : vector<4000x1xf32>
    %add3A_36 = arith.constant 9.99999974E-6 : f32
    %add3A_37 = vector.broadcast %add3A_36 : f32 to vector<4000x1xf32>
    %add3A_38 = arith.addf %div3A_35, %add3A_37 : vector<4000x1xf32>
    %rsqrt3A = math.rsqrt %add3A_38 : vector<4000x1xf32>
    %mul3A_39 = vector.broadcast %rsqrt3A : vector<4000x1xf32> to vector<4000x128xf32>
    %mul3A_40 = arith.mulf %sub3A_29, %mul3A_39 : vector<4000x128xf32>
    %get3A_41 = arith.constant 0 : index
    %get3A_42 = arith.constant 0 : index
    %get3A_43 = vector.load %arg7[%get3A_41, %get3A_42] : memref<1x128xf32, #tpu.memory_space<vmem>>, vector<1x128xf32>
    %mul3A_44 = vector.broadcast %get3A_43 : vector<1x128xf32> to vector<4000x128xf32>
    %mul3A_45 = arith.mulf %mul3A_40, %mul3A_44 : vector<4000x128xf32>
    %add3A_46 = arith.addf %get3A_1, %mul3A_45 : vector<4000x128xf32>
    %get3A_47 = arith.constant 0 : index
    %get3A_48 = arith.constant 0 : index
    %get3A_49 = vector.load %arg8[%get3A_47, %get3A_48] : memref<1x128xf32, #tpu.memory_space<vmem>>, vector<1x128xf32>
    %add3A_50 = vector.broadcast %get3A_49 : vector<1x128xf32> to vector<4000x128xf32>
    %add3A_51 = arith.addf %add3A_46, %add3A_50 : vector<4000x128xf32>
    %swap3A = arith.constant 0 : index
    %swap3A_52 = arith.constant 0 : index
    %swap3A_53 = vector.load %arg9[%swap3A, %swap3A_52] : memref<4000x128xf32, #tpu.memory_space<vmem>>, vector<4000x128xf32>
    tpu.vector_store %arg9[%swap3A, %swap3A_52], %add3A_51 {strides = array<i32>} : memref<4000x128xf32, #tpu.memory_space<vmem>>, vector<4000x128xf32>,
    return
  }
  func.func @transform_0(%arg0: i32) -> (i32, i32) {
    %c0_i32 = arith.constant 0 : i32
    %c0_i32_0 = arith.constant 0 : i32
    return %arg0, %c0_i32 : i32, i32
  }
  func.func @transform_1(%arg0: i32) -> (i32, i32) {
    %add3A = arith.constant 0 : i32
    %add3A_0 = arith.addi %add3A, %arg0 : i32
    %c0_i32 = arith.constant 0 : i32
    %c0_i32_1 = arith.constant 0 : i32
    return %add3A_0, %c0_i32 : i32, i32
  }
  func.func @transform_2(%arg0: i32) -> (i32, i32) {
    %c0_i32 = arith.constant 0 : i32
    %c0_i32_0 = arith.constant 0 : i32
    %c0_i32_1 = arith.constant 0 : i32
    return %c0_i32, %c0_i32_0 : i32, i32
  }
  func.func @transform_3(%arg0: i32) -> (i32, i32) {
    %c0_i32 = arith.constant 0 : i32
    %c0_i32_0 = arith.constant 0 : i32
    %c0_i32_1 = arith.constant 0 : i32
    return %c0_i32, %c0_i32_0 : i32, i32
  }
  func.func @transform_4(%arg0: i32) -> (i32, i32) {
    %c0_i32 = arith.constant 0 : i32
    %c0_i32_0 = arith.constant 0 : i32
    %c0_i32_1 = arith.constant 0 : i32
    return %c0_i32, %c0_i32_0 : i32, i32
  }
  func.func @transform_5(%arg0: i32) -> (i32, i32) {
    %c0_i32 = arith.constant 0 : i32
    %c0_i32_0 = arith.constant 0 : i32
    %c0_i32_1 = arith.constant 0 : i32
    return %c0_i32, %c0_i32_0 : i32, i32
  }
  func.func @transform_6(%arg0: i32) -> (i32, i32) {
    %c0_i32 = arith.constant 0 : i32
    %c0_i32_0 = arith.constant 0 : i32
    %c0_i32_1 = arith.constant 0 : i32
    return %c0_i32, %c0_i32_0 : i32, i32
  }
  func.func @transform_7(%arg0: i32) -> (i32, i32) {
    %c0_i32 = arith.constant 0 : i32
    %c0_i32_0 = arith.constant 0 : i32
    %c0_i32_1 = arith.constant 0 : i32
    return %c0_i32, %c0_i32_0 : i32, i32
  }
  func.func @transform_8(%arg0: i32) -> (i32, i32) {
    %add3A = arith.constant 0 : i32
    %add3A_0 = arith.addi %add3A, %arg0 : i32
    %c0_i32 = arith.constant 0 : i32
    %c0_i32_1 = arith.constant 0 : i32
    return %add3A_0, %c0_i32 : i32, i32
  }
}

module attributes {stable_mosaic.version = 14 : i64} {
  func.func @body(%arg0: i32, %arg1: memref<600000x128xf32, #tpu.memory_space<any>>, %arg2: memref<4000x128xf32, #tpu.memory_space<vmem>>, %arg3: memref<4000x128xf32, #tpu.memory_space<vmem>>, %arg4: memref<128x128xf32, #tpu.memory_space<vmem>>, %arg5: memref<1x128xf32, #tpu.memory_space<vmem>>, %arg6: memref<128x128xf32, #tpu.memory_space<vmem>>, %arg7: memref<1x128xf32, #tpu.memory_space<vmem>>, %arg8: memref<1x128xf32, #tpu.memory_space<vmem>>, %arg9: memref<1x128xf32, #tpu.memory_space<vmem>>, %arg10: memref<4000x128xf32, #tpu.memory_space<vmem>>) attributes {dimension_semantics = [#tpu.dimension_semantics<arbitrary>], iteration_bounds = array<i64: 60>, scalar_prefetch = 0 : i64, scratch_operands = 0 : i64, tpu.core_type = #tpu.core_type<tc>, window_params = [{}, {transform_indices = @transform_1, window_bounds = array<i64: 4000, 128>}, {transform_indices = @transform_2, window_bounds = array<i64: 4000, 128>}, {pipeline_mode = #tpu.pipeline_mode<synchronous>, transform_indices = @transform_3, window_bounds = array<i64: 128, 128>}, {pipeline_mode = #tpu.pipeline_mode<synchronous>, transform_indices = @transform_4, window_bounds = array<i64: 1, 128>}, {pipeline_mode = #tpu.pipeline_mode<synchronous>, transform_indices = @transform_5, window_bounds = array<i64: 128, 128>}, {pipeline_mode = #tpu.pipeline_mode<synchronous>, transform_indices = @transform_6, window_bounds = array<i64: 1, 128>}, {pipeline_mode = #tpu.pipeline_mode<synchronous>, transform_indices = @transform_7, window_bounds = array<i64: 1, 128>}, {pipeline_mode = #tpu.pipeline_mode<synchronous>, transform_indices = @transform_8, window_bounds = array<i64: 1, 128>}, {transform_indices = @transform_9, window_bounds = array<i64: 4000, 128>}]} {
    %get3A = arith.constant 0 : index
    %get3A_0 = arith.constant 0 : index
    %get3A_1 = vector.load %arg3[%get3A, %get3A_0] : memref<4000x128xf32, #tpu.memory_space<vmem>>, vector<4000x128xf32>
    %get3A_2 = arith.constant 0 : index
    %get3A_3 = arith.constant 0 : index
    %get3A_4 = vector.load %arg2[%get3A_2, %get3A_3] : memref<4000x128xf32, #tpu.memory_space<vmem>>, vector<4000x128xf32>
    %get3A_5 = arith.constant 0 : index
    %get3A_6 = arith.constant 0 : index
    %get3A_7 = vector.load %arg5[%get3A_5, %get3A_6] : memref<1x128xf32, #tpu.memory_space<vmem>>, vector<1x128xf32>
    %add3A = vector.broadcast %get3A_7 : vector<1x128xf32> to vector<4000x128xf32>
    %add3A_8 = arith.addf %get3A_4, %add3A : vector<4000x128xf32>
    %get3A_9 = arith.constant 0 : index
    %get3A_10 = arith.constant 0 : index
    %get3A_11 = vector.load %arg4[%get3A_9, %get3A_10] : memref<128x128xf32, #tpu.memory_space<vmem>>, vector<128x128xf32>
    %dot_general3A = arith.constant dense<0.000000e+00> : vector<4000x128xf32>
    %dot_general3A_12 = tpu.matmul %get3A_1, %get3A_11, %dot_general3A {dimension_numbers = #tpu.dot_dimension_numbers<[1], [0], [0], [1], [0, 0, 1, 1], [], []>, transpose_lhs_hint = false} : vector<4000x128xf32>, vector<128x128xf32>, vector<4000x128xf32> -> vector<4000x128xf32>
    %add3A_13 = arith.addf %add3A_8, %dot_general3A_12 : vector<4000x128xf32>
    %max3A = arith.constant 0.000000e+00 : f32
    %max3A_14 = vector.broadcast %max3A : f32 to vector<4000x128xf32>
    %max3A_15 = arith.maximumf %add3A_13, %max3A_14 : vector<4000x128xf32>
    %get3A_16 = arith.constant 0 : index
    %get3A_17 = arith.constant 0 : index
    %get3A_18 = vector.load %arg6[%get3A_16, %get3A_17] : memref<128x128xf32, #tpu.memory_space<vmem>>, vector<128x128xf32>
    %dot_general3A_19 = arith.constant dense<0.000000e+00> : vector<4000x128xf32>
    %dot_general3A_20 = tpu.matmul %max3A_15, %get3A_18, %dot_general3A_19 {dimension_numbers = #tpu.dot_dimension_numbers<[1], [0], [0], [1], [0, 0, 1, 1], [], []>, transpose_lhs_hint = false} : vector<4000x128xf32>, vector<128x128xf32>, vector<4000x128xf32> -> vector<4000x128xf32>
    %get3A_21 = arith.constant 0 : index
    %get3A_22 = arith.constant 0 : index
    %get3A_23 = vector.load %arg7[%get3A_21, %get3A_22] : memref<1x128xf32, #tpu.memory_space<vmem>>, vector<1x128xf32>
    %add3A_24 = vector.broadcast %get3A_23 : vector<1x128xf32> to vector<4000x128xf32>
    %add3A_25 = arith.addf %dot_general3A_20, %add3A_24 : vector<4000x128xf32>
    %reduce_sum3A = arith.constant dense<0.000000e+00> : vector<4000xf32>
    %reduce_sum3A_26 = vector.multi_reduction <add>, %add3A_25, %reduce_sum3A [1] : vector<4000x128xf32> to vector<4000xf32>
    %broadcast_in_dim3A = vector.shape_cast %reduce_sum3A_26 : vector<4000xf32> to vector<4000x1xf32>
    %div3A = arith.constant 1.280000e+02 : f32
    %div3A_27 = vector.broadcast %div3A : f32 to vector<4000x1xf32>
    %div3A_28 = arith.divf %broadcast_in_dim3A, %div3A_27 : vector<4000x1xf32>
    %sub3A = vector.broadcast %div3A_28 : vector<4000x1xf32> to vector<4000x128xf32>
    %sub3A_29 = arith.subf %add3A_25, %sub3A : vector<4000x128xf32>
    %mul3A = arith.mulf %sub3A_29, %sub3A_29 : vector<4000x128xf32>
    %reduce_sum3A_30 = arith.constant dense<0.000000e+00> : vector<4000xf32>
    %reduce_sum3A_31 = vector.multi_reduction <add>, %mul3A, %reduce_sum3A_30 [1] : vector<4000x128xf32> to vector<4000xf32>
    %broadcast_in_dim3A_32 = vector.shape_cast %reduce_sum3A_31 : vector<4000xf32> to vector<4000x1xf32>
    %div3A_33 = arith.constant 1.280000e+02 : f32
    %div3A_34 = vector.broadcast %div3A_33 : f32 to vector<4000x1xf32>
    %div3A_35 = arith.divf %broadcast_in_dim3A_32, %div3A_34 : vector<4000x1xf32>
    %add3A_36 = arith.constant 9.99999974E-6 : f32
    %add3A_37 = vector.broadcast %add3A_36 : f32 to vector<4000x1xf32>
    %add3A_38 = arith.addf %div3A_35, %add3A_37 : vector<4000x1xf32>
    %rsqrt3A = math.rsqrt %add3A_38 : vector<4000x1xf32>
    %mul3A_39 = vector.broadcast %rsqrt3A : vector<4000x1xf32> to vector<4000x128xf32>
    %mul3A_40 = arith.mulf %sub3A_29, %mul3A_39 : vector<4000x128xf32>
    %get3A_41 = arith.constant 0 : index
    %get3A_42 = arith.constant 0 : index
    %get3A_43 = vector.load %arg8[%get3A_41, %get3A_42] : memref<1x128xf32, #tpu.memory_space<vmem>>, vector<1x128xf32>
    %mul3A_44 = vector.broadcast %get3A_43 : vector<1x128xf32> to vector<4000x128xf32>
    %mul3A_45 = arith.mulf %mul3A_40, %mul3A_44 : vector<4000x128xf32>
    %add3A_46 = arith.addf %get3A_1, %mul3A_45 : vector<4000x128xf32>
    %get3A_47 = arith.constant 0 : index
    %get3A_48 = arith.constant 0 : index
    %get3A_49 = vector.load %arg9[%get3A_47, %get3A_48] : memref<1x128xf32, #tpu.memory_space<vmem>>, vector<1x128xf32>
    %add3A_50 = vector.broadcast %get3A_49 : vector<1x128xf32> to vector<4000x128xf32>
    %add3A_51 = arith.addf %add3A_46, %add3A_50 : vector<4000x128xf32>
    %swap3A = arith.constant 0 : index
    %swap3A_52 = arith.constant 0 : index
    %swap3A_53 = vector.load %arg10[%swap3A, %swap3A_52] : memref<4000x128xf32, #tpu.memory_space<vmem>>, vector<4000x128xf32>
    tpu.vector_store %arg10[%swap3A, %swap3A_52], %add3A_51 {strides = array<i32>} : memref<4000x128xf32, #tpu.memory_space<vmem>>, vector<4000x128xf32>,
    return
  }
  func.func @transform_1(%arg0: i32) -> (i32, i32) {
    %c0_i32 = arith.constant 0 : i32
    %c0_i32_0 = arith.constant 0 : i32
    return %arg0, %c0_i32 : i32, i32
  }
  func.func @transform_2(%arg0: i32) -> (i32, i32) {
    %add3A = arith.constant 60 : i32
    %add3A_0 = arith.addi %add3A, %arg0 : i32
    %c0_i32 = arith.constant 0 : i32
    %c0_i32_1 = arith.constant 0 : i32
    return %add3A_0, %c0_i32 : i32, i32
  }
  func.func @transform_3(%arg0: i32) -> (i32, i32) {
    %c0_i32 = arith.constant 0 : i32
    %c0_i32_0 = arith.constant 0 : i32
    %c0_i32_1 = arith.constant 0 : i32
    return %c0_i32, %c0_i32_0 : i32, i32
  }
  func.func @transform_4(%arg0: i32) -> (i32, i32) {
    %c0_i32 = arith.constant 0 : i32
    %c0_i32_0 = arith.constant 0 : i32
    %c0_i32_1 = arith.constant 0 : i32
    return %c0_i32, %c0_i32_0 : i32, i32
  }
  func.func @transform_5(%arg0: i32) -> (i32, i32) {
    %c0_i32 = arith.constant 0 : i32
    %c0_i32_0 = arith.constant 0 : i32
    %c0_i32_1 = arith.constant 0 : i32
    return %c0_i32, %c0_i32_0 : i32, i32
  }
  func.func @transform_6(%arg0: i32) -> (i32, i32) {
    %c0_i32 = arith.constant 0 : i32
    %c0_i32_0 = arith.constant 0 : i32
    %c0_i32_1 = arith.constant 0 : i32
    return %c0_i32, %c0_i32_0 : i32, i32
  }
  func.func @transform_7(%arg0: i32) -> (i32, i32) {
    %c0_i32 = arith.constant 0 : i32
    %c0_i32_0 = arith.constant 0 : i32
    %c0_i32_1 = arith.constant 0 : i32
    return %c0_i32, %c0_i32_0 : i32, i32
  }
  func.func @transform_8(%arg0: i32) -> (i32, i32) {
    %c0_i32 = arith.constant 0 : i32
    %c0_i32_0 = arith.constant 0 : i32
    %c0_i32_1 = arith.constant 0 : i32
    return %c0_i32, %c0_i32_0 : i32, i32
  }
  func.func @transform_9(%arg0: i32) -> (i32, i32) {
    %add3A = arith.constant 60 : i32
    %add3A_0 = arith.addi %add3A, %arg0 : i32
    %c0_i32 = arith.constant 0 : i32
    %c0_i32_1 = arith.constant 0 : i32
    return %add3A_0, %c0_i32 : i32, i32
  }
}

module attributes {stable_mosaic.version = 14 : i64} {
  func.func @body(%arg0: i32, %arg1: memref<600000x128xf32, #tpu.memory_space<any>>, %arg2: memref<4000x128xf32, #tpu.memory_space<vmem>>, %arg3: memref<4000x128xf32, #tpu.memory_space<vmem>>, %arg4: memref<128x128xf32, #tpu.memory_space<vmem>>, %arg5: memref<1x128xf32, #tpu.memory_space<vmem>>, %arg6: memref<128x128xf32, #tpu.memory_space<vmem>>, %arg7: memref<1x128xf32, #tpu.memory_space<vmem>>, %arg8: memref<1x128xf32, #tpu.memory_space<vmem>>, %arg9: memref<1x128xf32, #tpu.memory_space<vmem>>, %arg10: memref<4000x128xf32, #tpu.memory_space<vmem>>) attributes {dimension_semantics = [#tpu.dimension_semantics<arbitrary>], iteration_bounds = array<i64: 30>, scalar_prefetch = 0 : i64, scratch_operands = 0 : i64, tpu.core_type = #tpu.core_type<tc>, window_params = [{}, {transform_indices = @transform_1, window_bounds = array<i64: 4000, 128>}, {transform_indices = @transform_2, window_bounds = array<i64: 4000, 128>}, {pipeline_mode = #tpu.pipeline_mode<synchronous>, transform_indices = @transform_3, window_bounds = array<i64: 128, 128>}, {pipeline_mode = #tpu.pipeline_mode<synchronous>, transform_indices = @transform_4, window_bounds = array<i64: 1, 128>}, {pipeline_mode = #tpu.pipeline_mode<synchronous>, transform_indices = @transform_5, window_bounds = array<i64: 128, 128>}, {pipeline_mode = #tpu.pipeline_mode<synchronous>, transform_indices = @transform_6, window_bounds = array<i64: 1, 128>}, {pipeline_mode = #tpu.pipeline_mode<synchronous>, transform_indices = @transform_7, window_bounds = array<i64: 1, 128>}, {pipeline_mode = #tpu.pipeline_mode<synchronous>, transform_indices = @transform_8, window_bounds = array<i64: 1, 128>}, {transform_indices = @transform_9, window_bounds = array<i64: 4000, 128>}]} {
    %get3A = arith.constant 0 : index
    %get3A_0 = arith.constant 0 : index
    %get3A_1 = vector.load %arg3[%get3A, %get3A_0] : memref<4000x128xf32, #tpu.memory_space<vmem>>, vector<4000x128xf32>
    %get3A_2 = arith.constant 0 : index
    %get3A_3 = arith.constant 0 : index
    %get3A_4 = vector.load %arg2[%get3A_2, %get3A_3] : memref<4000x128xf32, #tpu.memory_space<vmem>>, vector<4000x128xf32>
    %get3A_5 = arith.constant 0 : index
    %get3A_6 = arith.constant 0 : index
    %get3A_7 = vector.load %arg5[%get3A_5, %get3A_6] : memref<1x128xf32, #tpu.memory_space<vmem>>, vector<1x128xf32>
    %add3A = vector.broadcast %get3A_7 : vector<1x128xf32> to vector<4000x128xf32>
    %add3A_8 = arith.addf %get3A_4, %add3A : vector<4000x128xf32>
    %get3A_9 = arith.constant 0 : index
    %get3A_10 = arith.constant 0 : index
    %get3A_11 = vector.load %arg4[%get3A_9, %get3A_10] : memref<128x128xf32, #tpu.memory_space<vmem>>, vector<128x128xf32>
    %dot_general3A = arith.constant dense<0.000000e+00> : vector<4000x128xf32>
    %dot_general3A_12 = tpu.matmul %get3A_1, %get3A_11, %dot_general3A {dimension_numbers = #tpu.dot_dimension_numbers<[1], [0], [0], [1], [0, 0, 1, 1], [], []>, transpose_lhs_hint = false} : vector<4000x128xf32>, vector<128x128xf32>, vector<4000x128xf32> -> vector<4000x128xf32>
    %add3A_13 = arith.addf %add3A_8, %dot_general3A_12 : vector<4000x128xf32>
    %max3A = arith.constant 0.000000e+00 : f32
    %max3A_14 = vector.broadcast %max3A : f32 to vector<4000x128xf32>
    %max3A_15 = arith.maximumf %add3A_13, %max3A_14 : vector<4000x128xf32>
    %get3A_16 = arith.constant 0 : index
    %get3A_17 = arith.constant 0 : index
    %get3A_18 = vector.load %arg6[%get3A_16, %get3A_17] : memref<128x128xf32, #tpu.memory_space<vmem>>, vector<128x128xf32>
    %dot_general3A_19 = arith.constant dense<0.000000e+00> : vector<4000x128xf32>
    %dot_general3A_20 = tpu.matmul %max3A_15, %get3A_18, %dot_general3A_19 {dimension_numbers = #tpu.dot_dimension_numbers<[1], [0], [0], [1], [0, 0, 1, 1], [], []>, transpose_lhs_hint = false} : vector<4000x128xf32>, vector<128x128xf32>, vector<4000x128xf32> -> vector<4000x128xf32>
    %get3A_21 = arith.constant 0 : index
    %get3A_22 = arith.constant 0 : index
    %get3A_23 = vector.load %arg7[%get3A_21, %get3A_22] : memref<1x128xf32, #tpu.memory_space<vmem>>, vector<1x128xf32>
    %add3A_24 = vector.broadcast %get3A_23 : vector<1x128xf32> to vector<4000x128xf32>
    %add3A_25 = arith.addf %dot_general3A_20, %add3A_24 : vector<4000x128xf32>
    %reduce_sum3A = arith.constant dense<0.000000e+00> : vector<4000xf32>
    %reduce_sum3A_26 = vector.multi_reduction <add>, %add3A_25, %reduce_sum3A [1] : vector<4000x128xf32> to vector<4000xf32>
    %broadcast_in_dim3A = vector.shape_cast %reduce_sum3A_26 : vector<4000xf32> to vector<4000x1xf32>
    %div3A = arith.constant 1.280000e+02 : f32
    %div3A_27 = vector.broadcast %div3A : f32 to vector<4000x1xf32>
    %div3A_28 = arith.divf %broadcast_in_dim3A, %div3A_27 : vector<4000x1xf32>
    %sub3A = vector.broadcast %div3A_28 : vector<4000x1xf32> to vector<4000x128xf32>
    %sub3A_29 = arith.subf %add3A_25, %sub3A : vector<4000x128xf32>
    %mul3A = arith.mulf %sub3A_29, %sub3A_29 : vector<4000x128xf32>
    %reduce_sum3A_30 = arith.constant dense<0.000000e+00> : vector<4000xf32>
    %reduce_sum3A_31 = vector.multi_reduction <add>, %mul3A, %reduce_sum3A_30 [1] : vector<4000x128xf32> to vector<4000xf32>
    %broadcast_in_dim3A_32 = vector.shape_cast %reduce_sum3A_31 : vector<4000xf32> to vector<4000x1xf32>
    %div3A_33 = arith.constant 1.280000e+02 : f32
    %div3A_34 = vector.broadcast %div3A_33 : f32 to vector<4000x1xf32>
    %div3A_35 = arith.divf %broadcast_in_dim3A_32, %div3A_34 : vector<4000x1xf32>
    %add3A_36 = arith.constant 9.99999974E-6 : f32
    %add3A_37 = vector.broadcast %add3A_36 : f32 to vector<4000x1xf32>
    %add3A_38 = arith.addf %div3A_35, %add3A_37 : vector<4000x1xf32>
    %rsqrt3A = math.rsqrt %add3A_38 : vector<4000x1xf32>
    %mul3A_39 = vector.broadcast %rsqrt3A : vector<4000x1xf32> to vector<4000x128xf32>
    %mul3A_40 = arith.mulf %sub3A_29, %mul3A_39 : vector<4000x128xf32>
    %get3A_41 = arith.constant 0 : index
    %get3A_42 = arith.constant 0 : index
    %get3A_43 = vector.load %arg8[%get3A_41, %get3A_42] : memref<1x128xf32, #tpu.memory_space<vmem>>, vector<1x128xf32>
    %mul3A_44 = vector.broadcast %get3A_43 : vector<1x128xf32> to vector<4000x128xf32>
    %mul3A_45 = arith.mulf %mul3A_40, %mul3A_44 : vector<4000x128xf32>
    %add3A_46 = arith.addf %get3A_1, %mul3A_45 : vector<4000x128xf32>
    %get3A_47 = arith.constant 0 : index
    %get3A_48 = arith.constant 0 : index
    %get3A_49 = vector.load %arg9[%get3A_47, %get3A_48] : memref<1x128xf32, #tpu.memory_space<vmem>>, vector<1x128xf32>
    %add3A_50 = vector.broadcast %get3A_49 : vector<1x128xf32> to vector<4000x128xf32>
    %add3A_51 = arith.addf %add3A_46, %add3A_50 : vector<4000x128xf32>
    %swap3A = arith.constant 0 : index
    %swap3A_52 = arith.constant 0 : index
    %swap3A_53 = vector.load %arg10[%swap3A, %swap3A_52] : memref<4000x128xf32, #tpu.memory_space<vmem>>, vector<4000x128xf32>
    tpu.vector_store %arg10[%swap3A, %swap3A_52], %add3A_51 {strides = array<i32>} : memref<4000x128xf32, #tpu.memory_space<vmem>>, vector<4000x128xf32>,
    return
  }
  func.func @transform_1(%arg0: i32) -> (i32, i32) {
    %c0_i32 = arith.constant 0 : i32
    %c0_i32_0 = arith.constant 0 : i32
    return %arg0, %c0_i32 : i32, i32
  }
  func.func @transform_2(%arg0: i32) -> (i32, i32) {
    %add3A = arith.constant 120 : i32
    %add3A_0 = arith.addi %add3A, %arg0 : i32
    %c0_i32 = arith.constant 0 : i32
    %c0_i32_1 = arith.constant 0 : i32
    return %add3A_0, %c0_i32 : i32, i32
  }
  func.func @transform_3(%arg0: i32) -> (i32, i32) {
    %c0_i32 = arith.constant 0 : i32
    %c0_i32_0 = arith.constant 0 : i32
    %c0_i32_1 = arith.constant 0 : i32
    return %c0_i32, %c0_i32_0 : i32, i32
  }
  func.func @transform_4(%arg0: i32) -> (i32, i32) {
    %c0_i32 = arith.constant 0 : i32
    %c0_i32_0 = arith.constant 0 : i32
    %c0_i32_1 = arith.constant 0 : i32
    return %c0_i32, %c0_i32_0 : i32, i32
  }
  func.func @transform_5(%arg0: i32) -> (i32, i32) {
    %c0_i32 = arith.constant 0 : i32
    %c0_i32_0 = arith.constant 0 : i32
    %c0_i32_1 = arith.constant 0 : i32
    return %c0_i32, %c0_i32_0 : i32, i32
  }
  func.func @transform_6(%arg0: i32) -> (i32, i32) {
    %c0_i32 = arith.constant 0 : i32
    %c0_i32_0 = arith.constant 0 : i32
    %c0_i32_1 = arith.constant 0 : i32
    return %c0_i32, %c0_i32_0 : i32, i32
  }
  func.func @transform_7(%arg0: i32) -> (i32, i32) {
    %c0_i32 = arith.constant 0 : i32
    %c0_i32_0 = arith.constant 0 : i32
    %c0_i32_1 = arith.constant 0 : i32
    return %c0_i32, %c0_i32_0 : i32, i32
  }
  func.func @transform_8(%arg0: i32) -> (i32, i32) {
    %c0_i32 = arith.constant 0 : i32
    %c0_i32_0 = arith.constant 0 : i32
    %c0_i32_1 = arith.constant 0 : i32
    return %c0_i32, %c0_i32_0 : i32, i32
  }
  func.func @transform_9(%arg0: i32) -> (i32, i32) {
    %add3A = arith.constant 120 : i32
    %add3A_0 = arith.addi %add3A, %arg0 : i32
    %c0_i32 = arith.constant 0 : i32
    %c0_i32_1 = arith.constant 0 : i32
    return %add3A_0, %c0_i32 : i32, i32
  }
}

module attributes {stable_mosaic.version = 14 : i64} {
  func.func @compute(%arg0: i32, %arg1: memref<4000x128xf32, #tpu.memory_space<vmem>>, %arg2: memref<4000x128xf32, #tpu.memory_space<vmem>>, %arg3: memref<128x128xf32, #tpu.memory_space<vmem>>, %arg4: memref<1x128xf32, #tpu.memory_space<vmem>>, %arg5: memref<128x128xf32, #tpu.memory_space<vmem>>, %arg6: memref<1x128xf32, #tpu.memory_space<vmem>>, %arg7: memref<1x128xf32, #tpu.memory_space<vmem>>, %arg8: memref<1x128xf32, #tpu.memory_space<vmem>>, %arg9: memref<4000x128xf32, #tpu.memory_space<vmem>>) attributes {dimension_semantics = [#tpu.dimension_semantics<arbitrary>], iteration_bounds = array<i64: 50>, scalar_prefetch = 0 : i64, scratch_operands = 0 : i64, tpu.core_type = #tpu.core_type<tc>, window_params = [{transform_indices = @transform_0, window_bounds = array<i64: 4000, 128>}, {transform_indices = @transform_1, window_bounds = array<i64: 4000, 128>}, {pipeline_mode = #tpu.pipeline_mode<synchronous>, transform_indices = @transform_2, window_bounds = array<i64: 128, 128>}, {pipeline_mode = #tpu.pipeline_mode<synchronous>, transform_indices = @transform_3, window_bounds = array<i64: 1, 128>}, {pipeline_mode = #tpu.pipeline_mode<synchronous>, transform_indices = @transform_4, window_bounds = array<i64: 128, 128>}, {pipeline_mode = #tpu.pipeline_mode<synchronous>, transform_indices = @transform_5, window_bounds = array<i64: 1, 128>}, {pipeline_mode = #tpu.pipeline_mode<synchronous>, transform_indices = @transform_6, window_bounds = array<i64: 1, 128>}, {pipeline_mode = #tpu.pipeline_mode<synchronous>, transform_indices = @transform_7, window_bounds = array<i64: 1, 128>}, {transform_indices = @transform_8, window_bounds = array<i64: 4000, 128>}]} {
    %get3A = arith.constant 0 : index
    %get3A_0 = arith.constant 0 : index
    %get3A_1 = vector.load %arg2[%get3A, %get3A_0] : memref<4000x128xf32, #tpu.memory_space<vmem>>, vector<4000x128xf32>
    %get3A_2 = arith.constant 0 : index
    %get3A_3 = arith.constant 0 : index
    %get3A_4 = vector.load %arg1[%get3A_2, %get3A_3] : memref<4000x128xf32, #tpu.memory_space<vmem>>, vector<4000x128xf32>
    %get3A_5 = arith.constant 0 : index
    %get3A_6 = arith.constant 0 : index
    %get3A_7 = vector.load %arg4[%get3A_5, %get3A_6] : memref<1x128xf32, #tpu.memory_space<vmem>>, vector<1x128xf32>
    %add3A = vector.broadcast %get3A_7 : vector<1x128xf32> to vector<4000x128xf32>
    %add3A_8 = arith.addf %get3A_4, %add3A : vector<4000x128xf32>
    %get3A_9 = arith.constant 0 : index
    %get3A_10 = arith.constant 0 : index
    %get3A_11 = vector.load %arg3[%get3A_9, %get3A_10] : memref<128x128xf32, #tpu.memory_space<vmem>>, vector<128x128xf32>
    %dot_general3A = arith.constant dense<0.000000e+00> : vector<4000x128xf32>
    %dot_general3A_12 = tpu.matmul %get3A_1, %get3A_11, %dot_general3A {dimension_numbers = #tpu.dot_dimension_numbers<[1], [0], [0], [1], [0, 0, 1, 1], [], []>, transpose_lhs_hint = false} : vector<4000x128xf32>, vector<128x128xf32>, vector<4000x128xf32> -> vector<4000x128xf32>
    %add3A_13 = arith.addf %add3A_8, %dot_general3A_12 : vector<4000x128xf32>
    %max3A = arith.constant 0.000000e+00 : f32
    %max3A_14 = vector.broadcast %max3A : f32 to vector<4000x128xf32>
    %max3A_15 = arith.maximumf %add3A_13, %max3A_14 : vector<4000x128xf32>
    %get3A_16 = arith.constant 0 : index
    %get3A_17 = arith.constant 0 : index
    %get3A_18 = vector.load %arg5[%get3A_16, %get3A_17] : memref<128x128xf32, #tpu.memory_space<vmem>>, vector<128x128xf32>
    %dot_general3A_19 = arith.constant dense<0.000000e+00> : vector<4000x128xf32>
    %dot_general3A_20 = tpu.matmul %max3A_15, %get3A_18, %dot_general3A_19 {dimension_numbers = #tpu.dot_dimension_numbers<[1], [0], [0], [1], [0, 0, 1, 1], [], []>, transpose_lhs_hint = false} : vector<4000x128xf32>, vector<128x128xf32>, vector<4000x128xf32> -> vector<4000x128xf32>
    %get3A_21 = arith.constant 0 : index
    %get3A_22 = arith.constant 0 : index
    %get3A_23 = vector.load %arg6[%get3A_21, %get3A_22] : memref<1x128xf32, #tpu.memory_space<vmem>>, vector<1x128xf32>
    %add3A_24 = vector.broadcast %get3A_23 : vector<1x128xf32> to vector<4000x128xf32>
    %add3A_25 = arith.addf %dot_general3A_20, %add3A_24 : vector<4000x128xf32>
    %reduce_sum3A = arith.constant dense<0.000000e+00> : vector<4000xf32>
    %reduce_sum3A_26 = vector.multi_reduction <add>, %add3A_25, %reduce_sum3A [1] : vector<4000x128xf32> to vector<4000xf32>
    %broadcast_in_dim3A = vector.shape_cast %reduce_sum3A_26 : vector<4000xf32> to vector<4000x1xf32>
    %div3A = arith.constant 1.280000e+02 : f32
    %div3A_27 = vector.broadcast %div3A : f32 to vector<4000x1xf32>
    %div3A_28 = arith.divf %broadcast_in_dim3A, %div3A_27 : vector<4000x1xf32>
    %sub3A = vector.broadcast %div3A_28 : vector<4000x1xf32> to vector<4000x128xf32>
    %sub3A_29 = arith.subf %add3A_25, %sub3A : vector<4000x128xf32>
    %mul3A = arith.mulf %sub3A_29, %sub3A_29 : vector<4000x128xf32>
    %reduce_sum3A_30 = arith.constant dense<0.000000e+00> : vector<4000xf32>
    %reduce_sum3A_31 = vector.multi_reduction <add>, %mul3A, %reduce_sum3A_30 [1] : vector<4000x128xf32> to vector<4000xf32>
    %broadcast_in_dim3A_32 = vector.shape_cast %reduce_sum3A_31 : vector<4000xf32> to vector<4000x1xf32>
    %div3A_33 = arith.constant 1.280000e+02 : f32
    %div3A_34 = vector.broadcast %div3A_33 : f32 to vector<4000x1xf32>
    %div3A_35 = arith.divf %broadcast_in_dim3A_32, %div3A_34 : vector<4000x1xf32>
    %add3A_36 = arith.constant 9.99999974E-6 : f32
    %add3A_37 = vector.broadcast %add3A_36 : f32 to vector<4000x1xf32>
    %add3A_38 = arith.addf %div3A_35, %add3A_37 : vector<4000x1xf32>
    %rsqrt3A = math.rsqrt %add3A_38 : vector<4000x1xf32>
    %mul3A_39 = vector.broadcast %rsqrt3A : vector<4000x1xf32> to vector<4000x128xf32>
    %mul3A_40 = arith.mulf %sub3A_29, %mul3A_39 : vector<4000x128xf32>
    %get3A_41 = arith.constant 0 : index
    %get3A_42 = arith.constant 0 : index
    %get3A_43 = vector.load %arg7[%get3A_41, %get3A_42] : memref<1x128xf32, #tpu.memory_space<vmem>>, vector<1x128xf32>
    %mul3A_44 = vector.broadcast %get3A_43 : vector<1x128xf32> to vector<4000x128xf32>
    %mul3A_45 = arith.mulf %mul3A_40, %mul3A_44 : vector<4000x128xf32>
    %add3A_46 = arith.addf %get3A_1, %mul3A_45 : vector<4000x128xf32>
    %get3A_47 = arith.constant 0 : index
    %get3A_48 = arith.constant 0 : index
    %get3A_49 = vector.load %arg8[%get3A_47, %get3A_48] : memref<1x128xf32, #tpu.memory_space<vmem>>, vector<1x128xf32>
    %add3A_50 = vector.broadcast %get3A_49 : vector<1x128xf32> to vector<4000x128xf32>
    %add3A_51 = arith.addf %add3A_46, %add3A_50 : vector<4000x128xf32>
    %swap3A = arith.constant 0 : index
    %swap3A_52 = arith.constant 0 : index
    %swap3A_53 = vector.load %arg9[%swap3A, %swap3A_52] : memref<4000x128xf32, #tpu.memory_space<vmem>>, vector<4000x128xf32>
    tpu.vector_store %arg9[%swap3A, %swap3A_52], %add3A_51 {strides = array<i32>} : memref<4000x128xf32, #tpu.memory_space<vmem>>, vector<4000x128xf32>,
    return
  }
  func.func @transform_0(%arg0: i32) -> (i32, i32) {
    %c0_i32 = arith.constant 0 : i32
    %c0_i32_0 = arith.constant 0 : i32
    return %arg0, %c0_i32 : i32, i32
  }
  func.func @transform_1(%arg0: i32) -> (i32, i32) {
    %add3A = arith.constant 0 : i32
    %add3A_0 = arith.addi %add3A, %arg0 : i32
    %c0_i32 = arith.constant 0 : i32
    %c0_i32_1 = arith.constant 0 : i32
    return %add3A_0, %c0_i32 : i32, i32
  }
  func.func @transform_2(%arg0: i32) -> (i32, i32) {
    %c0_i32 = arith.constant 0 : i32
    %c0_i32_0 = arith.constant 0 : i32
    %c0_i32_1 = arith.constant 0 : i32
    return %c0_i32, %c0_i32_0 : i32, i32
  }
  func.func @transform_3(%arg0: i32) -> (i32, i32) {
    %c0_i32 = arith.constant 0 : i32
    %c0_i32_0 = arith.constant 0 : i32
    %c0_i32_1 = arith.constant 0 : i32
    return %c0_i32, %c0_i32_0 : i32, i32
  }
  func.func @transform_4(%arg0: i32) -> (i32, i32) {
    %c0_i32 = arith.constant 0 : i32
    %c0_i32_0 = arith.constant 0 : i32
    %c0_i32_1 = arith.constant 0 : i32
    return %c0_i32, %c0_i32_0 : i32, i32
  }
  func.func @transform_5(%arg0: i32) -> (i32, i32) {
    %c0_i32 = arith.constant 0 : i32
    %c0_i32_0 = arith.constant 0 : i32
    %c0_i32_1 = arith.constant 0 : i32
    return %c0_i32, %c0_i32_0 : i32, i32
  }
  func.func @transform_6(%arg0: i32) -> (i32, i32) {
    %c0_i32 = arith.constant 0 : i32
    %c0_i32_0 = arith.constant 0 : i32
    %c0_i32_1 = arith.constant 0 : i32
    return %c0_i32, %c0_i32_0 : i32, i32
  }
  func.func @transform_7(%arg0: i32) -> (i32, i32) {
    %c0_i32 = arith.constant 0 : i32
    %c0_i32_0 = arith.constant 0 : i32
    %c0_i32_1 = arith.constant 0 : i32
    return %c0_i32, %c0_i32_0 : i32, i32
  }
  func.func @transform_8(%arg0: i32) -> (i32, i32) {
    %add3A = arith.constant 0 : i32
    %add3A_0 = arith.addi %add3A, %arg0 : i32
    %c0_i32 = arith.constant 0 : i32
    %c0_i32_1 = arith.constant 0 : i32
    return %add3A_0, %c0_i32 : i32, i32
  }
}

</mosaic_0001>

<sc_bundles>
// kernel: kernel.11.cloned.1.call-start
scs
__scs_entry_jumppad:
0x0: {  	(pc) =	sbr.rel $0x88, $3  }
0x1: {  	(tag) =	ssettag $0x0;
	lr =	simm.s32 $0x1  }
0x2: {  	[smem:$0x3F8E] =	sst lr;
	_ =	strace $0xD0000000  }
0x3: {  	_ = 	snop  }
0x4: {  	_ = 	snop  }
0x5: {  	_ = 	snop  }
0x6: {  	_ = 	snop  }
0x7: {  	_ = 	snop  }
__scs_overlays_trampoline_lowered:
0x8: {  	[smem:$0x3F9D] =	sst s0  }
0x9: {  	[smem:$0x3F9E] =	sst s1  }
0xa: {  	[smem:$0x3F9F] =	sst s2  }
0xb: {  	[smem:$0x3FA0] =	sst s3  }
0xc: {  	[smem:$0x3FA1] =	sst s4  }
0xd: {  	[smem:$0x3FA2] =	sst s5  }
0xe: {  	[smem:$0x3FA3] =	sst s6  }
0xf: {  	[smem:$0x3FA4] =	sst s7  }
0x10: {  	[smem:$0x3FA5] =	sst s8  }
0x11: {  	[smem:$0x3FA6] =	sst s9;
	s0 =	simm.s32 @!p0 $0x0  }
0x12: {  	s1 =	sld [smem:$0x3F8C];
	s0 =	simm.s32 @p0 $0x1  }
0x13: {  	[smem:$0x3FA7] =	sst s0;
	s0 =	simm.s32 @!p1 $0x0  }
0x14: {  	s2 =	sld [smem:$0x3F8B];
	s0 =	simm.s32 @p1 $0x1  }
0x15: {  	[smem:$0x3FA8] =	sst s0;
	s0 =	simm.s32 @!p2 $0x0  }
0x16: {  	s3 =	sld [smem:$0x3FDB];
	s0 =	simm.s32 @p2 $0x1  }
0x17: {  	s4 =	simm.s32 $0x1BF5;
	[smem:$0x3FAA] =	sst s0  }
0x18: {  	s0 =	sld [smem:$0x3F8D];
	_ =	swait.ge [sflag:s4], $0x0  }
0x19: {  	s7 =	sld [smem:$0x3F8E]  }
0x1a: {  	s8 =	sadd.s32 $0xFFFFE003, lr  }
0x1b: {  	s9 =	sadd.s32 $0xFFFFFEF7, lr;
	s5 =	simm.s32 $0xFFFFFFFF;
	p2 =	slt.u32 s8, $0xFFFFF086  }
0x1c: {  	p1 =	slt.u32 s9, $0xF7A;
	s5 =	simm.s32 @!p2 $0x0  }
0x1d: {  	s5 =	simm.s32 @p1 $0x1;
	p0 =	seq.s32 s7, s2  }
0x1e: {  	s7 =	smul.u32 @!p0 $0xF7A, s2;
	p2 =	seq.s32 @!p0 s5, $0x0  }
0x1f: {  	s9 =	smul.u32 $0xF7A, s1;
	s8 =	simm.s32 @!p0 $0x1BF5;
	p2 =	por !p2, p0  }
0x20: {  	[sflag:s8] =	ssyncset.s32 @!p0 $0xFFFFF086;
	s6 =	sadd.s32 @!p0 s3, s7;
	s7 =	simm.s32 @!p0 $0x108  }
0x21: {  	s3 =	sadd.s32 s3, s9;
	s6 =	sadd.s32 @!p0 $0x88, s6;
	s7 =	simm.s32 @p2 $0x1082  }
0x22: {  	[simem:s7], [sflag:s8] =	dma.local @!p0 [hbm:s6], $0xF7A  }
0x23: {  	s9 =	sor.u32 $0xD0000000, s2;
	s6 =	simm.s32 $0x108;
	_ =	swait.ge @!p0 [sflag:s8], $0x0  }
0x24: {  	s3 =	sadd.s32 $0x88, s3;
	s6 =	simm.s32 @!p1 $0x1082;
	[sflag:s4] =	ssyncset.s32 $0xFFFFF086  }
0x25: {  	[simem:s6], [sflag:s4] =	dma.local [hbm:s3], $0xF7A  }
0x26: {  	[smem:$0x3F8E] =	sst s1;
	(tag) =	ssettag s2;
	_ =	strace s9  }
0x27: {  	s1 =	sld [smem:$0x3F9E]  }
0x28: {  	s2 =	sld [smem:$0x3F9F]  }
0x29: {  	s4 =	sld [smem:$0x3FA1]  }
0x2a: {  	p0 =	seq.s32 s5, $0x0;
	s5 =	sld [smem:$0x3FA2]  }
0x2b: {  	s6 =	sld [smem:$0x3FA3]  }
0x2c: {  	s7 =	sld [smem:$0x3FA4]  }
0x2d: {  	s3 =	simm.s32 $0x108;
	s8 =	sld [smem:$0x3FA5]  }
0x2e: {  	s3 =	simm.s32 @!p0 $0x1082;
	s9 =	sld [smem:$0x3FA6]  }
0x2f: {  	lr =	sadd.s32 s0, s3;
	s0 =	sld [smem:$0x3F9D]  }
0x30: {  	s3 =	sld [smem:$0x3FA0]  }
0x31: {  	[smem:$0x3FA9] =	sst s10  }
0x32: {  	s10 =	sld [smem:$0x3FA7];
	_ =	sdelay $0x3  }
0x33: {  	p0 =	seq.s32 s10, $0x1;
	s10 =	sld [smem:$0x3FA9];
	_ =	sdelay $0x3  }
0x34: {  	[smem:$0x3FA9] =	sst s10  }
0x35: {  	s10 =	sld [smem:$0x3FA8];
	_ =	sdelay $0x3  }
0x36: {  	p1 =	seq.s32 s10, $0x1;
	s10 =	sld [smem:$0x3FA9];
	_ =	sdelay $0x3  }
0x37: {  	[smem:$0x3FA9] =	sst s10  }
0x38: {  	s10 =	sld [smem:$0x3FAA]  }
0x39: {  	_ = 	snop;
	(pc) =	sbr.ind lr, $3  }
0x3a: {  	_ = 	snop  }
0x3b: {  	_ = 	snop  }
0x3c: {  	p2 =	seq.s32 s10, $0x1;
	s10 =	sld [smem:$0x3FA9]  }
0x3d: {  	_ =	shalt  }
0x3e: {  	_ =	shalt  }
0x3f: {  	_ =	shalt  }
0x40: {  	_ =	shalt  }
0x41: {  	_ =	shalt  }
0x42: {  	_ =	shalt  }
0x43: {  	_ =	shalt  }
0x44: {  	_ =	shalt  }
0x45: {  	_ =	shalt  }
0x46: {  	_ =	shalt  }
0x47: {  	_ =	shalt  }
0x48: {  	_ =	shalt  }
0x49: {  	_ =	shalt  }
0x4a: {  	_ =	shalt  }
0x4b: {  	_ =	shalt  }
0x4c: {  	_ =	shalt  }
0x4d: {  	_ =	shalt  }
0x4e: {  	_ =	shalt  }
0x4f: {  	_ =	shalt  }
0x50: {  	_ =	shalt  }
0x51: {  	_ =	shalt  }
0x52: {  	_ =	shalt  }
0x53: {  	_ =	shalt  }
0x54: {  	_ =	shalt  }
0x55: {  	_ =	shalt  }
0x56: {  	_ =	shalt  }
0x57: {  	_ =	shalt  }
0x58: {  	_ =	shalt  }
0x59: {  	_ =	shalt  }
0x5a: {  	_ =	shalt  }
0x5b: {  	_ =	shalt  }
0x5c: {  	_ =	shalt  }
0x5d: {  	_ =	shalt  }
0x5e: {  	_ =	shalt  }
0x5f: {  	_ =	shalt  }
0x60: {  	_ =	shalt  }
0x61: {  	_ =	shalt  }
0x62: {  	_ =	shalt  }
0x63: {  	_ =	shalt  }
0x64: {  	_ =	shalt  }
0x65: {  	_ =	shalt  }
0x66: {  	_ =	shalt  }
0x67: {  	_ =	shalt  }
0x68: {  	_ =	shalt  }
0x69: {  	_ =	shalt  }
0x6a: {  	_ =	shalt  }
0x6b: {  	_ =	shalt  }
0x6c: {  	_ =	shalt  }
0x6d: {  	_ =	shalt  }
0x6e: {  	_ =	shalt  }
0x6f: {  	_ =	shalt  }
0x70: {  	_ =	shalt  }
0x71: {  	_ =	shalt  }
0x72: {  	_ =	shalt  }
0x73: {  	_ =	shalt  }
0x74: {  	_ =	shalt  }
0x75: {  	_ =	shalt  }
0x76: {  	_ =	shalt  }
0x77: {  	_ =	shalt  }
0x78: {  	_ =	shalt  }
0x79: {  	_ =	shalt  }
0x7a: {  	_ =	shalt  }
0x7b: {  	_ =	shalt  }
0x7c: {  	_ =	shalt  }
0x7d: {  	_ =	shalt  }
0x7e: {  	_ =	shalt  }
0x7f: {  	_ =	shalt  }
0x80: {  	_ =	shalt  }
0x81: {  	_ =	shalt  }
0x82: {  	_ =	shalt  }
0x83: {  	_ =	shalt  }
0x84: {  	_ =	shalt  }
0x85: {  	_ =	shalt  }
0x86: {  	_ =	shalt  }
0x87: {  	_ =	shalt  }
.Lfunc_end0:
.L_simem_size_0:
called_computation_lowered:
.L_overlay_start_0:
0x88: {  	s2 =	sld [smem:$0x3FD9]  }
0x89: {  	s3 =	sld [smem:$0x3FFE];
	_ =	sdelay $0x1  }
0x8a: {  	s1 =	srdreg.scid  }
0x8b: {  	s0 =	sand.u32 $0x1, s1  }
0x8c: {  	s17 =	sshll.u32 s0, $0xA;
	s2 =	sadd.s32 s3, s2  }
0x8d: {  	s2 =	sadd.s32 s2, s17  }
0x8e: {  	[smem:$0x3FB5] =	sst s2  }
0x8f: {  	_ = 	snop  }
0x90: {  	(tm) =	ssettm $0x1  }
0x91: {  	s18 =	sld [smem:$0x3FFB];
	_ =	sdelay $0x3  }
0x92: {  	_ =	strace s18  }
0x93: {  	s2 =	sld [smem:$0x3FFC];
	_ =	sdelay $0x3  }
0x94: {  	_ =	strace s2  }
0x95: {  	s2 =	sld [smem:$0x3FFD];
	_ =	sdelay $0x3  }
0x96: {  	_ =	strace s2  }
0x97: {  	_ =	strace $0x8FFFFFFF  }
0x98: {  	s19 =	sld [smem:$0x3FDB];
	_ =	sdelay $0x1  }
0x99: {  	s20 =	simm.s32 $_scs_section_size  }
0x9a: {  	s4 =	simm.s32 $_size__tile_overlayer_lowered;
	s5 =	simm.s32 $_tile_overlayer_lowered  }
0x9b: {  	s6 =	simm.s32 $0x1BFF;
	s21 =	sshll.u32 s5, $0x1;
	s3 =	sadd.s32 s20, s19  }
0x9c: {  	s22 =	simm.s32 $0x0;
	s4 =	sshll.u32 s4, $0x1;
	s5 =	sadd.s32 s21, s3  }
0x9d: {  	[timem:s22], [sflag:s6] =	dma.local [hbm:s5], s4  }
0x9e: {  	_ =	swait.ge [sflag:s6], s4  }
0x9f: {  	s4 =	ssub.s32 $0x0, s4;
	[sflag:s6] =	ssyncset.done $0x0  }
0xa0: {  	[sflag:s6] =	ssyncadd.s32 s4;
	_ =	sdelay $0x1  }
0xa1: {  	s23 =	simm.s32 $0x1B8B  }
0xa2: {  	_ =	swait.ge [sflag:s23], $0x1  }
0xa3: {  	[sflag:s23] =	ssyncset.done $0x0  }
0xa4: {  	[sflag:s23] =	ssyncadd.s32 $0xFFFFFFFF  }
0xa5: {  	s4 =	sld [smem:$0x0]  }
0xa6: {  	s5 =	sand.u32 $0xFFFFFFFE, s1  }
0xa7: {  	p0 =	sne.s32 s1, s5  }
0xa8: {  	s5 =	sshll.u32 @p0 s5, $0xE  }
0xa9: {  	s5 =	sadd.s32 @p0 $0x11B8D, s5;
	s6 =	sshll.u32 @p0 s4, $0x11  }
0xaa: {  	s5 =	sor.u32 @p0 s6, s5  }
0xab: {  	[sflag:s5] =	ssyncadd.remote.s32 @p0 $0x1;
	_ =	sdelay $0x1  }
0xac: {  	s5 =	simm.s32 @p0 $0x1B8D  }
0xad: {  	_ =	swait.eq @p0 [sflag:s5], $0x1  }
0xae: {  	[sflag:s5] =	ssyncadd.s32 @p0 $0xFFFFFFFF  }
0xaf: {  	s6 =	sshll.u32 @!p0 s1, $0xE  }
0xb0: {  	s6 =	sor.u32 @!p0 $0x4000, s6;
	s5 =	simm.s32 @!p0 $0x1B8D  }
0xb1: {  	s4 =	sshll.u32 @!p0 s4, $0x11;
	s6 =	sadd.s32 @!p0 $0x11B8D, s6;
	_ =	swait.eq @!p0 [sflag:s5], $0x1  }
0xb2: {  	s4 =	sor.u32 @!p0 s4, s6;
	[sflag:s5] =	ssyncadd.s32 @!p0 $0xFFFFFFFF  }
0xb3: {  	s25 =	simm.s32 $0x1B8E;
	s24 =	sld [smem:$0x3FFE];
	[sflag:s4] =	ssyncadd.remote.s32 @!p0 $0x1  }
0xb4: {  	s26 =	simm.s32 $execute0_lowered;
	[smem:$0x3FD2] =	sst s25  }
0xb5: {  	s5 =	sshll.u32 s26, $0x1;
	_ =	strace $0x8000004F;
	[dreg:$0x1] =	wrdreg $0xFFFFFFFF  }
0xb6: {  	s28 =	simm.s32 $_size_execute0_lowered;
	s3 =	sadd.s32 s3, s5;
	[dreg:$0x0] =	wrdreg $0x0  }
0xb7: {  	s5 =	sshll.u32 s28, $0x1;
	[dreg:$0x2] =	wrdreg s3  }
0xb8: {  	[dreg:$0x3] =	wrdreg s5  }
0xb9: {  	[dreg:$0x4] =	wrdreg $0xC0  }
0xba: {  	_ =	task [dreg:s22], $0x5FFFF  }
0xbb: {  	[dreg:$0x1] =	wrdreg $0xFFFFFFFF  }
0xbc: {  	[dreg:$0x0] =	wrdreg $0x60  }
0xbd: {  	[dreg:$0x2] =	wrdreg s24  }
0xbe: {  	[dreg:$0x3] =	wrdreg $0x9  }
0xbf: {  	_ =	task.clear_ibuf [dreg:s22], $0x4FFFF;
	_ =	strace $0x9000004F  }
0xc0: {  	s29 =	simm.s32 $0x9;
	_ =	strace $0x80000051  }
0xc1: {  	_ =	swait.ge [sflag:s29], $0x1  }
0xc2: {  	[sflag:s29] =	ssyncadd.s32 $0xFFFFFFFF  }
0xc3: {  	_ =	strace $0x90000051  }
0xc4: {  	_ =	sfence  }
0xc5: {  	s30 =	sld [smem:$0x0];
	_ =	sdelay $0x2  }
0xc6: {  	s31 =	sshll.u32 s1, $0xD;
	s1 =	sshrl.u32 s1, $0x2  }
0xc7: {  	s4 =	sand.u32 $0x4000, s31;
	s1 =	sadd.s32 s1, s30  }
0xc8: {  	s0 =	sor.u32 s4, s0;
	s1 =	sshll.u32 s1, $0x11  }
0xc9: {  	s0 =	sor.u32 s1, s0  }
0xca: {  	s0 =	sadd.s32 $0x8F2B, s0  }
0xcb: {  	[sflag:s0] =	ssyncadd.remote.s32 $0x1  }
0xcc: {  	_ =	sfence.sel $0xFFFF  }
0xcd: {  	[dreg:$0x0] =	wrdreg $0xFFFFFFFF;
	(pc) =	sbr.abs _section_cstart, $3  }
0xce: {  	[dreg:$0x1] =	wrdreg $0xFFFFFFFF  }
0xcf: {  	_ =	task.clear_ibuf [dreg:s22], $0x2FFFF;
	_ =	strace $0x9FFFFFFF  }
0xd0: {  	(tm) =	ssettm $0x7FFFFFFF  }
0xd1: {  	_ =	shalt  }
tec
execute0_lowered:
.L_overlay_start_1:
0x0: {  	(tag) =	ssettag $0x1  }
0x1: {  	s0 =	rddreg [dreg:$0x0];
	s2 =	simm.s32 $0x0  }
0x2: {  	s1 =	srdreg.scid;
	s3 =	stileid.u32;
	s17 =	simm.s32 $0x7  }
0x3: {  	s18 =	simm.s32 $0x80;
	s19 =	simm.s32 $0x300;
	s22 =	simm.s32 $0x4300  }
0x4: {  	s25 =	simm.s32 $0x200;
	s30 =	simm.s32 $0x1;
	s31 =	simm.s32 $0x2  }
0x5: {  	s20 =	simm.s32 $0x5;
	s23 =	simm.s32 $0x6;
	s24 =	simm.s32 $0x0  }
0x6: {  	[smem:$0x7FF] =	sst s2;
	s1 =	sand.u32 $0x1, s1;
	s4 =	sshll.u32 s3, $0x1  }
0x7: {  	s3 =	sadd.s32 $0x194000, s0;
	s5 =	sadd.s32 $0xA7C800, s0;
	s6 =	sor.u32 s1, s4  }
0x8: {  	s7 =	sadd.s32 $0xA88C00, s0;
	s1 =	ssub.s32 $0x2, s1;
	s8 =	smul.u32 $0x620, s6  }
0x9: {  	_ =	strace $0x80000050;
	s9 =	sshrl.u32 s1, $0x1;
	s6 =	smul.u32 $0x31, s6  }
0xa: {  	s4 =	sadd.s32 $0x257600, s0;
	s26 =	ssub.s32 s1, s9;
	s1 =	simm.s32 $0x4  }
.Ltmp0:
0xb: {  	s8 =	sadd.s32 s5, s8;
	s11 =	sadd.s32 $0x3, s6;
	(pc) =	sbr.rel .LBB2_1-.Ltmp0, $4  }
0xc: {  	s12 =	sadd.s32 $0x1, s6;
	s13 =	sadd.s32 $0x4, s6;
	s0 =	smax.u32 s26, $0x1  }
0xd: {  	s14 =	sadd.s32 $0x2, s6;
	s28 =	sadd.s32 $0x20, s8;
	[dreg:$0x4] =	wrdreg s0  }
0xe: {  	s15 =	sadd.s32 $0x5, s6;
	s29 =	sadd.s32 $0x40, s8;
	[dreg:$0x2] =	wrdreg s28  }
0xf: {  	s26 =	simm.s32 $0x8300;
	s0 =	simm.s32 $0x3;
	[dreg:$0x3] =	wrdreg s29  }
.LBB2_15:
0x10: {  	_ =	swait.ge [sflag:s1], $0x4000  }
0x11: {  	[sflag:s1] =	ssyncset.done $0x0  }
0x12: {  	[sflag:s1] =	ssyncadd.s32 $0xFFFFC000  }
0x13: {  	_ =	swait.ge [sflag:s20], $0x4000  }
0x14: {  	[sflag:s20] =	ssyncset.done $0x0  }
0x15: {  	[sflag:s20] =	ssyncadd.s32 $0xFFFFC000  }
0x16: {  	_ =	swait.ge [sflag:s23], $0x4000  }
0x17: {  	s24 =	sadd.s32 $0x1, s24;
	s9 =	rddreg [dreg:$0x4]  }
0x18: {  	p0 =	sne.s32 s24, s9  }
.Ltmp1:
0x19: {  	_ = 	snop;
	(pc) =	sbr.rel @!p0 .LBB2_16-.Ltmp1, $3  }
0x1a: {  	_ =	sdelay $0x1  }
0x1b: {  	[sflag:s23] =	ssyncset.done $0x0  }
0x1c: {  	[sflag:s23] =	ssyncadd.s32 $0xFFFFC000  }
.LBB2_1:
0x1d: {  	[tilespmem:s2], [sflag:$0x7] =	stream.linear.gather [hbm4b:s8+s2], $0x100, $0x38;
	[tilespmem:$0x18300] =	vst v63  }
0x1e: {  	_ =	swait.ge [sflag:s17], $0x100  }
0x1f: {  	[sflag:s17] =	ssyncset.done $0x0  }
0x20: {  	[sflag:s17] =	ssyncadd.s32 $0xFFFFFF00  }
0x21: {  	[tilespmem:s19], [sflag:$0x1] =	stream.indirect.gather [hbm4b:s3+s18], $0x80, s2, s18, $0xb8;
	[tilespmem:$0x18300] =	vst v63  }
0x22: {  	s9 =	simm.s32 $0xC300  }
0x23: {  	[tilespmem:s9], [sflag:$0x1] =	stream.indirect.gather [hbm4b:s4+s18], $0x80, s18, s18, $0xb8;
	[tilespmem:$0x18300] =	vst v63  }
0x24: {  	s10 =	simm.s32 $0x100;
	s16 =	rddreg [dreg:$0x2]  }
0x25: {  	[tilespmem:s10], [sflag:$0x7] =	stream.linear.gather [hbm4b:s16+s2], $0x100, $0x38;
	[tilespmem:$0x18300] =	vst v63  }
0x26: {  	_ =	swait.ge [sflag:s17], $0x100  }
0x27: {  	[sflag:s17] =	ssyncset.done $0x0  }
0x28: {  	[sflag:s17] =	ssyncadd.s32 $0xFFFFFF00  }
0x29: {  	[tilespmem:s22], [sflag:$0x2] =	stream.indirect.gather [hbm4b:s3+s18], $0x80, s10, s18, $0xb8;
	[tilespmem:$0x18300] =	vst v63  }
0x2a: {  	s21 =	simm.s32 $0x180;
	s29 =	simm.s32 $0x10300  }
0x2b: {  	[tilespmem:s29], [sflag:$0x2] =	stream.indirect.gather [hbm4b:s4+s18], $0x80, s21, s18, $0xb8;
	[tilespmem:$0x18300] =	vst v63  }
0x2c: {  	s16 =	rddreg [dreg:$0x3]  }
0x2d: {  	[tilespmem:s25], [sflag:$0x7] =	stream.linear.gather [hbm4b:s16+s2], $0x100, $0x38;
	[tilespmem:$0x18300] =	vst v63  }
0x2e: {  	_ =	swait.ge [sflag:s17], $0x100  }
.Ltmp2:
0x2f: {  	[sflag:s17] =	ssyncset.done $0x0;
	(pc) =	sbr.rel .LBB2_2-.Ltmp2, $4  }
0x30: {  	[sflag:s17] =	ssyncadd.s32 $0xFFFFFF00  }
0x31: {  	[tilespmem:s26], [sflag:$0x3] =	stream.indirect.gather [hbm4b:s3+s18], $0x80, s25, s18, $0xb8;
	[tilespmem:$0x18300] =	vst v63  }
0x32: {  	s28 =	simm.s32 $0x0;
	s21 =	simm.s32 $0x280;
	s29 =	simm.s32 $0x14300  }
0x33: {  	[tilespmem:s29], [sflag:$0x3] =	stream.indirect.gather [hbm4b:s4+s18], $0x80, s21, s18, $0xb8;
	[tilespmem:$0x18300] =	vst v63  }
.LBB2_14:
0x34: {  	s9 =	sadd.s32 s29, s15  }
0x35: {  	p0 =	sgt.u32 @!p1 s9, $0x61A  }
0x36: {  	p0 =	por p0, p1  }
0x37: {  	s10 =	simm.s32 @!p0 $0x6  }
0x38: {  	_ =	swait.ge @!p0 [sflag:s10], $0x4000  }
0x39: {  	s9 =	sshll.u32 @!p0 s9, $0x5;
	s16 =	simm.s32 @!p0 $0x200;
	[sflag:s10] =	ssyncset.done @!p0 $0x0  }
0x3a: {  	s9 =	sadd.s32 @!p0 s5, s9;
	[sflag:s10] =	ssyncadd.s32 @!p0 $0xFFFFC000;
	s10 =	simm.s32 @!p0 $0x0  }
0x3b: {  	[tilespmem:s16], [sflag:$0x7] =	stream.linear.gather @!p0 [hbm4b:s9+s10], $0x100, $0x38;
	[tilespmem:$0x18300] =	vst v63  }
0x3c: {  	s9 =	simm.s32 @!p0 $0x7  }
0x3d: {  	_ =	swait.ge @!p0 [sflag:s9], $0x100  }
0x3e: {  	[sflag:s9] =	ssyncset.done @!p0 $0x0  }
0x3f: {  	s10 =	simm.s32 @!p0 $0x8300;
	[sflag:s9] =	ssyncadd.s32 @!p0 $0xFFFFFF00;
	s9 =	simm.s32 @!p0 $0x80  }
0x40: {  	[tilespmem:s10], [sflag:$0x3] =	stream.indirect.gather @!p0 [hbm4b:s3+s9], $0x80, s16, s9, $0xb8;
	[tilespmem:$0x18300] =	vst v63  }
0x41: {  	s28 =	sadd.s32 $0x1, s28;
	s10 =	simm.s32 @!p0 $0x280;
	s16 =	simm.s32 @!p0 $0x14300  }
0x42: {  	[tilespmem:s16], [sflag:$0x3] =	stream.indirect.gather @!p0 [hbm4b:s4+s9], $0x80, s10, s9, $0xb8;
	[tilespmem:$0x18300] =	vst v63  }
0x43: {  	p0 =	sne.s32 s28, $0x11  }
.Ltmp3:
0x44: {  	_ = 	snop;
	(pc) =	sbr.rel @!p0 .LBB2_15-.Ltmp3, $1  }
0x45: {  	_ =	sdelay $0x3  }
.LBB2_2:
0x46: {  	s29 =	smul.u32 $0x3, s28;
	_ =	sdelay $0x1  }
0x47: {  	s9 =	sadd.s32 s6, s29  }
0x48: {  	p0 =	sgt.u32 s9, $0x61A  }
.Ltmp4:
0x49: {  	_ = 	snop;
	(pc) =	sbr.rel @p0 .LBB2_6-.Ltmp4, $1  }
0x4a: {  	_ =	sdelay $0x3  }
0x4b: {  	_ =	swait.ge [sflag:s30], $0x4000  }
0x4c: {  	[sflag:s30] =	ssyncset.done $0x0  }
0x4d: {  	[sflag:s30] =	ssyncadd.s32 $0xFFFFC000  }
0x4e: {  	_ =	swait.ge [sflag:s30], $0x4000  }
0x4f: {  	[sflag:s30] =	ssyncset.done $0x0  }
0x50: {  	s10 =	simm.s32 $0x0;
	[sflag:s30] =	ssyncadd.s32 $0xFFFFC000  }
0x51: {  	v7 =	vld [tilespmem:s10+$0xC300]  }
0x52: {  	v11 =	vld [tilespmem:s10+$0xC310]  }
0x53: {  	v5 =	vld [tilespmem:s10+$0xC320]  }
0x54: {  	v4 =	vld [tilespmem:s10+$0xC330]  }
0x55: {  	v3 =	vld [tilespmem:s10+$0xC340]  }
0x56: {  	v2 =	vld [tilespmem:s10+$0xC350]  }
0x57: {  	v1 =	vld [tilespmem:s10+$0xC360]  }
0x58: {  	v0 =	vld [tilespmem:s10+$0xC370]  }
0x59: {  	v12 =	vld [tilespmem:s10+$0x300]  }
0x5a: {  	v13 =	vld [tilespmem:s10+$0x310]  }
0x5b: {  	v10 =	vld [tilespmem:s10+$0x320]  }
0x5c: {  	v9 =	vld [tilespmem:s10+$0x330]  }
0x5d: {  	v8 =	vld [tilespmem:s10+$0x340]  }
0x5e: {  	v6 =	vld [tilespmem:s10+$0x350];
	v12 =	vadd.f32 v7, v12  }
0x5f: {  	s21 =	simm.s32 $0x200;
	v11 =	vadd.f32 v11, v13;
	v7 =	vld [tilespmem:s10+$0x360]  }
.LBB2_4:
0x60: {  	s16 =	sshra.s32 s21, $0x2;
	p0 =	sne.s32 s21, $0xFE00;
	[tilespmem:s10+$0x300] =	vst v12;
	v5 =	vadd.f32 v5, v10;
	v10 =	vld [tilespmem:s10+$0x370]  }
0x61: {  	v12 =	vld [tilespmem:s16+$0xC300];
	[tilespmem:s10+$0x310] =	vst v11;
	v4 =	vadd.f32 v4, v9  }
0x62: {  	v11 =	vld [tilespmem:s16+$0xC310];
	[tilespmem:s10+$0x320] =	vst v5;
	v3 =	vadd.f32 v3, v8  }
0x63: {  	v5 =	vld [tilespmem:s16+$0xC320];
	[tilespmem:s10+$0x330] =	vst v4;
	v2 =	vadd.f32 v2, v6  }
0x64: {  	v4 =	vld [tilespmem:s16+$0xC330];
	[tilespmem:s10+$0x340] =	vst v3;
	v1 =	vadd.f32 v1, v7  }
0x65: {  	v3 =	vld [tilespmem:s16+$0xC340];
	[tilespmem:s10+$0x350] =	vst v2;
	v0 =	vadd.f32 v0, v10  }
0x66: {  	v2 =	vld [tilespmem:s16+$0xC350];
	[tilespmem:s10+$0x360] =	vst v1  }
0x67: {  	v1 =	vld [tilespmem:s16+$0xC360];
	[tilespmem:s10+$0x370] =	vst v0;
	s10 =	smov.u32 s16  }
0x68: {  	v0 =	vld [tilespmem:s10+$0xC370]  }
0x69: {  	v6 =	vld [tilespmem:s10+$0x300]  }
0x6a: {  	v7 =	vld [tilespmem:s10+$0x310]  }
.Ltmp5:
0x6b: {  	v10 =	vld [tilespmem:s10+$0x320];
	(pc) =	sbr.rel @p0 .LBB2_4-.Ltmp5, $4  }
0x6c: {  	v9 =	vld [tilespmem:s10+$0x330]  }
0x6d: {  	v8 =	vld [tilespmem:s10+$0x340]  }
0x6e: {  	v12 =	vadd.f32 v12, v6;
	v6 =	vld [tilespmem:s10+$0x350]  }
0x6f: {  	s21 =	sadd.s32 $0x200, s21;
	v11 =	vadd.f32 v11, v7;
	v7 =	vld [tilespmem:s10+$0x360]  }
0x70: {  	[tilespmem:s10+$0x300] =	vst v12;
	v5 =	vadd.f32 v5, v10;
	v63 =	vld [tilespmem:s10+$0x370]  }
0x71: {  	[tilespmem:s10+$0x310] =	vst v11;
	v4 =	vadd.f32 v4, v9  }
0x72: {  	[tilespmem:s10+$0x320] =	vst v5;
	v3 =	vadd.f32 v3, v8  }
0x73: {  	[tilespmem:s10+$0x330] =	vst v4;
	v2 =	vadd.f32 v2, v6  }
0x74: {  	s9 =	sshll.u32 s9, $0x7;
	[tilespmem:s10+$0x340] =	vst v3;
	v1 =	vadd.f32 v1, v7  }
0x75: {  	s9 =	smin.u32 s9, $0x30CC0;
	[tilespmem:s10+$0x350] =	vst v2;
	v0 =	vadd.f32 v0, v63  }
0x76: {  	s9 =	sshll.u32 s9, $0x4;
	[tilespmem:s10+$0x360] =	vst v1  }
0x77: {  	s9 =	sadd.s32 s7, s9;
	[tilespmem:s10+$0x370] =	vst v0  }
0x78: {  	[hbm4b:s9+s2] =	stream.linear.scatter [tilespmem:s19], [sflag:$0x4], $0x4000, $0x38;
	[tilespmem:$0x18300] =	vst v63  }
.LBB2_6:
0x79: {  	s9 =	sadd.s32 s29, s11;
	p0 =	seq.s32 s28, $0x10  }
0x7a: {  	p1 =	sgt.u32 @!p0 s9, $0x61A  }
0x7b: {  	p1 =	por p1, p0  }
0x7c: {  	s10 =	simm.s32 @!p1 $0x4  }
0x7d: {  	_ =	swait.ge @!p1 [sflag:s10], $0x4000  }
0x7e: {  	s9 =	sshll.u32 @!p1 s9, $0x5;
	[sflag:s10] =	ssyncset.done @!p1 $0x0  }
0x7f: {  	s9 =	sadd.s32 @!p1 s5, s9;
	[sflag:s10] =	ssyncadd.s32 @!p1 $0xFFFFC000;
	s10 =	simm.s32 @!p1 $0x0  }
0x80: {  	[tilespmem:s10], [sflag:$0x7] =	stream.linear.gather @!p1 [hbm4b:s9+s10], $0x100, $0x38;
	[tilespmem:$0x18300] =	vst v63  }
0x81: {  	s9 =	simm.s32 @!p1 $0x7  }
0x82: {  	_ =	swait.ge @!p1 [sflag:s9], $0x100  }
0x83: {  	[sflag:s9] =	ssyncset.done @!p1 $0x0  }
0x84: {  	s16 =	simm.s32 @!p1 $0x300;
	[sflag:s9] =	ssyncadd.s32 @!p1 $0xFFFFFF00;
	s9 =	simm.s32 @!p1 $0x80  }
0x85: {  	[tilespmem:s16], [sflag:$0x1] =	stream.indirect.gather @!p1 [hbm4b:s3+s9], $0x80, s10, s9, $0xb8;
	[tilespmem:$0x18300] =	vst v63  }
0x86: {  	s10 =	simm.s32 @!p1 $0xC300  }
0x87: {  	[tilespmem:s10], [sflag:$0x1] =	stream.indirect.gather @!p1 [hbm4b:s4+s9], $0x80, s9, s9, $0xb8;
	[tilespmem:$0x18300] =	vst v63  }
0x88: {  	s9 =	sadd.s32 s29, s12  }
0x89: {  	p1 =	sgt.u32 @!p0 s9, $0x61A  }
0x8a: {  	p1 =	por p0, p1  }
.Ltmp6:
0x8b: {  	_ = 	snop;
	(pc) =	sbr.rel @p1 .LBB2_10-.Ltmp6, $1  }
0x8c: {  	_ =	sdelay $0x3  }
0x8d: {  	_ =	swait.ge [sflag:s31], $0x4000  }
0x8e: {  	[sflag:s31] =	ssyncset.done $0x0  }
0x8f: {  	[sflag:s31] =	ssyncadd.s32 $0xFFFFC000  }
0x90: {  	_ =	swait.ge [sflag:s31], $0x4000  }
0x91: {  	[sflag:s31] =	ssyncset.done $0x0  }
0x92: {  	s10 =	simm.s32 $0x0;
	[sflag:s31] =	ssyncadd.s32 $0xFFFFC000  }
0x93: {  	v7 =	vld [tilespmem:s10+$0x10300]  }
0x94: {  	v11 =	vld [tilespmem:s10+$0x10310]  }
0x95: {  	v5 =	vld [tilespmem:s10+$0x10320]  }
0x96: {  	v4 =	vld [tilespmem:s10+$0x10330]  }
0x97: {  	v3 =	vld [tilespmem:s10+$0x10340]  }
0x98: {  	v2 =	vld [tilespmem:s10+$0x10350]  }
0x99: {  	v1 =	vld [tilespmem:s10+$0x10360]  }
0x9a: {  	v0 =	vld [tilespmem:s10+$0x10370]  }
0x9b: {  	v12 =	vld [tilespmem:s10+$0x4300]  }
0x9c: {  	v13 =	vld [tilespmem:s10+$0x4310]  }
0x9d: {  	v10 =	vld [tilespmem:s10+$0x4320]  }
0x9e: {  	v9 =	vld [tilespmem:s10+$0x4330]  }
0x9f: {  	v8 =	vld [tilespmem:s10+$0x4340]  }
0xa0: {  	v6 =	vld [tilespmem:s10+$0x4350];
	v12 =	vadd.f32 v7, v12  }
0xa1: {  	s21 =	simm.s32 $0x200;
	v11 =	vadd.f32 v11, v13;
	v7 =	vld [tilespmem:s10+$0x4360]  }
.LBB2_8:
0xa2: {  	s16 =	sshra.s32 s21, $0x2;
	p1 =	sne.s32 s21, $0xFE00;
	[tilespmem:s10+$0x4300] =	vst v12;
	v5 =	vadd.f32 v5, v10;
	v10 =	vld [tilespmem:s10+$0x4370]  }
0xa3: {  	v12 =	vld [tilespmem:s16+$0x10300];
	[tilespmem:s10+$0x4310] =	vst v11;
	v4 =	vadd.f32 v4, v9  }
0xa4: {  	v11 =	vld [tilespmem:s16+$0x10310];
	[tilespmem:s10+$0x4320] =	vst v5;
	v3 =	vadd.f32 v3, v8  }
0xa5: {  	v5 =	vld [tilespmem:s16+$0x10320];
	[tilespmem:s10+$0x4330] =	vst v4;
	v2 =	vadd.f32 v2, v6  }
0xa6: {  	v4 =	vld [tilespmem:s16+$0x10330];
	[tilespmem:s10+$0x4340] =	vst v3;
	v1 =	vadd.f32 v1, v7  }
0xa7: {  	v3 =	vld [tilespmem:s16+$0x10340];
	[tilespmem:s10+$0x4350] =	vst v2;
	v0 =	vadd.f32 v0, v10  }
0xa8: {  	v2 =	vld [tilespmem:s16+$0x10350];
	[tilespmem:s10+$0x4360] =	vst v1  }
0xa9: {  	v1 =	vld [tilespmem:s16+$0x10360];
	[tilespmem:s10+$0x4370] =	vst v0;
	s10 =	smov.u32 s16  }
0xaa: {  	v0 =	vld [tilespmem:s10+$0x10370]  }
0xab: {  	v6 =	vld [tilespmem:s10+$0x4300]  }
0xac: {  	v7 =	vld [tilespmem:s10+$0x4310]  }
.Ltmp7:
0xad: {  	v10 =	vld [tilespmem:s10+$0x4320];
	(pc) =	sbr.rel @p1 .LBB2_8-.Ltmp7, $4  }
0xae: {  	v9 =	vld [tilespmem:s10+$0x4330]  }
0xaf: {  	v8 =	vld [tilespmem:s10+$0x4340]  }
0xb0: {  	v12 =	vadd.f32 v12, v6;
	v6 =	vld [tilespmem:s10+$0x4350]  }
0xb1: {  	s21 =	sadd.s32 $0x200, s21;
	v11 =	vadd.f32 v11, v7;
	v7 =	vld [tilespmem:s10+$0x4360]  }
0xb2: {  	[tilespmem:s10+$0x4300] =	vst v12;
	v5 =	vadd.f32 v5, v10;
	v63 =	vld [tilespmem:s10+$0x4370]  }
0xb3: {  	[tilespmem:s10+$0x4310] =	vst v11;
	v4 =	vadd.f32 v4, v9  }
0xb4: {  	[tilespmem:s10+$0x4320] =	vst v5;
	v3 =	vadd.f32 v3, v8  }
0xb5: {  	[tilespmem:s10+$0x4330] =	vst v4;
	v2 =	vadd.f32 v2, v6  }
0xb6: {  	s9 =	sshll.u32 s9, $0x7;
	[tilespmem:s10+$0x4340] =	vst v3;
	v1 =	vadd.f32 v1, v7  }
0xb7: {  	s9 =	smin.u32 s9, $0x30CC0;
	[tilespmem:s10+$0x4350] =	vst v2;
	v0 =	vadd.f32 v0, v63  }
0xb8: {  	s9 =	sshll.u32 s9, $0x4;
	[tilespmem:s10+$0x4360] =	vst v1  }
0xb9: {  	s9 =	sadd.s32 s7, s9;
	[tilespmem:s10+$0x4370] =	vst v0  }
0xba: {  	[hbm4b:s9+s2] =	stream.linear.scatter [tilespmem:s22], [sflag:$0x5], $0x4000, $0x38;
	[tilespmem:$0x18300] =	vst v63  }
.LBB2_10:
0xbb: {  	s9 =	sadd.s32 s29, s13;
	p1 =	sgt.u32 s28, $0xE  }
0xbc: {  	p2 =	sgt.u32 @!p1 s9, $0x61A  }
0xbd: {  	p2 =	por p2, p1  }
0xbe: {  	s10 =	simm.s32 @!p2 $0x5  }
0xbf: {  	_ =	swait.ge @!p2 [sflag:s10], $0x4000  }
0xc0: {  	s9 =	sshll.u32 @!p2 s9, $0x5;
	s16 =	simm.s32 @!p2 $0x100;
	[sflag:s10] =	ssyncset.done @!p2 $0x0  }
0xc1: {  	s9 =	sadd.s32 @!p2 s5, s9;
	[sflag:s10] =	ssyncadd.s32 @!p2 $0xFFFFC000;
	s10 =	simm.s32 @!p2 $0x0  }
0xc2: {  	[tilespmem:s16], [sflag:$0x7] =	stream.linear.gather @!p2 [hbm4b:s9+s10], $0x100, $0x38;
	[tilespmem:$0x18300] =	vst v63  }
0xc3: {  	s9 =	simm.s32 @!p2 $0x7  }
0xc4: {  	_ =	swait.ge @!p2 [sflag:s9], $0x100  }
0xc5: {  	[sflag:s9] =	ssyncset.done @!p2 $0x0  }
0xc6: {  	s10 =	simm.s32 @!p2 $0x4300;
	[sflag:s9] =	ssyncadd.s32 @!p2 $0xFFFFFF00;
	s9 =	simm.s32 @!p2 $0x80  }
0xc7: {  	[tilespmem:s10], [sflag:$0x2] =	stream.indirect.gather @!p2 [hbm4b:s3+s9], $0x80, s16, s9, $0xb8;
	[tilespmem:$0x18300] =	vst v63  }
0xc8: {  	s10 =	simm.s32 @!p2 $0x180;
	s16 =	simm.s32 @!p2 $0x10300  }
0xc9: {  	[tilespmem:s16], [sflag:$0x2] =	stream.indirect.gather @!p2 [hbm4b:s4+s9], $0x80, s10, s9, $0xb8;
	[tilespmem:$0x18300] =	vst v63  }
0xca: {  	s9 =	sadd.s32 s29, s14  }
0xcb: {  	p2 =	sgt.u32 @!p0 s9, $0x61A  }
0xcc: {  	p0 =	por p0, p2  }
.Ltmp8:
0xcd: {  	_ = 	snop;
	(pc) =	sbr.rel @p0 .LBB2_14-.Ltmp8, $1  }
0xce: {  	_ =	sdelay $0x3  }
0xcf: {  	_ =	swait.ge [sflag:s0], $0x4000  }
0xd0: {  	[sflag:s0] =	ssyncset.done $0x0  }
0xd1: {  	[sflag:s0] =	ssyncadd.s32 $0xFFFFC000  }
0xd2: {  	_ =	swait.ge [sflag:s0], $0x4000  }
0xd3: {  	[sflag:s0] =	ssyncset.done $0x0  }
0xd4: {  	s10 =	simm.s32 $0x0;
	[sflag:s0] =	ssyncadd.s32 $0xFFFFC000  }
0xd5: {  	v7 =	vld [tilespmem:s10+$0x14300]  }
0xd6: {  	v11 =	vld [tilespmem:s10+$0x14310]  }
0xd7: {  	v5 =	vld [tilespmem:s10+$0x14320]  }
0xd8: {  	v4 =	vld [tilespmem:s10+$0x14330]  }
0xd9: {  	v3 =	vld [tilespmem:s10+$0x14340]  }
0xda: {  	v2 =	vld [tilespmem:s10+$0x14350]  }
0xdb: {  	v1 =	vld [tilespmem:s10+$0x14360]  }
0xdc: {  	v0 =	vld [tilespmem:s10+$0x14370]  }
0xdd: {  	v12 =	vld [tilespmem:s10+$0x8300]  }
0xde: {  	v13 =	vld [tilespmem:s10+$0x8310]  }
0xdf: {  	v10 =	vld [tilespmem:s10+$0x8320]  }
0xe0: {  	v9 =	vld [tilespmem:s10+$0x8330]  }
0xe1: {  	v8 =	vld [tilespmem:s10+$0x8340]  }
0xe2: {  	v6 =	vld [tilespmem:s10+$0x8350];
	v12 =	vadd.f32 v7, v12  }
0xe3: {  	s21 =	simm.s32 $0x200;
	v11 =	vadd.f32 v11, v13;
	v7 =	vld [tilespmem:s10+$0x8360]  }
.LBB2_12:
0xe4: {  	s16 =	sshra.s32 s21, $0x2;
	p0 =	sne.s32 s21, $0xFE00;
	[tilespmem:s10+$0x8300] =	vst v12;
	v5 =	vadd.f32 v5, v10;
	v10 =	vld [tilespmem:s10+$0x8370]  }
0xe5: {  	v12 =	vld [tilespmem:s16+$0x14300];
	[tilespmem:s10+$0x8310] =	vst v11;
	v4 =	vadd.f32 v4, v9  }
0xe6: {  	v11 =	vld [tilespmem:s16+$0x14310];
	[tilespmem:s10+$0x8320] =	vst v5;
	v3 =	vadd.f32 v3, v8  }
0xe7: {  	v5 =	vld [tilespmem:s16+$0x14320];
	[tilespmem:s10+$0x8330] =	vst v4;
	v2 =	vadd.f32 v2, v6  }
0xe8: {  	v4 =	vld [tilespmem:s16+$0x14330];
	[tilespmem:s10+$0x8340] =	vst v3;
	v1 =	vadd.f32 v1, v7  }
0xe9: {  	v3 =	vld [tilespmem:s16+$0x14340];
	[tilespmem:s10+$0x8350] =	vst v2;
	v0 =	vadd.f32 v0, v10  }
0xea: {  	v2 =	vld [tilespmem:s16+$0x14350];
	[tilespmem:s10+$0x8360] =	vst v1  }
0xeb: {  	v1 =	vld [tilespmem:s16+$0x14360];
	[tilespmem:s10+$0x8370] =	vst v0;
	s10 =	smov.u32 s16  }
0xec: {  	v0 =	vld [tilespmem:s10+$0x14370]  }
0xed: {  	v6 =	vld [tilespmem:s10+$0x8300]  }
0xee: {  	v7 =	vld [tilespmem:s10+$0x8310]  }
.Ltmp9:
0xef: {  	v10 =	vld [tilespmem:s10+$0x8320];
	(pc) =	sbr.rel @p0 .LBB2_12-.Ltmp9, $4  }
0xf0: {  	v9 =	vld [tilespmem:s10+$0x8330]  }
0xf1: {  	v8 =	vld [tilespmem:s10+$0x8340]  }
0xf2: {  	v12 =	vadd.f32 v12, v6;
	v6 =	vld [tilespmem:s10+$0x8350]  }
0xf3: {  	s21 =	sadd.s32 $0x200, s21;
	v11 =	vadd.f32 v11, v7;
	v7 =	vld [tilespmem:s10+$0x8360]  }
0xf4: {  	[tilespmem:s10+$0x8300] =	vst v12;
	v5 =	vadd.f32 v5, v10;
	v63 =	vld [tilespmem:s10+$0x8370]  }
0xf5: {  	[tilespmem:s10+$0x8310] =	vst v11;
	v4 =	vadd.f32 v4, v9  }
0xf6: {  	[tilespmem:s10+$0x8320] =	vst v5;
	v3 =	vadd.f32 v3, v8  }
0xf7: {  	[tilespmem:s10+$0x8330] =	vst v4;
	v2 =	vadd.f32 v2, v6  }
.Ltmp10:
0xf8: {  	s9 =	sshll.u32 s9, $0x7;
	[tilespmem:s10+$0x8340] =	vst v3;
	v1 =	vadd.f32 v1, v7;
	(pc) =	sbr.rel .LBB2_14-.Ltmp10, $4  }
0xf9: {  	s9 =	smin.u32 s9, $0x30CC0;
	[tilespmem:s10+$0x8350] =	vst v2;
	v0 =	vadd.f32 v0, v63  }
0xfa: {  	s9 =	sshll.u32 s9, $0x4;
	[tilespmem:s10+$0x8360] =	vst v1  }
0xfb: {  	s9 =	sadd.s32 s7, s9;
	[tilespmem:s10+$0x8370] =	vst v0  }
0xfc: {  	[hbm4b:s9+s2] =	stream.linear.scatter [tilespmem:s26], [sflag:$0x6], $0x4000, $0x38;
	[tilespmem:$0x18300] =	vst v63  }
.LBB2_16:
0xfd: {  	_ =	sfence.sel $0x180000  }
0xfe: {  	[bflag:$0x0] =	sbarrier.arrive $0xFFFF  }
0xff: {  	_ =	strace $0x90000050  }
0x100: {  	s0 =	stileid.u32;
	[bflag:$0x2] =	sbarrier.arrive $0xFFFF  }
0x101: {  	p0 =	sne.s32 s0, $0x0;
	s0 =	rddreg [dreg:$0x1]  }
0x102: {  	s0 =	sadd.s32 @!p0 $0x100000, s0  }
0x103: {  	[sflag:s0] =	ssyncadd.tile.s32 @!p0 $0x1;
	_ =	shalt  }
.Lfunc_end2:
_tile_overlayer_lowered:
.L_overlay_start_2:
0x104: {  	(tag) =	ssettag $0x2  }
0x105: {  	s0 =	rddreg [dreg:$0x0];
	s2 =	stileid.u32  }
0x106: {  	s1 =	rddreg [dreg:$0x1];
	p0 =	sne.s32 s2, $0x0  }
0x107: {  	s3 =	rddreg [dreg:$0x2];
	[bflag:$0x3] =	sbarrier.arrive $0xFFFF;
	s2 =	simm.s32 @!p0 $0x1C07  }
0x108: {  	[timem:s3], [sflag:s2] =	dma.local @!p0 [hbm:s0], s1  }
0x109: {  	s0 =	simm.s32 @!p0 $0x7  }
0x10a: {  	_ =	swait.ge @!p0 [sflag:s0], s1  }
0x10b: {  	s1 =	ssub.s32 @!p0 $0x0, s1;
	[sflag:s0] =	ssyncset.done @!p0 $0x0  }
0x10c: {  	[sflag:s0] =	ssyncadd.s32 @!p0 s1  }
0x10d: {  	[bflag:$0x3] =	sbarrier.arrive $0xFFFF  }
0x10e: {  	_ =	shalt  }

// kernel: kernel.14.cloned.1.call-start
scs
__scs_entry_jumppad:
0x0: {  	(pc) =	sbr.rel $0x88, $3  }
0x1: {  	(tag) =	ssettag $0x0;
	lr =	simm.s32 $0x1  }
0x2: {  	[smem:$0x3F8E] =	sst lr;
	_ =	strace $0xD0000000  }
0x3: {  	_ = 	snop  }
0x4: {  	_ = 	snop  }
0x5: {  	_ = 	snop  }
0x6: {  	_ = 	snop  }
0x7: {  	_ = 	snop  }
__scs_overlays_trampoline_lowered:
0x8: {  	[smem:$0x3F9D] =	sst s0  }
0x9: {  	[smem:$0x3F9E] =	sst s1  }
0xa: {  	[smem:$0x3F9F] =	sst s2  }
0xb: {  	[smem:$0x3FA0] =	sst s3  }
0xc: {  	[smem:$0x3FA1] =	sst s4  }
0xd: {  	[smem:$0x3FA2] =	sst s5  }
0xe: {  	[smem:$0x3FA3] =	sst s6  }
0xf: {  	[smem:$0x3FA4] =	sst s7  }
0x10: {  	[smem:$0x3FA5] =	sst s8  }
0x11: {  	[smem:$0x3FA6] =	sst s9;
	s0 =	simm.s32 @!p0 $0x0  }
0x12: {  	s1 =	sld [smem:$0x3F8C];
	s0 =	simm.s32 @p0 $0x1  }
0x13: {  	[smem:$0x3FA7] =	sst s0;
	s0 =	simm.s32 @!p1 $0x0  }
0x14: {  	s2 =	sld [smem:$0x3F8B];
	s0 =	simm.s32 @p1 $0x1  }
0x15: {  	[smem:$0x3FA8] =	sst s0;
	s0 =	simm.s32 @!p2 $0x0  }
0x16: {  	s3 =	sld [smem:$0x3FDB];
	s0 =	simm.s32 @p2 $0x1  }
0x17: {  	s4 =	simm.s32 $0x1BF5;
	[smem:$0x3FAA] =	sst s0  }
0x18: {  	s0 =	sld [smem:$0x3F8D];
	_ =	swait.ge [sflag:s4], $0x0  }
0x19: {  	s7 =	sld [smem:$0x3F8E]  }
0x1a: {  	s8 =	sadd.s32 $0xFFFFE003, lr  }
0x1b: {  	s9 =	sadd.s32 $0xFFFFFEF7, lr;
	s5 =	simm.s32 $0xFFFFFFFF;
	p2 =	slt.u32 s8, $0xFFFFF086  }
0x1c: {  	p1 =	slt.u32 s9, $0xF7A;
	s5 =	simm.s32 @!p2 $0x0  }
0x1d: {  	s5 =	simm.s32 @p1 $0x1;
	p0 =	seq.s32 s7, s2  }
0x1e: {  	s7 =	smul.u32 @!p0 $0xF7A, s2;
	p2 =	seq.s32 @!p0 s5, $0x0  }
0x1f: {  	s9 =	smul.u32 $0xF7A, s1;
	s8 =	simm.s32 @!p0 $0x1BF5;
	p2 =	por !p2, p0  }
0x20: {  	[sflag:s8] =	ssyncset.s32 @!p0 $0xFFFFF086;
	s6 =	sadd.s32 @!p0 s3, s7;
	s7 =	simm.s32 @!p0 $0x108  }
0x21: {  	s3 =	sadd.s32 s3, s9;
	s6 =	sadd.s32 @!p0 $0x88, s6;
	s7 =	simm.s32 @p2 $0x1082  }
0x22: {  	[simem:s7], [sflag:s8] =	dma.local @!p0 [hbm:s6], $0xF7A  }
0x23: {  	s9 =	sor.u32 $0xD0000000, s2;
	s6 =	simm.s32 $0x108;
	_ =	swait.ge @!p0 [sflag:s8], $0x0  }
0x24: {  	s3 =	sadd.s32 $0x88, s3;
	s6 =	simm.s32 @!p1 $0x1082;
	[sflag:s4] =	ssyncset.s32 $0xFFFFF086  }
0x25: {  	[simem:s6], [sflag:s4] =	dma.local [hbm:s3], $0xF7A  }
0x26: {  	[smem:$0x3F8E] =	sst s1;
	(tag) =	ssettag s2;
	_ =	strace s9  }
0x27: {  	s1 =	sld [smem:$0x3F9E]  }
0x28: {  	s2 =	sld [smem:$0x3F9F]  }
0x29: {  	s4 =	sld [smem:$0x3FA1]  }
0x2a: {  	p0 =	seq.s32 s5, $0x0;
	s5 =	sld [smem:$0x3FA2]  }
0x2b: {  	s6 =	sld [smem:$0x3FA3]  }
0x2c: {  	s7 =	sld [smem:$0x3FA4]  }
0x2d: {  	s3 =	simm.s32 $0x108;
	s8 =	sld [smem:$0x3FA5]  }
0x2e: {  	s3 =	simm.s32 @!p0 $0x1082;
	s9 =	sld [smem:$0x3FA6]  }
0x2f: {  	lr =	sadd.s32 s0, s3;
	s0 =	sld [smem:$0x3F9D]  }
0x30: {  	s3 =	sld [smem:$0x3FA0]  }
0x31: {  	[smem:$0x3FA9] =	sst s10  }
0x32: {  	s10 =	sld [smem:$0x3FA7];
	_ =	sdelay $0x3  }
0x33: {  	p0 =	seq.s32 s10, $0x1;
	s10 =	sld [smem:$0x3FA9];
	_ =	sdelay $0x3  }
0x34: {  	[smem:$0x3FA9] =	sst s10  }
0x35: {  	s10 =	sld [smem:$0x3FA8];
	_ =	sdelay $0x3  }
0x36: {  	p1 =	seq.s32 s10, $0x1;
	s10 =	sld [smem:$0x3FA9];
	_ =	sdelay $0x3  }
0x37: {  	[smem:$0x3FA9] =	sst s10  }
0x38: {  	s10 =	sld [smem:$0x3FAA]  }
0x39: {  	_ = 	snop;
	(pc) =	sbr.ind lr, $3  }
0x3a: {  	_ = 	snop  }
0x3b: {  	_ = 	snop  }
0x3c: {  	p2 =	seq.s32 s10, $0x1;
	s10 =	sld [smem:$0x3FA9]  }
0x3d: {  	_ =	shalt  }
0x3e: {  	_ =	shalt  }
0x3f: {  	_ =	shalt  }
0x40: {  	_ =	shalt  }
0x41: {  	_ =	shalt  }
0x42: {  	_ =	shalt  }
0x43: {  	_ =	shalt  }
0x44: {  	_ =	shalt  }
0x45: {  	_ =	shalt  }
0x46: {  	_ =	shalt  }
0x47: {  	_ =	shalt  }
0x48: {  	_ =	shalt  }
0x49: {  	_ =	shalt  }
0x4a: {  	_ =	shalt  }
0x4b: {  	_ =	shalt  }
0x4c: {  	_ =	shalt  }
0x4d: {  	_ =	shalt  }
0x4e: {  	_ =	shalt  }
0x4f: {  	_ =	shalt  }
0x50: {  	_ =	shalt  }
0x51: {  	_ =	shalt  }
0x52: {  	_ =	shalt  }
0x53: {  	_ =	shalt  }
0x54: {  	_ =	shalt  }
0x55: {  	_ =	shalt  }
0x56: {  	_ =	shalt  }
0x57: {  	_ =	shalt  }
0x58: {  	_ =	shalt  }
0x59: {  	_ =	shalt  }
0x5a: {  	_ =	shalt  }
0x5b: {  	_ =	shalt  }
0x5c: {  	_ =	shalt  }
0x5d: {  	_ =	shalt  }
0x5e: {  	_ =	shalt  }
0x5f: {  	_ =	shalt  }
0x60: {  	_ =	shalt  }
0x61: {  	_ =	shalt  }
0x62: {  	_ =	shalt  }
0x63: {  	_ =	shalt  }
0x64: {  	_ =	shalt  }
0x65: {  	_ =	shalt  }
0x66: {  	_ =	shalt  }
0x67: {  	_ =	shalt  }
0x68: {  	_ =	shalt  }
0x69: {  	_ =	shalt  }
0x6a: {  	_ =	shalt  }
0x6b: {  	_ =	shalt  }
0x6c: {  	_ =	shalt  }
0x6d: {  	_ =	shalt  }
0x6e: {  	_ =	shalt  }
0x6f: {  	_ =	shalt  }
0x70: {  	_ =	shalt  }
0x71: {  	_ =	shalt  }
0x72: {  	_ =	shalt  }
0x73: {  	_ =	shalt  }
0x74: {  	_ =	shalt  }
0x75: {  	_ =	shalt  }
0x76: {  	_ =	shalt  }
0x77: {  	_ =	shalt  }
0x78: {  	_ =	shalt  }
0x79: {  	_ =	shalt  }
0x7a: {  	_ =	shalt  }
0x7b: {  	_ =	shalt  }
0x7c: {  	_ =	shalt  }
0x7d: {  	_ =	shalt  }
0x7e: {  	_ =	shalt  }
0x7f: {  	_ =	shalt  }
0x80: {  	_ =	shalt  }
0x81: {  	_ =	shalt  }
0x82: {  	_ =	shalt  }
0x83: {  	_ =	shalt  }
0x84: {  	_ =	shalt  }
0x85: {  	_ =	shalt  }
0x86: {  	_ =	shalt  }
0x87: {  	_ =	shalt  }
.Lfunc_end0:
.L_simem_size_0:
called_computation.1_lowered:
.L_overlay_start_0:
0x88: {  	s2 =	sld [smem:$0x3FD9]  }
0x89: {  	s3 =	sld [smem:$0x3FFE];
	_ =	sdelay $0x1  }
0x8a: {  	s1 =	srdreg.scid  }
0x8b: {  	s0 =	sand.u32 $0x1, s1  }
0x8c: {  	s14 =	sshll.u32 s0, $0xA;
	s2 =	sadd.s32 s3, s2  }
0x8d: {  	s2 =	sadd.s32 s2, s14  }
0x8e: {  	[smem:$0x3FB5] =	sst s2  }
0x8f: {  	_ = 	snop  }
0x90: {  	s2 =	sld [smem:$0x3FD0];
	_ =	sdelay $0x2  }
0x91: {  	s15 =	simm.s32 $0xD;
	s4 =	simm.s32 $0x10  }
0x92: {  	[smem:s4], [sflag:s15] =	dma.local [hbm:s2], $0x1  }
0x93: {  	_ =	swait.eq [sflag:s15], $0x1  }
0x94: {  	[sflag:s15] =	ssyncset.done $0x0  }
0x95: {  	[sflag:s15] =	ssyncadd.s32 $0xFFFFFFFF  }
0x96: {  	s16 =	sld [smem:$0x10];
	(tm) =	ssettm $0x1  }
0x97: {  	s17 =	sld [smem:$0x3FFB];
	_ =	sdelay $0x3  }
0x98: {  	_ =	strace s17  }
0x99: {  	s3 =	sld [smem:$0x3FFC];
	_ =	sdelay $0x3  }
0x9a: {  	_ =	strace s3  }
0x9b: {  	s3 =	sld [smem:$0x3FFD];
	_ =	sdelay $0x3  }
0x9c: {  	_ =	strace s3  }
0x9d: {  	_ =	strace $0x8FFFFFFF  }
0x9e: {  	s18 =	sld [smem:$0x3FDB];
	_ =	sdelay $0x1  }
0x9f: {  	s19 =	simm.s32 $_scs_section_size  }
0xa0: {  	s5 =	simm.s32 $_size__tile_overlayer_lowered;
	s6 =	simm.s32 $_tile_overlayer_lowered  }
0xa1: {  	s22 =	simm.s32 $0x1BFF;
	s21 =	sshll.u32 s6, $0x1;
	s3 =	sadd.s32 s19, s18  }
0xa2: {  	s7 =	simm.s32 $0x0;
	s20 =	sshll.u32 s5, $0x1;
	s5 =	sadd.s32 s21, s3  }
0xa3: {  	[timem:s7], [sflag:s22] =	dma.local [hbm:s5], s20  }
0xa4: {  	_ =	swait.ge [sflag:s22], s20  }
0xa5: {  	s4 =	ssub.s32 $0x0, s20;
	[sflag:s22] =	ssyncset.done $0x0  }
0xa6: {  	[sflag:s22] =	ssyncadd.s32 s4;
	_ =	sdelay $0x1  }
0xa7: {  	s23 =	simm.s32 $0x1B8B  }
0xa8: {  	_ =	swait.ge [sflag:s23], $0x1  }
0xa9: {  	[sflag:s23] =	ssyncset.done $0x0  }
0xaa: {  	s25 =	simm.s32 $0x1B8E;
	s24 =	sld [smem:$0x3FFE];
	[sflag:s23] =	ssyncadd.s32 $0xFFFFFFFF  }
0xab: {  	s26 =	simm.s32 $execute0_lowered;
	[smem:$0x3FD2] =	sst s25  }
0xac: {  	s5 =	sshll.u32 s26, $0x1;
	_ =	strace $0x80000046;
	[dreg:$0x1] =	wrdreg $0xFFFFFFFF  }
0xad: {  	s28 =	simm.s32 $_size_execute0_lowered;
	s3 =	sadd.s32 s3, s5;
	[dreg:$0x0] =	wrdreg $0x0  }
0xae: {  	s5 =	sshll.u32 s28, $0x1;
	[dreg:$0x2] =	wrdreg s3  }
0xaf: {  	[dreg:$0x3] =	wrdreg s5  }
0xb0: {  	[dreg:$0x4] =	wrdreg $0xC0  }
0xb1: {  	_ =	task [dreg:s7], $0x5FFFF  }
0xb2: {  	[dreg:$0x1] =	wrdreg $0xFFFFFFFF  }
0xb3: {  	[dreg:$0x0] =	wrdreg $0x60  }
0xb4: {  	[dreg:$0x2] =	wrdreg s24  }
0xb5: {  	[dreg:$0x3] =	wrdreg s16  }
0xb6: {  	[dreg:$0x4] =	wrdreg $0xA  }
0xb7: {  	_ =	task.clear_ibuf [dreg:s7], $0x5FFFF;
	_ =	strace $0x90000046  }
0xb8: {  	s29 =	simm.s32 $0xA;
	_ =	strace $0x80000048  }
0xb9: {  	_ =	swait.ge [sflag:s29], $0x1  }
0xba: {  	[sflag:s29] =	ssyncadd.s32 $0xFFFFFFFF  }
0xbb: {  	_ =	strace $0x90000048  }
0xbc: {  	_ =	sfence  }
0xbd: {  	s30 =	sld [smem:$0x0];
	_ =	sdelay $0x2  }
0xbe: {  	s31 =	sshll.u32 s1, $0xD;
	s1 =	sshrl.u32 s1, $0x2  }
0xbf: {  	s3 =	sand.u32 $0x4000, s31;
	s1 =	sadd.s32 s1, s30  }
0xc0: {  	s0 =	sor.u32 s3, s0;
	s1 =	sshll.u32 s1, $0x11  }
0xc1: {  	s0 =	sor.u32 s1, s0  }
0xc2: {  	s0 =	sadd.s32 $0x8F2B, s0  }
0xc3: {  	[sflag:s0] =	ssyncadd.remote.s32 $0x1  }
0xc4: {  	_ =	sfence.sel $0xFFFF  }
0xc5: {  	[dreg:$0x0] =	wrdreg $0xFFFFFFFF;
	(pc) =	sbr.abs _section_cstart, $3  }
0xc6: {  	[dreg:$0x1] =	wrdreg $0xFFFFFFFF  }
0xc7: {  	_ =	task.clear_ibuf [dreg:s7], $0x2FFFF;
	_ =	strace $0x9FFFFFFF  }
0xc8: {  	(tm) =	ssettm $0x7FFFFFFF  }
0xc9: {  	_ =	shalt  }
tec
execute0_lowered:
.L_overlay_start_1:
0x0: {  	(tag) =	ssettag $0x1  }
0x1: {  	s0 =	rddreg [dreg:$0x0]  }
0x2: {  	s2 =	rddreg [dreg:$0x1]  }
0x3: {  	s3 =	simm.s32 $0x0;
	s1 =	srdreg.scid;
	s4 =	stileid.u32  }
0x4: {  	s17 =	simm.s32 $0x7;
	s18 =	simm.s32 $0x80;
	s19 =	simm.s32 $0x300  }
0x5: {  	s22 =	simm.s32 $0x4300;
	s25 =	simm.s32 $0x200;
	s30 =	simm.s32 $0x1  }
0x6: {  	s31 =	simm.s32 $0x2;
	s20 =	simm.s32 $0x5;
	s23 =	simm.s32 $0x6  }
0x7: {  	s24 =	simm.s32 $0x0;
	s1 =	sand.u32 $0x1, s1;
	s4 =	sshll.u32 s4, $0x1  }
0x8: {  	[smem:$0x7FF] =	sst s3;
	s5 =	sadd.s32 $0xD0A00, s0;
	s6 =	sor.u32 s1, s4  }
0x9: {  	s7 =	sadd.s32 $0x31AC00, s0;
	s1 =	ssub.s32 $0x2, s1;
	s8 =	smul.u32 $0x760, s6  }
0xa: {  	_ =	strace $0x80000047;
	s9 =	sshrl.u32 s1, $0x1;
	s6 =	smul.u32 $0x3B, s6  }
0xb: {  	s4 =	sadd.s32 $0xD400, s0;
	s26 =	ssub.s32 s1, s9;
	s1 =	simm.s32 $0x4  }
.Ltmp0:
0xc: {  	s8 =	sadd.s32 s2, s8;
	s11 =	sadd.s32 $0x3, s6;
	(pc) =	sbr.rel .LBB2_1-.Ltmp0, $4  }
0xd: {  	s12 =	sadd.s32 $0x1, s6;
	s13 =	sadd.s32 $0x4, s6;
	s0 =	smax.u32 s26, $0x1  }
0xe: {  	s14 =	sadd.s32 $0x2, s6;
	s28 =	sadd.s32 $0x20, s8;
	[dreg:$0x5] =	wrdreg s0  }
0xf: {  	s15 =	sadd.s32 $0x5, s6;
	s29 =	sadd.s32 $0x40, s8;
	[dreg:$0x3] =	wrdreg s28  }
0x10: {  	s26 =	simm.s32 $0x8300;
	s0 =	simm.s32 $0x3;
	[dreg:$0x4] =	wrdreg s29  }
.LBB2_15:
0x11: {  	_ =	swait.ge [sflag:s1], $0x4000  }
0x12: {  	[sflag:s1] =	ssyncset.done $0x0  }
0x13: {  	[sflag:s1] =	ssyncadd.s32 $0xFFFFC000  }
0x14: {  	_ =	swait.ge [sflag:s20], $0x4000  }
0x15: {  	[sflag:s20] =	ssyncset.done $0x0  }
0x16: {  	[sflag:s20] =	ssyncadd.s32 $0xFFFFC000  }
0x17: {  	_ =	swait.ge [sflag:s23], $0x4000  }
0x18: {  	s24 =	sadd.s32 $0x1, s24;
	s9 =	rddreg [dreg:$0x5]  }
0x19: {  	p0 =	sne.s32 s24, s9  }
.Ltmp1:
0x1a: {  	_ = 	snop;
	(pc) =	sbr.rel @!p0 .LBB2_16-.Ltmp1, $3  }
0x1b: {  	_ =	sdelay $0x1  }
0x1c: {  	[sflag:s23] =	ssyncset.done $0x0  }
0x1d: {  	[sflag:s23] =	ssyncadd.s32 $0xFFFFC000  }
.LBB2_1:
0x1e: {  	[tilespmem:s3], [sflag:$0x7] =	stream.linear.gather [hbm4b:s8+s3], $0x100, $0x38;
	[tilespmem:$0x18300] =	vst v63  }
0x1f: {  	_ =	swait.ge [sflag:s17], $0x100  }
0x20: {  	[sflag:s17] =	ssyncset.done $0x0  }
0x21: {  	[sflag:s17] =	ssyncadd.s32 $0xFFFFFF00  }
0x22: {  	[tilespmem:s19], [sflag:$0x1] =	stream.indirect.gather [hbm4b:s4+s18], $0x80, s3, s18, $0xb8;
	[tilespmem:$0x18300] =	vst v63  }
0x23: {  	s9 =	simm.s32 $0xC300  }
0x24: {  	[tilespmem:s9], [sflag:$0x1] =	stream.indirect.gather [hbm4b:s5+s18], $0x80, s18, s18, $0xb8;
	[tilespmem:$0x18300] =	vst v63  }
0x25: {  	s10 =	simm.s32 $0x100;
	s16 =	rddreg [dreg:$0x3]  }
0x26: {  	[tilespmem:s10], [sflag:$0x7] =	stream.linear.gather [hbm4b:s16+s3], $0x100, $0x38;
	[tilespmem:$0x18300] =	vst v63  }
0x27: {  	_ =	swait.ge [sflag:s17], $0x100  }
0x28: {  	[sflag:s17] =	ssyncset.done $0x0  }
0x29: {  	[sflag:s17] =	ssyncadd.s32 $0xFFFFFF00  }
0x2a: {  	[tilespmem:s22], [sflag:$0x2] =	stream.indirect.gather [hbm4b:s4+s18], $0x80, s10, s18, $0xb8;
	[tilespmem:$0x18300] =	vst v63  }
0x2b: {  	s21 =	simm.s32 $0x180;
	s29 =	simm.s32 $0x10300  }
0x2c: {  	[tilespmem:s29], [sflag:$0x2] =	stream.indirect.gather [hbm4b:s5+s18], $0x80, s21, s18, $0xb8;
	[tilespmem:$0x18300] =	vst v63  }
0x2d: {  	s16 =	rddreg [dreg:$0x4]  }
0x2e: {  	[tilespmem:s25], [sflag:$0x7] =	stream.linear.gather [hbm4b:s16+s3], $0x100, $0x38;
	[tilespmem:$0x18300] =	vst v63  }
0x2f: {  	_ =	swait.ge [sflag:s17], $0x100  }
.Ltmp2:
0x30: {  	[sflag:s17] =	ssyncset.done $0x0;
	(pc) =	sbr.rel .LBB2_2-.Ltmp2, $4  }
0x31: {  	[sflag:s17] =	ssyncadd.s32 $0xFFFFFF00  }
0x32: {  	[tilespmem:s26], [sflag:$0x3] =	stream.indirect.gather [hbm4b:s4+s18], $0x80, s25, s18, $0xb8;
	[tilespmem:$0x18300] =	vst v63  }
0x33: {  	s28 =	simm.s32 $0x0;
	s21 =	simm.s32 $0x280;
	s29 =	simm.s32 $0x14300  }
0x34: {  	[tilespmem:s29], [sflag:$0x3] =	stream.indirect.gather [hbm4b:s5+s18], $0x80, s21, s18, $0xb8;
	[tilespmem:$0x18300] =	vst v63  }
.LBB2_14:
0x35: {  	s9 =	sadd.s32 s29, s15;
	p0 =	sgt.u32 s28, $0x11  }
0x36: {  	p1 =	sgt.u32 @!p0 s9, $0x752  }
0x37: {  	p0 =	por p1, p0  }
0x38: {  	s10 =	simm.s32 @!p0 $0x6  }
0x39: {  	_ =	swait.ge @!p0 [sflag:s10], $0x4000  }
0x3a: {  	s9 =	sshll.u32 @!p0 s9, $0x5;
	s16 =	simm.s32 @!p0 $0x200;
	[sflag:s10] =	ssyncset.done @!p0 $0x0  }
0x3b: {  	s9 =	sadd.s32 @!p0 s2, s9;
	[sflag:s10] =	ssyncadd.s32 @!p0 $0xFFFFC000;
	s10 =	simm.s32 @!p0 $0x0  }
0x3c: {  	[tilespmem:s16], [sflag:$0x7] =	stream.linear.gather @!p0 [hbm4b:s9+s10], $0x100, $0x38;
	[tilespmem:$0x18300] =	vst v63  }
0x3d: {  	s9 =	simm.s32 @!p0 $0x7  }
0x3e: {  	_ =	swait.ge @!p0 [sflag:s9], $0x100  }
0x3f: {  	[sflag:s9] =	ssyncset.done @!p0 $0x0  }
0x40: {  	s10 =	simm.s32 @!p0 $0x8300;
	[sflag:s9] =	ssyncadd.s32 @!p0 $0xFFFFFF00;
	s9 =	simm.s32 @!p0 $0x80  }
0x41: {  	[tilespmem:s10], [sflag:$0x3] =	stream.indirect.gather @!p0 [hbm4b:s4+s9], $0x80, s16, s9, $0xb8;
	[tilespmem:$0x18300] =	vst v63  }
0x42: {  	s28 =	sadd.s32 $0x1, s28;
	s10 =	simm.s32 @!p0 $0x280;
	s16 =	simm.s32 @!p0 $0x14300  }
0x43: {  	[tilespmem:s16], [sflag:$0x3] =	stream.indirect.gather @!p0 [hbm4b:s5+s9], $0x80, s10, s9, $0xb8;
	[tilespmem:$0x18300] =	vst v63  }
0x44: {  	p0 =	sne.s32 s28, $0x14  }
.Ltmp3:
0x45: {  	_ = 	snop;
	(pc) =	sbr.rel @!p0 .LBB2_15-.Ltmp3, $1  }
0x46: {  	_ =	sdelay $0x3  }
.LBB2_2:
0x47: {  	s29 =	smul.u32 $0x3, s28;
	_ =	sdelay $0x1  }
0x48: {  	s9 =	sadd.s32 s6, s29  }
0x49: {  	p0 =	sgt.u32 s9, $0x752  }
.Ltmp4:
0x4a: {  	_ = 	snop;
	(pc) =	sbr.rel @p0 .LBB2_6-.Ltmp4, $1  }
0x4b: {  	_ =	sdelay $0x3  }
0x4c: {  	_ =	swait.ge [sflag:s30], $0x4000  }
0x4d: {  	[sflag:s30] =	ssyncset.done $0x0  }
0x4e: {  	[sflag:s30] =	ssyncadd.s32 $0xFFFFC000  }
0x4f: {  	_ =	swait.ge [sflag:s30], $0x4000  }
0x50: {  	[sflag:s30] =	ssyncset.done $0x0  }
0x51: {  	s10 =	simm.s32 $0x0;
	[sflag:s30] =	ssyncadd.s32 $0xFFFFC000  }
0x52: {  	v7 =	vld [tilespmem:s10+$0xC300]  }
0x53: {  	v11 =	vld [tilespmem:s10+$0xC310]  }
0x54: {  	v5 =	vld [tilespmem:s10+$0xC320]  }
0x55: {  	v4 =	vld [tilespmem:s10+$0xC330]  }
0x56: {  	v3 =	vld [tilespmem:s10+$0xC340]  }
0x57: {  	v2 =	vld [tilespmem:s10+$0xC350]  }
0x58: {  	v1 =	vld [tilespmem:s10+$0xC360]  }
0x59: {  	v0 =	vld [tilespmem:s10+$0xC370]  }
0x5a: {  	v12 =	vld [tilespmem:s10+$0x300]  }
0x5b: {  	v13 =	vld [tilespmem:s10+$0x310]  }
0x5c: {  	v10 =	vld [tilespmem:s10+$0x320]  }
0x5d: {  	v9 =	vld [tilespmem:s10+$0x330]  }
0x5e: {  	v8 =	vld [tilespmem:s10+$0x340]  }
0x5f: {  	v6 =	vld [tilespmem:s10+$0x350];
	v12 =	vadd.f32 v7, v12  }
0x60: {  	s21 =	simm.s32 $0x200;
	v11 =	vadd.f32 v11, v13;
	v7 =	vld [tilespmem:s10+$0x360]  }
.LBB2_4:
0x61: {  	s16 =	sshra.s32 s21, $0x2;
	p0 =	sne.s32 s21, $0xFE00;
	[tilespmem:s10+$0x300] =	vst v12;
	v5 =	vadd.f32 v5, v10;
	v10 =	vld [tilespmem:s10+$0x370]  }
0x62: {  	v12 =	vld [tilespmem:s16+$0xC300];
	[tilespmem:s10+$0x310] =	vst v11;
	v4 =	vadd.f32 v4, v9  }
0x63: {  	v11 =	vld [tilespmem:s16+$0xC310];
	[tilespmem:s10+$0x320] =	vst v5;
	v3 =	vadd.f32 v3, v8  }
0x64: {  	v5 =	vld [tilespmem:s16+$0xC320];
	[tilespmem:s10+$0x330] =	vst v4;
	v2 =	vadd.f32 v2, v6  }
0x65: {  	v4 =	vld [tilespmem:s16+$0xC330];
	[tilespmem:s10+$0x340] =	vst v3;
	v1 =	vadd.f32 v1, v7  }
0x66: {  	v3 =	vld [tilespmem:s16+$0xC340];
	[tilespmem:s10+$0x350] =	vst v2;
	v0 =	vadd.f32 v0, v10  }
0x67: {  	v2 =	vld [tilespmem:s16+$0xC350];
	[tilespmem:s10+$0x360] =	vst v1  }
0x68: {  	v1 =	vld [tilespmem:s16+$0xC360];
	[tilespmem:s10+$0x370] =	vst v0;
	s10 =	smov.u32 s16  }
0x69: {  	v0 =	vld [tilespmem:s10+$0xC370]  }
0x6a: {  	v6 =	vld [tilespmem:s10+$0x300]  }
0x6b: {  	v7 =	vld [tilespmem:s10+$0x310]  }
.Ltmp5:
0x6c: {  	v10 =	vld [tilespmem:s10+$0x320];
	(pc) =	sbr.rel @p0 .LBB2_4-.Ltmp5, $4  }
0x6d: {  	v9 =	vld [tilespmem:s10+$0x330]  }
0x6e: {  	v8 =	vld [tilespmem:s10+$0x340]  }
0x6f: {  	v12 =	vadd.f32 v12, v6;
	v6 =	vld [tilespmem:s10+$0x350]  }
0x70: {  	s21 =	sadd.s32 $0x200, s21;
	v11 =	vadd.f32 v11, v7;
	v7 =	vld [tilespmem:s10+$0x360]  }
0x71: {  	[tilespmem:s10+$0x300] =	vst v12;
	v5 =	vadd.f32 v5, v10;
	v63 =	vld [tilespmem:s10+$0x370]  }
0x72: {  	[tilespmem:s10+$0x310] =	vst v11;
	v4 =	vadd.f32 v4, v9  }
0x73: {  	[tilespmem:s10+$0x320] =	vst v5;
	v3 =	vadd.f32 v3, v8  }
0x74: {  	[tilespmem:s10+$0x330] =	vst v4;
	v2 =	vadd.f32 v2, v6  }
0x75: {  	[tilespmem:s10+$0x340] =	vst v3;
	v1 =	vadd.f32 v1, v7  }
0x76: {  	[tilespmem:s10+$0x350] =	vst v2;
	v0 =	vadd.f32 v0, v63  }
0x77: {  	s9 =	sshll.u32 s9, $0xB;
	[tilespmem:s10+$0x360] =	vst v1  }
0x78: {  	s9 =	sadd.s32 s7, s9;
	[tilespmem:s10+$0x370] =	vst v0  }
0x79: {  	[hbm4b:s9+s3] =	stream.linear.scatter [tilespmem:s19], [sflag:$0x4], $0x4000, $0x38;
	[tilespmem:$0x18300] =	vst v63  }
.LBB2_6:
0x7a: {  	s9 =	sadd.s32 s29, s11;
	p0 =	seq.s32 s28, $0x13  }
0x7b: {  	p1 =	sgt.u32 @!p0 s9, $0x752  }
0x7c: {  	p1 =	por p1, p0  }
0x7d: {  	s10 =	simm.s32 @!p1 $0x4  }
0x7e: {  	_ =	swait.ge @!p1 [sflag:s10], $0x4000  }
0x7f: {  	s9 =	sshll.u32 @!p1 s9, $0x5;
	[sflag:s10] =	ssyncset.done @!p1 $0x0  }
0x80: {  	s9 =	sadd.s32 @!p1 s2, s9;
	[sflag:s10] =	ssyncadd.s32 @!p1 $0xFFFFC000;
	s10 =	simm.s32 @!p1 $0x0  }
0x81: {  	[tilespmem:s10], [sflag:$0x7] =	stream.linear.gather @!p1 [hbm4b:s9+s10], $0x100, $0x38;
	[tilespmem:$0x18300] =	vst v63  }
0x82: {  	s9 =	simm.s32 @!p1 $0x7  }
0x83: {  	_ =	swait.ge @!p1 [sflag:s9], $0x100  }
0x84: {  	[sflag:s9] =	ssyncset.done @!p1 $0x0  }
0x85: {  	s16 =	simm.s32 @!p1 $0x300;
	[sflag:s9] =	ssyncadd.s32 @!p1 $0xFFFFFF00;
	s9 =	simm.s32 @!p1 $0x80  }
0x86: {  	[tilespmem:s16], [sflag:$0x1] =	stream.indirect.gather @!p1 [hbm4b:s4+s9], $0x80, s10, s9, $0xb8;
	[tilespmem:$0x18300] =	vst v63  }
0x87: {  	s10 =	simm.s32 @!p1 $0xC300  }
0x88: {  	[tilespmem:s10], [sflag:$0x1] =	stream.indirect.gather @!p1 [hbm4b:s5+s9], $0x80, s9, s9, $0xb8;
	[tilespmem:$0x18300] =	vst v63  }
0x89: {  	s9 =	sadd.s32 s29, s12  }
0x8a: {  	p1 =	sgt.u32 s9, $0x752  }
.Ltmp6:
0x8b: {  	_ = 	snop;
	(pc) =	sbr.rel @p1 .LBB2_10-.Ltmp6, $1  }
0x8c: {  	_ =	sdelay $0x3  }
0x8d: {  	_ =	swait.ge [sflag:s31], $0x4000  }
0x8e: {  	[sflag:s31] =	ssyncset.done $0x0  }
0x8f: {  	[sflag:s31] =	ssyncadd.s32 $0xFFFFC000  }
0x90: {  	_ =	swait.ge [sflag:s31], $0x4000  }
0x91: {  	[sflag:s31] =	ssyncset.done $0x0  }
0x92: {  	s10 =	simm.s32 $0x0;
	[sflag:s31] =	ssyncadd.s32 $0xFFFFC000  }
0x93: {  	v7 =	vld [tilespmem:s10+$0x10300]  }
0x94: {  	v11 =	vld [tilespmem:s10+$0x10310]  }
0x95: {  	v5 =	vld [tilespmem:s10+$0x10320]  }
0x96: {  	v4 =	vld [tilespmem:s10+$0x10330]  }
0x97: {  	v3 =	vld [tilespmem:s10+$0x10340]  }
0x98: {  	v2 =	vld [tilespmem:s10+$0x10350]  }
0x99: {  	v1 =	vld [tilespmem:s10+$0x10360]  }
0x9a: {  	v0 =	vld [tilespmem:s10+$0x10370]  }
0x9b: {  	v12 =	vld [tilespmem:s10+$0x4300]  }
0x9c: {  	v13 =	vld [tilespmem:s10+$0x4310]  }
0x9d: {  	v10 =	vld [tilespmem:s10+$0x4320]  }
0x9e: {  	v9 =	vld [tilespmem:s10+$0x4330]  }
0x9f: {  	v8 =	vld [tilespmem:s10+$0x4340]  }
0xa0: {  	v6 =	vld [tilespmem:s10+$0x4350];
	v12 =	vadd.f32 v7, v12  }
0xa1: {  	s21 =	simm.s32 $0x200;
	v11 =	vadd.f32 v11, v13;
	v7 =	vld [tilespmem:s10+$0x4360]  }
.LBB2_8:
0xa2: {  	s16 =	sshra.s32 s21, $0x2;
	p1 =	sne.s32 s21, $0xFE00;
	[tilespmem:s10+$0x4300] =	vst v12;
	v5 =	vadd.f32 v5, v10;
	v10 =	vld [tilespmem:s10+$0x4370]  }
0xa3: {  	v12 =	vld [tilespmem:s16+$0x10300];
	[tilespmem:s10+$0x4310] =	vst v11;
	v4 =	vadd.f32 v4, v9  }
0xa4: {  	v11 =	vld [tilespmem:s16+$0x10310];
	[tilespmem:s10+$0x4320] =	vst v5;
	v3 =	vadd.f32 v3, v8  }
0xa5: {  	v5 =	vld [tilespmem:s16+$0x10320];
	[tilespmem:s10+$0x4330] =	vst v4;
	v2 =	vadd.f32 v2, v6  }
0xa6: {  	v4 =	vld [tilespmem:s16+$0x10330];
	[tilespmem:s10+$0x4340] =	vst v3;
	v1 =	vadd.f32 v1, v7  }
0xa7: {  	v3 =	vld [tilespmem:s16+$0x10340];
	[tilespmem:s10+$0x4350] =	vst v2;
	v0 =	vadd.f32 v0, v10  }
0xa8: {  	v2 =	vld [tilespmem:s16+$0x10350];
	[tilespmem:s10+$0x4360] =	vst v1  }
0xa9: {  	v1 =	vld [tilespmem:s16+$0x10360];
	[tilespmem:s10+$0x4370] =	vst v0;
	s10 =	smov.u32 s16  }
0xaa: {  	v0 =	vld [tilespmem:s10+$0x10370]  }
0xab: {  	v6 =	vld [tilespmem:s10+$0x4300]  }
0xac: {  	v7 =	vld [tilespmem:s10+$0x4310]  }
.Ltmp7:
0xad: {  	v10 =	vld [tilespmem:s10+$0x4320];
	(pc) =	sbr.rel @p1 .LBB2_8-.Ltmp7, $4  }
0xae: {  	v9 =	vld [tilespmem:s10+$0x4330]  }
0xaf: {  	v8 =	vld [tilespmem:s10+$0x4340]  }
0xb0: {  	v12 =	vadd.f32 v12, v6;
	v6 =	vld [tilespmem:s10+$0x4350]  }
0xb1: {  	s21 =	sadd.s32 $0x200, s21;
	v11 =	vadd.f32 v11, v7;
	v7 =	vld [tilespmem:s10+$0x4360]  }
0xb2: {  	[tilespmem:s10+$0x4300] =	vst v12;
	v5 =	vadd.f32 v5, v10;
	v63 =	vld [tilespmem:s10+$0x4370]  }
0xb3: {  	[tilespmem:s10+$0x4310] =	vst v11;
	v4 =	vadd.f32 v4, v9  }
0xb4: {  	[tilespmem:s10+$0x4320] =	vst v5;
	v3 =	vadd.f32 v3, v8  }
0xb5: {  	[tilespmem:s10+$0x4330] =	vst v4;
	v2 =	vadd.f32 v2, v6  }
0xb6: {  	[tilespmem:s10+$0x4340] =	vst v3;
	v1 =	vadd.f32 v1, v7  }
0xb7: {  	[tilespmem:s10+$0x4350] =	vst v2;
	v0 =	vadd.f32 v0, v63  }
0xb8: {  	s9 =	sshll.u32 s9, $0xB;
	[tilespmem:s10+$0x4360] =	vst v1  }
0xb9: {  	s9 =	sadd.s32 s7, s9;
	[tilespmem:s10+$0x4370] =	vst v0  }
0xba: {  	[hbm4b:s9+s3] =	stream.linear.scatter [tilespmem:s22], [sflag:$0x5], $0x4000, $0x38;
	[tilespmem:$0x18300] =	vst v63  }
.LBB2_10:
0xbb: {  	s9 =	sadd.s32 s29, s13  }
0xbc: {  	p1 =	sgt.u32 @!p0 s9, $0x752  }
0xbd: {  	p1 =	por p1, p0  }
0xbe: {  	s10 =	simm.s32 @!p1 $0x5  }
0xbf: {  	_ =	swait.ge @!p1 [sflag:s10], $0x4000  }
0xc0: {  	s9 =	sshll.u32 @!p1 s9, $0x5;
	s16 =	simm.s32 @!p1 $0x100;
	[sflag:s10] =	ssyncset.done @!p1 $0x0  }
0xc1: {  	s9 =	sadd.s32 @!p1 s2, s9;
	[sflag:s10] =	ssyncadd.s32 @!p1 $0xFFFFC000;
	s10 =	simm.s32 @!p1 $0x0  }
0xc2: {  	[tilespmem:s16], [sflag:$0x7] =	stream.linear.gather @!p1 [hbm4b:s9+s10], $0x100, $0x38;
	[tilespmem:$0x18300] =	vst v63  }
0xc3: {  	s9 =	simm.s32 @!p1 $0x7  }
0xc4: {  	_ =	swait.ge @!p1 [sflag:s9], $0x100  }
0xc5: {  	[sflag:s9] =	ssyncset.done @!p1 $0x0  }
0xc6: {  	s10 =	simm.s32 @!p1 $0x4300;
	[sflag:s9] =	ssyncadd.s32 @!p1 $0xFFFFFF00;
	s9 =	simm.s32 @!p1 $0x80  }
0xc7: {  	[tilespmem:s10], [sflag:$0x2] =	stream.indirect.gather @!p1 [hbm4b:s4+s9], $0x80, s16, s9, $0xb8;
	[tilespmem:$0x18300] =	vst v63  }
0xc8: {  	s10 =	simm.s32 @!p1 $0x180;
	s16 =	simm.s32 @!p1 $0x10300  }
0xc9: {  	[tilespmem:s16], [sflag:$0x2] =	stream.indirect.gather @!p1 [hbm4b:s5+s9], $0x80, s10, s9, $0xb8;
	[tilespmem:$0x18300] =	vst v63  }
0xca: {  	s9 =	sadd.s32 s29, s14  }
0xcb: {  	p1 =	sgt.u32 @!p0 s9, $0x752  }
0xcc: {  	p0 =	por p0, p1  }
.Ltmp8:
0xcd: {  	_ = 	snop;
	(pc) =	sbr.rel @p0 .LBB2_14-.Ltmp8, $1  }
0xce: {  	_ =	sdelay $0x3  }
0xcf: {  	_ =	swait.ge [sflag:s0], $0x4000  }
0xd0: {  	[sflag:s0] =	ssyncset.done $0x0  }
0xd1: {  	[sflag:s0] =	ssyncadd.s32 $0xFFFFC000  }
0xd2: {  	_ =	swait.ge [sflag:s0], $0x4000  }
0xd3: {  	[sflag:s0] =	ssyncset.done $0x0  }
0xd4: {  	s10 =	simm.s32 $0x0;
	[sflag:s0] =	ssyncadd.s32 $0xFFFFC000  }
0xd5: {  	v7 =	vld [tilespmem:s10+$0x14300]  }
0xd6: {  	v11 =	vld [tilespmem:s10+$0x14310]  }
0xd7: {  	v5 =	vld [tilespmem:s10+$0x14320]  }
0xd8: {  	v4 =	vld [tilespmem:s10+$0x14330]  }
0xd9: {  	v3 =	vld [tilespmem:s10+$0x14340]  }
0xda: {  	v2 =	vld [tilespmem:s10+$0x14350]  }
0xdb: {  	v1 =	vld [tilespmem:s10+$0x14360]  }
0xdc: {  	v0 =	vld [tilespmem:s10+$0x14370]  }
0xdd: {  	v12 =	vld [tilespmem:s10+$0x8300]  }
0xde: {  	v13 =	vld [tilespmem:s10+$0x8310]  }
0xdf: {  	v10 =	vld [tilespmem:s10+$0x8320]  }
0xe0: {  	v9 =	vld [tilespmem:s10+$0x8330]  }
0xe1: {  	v8 =	vld [tilespmem:s10+$0x8340]  }
0xe2: {  	v6 =	vld [tilespmem:s10+$0x8350];
	v12 =	vadd.f32 v7, v12  }
0xe3: {  	s21 =	simm.s32 $0x200;
	v11 =	vadd.f32 v11, v13;
	v7 =	vld [tilespmem:s10+$0x8360]  }
.LBB2_12:
0xe4: {  	s16 =	sshra.s32 s21, $0x2;
	p0 =	sne.s32 s21, $0xFE00;
	[tilespmem:s10+$0x8300] =	vst v12;
	v5 =	vadd.f32 v5, v10;
	v10 =	vld [tilespmem:s10+$0x8370]  }
0xe5: {  	v12 =	vld [tilespmem:s16+$0x14300];
	[tilespmem:s10+$0x8310] =	vst v11;
	v4 =	vadd.f32 v4, v9  }
0xe6: {  	v11 =	vld [tilespmem:s16+$0x14310];
	[tilespmem:s10+$0x8320] =	vst v5;
	v3 =	vadd.f32 v3, v8  }
0xe7: {  	v5 =	vld [tilespmem:s16+$0x14320];
	[tilespmem:s10+$0x8330] =	vst v4;
	v2 =	vadd.f32 v2, v6  }
0xe8: {  	v4 =	vld [tilespmem:s16+$0x14330];
	[tilespmem:s10+$0x8340] =	vst v3;
	v1 =	vadd.f32 v1, v7  }
0xe9: {  	v3 =	vld [tilespmem:s16+$0x14340];
	[tilespmem:s10+$0x8350] =	vst v2;
	v0 =	vadd.f32 v0, v10  }
0xea: {  	v2 =	vld [tilespmem:s16+$0x14350];
	[tilespmem:s10+$0x8360] =	vst v1  }
0xeb: {  	v1 =	vld [tilespmem:s16+$0x14360];
	[tilespmem:s10+$0x8370] =	vst v0;
	s10 =	smov.u32 s16  }
0xec: {  	v0 =	vld [tilespmem:s10+$0x14370]  }
0xed: {  	v6 =	vld [tilespmem:s10+$0x8300]  }
0xee: {  	v7 =	vld [tilespmem:s10+$0x8310]  }
.Ltmp9:
0xef: {  	v10 =	vld [tilespmem:s10+$0x8320];
	(pc) =	sbr.rel @p0 .LBB2_12-.Ltmp9, $4  }
0xf0: {  	v9 =	vld [tilespmem:s10+$0x8330]  }
0xf1: {  	v8 =	vld [tilespmem:s10+$0x8340]  }
0xf2: {  	v12 =	vadd.f32 v12, v6;
	v6 =	vld [tilespmem:s10+$0x8350]  }
0xf3: {  	s21 =	sadd.s32 $0x200, s21;
	v11 =	vadd.f32 v11, v7;
	v7 =	vld [tilespmem:s10+$0x8360]  }
0xf4: {  	[tilespmem:s10+$0x8300] =	vst v12;
	v5 =	vadd.f32 v5, v10;
	v63 =	vld [tilespmem:s10+$0x8370]  }
0xf5: {  	[tilespmem:s10+$0x8310] =	vst v11;
	v4 =	vadd.f32 v4, v9  }
0xf6: {  	[tilespmem:s10+$0x8320] =	vst v5;
	v3 =	vadd.f32 v3, v8  }
0xf7: {  	[tilespmem:s10+$0x8330] =	vst v4;
	v2 =	vadd.f32 v2, v6  }
.Ltmp10:
0xf8: {  	[tilespmem:s10+$0x8340] =	vst v3;
	v1 =	vadd.f32 v1, v7;
	(pc) =	sbr.rel .LBB2_14-.Ltmp10, $4  }
0xf9: {  	[tilespmem:s10+$0x8350] =	vst v2;
	v0 =	vadd.f32 v0, v63  }
0xfa: {  	s9 =	sshll.u32 s9, $0xB;
	[tilespmem:s10+$0x8360] =	vst v1  }
0xfb: {  	s9 =	sadd.s32 s7, s9;
	[tilespmem:s10+$0x8370] =	vst v0  }
0xfc: {  	[hbm4b:s9+s3] =	stream.linear.scatter [tilespmem:s26], [sflag:$0x6], $0x4000, $0x38;
	[tilespmem:$0x18300] =	vst v63  }
.LBB2_16:
0xfd: {  	_ =	sfence.sel $0x180000  }
0xfe: {  	[bflag:$0x0] =	sbarrier.arrive $0xFFFF  }
0xff: {  	_ =	strace $0x90000047  }
0x100: {  	s0 =	stileid.u32;
	[bflag:$0x2] =	sbarrier.arrive $0xFFFF  }
0x101: {  	p0 =	sne.s32 s0, $0x0;
	s0 =	rddreg [dreg:$0x2]  }
0x102: {  	s0 =	sadd.s32 @!p0 $0x100000, s0  }
0x103: {  	[sflag:s0] =	ssyncadd.tile.s32 @!p0 $0x1;
	_ =	shalt  }
.Lfunc_end2:
_tile_overlayer_lowered:
.L_overlay_start_2:
0x104: {  	(tag) =	ssettag $0x2  }
0x105: {  	s0 =	rddreg [dreg:$0x0];
	s2 =	stileid.u32  }
0x106: {  	s1 =	rddreg [dreg:$0x1];
	p0 =	sne.s32 s2, $0x0  }
0x107: {  	s3 =	rddreg [dreg:$0x2];
	[bflag:$0x3] =	sbarrier.arrive $0xFFFF;
	s2 =	simm.s32 @!p0 $0x1C07  }
0x108: {  	[timem:s3], [sflag:s2] =	dma.local @!p0 [hbm:s0], s1  }
0x109: {  	s0 =	simm.s32 @!p0 $0x7  }
0x10a: {  	_ =	swait.ge @!p0 [sflag:s0], s1  }
0x10b: {  	s1 =	ssub.s32 @!p0 $0x0, s1;
	[sflag:s0] =	ssyncset.done @!p0 $0x0  }
0x10c: {  	[sflag:s0] =	ssyncadd.s32 @!p0 s1  }
0x10d: {  	[bflag:$0x3] =	sbarrier.arrive $0xFFFF  }
0x10e: {  	_ =	shalt  }

// kernel: kernel.17.cloned.1.call-start
scs
__scs_entry_jumppad:
0x0: {  	(pc) =	sbr.rel $0x88, $3  }
0x1: {  	(tag) =	ssettag $0x0;
	lr =	simm.s32 $0x1  }
0x2: {  	[smem:$0x3F8E] =	sst lr;
	_ =	strace $0xD0000000  }
0x3: {  	_ = 	snop  }
0x4: {  	_ = 	snop  }
0x5: {  	_ = 	snop  }
0x6: {  	_ = 	snop  }
0x7: {  	_ = 	snop  }
__scs_overlays_trampoline_lowered:
0x8: {  	[smem:$0x3F9D] =	sst s0  }
0x9: {  	[smem:$0x3F9E] =	sst s1  }
0xa: {  	[smem:$0x3F9F] =	sst s2  }
0xb: {  	[smem:$0x3FA0] =	sst s3  }
0xc: {  	[smem:$0x3FA1] =	sst s4  }
0xd: {  	[smem:$0x3FA2] =	sst s5  }
0xe: {  	[smem:$0x3FA3] =	sst s6  }
0xf: {  	[smem:$0x3FA4] =	sst s7  }
0x10: {  	[smem:$0x3FA5] =	sst s8  }
0x11: {  	[smem:$0x3FA6] =	sst s9;
	s0 =	simm.s32 @!p0 $0x0  }
0x12: {  	s1 =	sld [smem:$0x3F8C];
	s0 =	simm.s32 @p0 $0x1  }
0x13: {  	[smem:$0x3FA7] =	sst s0;
	s0 =	simm.s32 @!p1 $0x0  }
0x14: {  	s2 =	sld [smem:$0x3F8B];
	s0 =	simm.s32 @p1 $0x1  }
0x15: {  	[smem:$0x3FA8] =	sst s0;
	s0 =	simm.s32 @!p2 $0x0  }
0x16: {  	s3 =	sld [smem:$0x3FDB];
	s0 =	simm.s32 @p2 $0x1  }
0x17: {  	s4 =	simm.s32 $0x1BF5;
	[smem:$0x3FAA] =	sst s0  }
0x18: {  	s0 =	sld [smem:$0x3F8D];
	_ =	swait.ge [sflag:s4], $0x0  }
0x19: {  	s7 =	sld [smem:$0x3F8E]  }
0x1a: {  	s8 =	sadd.s32 $0xFFFFE003, lr  }
0x1b: {  	s9 =	sadd.s32 $0xFFFFFEF7, lr;
	s5 =	simm.s32 $0xFFFFFFFF;
	p2 =	slt.u32 s8, $0xFFFFF086  }
0x1c: {  	p1 =	slt.u32 s9, $0xF7A;
	s5 =	simm.s32 @!p2 $0x0  }
0x1d: {  	s5 =	simm.s32 @p1 $0x1;
	p0 =	seq.s32 s7, s2  }
0x1e: {  	s7 =	smul.u32 @!p0 $0xF7A, s2;
	p2 =	seq.s32 @!p0 s5, $0x0  }
0x1f: {  	s9 =	smul.u32 $0xF7A, s1;
	s8 =	simm.s32 @!p0 $0x1BF5;
	p2 =	por !p2, p0  }
0x20: {  	[sflag:s8] =	ssyncset.s32 @!p0 $0xFFFFF086;
	s6 =	sadd.s32 @!p0 s3, s7;
	s7 =	simm.s32 @!p0 $0x108  }
0x21: {  	s3 =	sadd.s32 s3, s9;
	s6 =	sadd.s32 @!p0 $0x88, s6;
	s7 =	simm.s32 @p2 $0x1082  }
0x22: {  	[simem:s7], [sflag:s8] =	dma.local @!p0 [hbm:s6], $0xF7A  }
0x23: {  	s9 =	sor.u32 $0xD0000000, s2;
	s6 =	simm.s32 $0x108;
	_ =	swait.ge @!p0 [sflag:s8], $0x0  }
0x24: {  	s3 =	sadd.s32 $0x88, s3;
	s6 =	simm.s32 @!p1 $0x1082;
	[sflag:s4] =	ssyncset.s32 $0xFFFFF086  }
0x25: {  	[simem:s6], [sflag:s4] =	dma.local [hbm:s3], $0xF7A  }
0x26: {  	[smem:$0x3F8E] =	sst s1;
	(tag) =	ssettag s2;
	_ =	strace s9  }
0x27: {  	s1 =	sld [smem:$0x3F9E]  }
0x28: {  	s2 =	sld [smem:$0x3F9F]  }
0x29: {  	s4 =	sld [smem:$0x3FA1]  }
0x2a: {  	p0 =	seq.s32 s5, $0x0;
	s5 =	sld [smem:$0x3FA2]  }
0x2b: {  	s6 =	sld [smem:$0x3FA3]  }
0x2c: {  	s7 =	sld [smem:$0x3FA4]  }
0x2d: {  	s3 =	simm.s32 $0x108;
	s8 =	sld [smem:$0x3FA5]  }
0x2e: {  	s3 =	simm.s32 @!p0 $0x1082;
	s9 =	sld [smem:$0x3FA6]  }
0x2f: {  	lr =	sadd.s32 s0, s3;
	s0 =	sld [smem:$0x3F9D]  }
0x30: {  	s3 =	sld [smem:$0x3FA0]  }
0x31: {  	[smem:$0x3FA9] =	sst s10  }
0x32: {  	s10 =	sld [smem:$0x3FA7];
	_ =	sdelay $0x3  }
0x33: {  	p0 =	seq.s32 s10, $0x1;
	s10 =	sld [smem:$0x3FA9];
	_ =	sdelay $0x3  }
0x34: {  	[smem:$0x3FA9] =	sst s10  }
0x35: {  	s10 =	sld [smem:$0x3FA8];
	_ =	sdelay $0x3  }
0x36: {  	p1 =	seq.s32 s10, $0x1;
	s10 =	sld [smem:$0x3FA9];
	_ =	sdelay $0x3  }
0x37: {  	[smem:$0x3FA9] =	sst s10  }
0x38: {  	s10 =	sld [smem:$0x3FAA]  }
0x39: {  	_ = 	snop;
	(pc) =	sbr.ind lr, $3  }
0x3a: {  	_ = 	snop  }
0x3b: {  	_ = 	snop  }
0x3c: {  	p2 =	seq.s32 s10, $0x1;
	s10 =	sld [smem:$0x3FA9]  }
0x3d: {  	_ =	shalt  }
0x3e: {  	_ =	shalt  }
0x3f: {  	_ =	shalt  }
0x40: {  	_ =	shalt  }
0x41: {  	_ =	shalt  }
0x42: {  	_ =	shalt  }
0x43: {  	_ =	shalt  }
0x44: {  	_ =	shalt  }
0x45: {  	_ =	shalt  }
0x46: {  	_ =	shalt  }
0x47: {  	_ =	shalt  }
0x48: {  	_ =	shalt  }
0x49: {  	_ =	shalt  }
0x4a: {  	_ =	shalt  }
0x4b: {  	_ =	shalt  }
0x4c: {  	_ =	shalt  }
0x4d: {  	_ =	shalt  }
0x4e: {  	_ =	shalt  }
0x4f: {  	_ =	shalt  }
0x50: {  	_ =	shalt  }
0x51: {  	_ =	shalt  }
0x52: {  	_ =	shalt  }
0x53: {  	_ =	shalt  }
0x54: {  	_ =	shalt  }
0x55: {  	_ =	shalt  }
0x56: {  	_ =	shalt  }
0x57: {  	_ =	shalt  }
0x58: {  	_ =	shalt  }
0x59: {  	_ =	shalt  }
0x5a: {  	_ =	shalt  }
0x5b: {  	_ =	shalt  }
0x5c: {  	_ =	shalt  }
0x5d: {  	_ =	shalt  }
0x5e: {  	_ =	shalt  }
0x5f: {  	_ =	shalt  }
0x60: {  	_ =	shalt  }
0x61: {  	_ =	shalt  }
0x62: {  	_ =	shalt  }
0x63: {  	_ =	shalt  }
0x64: {  	_ =	shalt  }
0x65: {  	_ =	shalt  }
0x66: {  	_ =	shalt  }
0x67: {  	_ =	shalt  }
0x68: {  	_ =	shalt  }
0x69: {  	_ =	shalt  }
0x6a: {  	_ =	shalt  }
0x6b: {  	_ =	shalt  }
0x6c: {  	_ =	shalt  }
0x6d: {  	_ =	shalt  }
0x6e: {  	_ =	shalt  }
0x6f: {  	_ =	shalt  }
0x70: {  	_ =	shalt  }
0x71: {  	_ =	shalt  }
0x72: {  	_ =	shalt  }
0x73: {  	_ =	shalt  }
0x74: {  	_ =	shalt  }
0x75: {  	_ =	shalt  }
0x76: {  	_ =	shalt  }
0x77: {  	_ =	shalt  }
0x78: {  	_ =	shalt  }
0x79: {  	_ =	shalt  }
0x7a: {  	_ =	shalt  }
0x7b: {  	_ =	shalt  }
0x7c: {  	_ =	shalt  }
0x7d: {  	_ =	shalt  }
0x7e: {  	_ =	shalt  }
0x7f: {  	_ =	shalt  }
0x80: {  	_ =	shalt  }
0x81: {  	_ =	shalt  }
0x82: {  	_ =	shalt  }
0x83: {  	_ =	shalt  }
0x84: {  	_ =	shalt  }
0x85: {  	_ =	shalt  }
0x86: {  	_ =	shalt  }
0x87: {  	_ =	shalt  }
.Lfunc_end0:
.L_simem_size_0:
called_computation.2_lowered:
.L_overlay_start_0:
0x88: {  	s2 =	sld [smem:$0x3FD9]  }
0x89: {  	s3 =	sld [smem:$0x3FFE];
	_ =	sdelay $0x1  }
0x8a: {  	s1 =	srdreg.scid  }
0x8b: {  	s0 =	sand.u32 $0x1, s1  }
0x8c: {  	s17 =	sshll.u32 s0, $0xA;
	s2 =	sadd.s32 s3, s2  }
0x8d: {  	s2 =	sadd.s32 s2, s17  }
0x8e: {  	[smem:$0x3FB5] =	sst s2  }
0x8f: {  	_ = 	snop  }
0x90: {  	(tm) =	ssettm $0x1  }
0x91: {  	s18 =	sld [smem:$0x3FFB];
	_ =	sdelay $0x3  }
0x92: {  	_ =	strace s18  }
0x93: {  	s2 =	sld [smem:$0x3FFC];
	_ =	sdelay $0x3  }
0x94: {  	_ =	strace s2  }
0x95: {  	s2 =	sld [smem:$0x3FFD];
	_ =	sdelay $0x3  }
0x96: {  	_ =	strace s2  }
0x97: {  	_ =	strace $0x8FFFFFFF  }
0x98: {  	s19 =	sld [smem:$0x3FDB];
	_ =	sdelay $0x1  }
0x99: {  	s20 =	simm.s32 $_scs_section_size  }
0x9a: {  	s4 =	simm.s32 $_size__tile_overlayer_lowered;
	s5 =	simm.s32 $_tile_overlayer_lowered  }
0x9b: {  	s6 =	simm.s32 $0x1BFF;
	s21 =	sshll.u32 s5, $0x1;
	s3 =	sadd.s32 s20, s19  }
0x9c: {  	s22 =	simm.s32 $0x0;
	s4 =	sshll.u32 s4, $0x1;
	s5 =	sadd.s32 s21, s3  }
0x9d: {  	[timem:s22], [sflag:s6] =	dma.local [hbm:s5], s4  }
0x9e: {  	_ =	swait.ge [sflag:s6], s4  }
0x9f: {  	s4 =	ssub.s32 $0x0, s4;
	[sflag:s6] =	ssyncset.done $0x0  }
0xa0: {  	[sflag:s6] =	ssyncadd.s32 s4;
	_ =	sdelay $0x1  }
0xa1: {  	s23 =	simm.s32 $0x1B8B  }
0xa2: {  	_ =	swait.ge [sflag:s23], $0x1  }
0xa3: {  	[sflag:s23] =	ssyncset.done $0x0  }
0xa4: {  	[sflag:s23] =	ssyncadd.s32 $0xFFFFFFFF  }
0xa5: {  	s4 =	sld [smem:$0x0]  }
0xa6: {  	s5 =	sand.u32 $0xFFFFFFFE, s1  }
0xa7: {  	p0 =	sne.s32 s1, s5  }
0xa8: {  	s5 =	sshll.u32 @p0 s5, $0xE  }
0xa9: {  	s5 =	sadd.s32 @p0 $0x11B8D, s5;
	s6 =	sshll.u32 @p0 s4, $0x11  }
0xaa: {  	s5 =	sor.u32 @p0 s6, s5  }
0xab: {  	[sflag:s5] =	ssyncadd.remote.s32 @p0 $0x1;
	_ =	sdelay $0x1  }
0xac: {  	s5 =	simm.s32 @p0 $0x1B8D  }
0xad: {  	_ =	swait.eq @p0 [sflag:s5], $0x1  }
0xae: {  	[sflag:s5] =	ssyncadd.s32 @p0 $0xFFFFFFFF  }
0xaf: {  	s6 =	sshll.u32 @!p0 s1, $0xE  }
0xb0: {  	s6 =	sor.u32 @!p0 $0x4000, s6;
	s5 =	simm.s32 @!p0 $0x1B8D  }
0xb1: {  	s4 =	sshll.u32 @!p0 s4, $0x11;
	s6 =	sadd.s32 @!p0 $0x11B8D, s6;
	_ =	swait.eq @!p0 [sflag:s5], $0x1  }
0xb2: {  	s4 =	sor.u32 @!p0 s4, s6;
	[sflag:s5] =	ssyncadd.s32 @!p0 $0xFFFFFFFF  }
0xb3: {  	s25 =	simm.s32 $0x1B8E;
	s24 =	sld [smem:$0x3FFE];
	[sflag:s4] =	ssyncadd.remote.s32 @!p0 $0x1  }
0xb4: {  	s26 =	simm.s32 $execute0_lowered;
	[smem:$0x3FD2] =	sst s25  }
0xb5: {  	s5 =	sshll.u32 s26, $0x1;
	_ =	strace $0x80000049;
	[dreg:$0x1] =	wrdreg $0xFFFFFFFF  }
0xb6: {  	s28 =	simm.s32 $_size_execute0_lowered;
	s3 =	sadd.s32 s3, s5;
	[dreg:$0x0] =	wrdreg $0x0  }
0xb7: {  	s5 =	sshll.u32 s28, $0x1;
	[dreg:$0x2] =	wrdreg s3  }
0xb8: {  	[dreg:$0x3] =	wrdreg s5  }
0xb9: {  	[dreg:$0x4] =	wrdreg $0xC0  }
0xba: {  	_ =	task [dreg:s22], $0x5FFFF  }
0xbb: {  	[dreg:$0x1] =	wrdreg $0xFFFFFFFF  }
0xbc: {  	[dreg:$0x0] =	wrdreg $0x60  }
0xbd: {  	[dreg:$0x2] =	wrdreg s24  }
0xbe: {  	[dreg:$0x3] =	wrdreg $0xB  }
0xbf: {  	_ =	task.clear_ibuf [dreg:s22], $0x4FFFF;
	_ =	strace $0x90000049  }
0xc0: {  	s29 =	simm.s32 $0xB;
	_ =	strace $0x8000004B  }
0xc1: {  	_ =	swait.ge [sflag:s29], $0x1  }
0xc2: {  	[sflag:s29] =	ssyncadd.s32 $0xFFFFFFFF  }
0xc3: {  	_ =	strace $0x9000004B  }
0xc4: {  	_ =	sfence  }
0xc5: {  	s30 =	sld [smem:$0x0];
	_ =	sdelay $0x2  }
0xc6: {  	s31 =	sshll.u32 s1, $0xD;
	s1 =	sshrl.u32 s1, $0x2  }
0xc7: {  	s4 =	sand.u32 $0x4000, s31;
	s1 =	sadd.s32 s1, s30  }
0xc8: {  	s0 =	sor.u32 s4, s0;
	s1 =	sshll.u32 s1, $0x11  }
0xc9: {  	s0 =	sor.u32 s1, s0  }
0xca: {  	s0 =	sadd.s32 $0x8F2B, s0  }
0xcb: {  	[sflag:s0] =	ssyncadd.remote.s32 $0x1  }
0xcc: {  	_ =	sfence.sel $0xFFFF  }
0xcd: {  	[dreg:$0x0] =	wrdreg $0xFFFFFFFF;
	(pc) =	sbr.abs _section_cstart, $3  }
0xce: {  	[dreg:$0x1] =	wrdreg $0xFFFFFFFF  }
0xcf: {  	_ =	task.clear_ibuf [dreg:s22], $0x2FFFF;
	_ =	strace $0x9FFFFFFF  }
0xd0: {  	(tm) =	ssettm $0x7FFFFFFF  }
0xd1: {  	_ =	shalt  }
tec
execute0_lowered:
.L_overlay_start_1:
0x0: {  	(tag) =	ssettag $0x1  }
0x1: {  	s0 =	rddreg [dreg:$0x0];
	s2 =	simm.s32 $0x0  }
0x2: {  	s1 =	srdreg.scid;
	s3 =	stileid.u32;
	s17 =	simm.s32 $0x7  }
0x3: {  	s18 =	simm.s32 $0x80;
	s19 =	simm.s32 $0x300;
	s22 =	simm.s32 $0x4300  }
0x4: {  	s25 =	simm.s32 $0x200;
	s30 =	simm.s32 $0x1;
	s31 =	simm.s32 $0x2  }
0x5: {  	s20 =	simm.s32 $0x5;
	s23 =	simm.s32 $0x6;
	s24 =	simm.s32 $0x0  }
0x6: {  	[smem:$0x7FF] =	sst s2;
	s1 =	sand.u32 $0x1, s1;
	s4 =	sshll.u32 s3, $0x1  }
0x7: {  	s3 =	sadd.s32 $0xD400, s0;
	s5 =	sadd.s32 $0x6C4400, s0;
	s6 =	sor.u32 s1, s4  }
0x8: {  	s7 =	sadd.s32 $0x6D3000, s0;
	s1 =	ssub.s32 $0x2, s1;
	s8 =	smul.u32 $0x760, s6  }
0x9: {  	_ =	strace $0x8000004A;
	s9 =	sshrl.u32 s1, $0x1;
	s6 =	smul.u32 $0x3B, s6  }
0xa: {  	s4 =	sadd.s32 $0xD0A00, s0;
	s26 =	ssub.s32 s1, s9;
	s1 =	simm.s32 $0x4  }
.Ltmp0:
0xb: {  	s8 =	sadd.s32 s5, s8;
	s11 =	sadd.s32 $0x3, s6;
	(pc) =	sbr.rel .LBB2_1-.Ltmp0, $4  }
0xc: {  	s12 =	sadd.s32 $0x1, s6;
	s13 =	sadd.s32 $0x4, s6;
	s0 =	smax.u32 s26, $0x1  }
0xd: {  	s14 =	sadd.s32 $0x2, s6;
	s28 =	sadd.s32 $0x20, s8;
	[dreg:$0x4] =	wrdreg s0  }
0xe: {  	s15 =	sadd.s32 $0x5, s6;
	s29 =	sadd.s32 $0x40, s8;
	[dreg:$0x2] =	wrdreg s28  }
0xf: {  	s26 =	simm.s32 $0x8300;
	s0 =	simm.s32 $0x3;
	[dreg:$0x3] =	wrdreg s29  }
.LBB2_15:
0x10: {  	_ =	swait.ge [sflag:s1], $0x4000  }
0x11: {  	[sflag:s1] =	ssyncset.done $0x0  }
0x12: {  	[sflag:s1] =	ssyncadd.s32 $0xFFFFC000  }
0x13: {  	_ =	swait.ge [sflag:s20], $0x4000  }
0x14: {  	[sflag:s20] =	ssyncset.done $0x0  }
0x15: {  	[sflag:s20] =	ssyncadd.s32 $0xFFFFC000  }
0x16: {  	_ =	swait.ge [sflag:s23], $0x4000  }
0x17: {  	s24 =	sadd.s32 $0x1, s24;
	s9 =	rddreg [dreg:$0x4]  }
0x18: {  	p0 =	sne.s32 s24, s9  }
.Ltmp1:
0x19: {  	_ = 	snop;
	(pc) =	sbr.rel @!p0 .LBB2_16-.Ltmp1, $3  }
0x1a: {  	_ =	sdelay $0x1  }
0x1b: {  	[sflag:s23] =	ssyncset.done $0x0  }
0x1c: {  	[sflag:s23] =	ssyncadd.s32 $0xFFFFC000  }
.LBB2_1:
0x1d: {  	[tilespmem:s2], [sflag:$0x7] =	stream.linear.gather [hbm4b:s8+s2], $0x100, $0x38;
	[tilespmem:$0x18300] =	vst v63  }
0x1e: {  	_ =	swait.ge [sflag:s17], $0x100  }
0x1f: {  	[sflag:s17] =	ssyncset.done $0x0  }
0x20: {  	[sflag:s17] =	ssyncadd.s32 $0xFFFFFF00  }
0x21: {  	[tilespmem:s19], [sflag:$0x1] =	stream.indirect.gather [hbm4b:s3+s18], $0x80, s2, s18, $0xb8;
	[tilespmem:$0x18300] =	vst v63  }
0x22: {  	s9 =	simm.s32 $0xC300  }
0x23: {  	[tilespmem:s9], [sflag:$0x1] =	stream.indirect.gather [hbm4b:s4+s18], $0x80, s18, s18, $0xb8;
	[tilespmem:$0x18300] =	vst v63  }
0x24: {  	s10 =	simm.s32 $0x100;
	s16 =	rddreg [dreg:$0x2]  }
0x25: {  	[tilespmem:s10], [sflag:$0x7] =	stream.linear.gather [hbm4b:s16+s2], $0x100, $0x38;
	[tilespmem:$0x18300] =	vst v63  }
0x26: {  	_ =	swait.ge [sflag:s17], $0x100  }
0x27: {  	[sflag:s17] =	ssyncset.done $0x0  }
0x28: {  	[sflag:s17] =	ssyncadd.s32 $0xFFFFFF00  }
0x29: {  	[tilespmem:s22], [sflag:$0x2] =	stream.indirect.gather [hbm4b:s3+s18], $0x80, s10, s18, $0xb8;
	[tilespmem:$0x18300] =	vst v63  }
0x2a: {  	s21 =	simm.s32 $0x180;
	s29 =	simm.s32 $0x10300  }
0x2b: {  	[tilespmem:s29], [sflag:$0x2] =	stream.indirect.gather [hbm4b:s4+s18], $0x80, s21, s18, $0xb8;
	[tilespmem:$0x18300] =	vst v63  }
0x2c: {  	s16 =	rddreg [dreg:$0x3]  }
0x2d: {  	[tilespmem:s25], [sflag:$0x7] =	stream.linear.gather [hbm4b:s16+s2], $0x100, $0x38;
	[tilespmem:$0x18300] =	vst v63  }
0x2e: {  	_ =	swait.ge [sflag:s17], $0x100  }
.Ltmp2:
0x2f: {  	[sflag:s17] =	ssyncset.done $0x0;
	(pc) =	sbr.rel .LBB2_2-.Ltmp2, $4  }
0x30: {  	[sflag:s17] =	ssyncadd.s32 $0xFFFFFF00  }
0x31: {  	[tilespmem:s26], [sflag:$0x3] =	stream.indirect.gather [hbm4b:s3+s18], $0x80, s25, s18, $0xb8;
	[tilespmem:$0x18300] =	vst v63  }
0x32: {  	s28 =	simm.s32 $0x0;
	s21 =	simm.s32 $0x280;
	s29 =	simm.s32 $0x14300  }
0x33: {  	[tilespmem:s29], [sflag:$0x3] =	stream.indirect.gather [hbm4b:s4+s18], $0x80, s21, s18, $0xb8;
	[tilespmem:$0x18300] =	vst v63  }
.LBB2_14:
0x34: {  	s9 =	sadd.s32 s29, s15;
	p0 =	sgt.u32 s28, $0x11  }
0x35: {  	p1 =	sgt.u32 @!p0 s9, $0x752  }
0x36: {  	p0 =	por p1, p0  }
0x37: {  	s10 =	simm.s32 @!p0 $0x6  }
0x38: {  	_ =	swait.ge @!p0 [sflag:s10], $0x4000  }
0x39: {  	s9 =	sshll.u32 @!p0 s9, $0x5;
	s16 =	simm.s32 @!p0 $0x200;
	[sflag:s10] =	ssyncset.done @!p0 $0x0  }
0x3a: {  	s9 =	sadd.s32 @!p0 s5, s9;
	[sflag:s10] =	ssyncadd.s32 @!p0 $0xFFFFC000;
	s10 =	simm.s32 @!p0 $0x0  }
0x3b: {  	[tilespmem:s16], [sflag:$0x7] =	stream.linear.gather @!p0 [hbm4b:s9+s10], $0x100, $0x38;
	[tilespmem:$0x18300] =	vst v63  }
0x3c: {  	s9 =	simm.s32 @!p0 $0x7  }
0x3d: {  	_ =	swait.ge @!p0 [sflag:s9], $0x100  }
0x3e: {  	[sflag:s9] =	ssyncset.done @!p0 $0x0  }
0x3f: {  	s10 =	simm.s32 @!p0 $0x8300;
	[sflag:s9] =	ssyncadd.s32 @!p0 $0xFFFFFF00;
	s9 =	simm.s32 @!p0 $0x80  }
0x40: {  	[tilespmem:s10], [sflag:$0x3] =	stream.indirect.gather @!p0 [hbm4b:s3+s9], $0x80, s16, s9, $0xb8;
	[tilespmem:$0x18300] =	vst v63  }
0x41: {  	s28 =	sadd.s32 $0x1, s28;
	s10 =	simm.s32 @!p0 $0x280;
	s16 =	simm.s32 @!p0 $0x14300  }
0x42: {  	[tilespmem:s16], [sflag:$0x3] =	stream.indirect.gather @!p0 [hbm4b:s4+s9], $0x80, s10, s9, $0xb8;
	[tilespmem:$0x18300] =	vst v63  }
0x43: {  	p0 =	sne.s32 s28, $0x14  }
.Ltmp3:
0x44: {  	_ = 	snop;
	(pc) =	sbr.rel @!p0 .LBB2_15-.Ltmp3, $1  }
0x45: {  	_ =	sdelay $0x3  }
.LBB2_2:
0x46: {  	s29 =	smul.u32 $0x3, s28;
	_ =	sdelay $0x1  }
0x47: {  	s9 =	sadd.s32 s6, s29  }
0x48: {  	p0 =	sgt.u32 s9, $0x752  }
.Ltmp4:
0x49: {  	_ = 	snop;
	(pc) =	sbr.rel @p0 .LBB2_6-.Ltmp4, $1  }
0x4a: {  	_ =	sdelay $0x3  }
0x4b: {  	_ =	swait.ge [sflag:s30], $0x4000  }
0x4c: {  	[sflag:s30] =	ssyncset.done $0x0  }
0x4d: {  	[sflag:s30] =	ssyncadd.s32 $0xFFFFC000  }
0x4e: {  	_ =	swait.ge [sflag:s30], $0x4000  }
0x4f: {  	[sflag:s30] =	ssyncset.done $0x0  }
0x50: {  	s10 =	simm.s32 $0x0;
	[sflag:s30] =	ssyncadd.s32 $0xFFFFC000  }
0x51: {  	v7 =	vld [tilespmem:s10+$0xC300]  }
0x52: {  	v11 =	vld [tilespmem:s10+$0xC310]  }
0x53: {  	v5 =	vld [tilespmem:s10+$0xC320]  }
0x54: {  	v4 =	vld [tilespmem:s10+$0xC330]  }
0x55: {  	v3 =	vld [tilespmem:s10+$0xC340]  }
0x56: {  	v2 =	vld [tilespmem:s10+$0xC350]  }
0x57: {  	v1 =	vld [tilespmem:s10+$0xC360]  }
0x58: {  	v0 =	vld [tilespmem:s10+$0xC370]  }
0x59: {  	v12 =	vld [tilespmem:s10+$0x300]  }
0x5a: {  	v13 =	vld [tilespmem:s10+$0x310]  }
0x5b: {  	v10 =	vld [tilespmem:s10+$0x320]  }
0x5c: {  	v9 =	vld [tilespmem:s10+$0x330]  }
0x5d: {  	v8 =	vld [tilespmem:s10+$0x340]  }
0x5e: {  	v6 =	vld [tilespmem:s10+$0x350];
	v12 =	vadd.f32 v7, v12  }
0x5f: {  	s21 =	simm.s32 $0x200;
	v11 =	vadd.f32 v11, v13;
	v7 =	vld [tilespmem:s10+$0x360]  }
.LBB2_4:
0x60: {  	s16 =	sshra.s32 s21, $0x2;
	p0 =	sne.s32 s21, $0xFE00;
	[tilespmem:s10+$0x300] =	vst v12;
	v5 =	vadd.f32 v5, v10;
	v10 =	vld [tilespmem:s10+$0x370]  }
0x61: {  	v12 =	vld [tilespmem:s16+$0xC300];
	[tilespmem:s10+$0x310] =	vst v11;
	v4 =	vadd.f32 v4, v9  }
0x62: {  	v11 =	vld [tilespmem:s16+$0xC310];
	[tilespmem:s10+$0x320] =	vst v5;
	v3 =	vadd.f32 v3, v8  }
0x63: {  	v5 =	vld [tilespmem:s16+$0xC320];
	[tilespmem:s10+$0x330] =	vst v4;
	v2 =	vadd.f32 v2, v6  }
0x64: {  	v4 =	vld [tilespmem:s16+$0xC330];
	[tilespmem:s10+$0x340] =	vst v3;
	v1 =	vadd.f32 v1, v7  }
0x65: {  	v3 =	vld [tilespmem:s16+$0xC340];
	[tilespmem:s10+$0x350] =	vst v2;
	v0 =	vadd.f32 v0, v10  }
0x66: {  	v2 =	vld [tilespmem:s16+$0xC350];
	[tilespmem:s10+$0x360] =	vst v1  }
0x67: {  	v1 =	vld [tilespmem:s16+$0xC360];
	[tilespmem:s10+$0x370] =	vst v0;
	s10 =	smov.u32 s16  }
0x68: {  	v0 =	vld [tilespmem:s10+$0xC370]  }
0x69: {  	v6 =	vld [tilespmem:s10+$0x300]  }
0x6a: {  	v7 =	vld [tilespmem:s10+$0x310]  }
.Ltmp5:
0x6b: {  	v10 =	vld [tilespmem:s10+$0x320];
	(pc) =	sbr.rel @p0 .LBB2_4-.Ltmp5, $4  }
0x6c: {  	v9 =	vld [tilespmem:s10+$0x330]  }
0x6d: {  	v8 =	vld [tilespmem:s10+$0x340]  }
0x6e: {  	v12 =	vadd.f32 v12, v6;
	v6 =	vld [tilespmem:s10+$0x350]  }
0x6f: {  	s21 =	sadd.s32 $0x200, s21;
	v11 =	vadd.f32 v11, v7;
	v7 =	vld [tilespmem:s10+$0x360]  }
0x70: {  	[tilespmem:s10+$0x300] =	vst v12;
	v5 =	vadd.f32 v5, v10;
	v63 =	vld [tilespmem:s10+$0x370]  }
0x71: {  	[tilespmem:s10+$0x310] =	vst v11;
	v4 =	vadd.f32 v4, v9  }
0x72: {  	[tilespmem:s10+$0x320] =	vst v5;
	v3 =	vadd.f32 v3, v8  }
0x73: {  	[tilespmem:s10+$0x330] =	vst v4;
	v2 =	vadd.f32 v2, v6  }
0x74: {  	[tilespmem:s10+$0x340] =	vst v3;
	v1 =	vadd.f32 v1, v7  }
0x75: {  	[tilespmem:s10+$0x350] =	vst v2;
	v0 =	vadd.f32 v0, v63  }
0x76: {  	s9 =	sshll.u32 s9, $0xB;
	[tilespmem:s10+$0x360] =	vst v1  }
0x77: {  	s9 =	sadd.s32 s7, s9;
	[tilespmem:s10+$0x370] =	vst v0  }
0x78: {  	[hbm4b:s9+s2] =	stream.linear.scatter [tilespmem:s19], [sflag:$0x4], $0x4000, $0x38;
	[tilespmem:$0x18300] =	vst v63  }
.LBB2_6:
0x79: {  	s9 =	sadd.s32 s29, s11;
	p0 =	seq.s32 s28, $0x13  }
0x7a: {  	p1 =	sgt.u32 @!p0 s9, $0x752  }
0x7b: {  	p1 =	por p1, p0  }
0x7c: {  	s10 =	simm.s32 @!p1 $0x4  }
0x7d: {  	_ =	swait.ge @!p1 [sflag:s10], $0x4000  }
0x7e: {  	s9 =	sshll.u32 @!p1 s9, $0x5;
	[sflag:s10] =	ssyncset.done @!p1 $0x0  }
0x7f: {  	s9 =	sadd.s32 @!p1 s5, s9;
	[sflag:s10] =	ssyncadd.s32 @!p1 $0xFFFFC000;
	s10 =	simm.s32 @!p1 $0x0  }
0x80: {  	[tilespmem:s10], [sflag:$0x7] =	stream.linear.gather @!p1 [hbm4b:s9+s10], $0x100, $0x38;
	[tilespmem:$0x18300] =	vst v63  }
0x81: {  	s9 =	simm.s32 @!p1 $0x7  }
0x82: {  	_ =	swait.ge @!p1 [sflag:s9], $0x100  }
0x83: {  	[sflag:s9] =	ssyncset.done @!p1 $0x0  }
0x84: {  	s16 =	simm.s32 @!p1 $0x300;
	[sflag:s9] =	ssyncadd.s32 @!p1 $0xFFFFFF00;
	s9 =	simm.s32 @!p1 $0x80  }
0x85: {  	[tilespmem:s16], [sflag:$0x1] =	stream.indirect.gather @!p1 [hbm4b:s3+s9], $0x80, s10, s9, $0xb8;
	[tilespmem:$0x18300] =	vst v63  }
0x86: {  	s10 =	simm.s32 @!p1 $0xC300  }
0x87: {  	[tilespmem:s10], [sflag:$0x1] =	stream.indirect.gather @!p1 [hbm4b:s4+s9], $0x80, s9, s9, $0xb8;
	[tilespmem:$0x18300] =	vst v63  }
0x88: {  	s9 =	sadd.s32 s29, s12  }
0x89: {  	p1 =	sgt.u32 s9, $0x752  }
.Ltmp6:
0x8a: {  	_ = 	snop;
	(pc) =	sbr.rel @p1 .LBB2_10-.Ltmp6, $1  }
0x8b: {  	_ =	sdelay $0x3  }
0x8c: {  	_ =	swait.ge [sflag:s31], $0x4000  }
0x8d: {  	[sflag:s31] =	ssyncset.done $0x0  }
0x8e: {  	[sflag:s31] =	ssyncadd.s32 $0xFFFFC000  }
0x8f: {  	_ =	swait.ge [sflag:s31], $0x4000  }
0x90: {  	[sflag:s31] =	ssyncset.done $0x0  }
0x91: {  	s10 =	simm.s32 $0x0;
	[sflag:s31] =	ssyncadd.s32 $0xFFFFC000  }
0x92: {  	v7 =	vld [tilespmem:s10+$0x10300]  }
0x93: {  	v11 =	vld [tilespmem:s10+$0x10310]  }
0x94: {  	v5 =	vld [tilespmem:s10+$0x10320]  }
0x95: {  	v4 =	vld [tilespmem:s10+$0x10330]  }
0x96: {  	v3 =	vld [tilespmem:s10+$0x10340]  }
0x97: {  	v2 =	vld [tilespmem:s10+$0x10350]  }
0x98: {  	v1 =	vld [tilespmem:s10+$0x10360]  }
0x99: {  	v0 =	vld [tilespmem:s10+$0x10370]  }
0x9a: {  	v12 =	vld [tilespmem:s10+$0x4300]  }
0x9b: {  	v13 =	vld [tilespmem:s10+$0x4310]  }
0x9c: {  	v10 =	vld [tilespmem:s10+$0x4320]  }
0x9d: {  	v9 =	vld [tilespmem:s10+$0x4330]  }
0x9e: {  	v8 =	vld [tilespmem:s10+$0x4340]  }
0x9f: {  	v6 =	vld [tilespmem:s10+$0x4350];
	v12 =	vadd.f32 v7, v12  }
0xa0: {  	s21 =	simm.s32 $0x200;
	v11 =	vadd.f32 v11, v13;
	v7 =	vld [tilespmem:s10+$0x4360]  }
.LBB2_8:
0xa1: {  	s16 =	sshra.s32 s21, $0x2;
	p1 =	sne.s32 s21, $0xFE00;
	[tilespmem:s10+$0x4300] =	vst v12;
	v5 =	vadd.f32 v5, v10;
	v10 =	vld [tilespmem:s10+$0x4370]  }
0xa2: {  	v12 =	vld [tilespmem:s16+$0x10300];
	[tilespmem:s10+$0x4310] =	vst v11;
	v4 =	vadd.f32 v4, v9  }
0xa3: {  	v11 =	vld [tilespmem:s16+$0x10310];
	[tilespmem:s10+$0x4320] =	vst v5;
	v3 =	vadd.f32 v3, v8  }
0xa4: {  	v5 =	vld [tilespmem:s16+$0x10320];
	[tilespmem:s10+$0x4330] =	vst v4;
	v2 =	vadd.f32 v2, v6  }
0xa5: {  	v4 =	vld [tilespmem:s16+$0x10330];
	[tilespmem:s10+$0x4340] =	vst v3;
	v1 =	vadd.f32 v1, v7  }
0xa6: {  	v3 =	vld [tilespmem:s16+$0x10340];
	[tilespmem:s10+$0x4350] =	vst v2;
	v0 =	vadd.f32 v0, v10  }
0xa7: {  	v2 =	vld [tilespmem:s16+$0x10350];
	[tilespmem:s10+$0x4360] =	vst v1  }
0xa8: {  	v1 =	vld [tilespmem:s16+$0x10360];
	[tilespmem:s10+$0x4370] =	vst v0;
	s10 =	smov.u32 s16  }
0xa9: {  	v0 =	vld [tilespmem:s10+$0x10370]  }
0xaa: {  	v6 =	vld [tilespmem:s10+$0x4300]  }
0xab: {  	v7 =	vld [tilespmem:s10+$0x4310]  }
.Ltmp7:
0xac: {  	v10 =	vld [tilespmem:s10+$0x4320];
	(pc) =	sbr.rel @p1 .LBB2_8-.Ltmp7, $4  }
0xad: {  	v9 =	vld [tilespmem:s10+$0x4330]  }
0xae: {  	v8 =	vld [tilespmem:s10+$0x4340]  }
0xaf: {  	v12 =	vadd.f32 v12, v6;
	v6 =	vld [tilespmem:s10+$0x4350]  }
0xb0: {  	s21 =	sadd.s32 $0x200, s21;
	v11 =	vadd.f32 v11, v7;
	v7 =	vld [tilespmem:s10+$0x4360]  }
0xb1: {  	[tilespmem:s10+$0x4300] =	vst v12;
	v5 =	vadd.f32 v5, v10;
	v63 =	vld [tilespmem:s10+$0x4370]  }
0xb2: {  	[tilespmem:s10+$0x4310] =	vst v11;
	v4 =	vadd.f32 v4, v9  }
0xb3: {  	[tilespmem:s10+$0x4320] =	vst v5;
	v3 =	vadd.f32 v3, v8  }
0xb4: {  	[tilespmem:s10+$0x4330] =	vst v4;
	v2 =	vadd.f32 v2, v6  }
0xb5: {  	[tilespmem:s10+$0x4340] =	vst v3;
	v1 =	vadd.f32 v1, v7  }
0xb6: {  	[tilespmem:s10+$0x4350] =	vst v2;
	v0 =	vadd.f32 v0, v63  }
0xb7: {  	s9 =	sshll.u32 s9, $0xB;
	[tilespmem:s10+$0x4360] =	vst v1  }
0xb8: {  	s9 =	sadd.s32 s7, s9;
	[tilespmem:s10+$0x4370] =	vst v0  }
0xb9: {  	[hbm4b:s9+s2] =	stream.linear.scatter [tilespmem:s22], [sflag:$0x5], $0x4000, $0x38;
	[tilespmem:$0x18300] =	vst v63  }
.LBB2_10:
0xba: {  	s9 =	sadd.s32 s29, s13  }
0xbb: {  	p1 =	sgt.u32 @!p0 s9, $0x752  }
0xbc: {  	p1 =	por p1, p0  }
0xbd: {  	s10 =	simm.s32 @!p1 $0x5  }
0xbe: {  	_ =	swait.ge @!p1 [sflag:s10], $0x4000  }
0xbf: {  	s9 =	sshll.u32 @!p1 s9, $0x5;
	s16 =	simm.s32 @!p1 $0x100;
	[sflag:s10] =	ssyncset.done @!p1 $0x0  }
0xc0: {  	s9 =	sadd.s32 @!p1 s5, s9;
	[sflag:s10] =	ssyncadd.s32 @!p1 $0xFFFFC000;
	s10 =	simm.s32 @!p1 $0x0  }
0xc1: {  	[tilespmem:s16], [sflag:$0x7] =	stream.linear.gather @!p1 [hbm4b:s9+s10], $0x100, $0x38;
	[tilespmem:$0x18300] =	vst v63  }
0xc2: {  	s9 =	simm.s32 @!p1 $0x7  }
0xc3: {  	_ =	swait.ge @!p1 [sflag:s9], $0x100  }
0xc4: {  	[sflag:s9] =	ssyncset.done @!p1 $0x0  }
0xc5: {  	s10 =	simm.s32 @!p1 $0x4300;
	[sflag:s9] =	ssyncadd.s32 @!p1 $0xFFFFFF00;
	s9 =	simm.s32 @!p1 $0x80  }
0xc6: {  	[tilespmem:s10], [sflag:$0x2] =	stream.indirect.gather @!p1 [hbm4b:s3+s9], $0x80, s16, s9, $0xb8;
	[tilespmem:$0x18300] =	vst v63  }
0xc7: {  	s10 =	simm.s32 @!p1 $0x180;
	s16 =	simm.s32 @!p1 $0x10300  }
0xc8: {  	[tilespmem:s16], [sflag:$0x2] =	stream.indirect.gather @!p1 [hbm4b:s4+s9], $0x80, s10, s9, $0xb8;
	[tilespmem:$0x18300] =	vst v63  }
0xc9: {  	s9 =	sadd.s32 s29, s14  }
0xca: {  	p1 =	sgt.u32 @!p0 s9, $0x752  }
0xcb: {  	p0 =	por p0, p1  }
.Ltmp8:
0xcc: {  	_ = 	snop;
	(pc) =	sbr.rel @p0 .LBB2_14-.Ltmp8, $1  }
0xcd: {  	_ =	sdelay $0x3  }
0xce: {  	_ =	swait.ge [sflag:s0], $0x4000  }
0xcf: {  	[sflag:s0] =	ssyncset.done $0x0  }
0xd0: {  	[sflag:s0] =	ssyncadd.s32 $0xFFFFC000  }
0xd1: {  	_ =	swait.ge [sflag:s0], $0x4000  }
0xd2: {  	[sflag:s0] =	ssyncset.done $0x0  }
0xd3: {  	s10 =	simm.s32 $0x0;
	[sflag:s0] =	ssyncadd.s32 $0xFFFFC000  }
0xd4: {  	v7 =	vld [tilespmem:s10+$0x14300]  }
0xd5: {  	v11 =	vld [tilespmem:s10+$0x14310]  }
0xd6: {  	v5 =	vld [tilespmem:s10+$0x14320]  }
0xd7: {  	v4 =	vld [tilespmem:s10+$0x14330]  }
0xd8: {  	v3 =	vld [tilespmem:s10+$0x14340]  }
0xd9: {  	v2 =	vld [tilespmem:s10+$0x14350]  }
0xda: {  	v1 =	vld [tilespmem:s10+$0x14360]  }
0xdb: {  	v0 =	vld [tilespmem:s10+$0x14370]  }
0xdc: {  	v12 =	vld [tilespmem:s10+$0x8300]  }
0xdd: {  	v13 =	vld [tilespmem:s10+$0x8310]  }
0xde: {  	v10 =	vld [tilespmem:s10+$0x8320]  }
0xdf: {  	v9 =	vld [tilespmem:s10+$0x8330]  }
0xe0: {  	v8 =	vld [tilespmem:s10+$0x8340]  }
0xe1: {  	v6 =	vld [tilespmem:s10+$0x8350];
	v12 =	vadd.f32 v7, v12  }
0xe2: {  	s21 =	simm.s32 $0x200;
	v11 =	vadd.f32 v11, v13;
	v7 =	vld [tilespmem:s10+$0x8360]  }
.LBB2_12:
0xe3: {  	s16 =	sshra.s32 s21, $0x2;
	p0 =	sne.s32 s21, $0xFE00;
	[tilespmem:s10+$0x8300] =	vst v12;
	v5 =	vadd.f32 v5, v10;
	v10 =	vld [tilespmem:s10+$0x8370]  }
0xe4: {  	v12 =	vld [tilespmem:s16+$0x14300];
	[tilespmem:s10+$0x8310] =	vst v11;
	v4 =	vadd.f32 v4, v9  }
0xe5: {  	v11 =	vld [tilespmem:s16+$0x14310];
	[tilespmem:s10+$0x8320] =	vst v5;
	v3 =	vadd.f32 v3, v8  }
0xe6: {  	v5 =	vld [tilespmem:s16+$0x14320];
	[tilespmem:s10+$0x8330] =	vst v4;
	v2 =	vadd.f32 v2, v6  }
0xe7: {  	v4 =	vld [tilespmem:s16+$0x14330];
	[tilespmem:s10+$0x8340] =	vst v3;
	v1 =	vadd.f32 v1, v7  }
0xe8: {  	v3 =	vld [tilespmem:s16+$0x14340];
	[tilespmem:s10+$0x8350] =	vst v2;
	v0 =	vadd.f32 v0, v10  }
0xe9: {  	v2 =	vld [tilespmem:s16+$0x14350];
	[tilespmem:s10+$0x8360] =	vst v1  }
0xea: {  	v1 =	vld [tilespmem:s16+$0x14360];
	[tilespmem:s10+$0x8370] =	vst v0;
	s10 =	smov.u32 s16  }
0xeb: {  	v0 =	vld [tilespmem:s10+$0x14370]  }
0xec: {  	v6 =	vld [tilespmem:s10+$0x8300]  }
0xed: {  	v7 =	vld [tilespmem:s10+$0x8310]  }
.Ltmp9:
0xee: {  	v10 =	vld [tilespmem:s10+$0x8320];
	(pc) =	sbr.rel @p0 .LBB2_12-.Ltmp9, $4  }
0xef: {  	v9 =	vld [tilespmem:s10+$0x8330]  }
0xf0: {  	v8 =	vld [tilespmem:s10+$0x8340]  }
0xf1: {  	v12 =	vadd.f32 v12, v6;
	v6 =	vld [tilespmem:s10+$0x8350]  }
0xf2: {  	s21 =	sadd.s32 $0x200, s21;
	v11 =	vadd.f32 v11, v7;
	v7 =	vld [tilespmem:s10+$0x8360]  }
0xf3: {  	[tilespmem:s10+$0x8300] =	vst v12;
	v5 =	vadd.f32 v5, v10;
	v63 =	vld [tilespmem:s10+$0x8370]  }
0xf4: {  	[tilespmem:s10+$0x8310] =	vst v11;
	v4 =	vadd.f32 v4, v9  }
0xf5: {  	[tilespmem:s10+$0x8320] =	vst v5;
	v3 =	vadd.f32 v3, v8  }
0xf6: {  	[tilespmem:s10+$0x8330] =	vst v4;
	v2 =	vadd.f32 v2, v6  }
.Ltmp10:
0xf7: {  	[tilespmem:s10+$0x8340] =	vst v3;
	v1 =	vadd.f32 v1, v7;
	(pc) =	sbr.rel .LBB2_14-.Ltmp10, $4  }
0xf8: {  	[tilespmem:s10+$0x8350] =	vst v2;
	v0 =	vadd.f32 v0, v63  }
0xf9: {  	s9 =	sshll.u32 s9, $0xB;
	[tilespmem:s10+$0x8360] =	vst v1  }
0xfa: {  	s9 =	sadd.s32 s7, s9;
	[tilespmem:s10+$0x8370] =	vst v0  }
0xfb: {  	[hbm4b:s9+s2] =	stream.linear.scatter [tilespmem:s26], [sflag:$0x6], $0x4000, $0x38;
	[tilespmem:$0x18300] =	vst v63  }
.LBB2_16:
0xfc: {  	_ =	sfence.sel $0x180000  }
0xfd: {  	[bflag:$0x0] =	sbarrier.arrive $0xFFFF  }
0xfe: {  	_ =	strace $0x9000004A  }
0xff: {  	s0 =	stileid.u32;
	[bflag:$0x2] =	sbarrier.arrive $0xFFFF  }
0x100: {  	p0 =	sne.s32 s0, $0x0;
	s0 =	rddreg [dreg:$0x1]  }
0x101: {  	s0 =	sadd.s32 @!p0 $0x100000, s0  }
0x102: {  	[sflag:s0] =	ssyncadd.tile.s32 @!p0 $0x1;
	_ =	shalt  }
.Lfunc_end2:
_tile_overlayer_lowered:
.L_overlay_start_2:
0x103: {  	(tag) =	ssettag $0x2  }
0x104: {  	s0 =	rddreg [dreg:$0x0];
	s2 =	stileid.u32  }
0x105: {  	s1 =	rddreg [dreg:$0x1];
	p0 =	sne.s32 s2, $0x0  }
0x106: {  	s3 =	rddreg [dreg:$0x2];
	[bflag:$0x3] =	sbarrier.arrive $0xFFFF;
	s2 =	simm.s32 @!p0 $0x1C07  }
0x107: {  	[timem:s3], [sflag:s2] =	dma.local @!p0 [hbm:s0], s1  }
0x108: {  	s0 =	simm.s32 @!p0 $0x7  }
0x109: {  	_ =	swait.ge @!p0 [sflag:s0], s1  }
0x10a: {  	s1 =	ssub.s32 @!p0 $0x0, s1;
	[sflag:s0] =	ssyncset.done @!p0 $0x0  }
0x10b: {  	[sflag:s0] =	ssyncadd.s32 @!p0 s1  }
0x10c: {  	[bflag:$0x3] =	sbarrier.arrive $0xFFFF  }
0x10d: {  	_ =	shalt  }

// kernel: kernel.20.cloned.1.call-start
scs
__scs_entry_jumppad:
0x0: {  	(pc) =	sbr.rel $0x88, $3  }
0x1: {  	(tag) =	ssettag $0x0;
	lr =	simm.s32 $0x1  }
0x2: {  	[smem:$0x3F8E] =	sst lr;
	_ =	strace $0xD0000000  }
0x3: {  	_ = 	snop  }
0x4: {  	_ = 	snop  }
0x5: {  	_ = 	snop  }
0x6: {  	_ = 	snop  }
0x7: {  	_ = 	snop  }
__scs_overlays_trampoline_lowered:
0x8: {  	[smem:$0x3F9D] =	sst s0  }
0x9: {  	[smem:$0x3F9E] =	sst s1  }
0xa: {  	[smem:$0x3F9F] =	sst s2  }
0xb: {  	[smem:$0x3FA0] =	sst s3  }
0xc: {  	[smem:$0x3FA1] =	sst s4  }
0xd: {  	[smem:$0x3FA2] =	sst s5  }
0xe: {  	[smem:$0x3FA3] =	sst s6  }
0xf: {  	[smem:$0x3FA4] =	sst s7  }
0x10: {  	[smem:$0x3FA5] =	sst s8  }
0x11: {  	[smem:$0x3FA6] =	sst s9;
	s0 =	simm.s32 @!p0 $0x0  }
0x12: {  	s1 =	sld [smem:$0x3F8C];
	s0 =	simm.s32 @p0 $0x1  }
0x13: {  	[smem:$0x3FA7] =	sst s0;
	s0 =	simm.s32 @!p1 $0x0  }
0x14: {  	s2 =	sld [smem:$0x3F8B];
	s0 =	simm.s32 @p1 $0x1  }
0x15: {  	[smem:$0x3FA8] =	sst s0;
	s0 =	simm.s32 @!p2 $0x0  }
0x16: {  	s3 =	sld [smem:$0x3FDB];
	s0 =	simm.s32 @p2 $0x1  }
0x17: {  	s4 =	simm.s32 $0x1BF5;
	[smem:$0x3FAA] =	sst s0  }
0x18: {  	s0 =	sld [smem:$0x3F8D];
	_ =	swait.ge [sflag:s4], $0x0  }
0x19: {  	s7 =	sld [smem:$0x3F8E]  }
0x1a: {  	s8 =	sadd.s32 $0xFFFFE003, lr  }
0x1b: {  	s9 =	sadd.s32 $0xFFFFFEF7, lr;
	s5 =	simm.s32 $0xFFFFFFFF;
	p2 =	slt.u32 s8, $0xFFFFF086  }
0x1c: {  	p1 =	slt.u32 s9, $0xF7A;
	s5 =	simm.s32 @!p2 $0x0  }
0x1d: {  	s5 =	simm.s32 @p1 $0x1;
	p0 =	seq.s32 s7, s2  }
0x1e: {  	s7 =	smul.u32 @!p0 $0xF7A, s2;
	p2 =	seq.s32 @!p0 s5, $0x0  }
0x1f: {  	s9 =	smul.u32 $0xF7A, s1;
	s8 =	simm.s32 @!p0 $0x1BF5;
	p2 =	por !p2, p0  }
0x20: {  	[sflag:s8] =	ssyncset.s32 @!p0 $0xFFFFF086;
	s6 =	sadd.s32 @!p0 s3, s7;
	s7 =	simm.s32 @!p0 $0x108  }
0x21: {  	s3 =	sadd.s32 s3, s9;
	s6 =	sadd.s32 @!p0 $0x88, s6;
	s7 =	simm.s32 @p2 $0x1082  }
0x22: {  	[simem:s7], [sflag:s8] =	dma.local @!p0 [hbm:s6], $0xF7A  }
0x23: {  	s9 =	sor.u32 $0xD0000000, s2;
	s6 =	simm.s32 $0x108;
	_ =	swait.ge @!p0 [sflag:s8], $0x0  }
0x24: {  	s3 =	sadd.s32 $0x88, s3;
	s6 =	simm.s32 @!p1 $0x1082;
	[sflag:s4] =	ssyncset.s32 $0xFFFFF086  }
0x25: {  	[simem:s6], [sflag:s4] =	dma.local [hbm:s3], $0xF7A  }
0x26: {  	[smem:$0x3F8E] =	sst s1;
	(tag) =	ssettag s2;
	_ =	strace s9  }
0x27: {  	s1 =	sld [smem:$0x3F9E]  }
0x28: {  	s2 =	sld [smem:$0x3F9F]  }
0x29: {  	s4 =	sld [smem:$0x3FA1]  }
0x2a: {  	p0 =	seq.s32 s5, $0x0;
	s5 =	sld [smem:$0x3FA2]  }
0x2b: {  	s6 =	sld [smem:$0x3FA3]  }
0x2c: {  	s7 =	sld [smem:$0x3FA4]  }
0x2d: {  	s3 =	simm.s32 $0x108;
	s8 =	sld [smem:$0x3FA5]  }
0x2e: {  	s3 =	simm.s32 @!p0 $0x1082;
	s9 =	sld [smem:$0x3FA6]  }
0x2f: {  	lr =	sadd.s32 s0, s3;
	s0 =	sld [smem:$0x3F9D]  }
0x30: {  	s3 =	sld [smem:$0x3FA0]  }
0x31: {  	[smem:$0x3FA9] =	sst s10  }
0x32: {  	s10 =	sld [smem:$0x3FA7];
	_ =	sdelay $0x3  }
0x33: {  	p0 =	seq.s32 s10, $0x1;
	s10 =	sld [smem:$0x3FA9];
	_ =	sdelay $0x3  }
0x34: {  	[smem:$0x3FA9] =	sst s10  }
0x35: {  	s10 =	sld [smem:$0x3FA8];
	_ =	sdelay $0x3  }
0x36: {  	p1 =	seq.s32 s10, $0x1;
	s10 =	sld [smem:$0x3FA9];
	_ =	sdelay $0x3  }
0x37: {  	[smem:$0x3FA9] =	sst s10  }
0x38: {  	s10 =	sld [smem:$0x3FAA]  }
0x39: {  	_ = 	snop;
	(pc) =	sbr.ind lr, $3  }
0x3a: {  	_ = 	snop  }
0x3b: {  	_ = 	snop  }
0x3c: {  	p2 =	seq.s32 s10, $0x1;
	s10 =	sld [smem:$0x3FA9]  }
0x3d: {  	_ =	shalt  }
0x3e: {  	_ =	shalt  }
0x3f: {  	_ =	shalt  }
0x40: {  	_ =	shalt  }
0x41: {  	_ =	shalt  }
0x42: {  	_ =	shalt  }
0x43: {  	_ =	shalt  }
0x44: {  	_ =	shalt  }
0x45: {  	_ =	shalt  }
0x46: {  	_ =	shalt  }
0x47: {  	_ =	shalt  }
0x48: {  	_ =	shalt  }
0x49: {  	_ =	shalt  }
0x4a: {  	_ =	shalt  }
0x4b: {  	_ =	shalt  }
0x4c: {  	_ =	shalt  }
0x4d: {  	_ =	shalt  }
0x4e: {  	_ =	shalt  }
0x4f: {  	_ =	shalt  }
0x50: {  	_ =	shalt  }
0x51: {  	_ =	shalt  }
0x52: {  	_ =	shalt  }
0x53: {  	_ =	shalt  }
0x54: {  	_ =	shalt  }
0x55: {  	_ =	shalt  }
0x56: {  	_ =	shalt  }
0x57: {  	_ =	shalt  }
0x58: {  	_ =	shalt  }
0x59: {  	_ =	shalt  }
0x5a: {  	_ =	shalt  }
0x5b: {  	_ =	shalt  }
0x5c: {  	_ =	shalt  }
0x5d: {  	_ =	shalt  }
0x5e: {  	_ =	shalt  }
0x5f: {  	_ =	shalt  }
0x60: {  	_ =	shalt  }
0x61: {  	_ =	shalt  }
0x62: {  	_ =	shalt  }
0x63: {  	_ =	shalt  }
0x64: {  	_ =	shalt  }
0x65: {  	_ =	shalt  }
0x66: {  	_ =	shalt  }
0x67: {  	_ =	shalt  }
0x68: {  	_ =	shalt  }
0x69: {  	_ =	shalt  }
0x6a: {  	_ =	shalt  }
0x6b: {  	_ =	shalt  }
0x6c: {  	_ =	shalt  }
0x6d: {  	_ =	shalt  }
0x6e: {  	_ =	shalt  }
0x6f: {  	_ =	shalt  }
0x70: {  	_ =	shalt  }
0x71: {  	_ =	shalt  }
0x72: {  	_ =	shalt  }
0x73: {  	_ =	shalt  }
0x74: {  	_ =	shalt  }
0x75: {  	_ =	shalt  }
0x76: {  	_ =	shalt  }
0x77: {  	_ =	shalt  }
0x78: {  	_ =	shalt  }
0x79: {  	_ =	shalt  }
0x7a: {  	_ =	shalt  }
0x7b: {  	_ =	shalt  }
0x7c: {  	_ =	shalt  }
0x7d: {  	_ =	shalt  }
0x7e: {  	_ =	shalt  }
0x7f: {  	_ =	shalt  }
0x80: {  	_ =	shalt  }
0x81: {  	_ =	shalt  }
0x82: {  	_ =	shalt  }
0x83: {  	_ =	shalt  }
0x84: {  	_ =	shalt  }
0x85: {  	_ =	shalt  }
0x86: {  	_ =	shalt  }
0x87: {  	_ =	shalt  }
.Lfunc_end0:
.L_simem_size_0:
called_computation.3_lowered:
.L_overlay_start_0:
0x88: {  	s2 =	sld [smem:$0x3FD9]  }
0x89: {  	s3 =	sld [smem:$0x3FFE];
	_ =	sdelay $0x1  }
0x8a: {  	s1 =	srdreg.scid  }
0x8b: {  	s0 =	sand.u32 $0x1, s1  }
0x8c: {  	s15 =	sshll.u32 s0, $0xA;
	s2 =	sadd.s32 s3, s2  }
0x8d: {  	s2 =	sadd.s32 s2, s15  }
0x8e: {  	[smem:$0x3FB5] =	sst s2  }
0x8f: {  	_ = 	snop  }
0x90: {  	s2 =	sld [smem:$0x3FD0];
	_ =	sdelay $0x2  }
0x91: {  	s16 =	simm.s32 $0xD;
	s4 =	simm.s32 $0x10  }
0x92: {  	[smem:s4], [sflag:s16] =	dma.local [hbm:s2], $0x1  }
0x93: {  	_ =	swait.eq [sflag:s16], $0x1  }
0x94: {  	[sflag:s16] =	ssyncset.done $0x0  }
0x95: {  	[sflag:s16] =	ssyncadd.s32 $0xFFFFFFFF  }
0x96: {  	s17 =	sld [smem:$0x11];
	(tm) =	ssettm $0x1  }
0x97: {  	s18 =	sld [smem:$0x3FFB];
	_ =	sdelay $0x3  }
0x98: {  	_ =	strace s18  }
0x99: {  	s2 =	sld [smem:$0x3FFC];
	_ =	sdelay $0x3  }
0x9a: {  	_ =	strace s2  }
0x9b: {  	s2 =	sld [smem:$0x3FFD];
	_ =	sdelay $0x3  }
0x9c: {  	_ =	strace s2  }
0x9d: {  	_ =	strace $0x8FFFFFFF  }
0x9e: {  	s19 =	sld [smem:$0x3FDB];
	_ =	sdelay $0x1  }
0x9f: {  	s20 =	simm.s32 $_scs_section_size  }
0xa0: {  	s5 =	simm.s32 $_size__tile_overlayer_lowered;
	s6 =	simm.s32 $_tile_overlayer_lowered  }
0xa1: {  	s7 =	simm.s32 $0x1BFF;
	s21 =	sshll.u32 s6, $0x1;
	s4 =	sadd.s32 s20, s19  }
0xa2: {  	s22 =	simm.s32 $0x0;
	s5 =	sshll.u32 s5, $0x1;
	s6 =	sadd.s32 s21, s4  }
0xa3: {  	[timem:s22], [sflag:s7] =	dma.local [hbm:s6], s5  }
0xa4: {  	_ =	swait.ge [sflag:s7], s5  }
0xa5: {  	s5 =	ssub.s32 $0x0, s5;
	[sflag:s7] =	ssyncset.done $0x0  }
0xa6: {  	[sflag:s7] =	ssyncadd.s32 s5;
	_ =	sdelay $0x1  }
0xa7: {  	s23 =	simm.s32 $0x1B8B  }
0xa8: {  	_ =	swait.ge [sflag:s23], $0x1  }
0xa9: {  	[sflag:s23] =	ssyncset.done $0x0  }
0xaa: {  	[sflag:s23] =	ssyncadd.s32 $0xFFFFFFFF  }
0xab: {  	s5 =	sld [smem:$0x0]  }
0xac: {  	s6 =	sand.u32 $0xFFFFFFFE, s1  }
0xad: {  	p0 =	sne.s32 s1, s6  }
0xae: {  	s6 =	sshll.u32 @p0 s6, $0xE  }
0xaf: {  	s6 =	sadd.s32 @p0 $0x11B8D, s6;
	s7 =	sshll.u32 @p0 s5, $0x11  }
0xb0: {  	s6 =	sor.u32 @p0 s7, s6  }
0xb1: {  	[sflag:s6] =	ssyncadd.remote.s32 @p0 $0x1;
	_ =	sdelay $0x1  }
0xb2: {  	s6 =	simm.s32 @p0 $0x1B8D  }
0xb3: {  	_ =	swait.eq @p0 [sflag:s6], $0x1  }
0xb4: {  	[sflag:s6] =	ssyncadd.s32 @p0 $0xFFFFFFFF  }
0xb5: {  	s7 =	sshll.u32 @!p0 s1, $0xE  }
0xb6: {  	s7 =	sor.u32 @!p0 $0x4000, s7;
	s6 =	simm.s32 @!p0 $0x1B8D  }
0xb7: {  	s5 =	sshll.u32 @!p0 s5, $0x11;
	s7 =	sadd.s32 @!p0 $0x11B8D, s7;
	_ =	swait.eq @!p0 [sflag:s6], $0x1  }
0xb8: {  	s5 =	sor.u32 @!p0 s5, s7;
	[sflag:s6] =	ssyncadd.s32 @!p0 $0xFFFFFFFF  }
0xb9: {  	s25 =	simm.s32 $0x1B8E;
	s24 =	sld [smem:$0x3FFE];
	[sflag:s5] =	ssyncadd.remote.s32 @!p0 $0x1  }
0xba: {  	s26 =	simm.s32 $execute0_lowered;
	[smem:$0x3FD2] =	sst s25  }
0xbb: {  	s6 =	sshll.u32 s26, $0x1;
	_ =	strace $0x8000004C;
	[dreg:$0x1] =	wrdreg $0xFFFFFFFF  }
0xbc: {  	s28 =	simm.s32 $_size_execute0_lowered;
	s4 =	sadd.s32 s4, s6;
	[dreg:$0x0] =	wrdreg $0x0  }
0xbd: {  	s6 =	sshll.u32 s28, $0x1;
	[dreg:$0x2] =	wrdreg s4  }
0xbe: {  	[dreg:$0x3] =	wrdreg s6  }
0xbf: {  	[dreg:$0x4] =	wrdreg $0xC0  }
0xc0: {  	_ =	task [dreg:s22], $0x5FFFF  }
0xc1: {  	[dreg:$0x1] =	wrdreg $0xFFFFFFFF  }
0xc2: {  	[dreg:$0x0] =	wrdreg $0x60  }
0xc3: {  	[dreg:$0x2] =	wrdreg s24  }
0xc4: {  	[dreg:$0x3] =	wrdreg s17  }
0xc5: {  	[dreg:$0x4] =	wrdreg $0xC  }
0xc6: {  	_ =	task.clear_ibuf [dreg:s22], $0x5FFFF;
	_ =	strace $0x9000004C  }
0xc7: {  	s29 =	simm.s32 $0xC;
	_ =	strace $0x8000004E  }
0xc8: {  	_ =	swait.ge [sflag:s29], $0x1  }
0xc9: {  	[sflag:s29] =	ssyncadd.s32 $0xFFFFFFFF  }
0xca: {  	_ =	strace $0x9000004E  }
0xcb: {  	_ =	sfence  }
0xcc: {  	s30 =	sld [smem:$0x0];
	_ =	sdelay $0x2  }
0xcd: {  	s31 =	sshll.u32 s1, $0xD;
	s1 =	sshrl.u32 s1, $0x2  }
0xce: {  	s4 =	sand.u32 $0x4000, s31;
	s1 =	sadd.s32 s1, s30  }
0xcf: {  	s0 =	sor.u32 s4, s0;
	s1 =	sshll.u32 s1, $0x11  }
0xd0: {  	s0 =	sor.u32 s1, s0  }
0xd1: {  	s0 =	sadd.s32 $0x8F2B, s0  }
0xd2: {  	[sflag:s0] =	ssyncadd.remote.s32 $0x1  }
0xd3: {  	_ =	sfence.sel $0xFFFF  }
0xd4: {  	[dreg:$0x0] =	wrdreg $0xFFFFFFFF;
	(pc) =	sbr.abs _section_cstart, $3  }
0xd5: {  	[dreg:$0x1] =	wrdreg $0xFFFFFFFF  }
0xd6: {  	_ =	task.clear_ibuf [dreg:s22], $0x2FFFF;
	_ =	strace $0x9FFFFFFF  }
0xd7: {  	(tm) =	ssettm $0x7FFFFFFF  }
tec
execute0_lowered:
.L_overlay_start_1:
0x0: {  	(tag) =	ssettag $0x1  }
0x1: {  	s0 =	rddreg [dreg:$0x0]  }
0x2: {  	s2 =	rddreg [dreg:$0x1]  }
0x3: {  	s3 =	simm.s32 $0x0;
	s1 =	srdreg.scid;
	s4 =	stileid.u32  }
0x4: {  	s17 =	simm.s32 $0x7;
	s18 =	simm.s32 $0x80;
	s19 =	simm.s32 $0x300  }
0x5: {  	s22 =	simm.s32 $0x4300;
	s25 =	simm.s32 $0x200;
	s30 =	simm.s32 $0x1  }
0x6: {  	s31 =	simm.s32 $0x2;
	s20 =	simm.s32 $0x5;
	s23 =	simm.s32 $0x6  }
0x7: {  	s24 =	simm.s32 $0x0;
	s1 =	sand.u32 $0x1, s1;
	s4 =	sshll.u32 s4, $0x1  }
0x8: {  	[smem:$0x7FF] =	sst s3;
	s5 =	sadd.s32 $0x4A00, s0;
	s6 =	sor.u32 s1, s4  }
0x9: {  	s7 =	sadd.s32 $0xD0A00, s0;
	s1 =	ssub.s32 $0x2, s1;
	s8 =	smul.u32 $0x3C0, s6  }
0xa: {  	_ =	strace $0x8000004D;
	s9 =	sshrl.u32 s1, $0x1;
	s6 =	smul.u32 $0x1E, s6  }
0xb: {  	s4 =	sadd.s32 $0xD400, s0;
	s26 =	ssub.s32 s1, s9;
	s1 =	simm.s32 $0x4  }
.Ltmp0:
0xc: {  	s8 =	sadd.s32 s5, s8;
	s11 =	sadd.s32 $0x3, s6;
	(pc) =	sbr.rel .LBB2_1-.Ltmp0, $4  }
0xd: {  	s12 =	sor.u32 $0x1, s6;
	s13 =	sadd.s32 $0x4, s6;
	s0 =	smax.u32 s26, $0x1  }
0xe: {  	s14 =	sadd.s32 $0x2, s6;
	s28 =	sadd.s32 $0x20, s8;
	[dreg:$0x5] =	wrdreg s0  }
0xf: {  	s15 =	sadd.s32 $0x5, s6;
	s29 =	sadd.s32 $0x40, s8;
	[dreg:$0x3] =	wrdreg s28  }
0x10: {  	s26 =	simm.s32 $0x8300;
	s0 =	simm.s32 $0x3;
	[dreg:$0x4] =	wrdreg s29  }
.LBB2_15:
0x11: {  	_ =	swait.ge [sflag:s1], $0x4000  }
0x12: {  	[sflag:s1] =	ssyncset.done $0x0  }
0x13: {  	[sflag:s1] =	ssyncadd.s32 $0xFFFFC000  }
0x14: {  	_ =	swait.ge [sflag:s20], $0x4000  }
0x15: {  	[sflag:s20] =	ssyncset.done $0x0  }
0x16: {  	[sflag:s20] =	ssyncadd.s32 $0xFFFFC000  }
0x17: {  	_ =	swait.ge [sflag:s23], $0x4000  }
0x18: {  	s24 =	sadd.s32 $0x1, s24;
	s9 =	rddreg [dreg:$0x5]  }
0x19: {  	p0 =	sne.s32 s24, s9  }
.Ltmp1:
0x1a: {  	_ = 	snop;
	(pc) =	sbr.rel @!p0 .LBB2_16-.Ltmp1, $3  }
0x1b: {  	_ =	sdelay $0x1  }
0x1c: {  	[sflag:s23] =	ssyncset.done $0x0  }
0x1d: {  	[sflag:s23] =	ssyncadd.s32 $0xFFFFC000  }
.LBB2_1:
0x1e: {  	[tilespmem:s3], [sflag:$0x7] =	stream.linear.gather [hbm4b:s8+s3], $0x100, $0x38;
	[tilespmem:$0x18300] =	vst v63  }
0x1f: {  	_ =	swait.ge [sflag:s17], $0x100  }
0x20: {  	[sflag:s17] =	ssyncset.done $0x0  }
0x21: {  	[sflag:s17] =	ssyncadd.s32 $0xFFFFFF00  }
0x22: {  	[tilespmem:s19], [sflag:$0x1] =	stream.indirect.gather [hbm4b:s4+s18], $0x80, s3, s18, $0xb8;
	[tilespmem:$0x18300] =	vst v63  }
0x23: {  	s9 =	simm.s32 $0xC300  }
0x24: {  	[tilespmem:s9], [sflag:$0x1] =	stream.indirect.gather [hbm4b:s7+s18], $0x80, s18, s18, $0xb8;
	[tilespmem:$0x18300] =	vst v63  }
0x25: {  	s10 =	simm.s32 $0x100;
	s16 =	rddreg [dreg:$0x3]  }
0x26: {  	[tilespmem:s10], [sflag:$0x7] =	stream.linear.gather [hbm4b:s16+s3], $0x100, $0x38;
	[tilespmem:$0x18300] =	vst v63  }
0x27: {  	_ =	swait.ge [sflag:s17], $0x100  }
0x28: {  	[sflag:s17] =	ssyncset.done $0x0  }
0x29: {  	[sflag:s17] =	ssyncadd.s32 $0xFFFFFF00  }
0x2a: {  	[tilespmem:s22], [sflag:$0x2] =	stream.indirect.gather [hbm4b:s4+s18], $0x80, s10, s18, $0xb8;
	[tilespmem:$0x18300] =	vst v63  }
0x2b: {  	s21 =	simm.s32 $0x180;
	s29 =	simm.s32 $0x10300  }
0x2c: {  	[tilespmem:s29], [sflag:$0x2] =	stream.indirect.gather [hbm4b:s7+s18], $0x80, s21, s18, $0xb8;
	[tilespmem:$0x18300] =	vst v63  }
0x2d: {  	s16 =	rddreg [dreg:$0x4]  }
0x2e: {  	[tilespmem:s25], [sflag:$0x7] =	stream.linear.gather [hbm4b:s16+s3], $0x100, $0x38;
	[tilespmem:$0x18300] =	vst v63  }
0x2f: {  	_ =	swait.ge [sflag:s17], $0x100  }
.Ltmp2:
0x30: {  	[sflag:s17] =	ssyncset.done $0x0;
	(pc) =	sbr.rel .LBB2_2-.Ltmp2, $4  }
0x31: {  	[sflag:s17] =	ssyncadd.s32 $0xFFFFFF00  }
0x32: {  	[tilespmem:s26], [sflag:$0x3] =	stream.indirect.gather [hbm4b:s4+s18], $0x80, s25, s18, $0xb8;
	[tilespmem:$0x18300] =	vst v63  }
0x33: {  	s28 =	simm.s32 $0x0;
	s21 =	simm.s32 $0x280;
	s29 =	simm.s32 $0x14300  }
0x34: {  	[tilespmem:s29], [sflag:$0x3] =	stream.indirect.gather [hbm4b:s7+s18], $0x80, s21, s18, $0xb8;
	[tilespmem:$0x18300] =	vst v63  }
.LBB2_14:
0x35: {  	s9 =	sadd.s32 s29, s15  }
0x36: {  	p1 =	sgt.u32 @!p0 s9, $0x3A9  }
0x37: {  	p0 =	por p1, p0  }
0x38: {  	s10 =	simm.s32 @!p0 $0x6  }
0x39: {  	_ =	swait.ge @!p0 [sflag:s10], $0x4000  }
0x3a: {  	s9 =	sshll.u32 @!p0 s9, $0x5;
	s16 =	simm.s32 @!p0 $0x200;
	[sflag:s10] =	ssyncset.done @!p0 $0x0  }
0x3b: {  	s9 =	sadd.s32 @!p0 s5, s9;
	[sflag:s10] =	ssyncadd.s32 @!p0 $0xFFFFC000;
	s10 =	simm.s32 @!p0 $0x0  }
0x3c: {  	[tilespmem:s16], [sflag:$0x7] =	stream.linear.gather @!p0 [hbm4b:s9+s10], $0x100, $0x38;
	[tilespmem:$0x18300] =	vst v63  }
0x3d: {  	s9 =	simm.s32 @!p0 $0x7  }
0x3e: {  	_ =	swait.ge @!p0 [sflag:s9], $0x100  }
0x3f: {  	[sflag:s9] =	ssyncset.done @!p0 $0x0  }
0x40: {  	s10 =	simm.s32 @!p0 $0x8300;
	[sflag:s9] =	ssyncadd.s32 @!p0 $0xFFFFFF00;
	s9 =	simm.s32 @!p0 $0x80  }
0x41: {  	[tilespmem:s10], [sflag:$0x3] =	stream.indirect.gather @!p0 [hbm4b:s4+s9], $0x80, s16, s9, $0xb8;
	[tilespmem:$0x18300] =	vst v63  }
0x42: {  	s28 =	sadd.s32 $0x1, s28;
	s10 =	simm.s32 @!p0 $0x280;
	s16 =	simm.s32 @!p0 $0x14300  }
0x43: {  	[tilespmem:s16], [sflag:$0x3] =	stream.indirect.gather @!p0 [hbm4b:s7+s9], $0x80, s10, s9, $0xb8;
	[tilespmem:$0x18300] =	vst v63  }
0x44: {  	p0 =	sne.s32 s28, $0xA  }
.Ltmp3:
0x45: {  	_ = 	snop;
	(pc) =	sbr.rel @!p0 .LBB2_15-.Ltmp3, $1  }
0x46: {  	_ =	sdelay $0x3  }
.LBB2_2:
0x47: {  	s29 =	smul.u32 $0x3, s28;
	_ =	sdelay $0x1  }
0x48: {  	s9 =	sadd.s32 s6, s29  }
0x49: {  	p0 =	sgt.u32 s9, $0x3A9  }
.Ltmp4:
0x4a: {  	_ = 	snop;
	(pc) =	sbr.rel @p0 .LBB2_6-.Ltmp4, $1  }
0x4b: {  	_ =	sdelay $0x3  }
0x4c: {  	_ =	swait.ge [sflag:s30], $0x4000  }
0x4d: {  	[sflag:s30] =	ssyncset.done $0x0  }
0x4e: {  	[sflag:s30] =	ssyncadd.s32 $0xFFFFC000  }
0x4f: {  	_ =	swait.ge [sflag:s30], $0x4000  }
0x50: {  	[sflag:s30] =	ssyncset.done $0x0  }
0x51: {  	s10 =	simm.s32 $0x0;
	[sflag:s30] =	ssyncadd.s32 $0xFFFFC000  }
0x52: {  	v7 =	vld [tilespmem:s10+$0xC300]  }
0x53: {  	v11 =	vld [tilespmem:s10+$0xC310]  }
0x54: {  	v5 =	vld [tilespmem:s10+$0xC320]  }
0x55: {  	v4 =	vld [tilespmem:s10+$0xC330]  }
0x56: {  	v3 =	vld [tilespmem:s10+$0xC340]  }
0x57: {  	v2 =	vld [tilespmem:s10+$0xC350]  }
0x58: {  	v1 =	vld [tilespmem:s10+$0xC360]  }
0x59: {  	v0 =	vld [tilespmem:s10+$0xC370]  }
0x5a: {  	v12 =	vld [tilespmem:s10+$0x300]  }
0x5b: {  	v13 =	vld [tilespmem:s10+$0x310]  }
0x5c: {  	v10 =	vld [tilespmem:s10+$0x320]  }
0x5d: {  	v9 =	vld [tilespmem:s10+$0x330]  }
0x5e: {  	v8 =	vld [tilespmem:s10+$0x340]  }
0x5f: {  	v6 =	vld [tilespmem:s10+$0x350];
	v12 =	vadd.f32 v7, v12  }
0x60: {  	s21 =	simm.s32 $0x200;
	v11 =	vadd.f32 v11, v13;
	v7 =	vld [tilespmem:s10+$0x360]  }
.LBB2_4:
0x61: {  	s16 =	sshra.s32 s21, $0x2;
	p0 =	sne.s32 s21, $0xFE00;
	[tilespmem:s10+$0x300] =	vst v12;
	v5 =	vadd.f32 v5, v10;
	v10 =	vld [tilespmem:s10+$0x370]  }
0x62: {  	v12 =	vld [tilespmem:s16+$0xC300];
	[tilespmem:s10+$0x310] =	vst v11;
	v4 =	vadd.f32 v4, v9  }
0x63: {  	v11 =	vld [tilespmem:s16+$0xC310];
	[tilespmem:s10+$0x320] =	vst v5;
	v3 =	vadd.f32 v3, v8  }
0x64: {  	v5 =	vld [tilespmem:s16+$0xC320];
	[tilespmem:s10+$0x330] =	vst v4;
	v2 =	vadd.f32 v2, v6  }
0x65: {  	v4 =	vld [tilespmem:s16+$0xC330];
	[tilespmem:s10+$0x340] =	vst v3;
	v1 =	vadd.f32 v1, v7  }
0x66: {  	v3 =	vld [tilespmem:s16+$0xC340];
	[tilespmem:s10+$0x350] =	vst v2;
	v0 =	vadd.f32 v0, v10  }
0x67: {  	v2 =	vld [tilespmem:s16+$0xC350];
	[tilespmem:s10+$0x360] =	vst v1  }
0x68: {  	v1 =	vld [tilespmem:s16+$0xC360];
	[tilespmem:s10+$0x370] =	vst v0;
	s10 =	smov.u32 s16  }
0x69: {  	v0 =	vld [tilespmem:s10+$0xC370]  }
0x6a: {  	v6 =	vld [tilespmem:s10+$0x300]  }
0x6b: {  	v7 =	vld [tilespmem:s10+$0x310]  }
.Ltmp5:
0x6c: {  	v10 =	vld [tilespmem:s10+$0x320];
	(pc) =	sbr.rel @p0 .LBB2_4-.Ltmp5, $4  }
0x6d: {  	v9 =	vld [tilespmem:s10+$0x330]  }
0x6e: {  	v8 =	vld [tilespmem:s10+$0x340]  }
0x6f: {  	v12 =	vadd.f32 v12, v6;
	v6 =	vld [tilespmem:s10+$0x350]  }
0x70: {  	s21 =	sadd.s32 $0x200, s21;
	v11 =	vadd.f32 v11, v7;
	v7 =	vld [tilespmem:s10+$0x360]  }
0x71: {  	[tilespmem:s10+$0x300] =	vst v12;
	v5 =	vadd.f32 v5, v10;
	v63 =	vld [tilespmem:s10+$0x370]  }
0x72: {  	[tilespmem:s10+$0x310] =	vst v11;
	v4 =	vadd.f32 v4, v9  }
0x73: {  	[tilespmem:s10+$0x320] =	vst v5;
	v3 =	vadd.f32 v3, v8  }
0x74: {  	[tilespmem:s10+$0x330] =	vst v4;
	v2 =	vadd.f32 v2, v6  }
0x75: {  	s9 =	sshll.u32 s9, $0x7;
	[tilespmem:s10+$0x340] =	vst v3;
	v1 =	vadd.f32 v1, v7  }
0x76: {  	s9 =	smin.u32 s9, $0x1D440;
	[tilespmem:s10+$0x350] =	vst v2;
	v0 =	vadd.f32 v0, v63  }
0x77: {  	s9 =	sshll.u32 s9, $0x4;
	[tilespmem:s10+$0x360] =	vst v1  }
0x78: {  	s9 =	sadd.s32 s2, s9;
	[tilespmem:s10+$0x370] =	vst v0  }
0x79: {  	[hbm4b:s9+s3] =	stream.linear.scatter [tilespmem:s19], [sflag:$0x4], $0x4000, $0x38;
	[tilespmem:$0x18300] =	vst v63  }
.LBB2_6:
0x7a: {  	s9 =	sadd.s32 s29, s11;
	p0 =	seq.s32 s28, $0x9  }
0x7b: {  	p1 =	sgt.u32 @!p0 s9, $0x3A9  }
0x7c: {  	p1 =	por p1, p0  }
0x7d: {  	s10 =	simm.s32 @!p1 $0x4  }
0x7e: {  	_ =	swait.ge @!p1 [sflag:s10], $0x4000  }
0x7f: {  	s9 =	sshll.u32 @!p1 s9, $0x5;
	[sflag:s10] =	ssyncset.done @!p1 $0x0  }
0x80: {  	s9 =	sadd.s32 @!p1 s5, s9;
	[sflag:s10] =	ssyncadd.s32 @!p1 $0xFFFFC000;
	s10 =	simm.s32 @!p1 $0x0  }
0x81: {  	[tilespmem:s10], [sflag:$0x7] =	stream.linear.gather @!p1 [hbm4b:s9+s10], $0x100, $0x38;
	[tilespmem:$0x18300] =	vst v63  }
0x82: {  	s9 =	simm.s32 @!p1 $0x7  }
0x83: {  	_ =	swait.ge @!p1 [sflag:s9], $0x100  }
0x84: {  	[sflag:s9] =	ssyncset.done @!p1 $0x0  }
0x85: {  	s16 =	simm.s32 @!p1 $0x300;
	[sflag:s9] =	ssyncadd.s32 @!p1 $0xFFFFFF00;
	s9 =	simm.s32 @!p1 $0x80  }
0x86: {  	[tilespmem:s16], [sflag:$0x1] =	stream.indirect.gather @!p1 [hbm4b:s4+s9], $0x80, s10, s9, $0xb8;
	[tilespmem:$0x18300] =	vst v63  }
0x87: {  	s10 =	simm.s32 @!p1 $0xC300  }
0x88: {  	[tilespmem:s10], [sflag:$0x1] =	stream.indirect.gather @!p1 [hbm4b:s7+s9], $0x80, s9, s9, $0xb8;
	[tilespmem:$0x18300] =	vst v63  }
0x89: {  	s9 =	sadd.s32 s29, s12  }
0x8a: {  	p1 =	sgt.u32 s9, $0x3A9  }
.Ltmp6:
0x8b: {  	_ = 	snop;
	(pc) =	sbr.rel @p1 .LBB2_10-.Ltmp6, $1  }
0x8c: {  	_ =	sdelay $0x3  }
0x8d: {  	_ =	swait.ge [sflag:s31], $0x4000  }
0x8e: {  	[sflag:s31] =	ssyncset.done $0x0  }
0x8f: {  	[sflag:s31] =	ssyncadd.s32 $0xFFFFC000  }
0x90: {  	_ =	swait.ge [sflag:s31], $0x4000  }
0x91: {  	[sflag:s31] =	ssyncset.done $0x0  }
0x92: {  	s10 =	simm.s32 $0x0;
	[sflag:s31] =	ssyncadd.s32 $0xFFFFC000  }
0x93: {  	v7 =	vld [tilespmem:s10+$0x10300]  }
0x94: {  	v11 =	vld [tilespmem:s10+$0x10310]  }
0x95: {  	v5 =	vld [tilespmem:s10+$0x10320]  }
0x96: {  	v4 =	vld [tilespmem:s10+$0x10330]  }
0x97: {  	v3 =	vld [tilespmem:s10+$0x10340]  }
0x98: {  	v2 =	vld [tilespmem:s10+$0x10350]  }
0x99: {  	v1 =	vld [tilespmem:s10+$0x10360]  }
0x9a: {  	v0 =	vld [tilespmem:s10+$0x10370]  }
0x9b: {  	v12 =	vld [tilespmem:s10+$0x4300]  }
0x9c: {  	v13 =	vld [tilespmem:s10+$0x4310]  }
0x9d: {  	v10 =	vld [tilespmem:s10+$0x4320]  }
0x9e: {  	v9 =	vld [tilespmem:s10+$0x4330]  }
0x9f: {  	v8 =	vld [tilespmem:s10+$0x4340]  }
0xa0: {  	v6 =	vld [tilespmem:s10+$0x4350];
	v12 =	vadd.f32 v7, v12  }
0xa1: {  	s21 =	simm.s32 $0x200;
	v11 =	vadd.f32 v11, v13;
	v7 =	vld [tilespmem:s10+$0x4360]  }
.LBB2_8:
0xa2: {  	s16 =	sshra.s32 s21, $0x2;
	p1 =	sne.s32 s21, $0xFE00;
	[tilespmem:s10+$0x4300] =	vst v12;
	v5 =	vadd.f32 v5, v10;
	v10 =	vld [tilespmem:s10+$0x4370]  }
0xa3: {  	v12 =	vld [tilespmem:s16+$0x10300];
	[tilespmem:s10+$0x4310] =	vst v11;
	v4 =	vadd.f32 v4, v9  }
0xa4: {  	v11 =	vld [tilespmem:s16+$0x10310];
	[tilespmem:s10+$0x4320] =	vst v5;
	v3 =	vadd.f32 v3, v8  }
0xa5: {  	v5 =	vld [tilespmem:s16+$0x10320];
	[tilespmem:s10+$0x4330] =	vst v4;
	v2 =	vadd.f32 v2, v6  }
0xa6: {  	v4 =	vld [tilespmem:s16+$0x10330];
	[tilespmem:s10+$0x4340] =	vst v3;
	v1 =	vadd.f32 v1, v7  }
0xa7: {  	v3 =	vld [tilespmem:s16+$0x10340];
	[tilespmem:s10+$0x4350] =	vst v2;
	v0 =	vadd.f32 v0, v10  }
0xa8: {  	v2 =	vld [tilespmem:s16+$0x10350];
	[tilespmem:s10+$0x4360] =	vst v1  }
0xa9: {  	v1 =	vld [tilespmem:s16+$0x10360];
	[tilespmem:s10+$0x4370] =	vst v0;
	s10 =	smov.u32 s16  }
0xaa: {  	v0 =	vld [tilespmem:s10+$0x10370]  }
0xab: {  	v6 =	vld [tilespmem:s10+$0x4300]  }
0xac: {  	v7 =	vld [tilespmem:s10+$0x4310]  }
.Ltmp7:
0xad: {  	v10 =	vld [tilespmem:s10+$0x4320];
	(pc) =	sbr.rel @p1 .LBB2_8-.Ltmp7, $4  }
0xae: {  	v9 =	vld [tilespmem:s10+$0x4330]  }
0xaf: {  	v8 =	vld [tilespmem:s10+$0x4340]  }
0xb0: {  	v12 =	vadd.f32 v12, v6;
	v6 =	vld [tilespmem:s10+$0x4350]  }
0xb1: {  	s21 =	sadd.s32 $0x200, s21;
	v11 =	vadd.f32 v11, v7;
	v7 =	vld [tilespmem:s10+$0x4360]  }
0xb2: {  	[tilespmem:s10+$0x4300] =	vst v12;
	v5 =	vadd.f32 v5, v10;
	v63 =	vld [tilespmem:s10+$0x4370]  }
0xb3: {  	[tilespmem:s10+$0x4310] =	vst v11;
	v4 =	vadd.f32 v4, v9  }
0xb4: {  	[tilespmem:s10+$0x4320] =	vst v5;
	v3 =	vadd.f32 v3, v8  }
0xb5: {  	[tilespmem:s10+$0x4330] =	vst v4;
	v2 =	vadd.f32 v2, v6  }
0xb6: {  	s9 =	sshll.u32 s9, $0x7;
	[tilespmem:s10+$0x4340] =	vst v3;
	v1 =	vadd.f32 v1, v7  }
0xb7: {  	s9 =	smin.u32 s9, $0x1D440;
	[tilespmem:s10+$0x4350] =	vst v2;
	v0 =	vadd.f32 v0, v63  }
0xb8: {  	s9 =	sshll.u32 s9, $0x4;
	[tilespmem:s10+$0x4360] =	vst v1  }
0xb9: {  	s9 =	sadd.s32 s2, s9;
	[tilespmem:s10+$0x4370] =	vst v0  }
0xba: {  	[hbm4b:s9+s3] =	stream.linear.scatter [tilespmem:s22], [sflag:$0x5], $0x4000, $0x38;
	[tilespmem:$0x18300] =	vst v63  }
.LBB2_10:
0xbb: {  	s9 =	sadd.s32 s29, s13  }
0xbc: {  	p1 =	sgt.u32 @!p0 s9, $0x3A9  }
0xbd: {  	p1 =	por p1, p0  }
0xbe: {  	s10 =	simm.s32 @!p1 $0x5  }
0xbf: {  	_ =	swait.ge @!p1 [sflag:s10], $0x4000  }
0xc0: {  	s9 =	sshll.u32 @!p1 s9, $0x5;
	s16 =	simm.s32 @!p1 $0x100;
	[sflag:s10] =	ssyncset.done @!p1 $0x0  }
0xc1: {  	s9 =	sadd.s32 @!p1 s5, s9;
	[sflag:s10] =	ssyncadd.s32 @!p1 $0xFFFFC000;
	s10 =	simm.s32 @!p1 $0x0  }
0xc2: {  	[tilespmem:s16], [sflag:$0x7] =	stream.linear.gather @!p1 [hbm4b:s9+s10], $0x100, $0x38;
	[tilespmem:$0x18300] =	vst v63  }
0xc3: {  	s9 =	simm.s32 @!p1 $0x7  }
0xc4: {  	_ =	swait.ge @!p1 [sflag:s9], $0x100  }
0xc5: {  	[sflag:s9] =	ssyncset.done @!p1 $0x0  }
0xc6: {  	s10 =	simm.s32 @!p1 $0x4300;
	[sflag:s9] =	ssyncadd.s32 @!p1 $0xFFFFFF00;
	s9 =	simm.s32 @!p1 $0x80  }
0xc7: {  	[tilespmem:s10], [sflag:$0x2] =	stream.indirect.gather @!p1 [hbm4b:s4+s9], $0x80, s16, s9, $0xb8;
	[tilespmem:$0x18300] =	vst v63  }
0xc8: {  	s10 =	simm.s32 @!p1 $0x180;
	s16 =	simm.s32 @!p1 $0x10300  }
0xc9: {  	[tilespmem:s16], [sflag:$0x2] =	stream.indirect.gather @!p1 [hbm4b:s7+s9], $0x80, s10, s9, $0xb8;
	[tilespmem:$0x18300] =	vst v63  }
0xca: {  	s9 =	sadd.s32 s29, s14  }
0xcb: {  	p1 =	sgt.u32 s9, $0x3A9  }
.Ltmp8:
0xcc: {  	_ = 	snop;
	(pc) =	sbr.rel @p1 .LBB2_14-.Ltmp8, $1  }
0xcd: {  	_ =	sdelay $0x3  }
0xce: {  	_ =	swait.ge [sflag:s0], $0x4000  }
0xcf: {  	[sflag:s0] =	ssyncset.done $0x0  }
0xd0: {  	[sflag:s0] =	ssyncadd.s32 $0xFFFFC000  }
0xd1: {  	_ =	swait.ge [sflag:s0], $0x4000  }
0xd2: {  	[sflag:s0] =	ssyncset.done $0x0  }
0xd3: {  	s10 =	simm.s32 $0x0;
	[sflag:s0] =	ssyncadd.s32 $0xFFFFC000  }
0xd4: {  	v7 =	vld [tilespmem:s10+$0x14300]  }
0xd5: {  	v11 =	vld [tilespmem:s10+$0x14310]  }
0xd6: {  	v5 =	vld [tilespmem:s10+$0x14320]  }
0xd7: {  	v4 =	vld [tilespmem:s10+$0x14330]  }
0xd8: {  	v3 =	vld [tilespmem:s10+$0x14340]  }
0xd9: {  	v2 =	vld [tilespmem:s10+$0x14350]  }
0xda: {  	v1 =	vld [tilespmem:s10+$0x14360]  }
0xdb: {  	v0 =	vld [tilespmem:s10+$0x14370]  }
0xdc: {  	v12 =	vld [tilespmem:s10+$0x8300]  }
0xdd: {  	v13 =	vld [tilespmem:s10+$0x8310]  }
0xde: {  	v10 =	vld [tilespmem:s10+$0x8320]  }
0xdf: {  	v9 =	vld [tilespmem:s10+$0x8330]  }
0xe0: {  	v8 =	vld [tilespmem:s10+$0x8340]  }
0xe1: {  	v6 =	vld [tilespmem:s10+$0x8350];
	v12 =	vadd.f32 v7, v12  }
0xe2: {  	s21 =	simm.s32 $0x200;
	v11 =	vadd.f32 v11, v13;
	v7 =	vld [tilespmem:s10+$0x8360]  }
.LBB2_12:
0xe3: {  	s16 =	sshra.s32 s21, $0x2;
	p1 =	sne.s32 s21, $0xFE00;
	[tilespmem:s10+$0x8300] =	vst v12;
	v5 =	vadd.f32 v5, v10;
	v10 =	vld [tilespmem:s10+$0x8370]  }
0xe4: {  	v12 =	vld [tilespmem:s16+$0x14300];
	[tilespmem:s10+$0x8310] =	vst v11;
	v4 =	vadd.f32 v4, v9  }
0xe5: {  	v11 =	vld [tilespmem:s16+$0x14310];
	[tilespmem:s10+$0x8320] =	vst v5;
	v3 =	vadd.f32 v3, v8  }
0xe6: {  	v5 =	vld [tilespmem:s16+$0x14320];
	[tilespmem:s10+$0x8330] =	vst v4;
	v2 =	vadd.f32 v2, v6  }
0xe7: {  	v4 =	vld [tilespmem:s16+$0x14330];
	[tilespmem:s10+$0x8340] =	vst v3;
	v1 =	vadd.f32 v1, v7  }
0xe8: {  	v3 =	vld [tilespmem:s16+$0x14340];
	[tilespmem:s10+$0x8350] =	vst v2;
	v0 =	vadd.f32 v0, v10  }
0xe9: {  	v2 =	vld [tilespmem:s16+$0x14350];
	[tilespmem:s10+$0x8360] =	vst v1  }
0xea: {  	v1 =	vld [tilespmem:s16+$0x14360];
	[tilespmem:s10+$0x8370] =	vst v0;
	s10 =	smov.u32 s16  }
0xeb: {  	v0 =	vld [tilespmem:s10+$0x14370]  }
0xec: {  	v6 =	vld [tilespmem:s10+$0x8300]  }
0xed: {  	v7 =	vld [tilespmem:s10+$0x8310]  }
.Ltmp9:
0xee: {  	v10 =	vld [tilespmem:s10+$0x8320];
	(pc) =	sbr.rel @p1 .LBB2_12-.Ltmp9, $4  }
0xef: {  	v9 =	vld [tilespmem:s10+$0x8330]  }
0xf0: {  	v8 =	vld [tilespmem:s10+$0x8340]  }
0xf1: {  	v12 =	vadd.f32 v12, v6;
	v6 =	vld [tilespmem:s10+$0x8350]  }
0xf2: {  	s21 =	sadd.s32 $0x200, s21;
	v11 =	vadd.f32 v11, v7;
	v7 =	vld [tilespmem:s10+$0x8360]  }
0xf3: {  	[tilespmem:s10+$0x8300] =	vst v12;
	v5 =	vadd.f32 v5, v10;
	v63 =	vld [tilespmem:s10+$0x8370]  }
0xf4: {  	[tilespmem:s10+$0x8310] =	vst v11;
	v4 =	vadd.f32 v4, v9  }
0xf5: {  	[tilespmem:s10+$0x8320] =	vst v5;
	v3 =	vadd.f32 v3, v8  }
0xf6: {  	[tilespmem:s10+$0x8330] =	vst v4;
	v2 =	vadd.f32 v2, v6  }
.Ltmp10:
0xf7: {  	s9 =	sshll.u32 s9, $0x7;
	[tilespmem:s10+$0x8340] =	vst v3;
	v1 =	vadd.f32 v1, v7;
	(pc) =	sbr.rel .LBB2_14-.Ltmp10, $4  }
0xf8: {  	s9 =	smin.u32 s9, $0x1D440;
	[tilespmem:s10+$0x8350] =	vst v2;
	v0 =	vadd.f32 v0, v63  }
0xf9: {  	s9 =	sshll.u32 s9, $0x4;
	[tilespmem:s10+$0x8360] =	vst v1  }
0xfa: {  	s9 =	sadd.s32 s2, s9;
	[tilespmem:s10+$0x8370] =	vst v0  }
0xfb: {  	[hbm4b:s9+s3] =	stream.linear.scatter [tilespmem:s26], [sflag:$0x6], $0x4000, $0x38;
	[tilespmem:$0x18300] =	vst v63  }
.LBB2_16:
0xfc: {  	_ =	sfence.sel $0x180000  }
0xfd: {  	[bflag:$0x0] =	sbarrier.arrive $0xFFFF  }
0xfe: {  	_ =	strace $0x9000004D  }
0xff: {  	s0 =	stileid.u32;
	[bflag:$0x2] =	sbarrier.arrive $0xFFFF  }
0x100: {  	p0 =	sne.s32 s0, $0x0;
	s0 =	rddreg [dreg:$0x2]  }
0x101: {  	s0 =	sadd.s32 @!p0 $0x100000, s0  }
0x102: {  	[sflag:s0] =	ssyncadd.tile.s32 @!p0 $0x1;
	_ =	shalt  }
.Lfunc_end2:
_tile_overlayer_lowered:
.L_overlay_start_2:
0x103: {  	(tag) =	ssettag $0x2  }
0x104: {  	s0 =	rddreg [dreg:$0x0];
	s2 =	stileid.u32  }
0x105: {  	s1 =	rddreg [dreg:$0x1];
	p0 =	sne.s32 s2, $0x0  }
0x106: {  	s3 =	rddreg [dreg:$0x2];
	[bflag:$0x3] =	sbarrier.arrive $0xFFFF;
	s2 =	simm.s32 @!p0 $0x1C07  }
0x107: {  	[timem:s3], [sflag:s2] =	dma.local @!p0 [hbm:s0], s1  }
0x108: {  	s0 =	simm.s32 @!p0 $0x7  }
0x109: {  	_ =	swait.ge @!p0 [sflag:s0], s1  }
0x10a: {  	s1 =	ssub.s32 @!p0 $0x0, s1;
	[sflag:s0] =	ssyncset.done @!p0 $0x0  }
0x10b: {  	[sflag:s0] =	ssyncadd.s32 @!p0 s1  }
0x10c: {  	[bflag:$0x3] =	sbarrier.arrive $0xFFFF  }
0x10d: {  	_ =	shalt  }

</sc_bundles>
